<compile_context>
chip_gen: v7x
topology: tpu7x:2x2x1
jax: 0.10.2.dev20260603
libtpu: 0.0.44.dev20260713+nightly
codegen_flags: <defaults>
</compile_context>

<pallas_src>
import jax
import jax.numpy as jnp
from jax import lax
from jax.experimental import pallas as pl
from jax.experimental.pallas import tpu as pltpu
from jax.experimental.pallas import tpu_sc as plsc

_N_POINTS = 16384
_N_IN = 100000
_D_FEAT = 128

_NC = 2
_NS = 16

_N_SMALL_W = 18
_FEAT_W0 = _N_SMALL_W
_N_FEAT_W = 32 - _N_SMALL_W
_FC = 256
_FCHUNKS = (5,) * 8 + (4,) * 6
_PHALF = _N_POINTS // 2
_FSTARTS = tuple(sum(_FCHUNKS[:i]) for i in range(_N_FEAT_W))


def _body(*refs):
    small_in = refs[0:9]
    features_hbm, idx_hbm = refs[9:11]
    small_out = refs[11:20]
    out_f = refs[20]
    sem_f0, sem_f1, sem_w0, sem_w1 = refs[21:25]

    wid = lax.axis_index("s") * _NC + lax.axis_index("c")

    def small_job(src, dst, h):
        def inner(rowv, ibuf, obuf):
            pltpu.sync_copy(idx_hbm.at[pl.ds(h * _PHALF, _PHALF)], ibuf)
            pltpu.sync_copy(src, rowv)

            def group(g, carry):
                s = g * 16
                iv = ibuf[pl.ds(s, 16)]
                obuf[pl.ds(s, 16)] = plsc.load_gather(rowv, [iv])
                return carry

            lax.fori_loop(0, _PHALF // 16, group, 0)
            pltpu.sync_copy(obuf, dst.at[pl.ds(h * _PHALF, _PHALF)])

        pl.run_scoped(inner,
                      pltpu.VMEM((_N_IN,), jnp.float32),
                      pltpu.VMEM((_PHALF,), jnp.int32),
                      pltpu.VMEM((_PHALF,), jnp.float32))

    for w in range(_N_SMALL_W):
        @pl.when(wid == w)
        def _(src=small_in[w // 2], dst=small_out[w // 2], h=w % 2):
            small_job(src, dst, h)

    def feat_job(start, nc):
        fbase = start * _FC
        frows = nc * _FC

        def inner(fa, fb, fidx):
            pltpu.sync_copy(idx_hbm.at[pl.ds(fbase, frows)], fidx)
            fbufs = (fa, fb)
            fsems = (sem_f0, sem_f1)
            wsems = (sem_w0, sem_w1)

            def fgather(c):
                return pltpu.async_copy(
                    features_hbm.at[fidx.at[pl.ds(c * _FC, _FC)]],
                    fbufs[c % 2], fsems[c % 2])

            def fwrite(c):
                return pltpu.async_copy(
                    fbufs[c % 2], out_f.at[pl.ds(fbase + c * _FC, _FC)],
                    wsems[c % 2])

            gs = [fgather(0), fgather(1)]
            ws = []
            for c in range(nc):
                gs[c].wait()
                ws.append(fwrite(c))
                if c + 2 < nc:
                    ws[c].wait()
                    gs.append(fgather(c + 2))
            ws[nc - 2].wait()
            ws[nc - 1].wait()

        pl.run_scoped(inner,
                      pltpu.VMEM((_FC, _D_FEAT), jnp.float32),
                      pltpu.VMEM((_FC, _D_FEAT), jnp.float32),
                      pltpu.VMEM((frows,), jnp.int32))

    for w in range(_N_FEAT_W):
        @pl.when(wid == _FEAT_W0 + w)
        def _(start=_FSTARTS[w], nc=_FCHUNKS[w]):
            feat_job(start, nc)


@jax.jit
def _downsample(small_rows, features, idx32):
    f32 = jnp.float32
    vec_out = jax.ShapeDtypeStruct((_N_POINTS,), f32)
    run = pl.kernel(
        _body,
        out_type=(vec_out,) * 9 + (
            jax.ShapeDtypeStruct((_N_POINTS, _D_FEAT), f32),),
        mesh=plsc.VectorSubcoreMesh(core_axis_name="c", subcore_axis_name="s"),
        compiler_params=pltpu.CompilerParams(needs_layout_passes=False),
        scratch_types=[
            pltpu.SemaphoreType.DMA,
            pltpu.SemaphoreType.DMA,
            pltpu.SemaphoreType.DMA,
            pltpu.SemaphoreType.DMA,
        ],
    )
    return run(*small_rows, features, idx32)


def kernel(coords, features, colors, normals, idx):
    idx32 = idx.astype(jnp.int32)
    small_rows = tuple(tbl[:, c]
                       for tbl in (coords, colors, normals)
                       for c in range(3))
    outs = _downsample(small_rows, features, idx32)
    small_outs, out_f = outs[0:9], outs[9]
    out_c = jnp.stack(small_outs[0:3], axis=1)
    out_col = jnp.stack(small_outs[3:6], axis=1)
    out_n = jnp.stack(small_outs[6:9], axis=1)
    return (out_c, out_f, out_col, out_n)

# --- scband reference (transcript-rebuilt; emitter-appended) ---
"""Pipeline reference for scband-downsample-62199716380701 (READ-ONLY COPY).

The authoritative reference and input builder live on the scoring server;
editing this copy changes nothing except your own understanding.
"""

import jax, jax.numpy as jnp
import numpy as np

N_POINTS = 16384
N_IN = 100000
D_FEAT = 128


def setup_inputs(seed: int = 0) -> dict:
    key = jax.random.key(seed)
    k1, k2, k3, k4, k5 = jax.random.split(key, 5)
    coords = jax.random.normal(k1, (N_IN, 3), dtype=jnp.float32)
    features = jax.random.normal(k2, (N_IN, D_FEAT), dtype=jnp.float32)
    colors = jax.random.uniform(k3, (N_IN, 3), dtype=jnp.float32)
    normals = jax.random.normal(k4, (N_IN, 3), dtype=jnp.float32)
    # RANDOM downsample mode: uniformly sampled point indices (fixed for determinism)
    idx = jax.random.randint(k5, (N_POINTS,), 0, N_IN, dtype=jnp.int64)
    return {"coords": coords, "features": features, "colors": colors, "normals": normals, "idx": idx}


def reference(coords, features, colors, normals, idx):
    # Cloud.downsample(n_points, DOWNSAMPLE_MODE.RANDOM): apply the same random
    # index selection (gather) to every tensor stored in the cloud.
    ds_coords = jnp.take(coords, idx, axis=0)
    ds_features = jnp.take(features, idx, axis=0)
    ds_colors = jnp.take(colors, idx, axis=0)
    ds_normals = jnp.take(normals, idx, axis=0)
    return (ds_coords, ds_features, ds_colors, ds_normals)

if __name__ == "__main__":
    import jax
    _d = setup_inputs()
    print(jax.jit(kernel)(*tuple(_d.values())))

</pallas_src>

<mosaic_0001>
#map = affine_map<(d0, d1) -> (0)>
#map1 = affine_map<(d0, d1) -> (0, 0)>
module attributes {stable_mosaic.version = 14 : i64} {
  func.func @_body(%arg0: i32, %arg1: i32, %arg2: memref<100000xf32, #tpu.memory_space<hbm>>, %arg3: memref<100000xf32, #tpu.memory_space<hbm>>, %arg4: memref<100000xf32, #tpu.memory_space<hbm>>, %arg5: memref<100000xf32, #tpu.memory_space<hbm>>, %arg6: memref<100000xf32, #tpu.memory_space<hbm>>, %arg7: memref<100000xf32, #tpu.memory_space<hbm>>, %arg8: memref<100000xf32, #tpu.memory_space<hbm>>, %arg9: memref<100000xf32, #tpu.memory_space<hbm>>, %arg10: memref<100000xf32, #tpu.memory_space<hbm>>, %arg11: memref<100000x128xf32, #tpu.memory_space<hbm>>, %arg12: memref<16384xi32, #tpu.memory_space<hbm>>, %arg13: memref<16384xf32, #tpu.memory_space<hbm>>, %arg14: memref<16384xf32, #tpu.memory_space<hbm>>, %arg15: memref<16384xf32, #tpu.memory_space<hbm>>, %arg16: memref<16384xf32, #tpu.memory_space<hbm>>, %arg17: memref<16384xf32, #tpu.memory_space<hbm>>, %arg18: memref<16384xf32, #tpu.memory_space<hbm>>, %arg19: memref<16384xf32, #tpu.memory_space<hbm>>, %arg20: memref<16384xf32, #tpu.memory_space<hbm>>, %arg21: memref<16384xf32, #tpu.memory_space<hbm>>, %arg22: memref<16384x128xf32, #tpu.memory_space<hbm>>, %arg23: memref<!tpu.dma_semaphore, #tpu.memory_space<semaphore_mem>>, %arg24: memref<!tpu.dma_semaphore, #tpu.memory_space<semaphore_mem>>, %arg25: memref<!tpu.dma_semaphore, #tpu.memory_space<semaphore_mem>>, %arg26: memref<!tpu.dma_semaphore, #tpu.memory_space<semaphore_mem>>) attributes {dimension_semantics = [#tpu.dimension_semantics<core_parallel>, #tpu.dimension_semantics<subcore_parallel>], iteration_bounds = array<i64: 2, 16>, scalar_prefetch = 0 : i64, scratch_operands = 4 : i64, tpu.core_type = #tpu.core_type<sc_vector_subcore>, window_params = [{transform_indices = #map}, {transform_indices = #map}, {transform_indices = #map}, {transform_indices = #map}, {transform_indices = #map}, {transform_indices = #map}, {transform_indices = #map}, {transform_indices = #map}, {transform_indices = #map}, {transform_indices = #map1}, {transform_indices = #map}, {transform_indices = #map}, {transform_indices = #map}, {transform_indices = #map}, {transform_indices = #map}, {transform_indices = #map}, {transform_indices = #map}, {transform_indices = #map}, {transform_indices = #map}, {transform_indices = #map}, {transform_indices = #map1}]} {
    %mul3A = arith.constant 2 : i32
    %mul3A_0 = arith.muli %arg1, %mul3A : i32
    %add3A = arith.addi %mul3A_0, %arg0 : i32
    %eq3A = arith.constant 0 : i32
    %eq3A_1 = arith.cmpi eq, %add3A, %eq3A : i32
    %convert_element_type3A = arith.extui %eq3A_1 : i1 to i32
    %cond3A = arith.constant 0 : i32
    %cond3A_2 = arith.cmpi ne, %convert_element_type3A, %cond3A : i32
    scf.if %cond3A_2 {
      "tpu.region"() ({
        %run_scoped3A = memref.alloca() : memref<100000xf32, #tpu.memory_space<vmem>>
        %run_scoped3A_158 = memref.alloca() : memref<8192xi32, #tpu.memory_space<vmem>>
        %run_scoped3A_159 = memref.alloca() : memref<8192xf32, #tpu.memory_space<vmem>>
        "tpu.region"() ({
          %run_scoped3A_165 = tpu.sem_alloc : memref<!tpu.dma_semaphore, #tpu.memory_space<semaphore_mem>>
          %dma_start3A = arith.constant 0 : i32
          %dma_start3A_166 = tpu.memref_slice %arg12[%dma_start3A] : memref<16384xi32, #tpu.memory_space<hbm>> -> memref<8192xi32, #tpu.memory_space<hbm>>
          %dma_start3A_167 = arith.constant 0 : i32
          %dma_start3A_168 = tpu.memref_slice %arg12[%dma_start3A_167] : memref<16384xi32, #tpu.memory_space<hbm>> -> memref<8192xi32, #tpu.memory_space<hbm>>
          tpu.enqueue_dma source(%dma_start3A_168 : memref<8192xi32, #tpu.memory_space<hbm>>) target(%run_scoped3A_158 : memref<8192xi32, #tpu.memory_space<vmem>>) target_semaphore(%run_scoped3A_165 : memref<!tpu.dma_semaphore, #tpu.memory_space<semaphore_mem>>)
          %dma_wait3A = arith.constant 0 : i32
          %dma_wait3A_169 = tpu.memref_slice %arg12[%dma_wait3A] : memref<16384xi32, #tpu.memory_space<hbm>> -> memref<8192xi32, #tpu.memory_space<hbm>>
          %dma_wait3A_170 = arith.constant 0 : i32
          %dma_wait3A_171 = tpu.memref_slice %arg12[%dma_wait3A_170] : memref<16384xi32, #tpu.memory_space<hbm>> -> memref<8192xi32, #tpu.memory_space<hbm>>
          tpu.wait_dma2 semaphore(%run_scoped3A_165 : memref<!tpu.dma_semaphore, #tpu.memory_space<semaphore_mem>>) src(%dma_wait3A_171 : memref<8192xi32, #tpu.memory_space<hbm>>) dst(%run_scoped3A_158 : memref<8192xi32, #tpu.memory_space<vmem>>)
          tpu.yield
        }) : () -> ()
        "tpu.region"() ({
          %run_scoped3A_165 = tpu.sem_alloc : memref<!tpu.dma_semaphore, #tpu.memory_space<semaphore_mem>>
          tpu.enqueue_dma source(%arg2 : memref<100000xf32, #tpu.memory_space<hbm>>) target(%run_scoped3A : memref<100000xf32, #tpu.memory_space<vmem>>) target_semaphore(%run_scoped3A_165 : memref<!tpu.dma_semaphore, #tpu.memory_space<semaphore_mem>>)
          tpu.wait_dma2 semaphore(%run_scoped3A_165 : memref<!tpu.dma_semaphore, #tpu.memory_space<semaphore_mem>>) src(%arg2 : memref<100000xf32, #tpu.memory_space<hbm>>) dst(%run_scoped3A : memref<100000xf32, #tpu.memory_space<vmem>>)
          tpu.yield
        }) : () -> ()
        %scan3A = arith.constant 0 : i32
        %scan3A_160 = arith.constant 0 : i32
        %scan3A_161 = arith.constant 512 : i32
        %scan3A_162 = arith.addi %scan3A_160, %scan3A_161 : i32
        %scan3A_163 = arith.constant 1 : i32
        scf.for %scan3A_165 = %scan3A_160 to %scan3A_162 step %scan3A_163  : i32 {
          %mul3A_166 = arith.constant 16 : i32
          %mul3A_167 = arith.muli %scan3A_165, %mul3A_166 : i32
          %get3A = arith.index_cast %mul3A_167 : i32 to index
          %get3A_168 = tpu.vector_load %run_scoped3A_158[%get3A] {strides = array<i32>} : memref<8192xi32, #tpu.memory_space<vmem>>, vector<16xi32>,
          %gather3A = tpu.vector_load_idx %run_scoped3A[%get3A_168] : memref<100000xf32, #tpu.memory_space<vmem>>[vector<16xi32>], vector<16xf32>,
          %swap3A = arith.index_cast %mul3A_167 : i32 to index
          %swap3A_169 = tpu.vector_load %run_scoped3A_159[%swap3A] {strides = array<i32>} : memref<8192xf32, #tpu.memory_space<vmem>>, vector<16xf32>,
          tpu.vector_store %run_scoped3A_159[%swap3A], %gather3A {strides = array<i32>} : memref<8192xf32, #tpu.memory_space<vmem>>, vector<16xf32>,
        }
        %scan3A_164 = arith.constant 512 : i32
        "tpu.region"() ({
          %run_scoped3A_165 = tpu.sem_alloc : memref<!tpu.dma_semaphore, #tpu.memory_space<semaphore_mem>>
          %dma_start3A = arith.constant 0 : i32
          %dma_start3A_166 = tpu.memref_slice %arg13[%dma_start3A] : memref<16384xf32, #tpu.memory_space<hbm>> -> memref<8192xf32, #tpu.memory_space<hbm>>
          %dma_start3A_167 = arith.constant 0 : i32
          %dma_start3A_168 = tpu.memref_slice %arg13[%dma_start3A_167] : memref<16384xf32, #tpu.memory_space<hbm>> -> memref<8192xf32, #tpu.memory_space<hbm>>
          tpu.enqueue_dma source(%run_scoped3A_159 : memref<8192xf32, #tpu.memory_space<vmem>>) target(%dma_start3A_168 : memref<8192xf32, #tpu.memory_space<hbm>>) target_semaphore(%run_scoped3A_165 : memref<!tpu.dma_semaphore, #tpu.memory_space<semaphore_mem>>)
          %dma_wait3A = arith.constant 0 : i32
          %dma_wait3A_169 = tpu.memref_slice %arg13[%dma_wait3A] : memref<16384xf32, #tpu.memory_space<hbm>> -> memref<8192xf32, #tpu.memory_space<hbm>>
          %dma_wait3A_170 = arith.constant 0 : i32
          %dma_wait3A_171 = tpu.memref_slice %arg13[%dma_wait3A_170] : memref<16384xf32, #tpu.memory_space<hbm>> -> memref<8192xf32, #tpu.memory_space<hbm>>
          tpu.wait_dma2 semaphore(%run_scoped3A_165 : memref<!tpu.dma_semaphore, #tpu.memory_space<semaphore_mem>>) src(%run_scoped3A_159 : memref<8192xf32, #tpu.memory_space<vmem>>) dst(%dma_wait3A_171 : memref<8192xf32, #tpu.memory_space<hbm>>)
          tpu.yield
        }) : () -> ()
        tpu.yield
      }) : () -> ()
    } else {
    }
    %eq3A_3 = arith.constant 1 : i32
    %eq3A_4 = arith.cmpi eq, %add3A, %eq3A_3 : i32
    %convert_element_type3A_5 = arith.extui %eq3A_4 : i1 to i32
    %cond3A_6 = arith.constant 0 : i32
    %cond3A_7 = arith.cmpi ne, %convert_element_type3A_5, %cond3A_6 : i32
    scf.if %cond3A_7 {
      "tpu.region"() ({
        %run_scoped3A = memref.alloca() : memref<100000xf32, #tpu.memory_space<vmem>>
        %run_scoped3A_158 = memref.alloca() : memref<8192xi32, #tpu.memory_space<vmem>>
        %run_scoped3A_159 = memref.alloca() : memref<8192xf32, #tpu.memory_space<vmem>>
        "tpu.region"() ({
          %run_scoped3A_165 = tpu.sem_alloc : memref<!tpu.dma_semaphore, #tpu.memory_space<semaphore_mem>>
          %dma_start3A = arith.constant 8192 : i32
          %dma_start3A_166 = tpu.memref_slice %arg12[%dma_start3A] : memref<16384xi32, #tpu.memory_space<hbm>> -> memref<8192xi32, #tpu.memory_space<hbm>>
          %dma_start3A_167 = arith.constant 8192 : i32
          %dma_start3A_168 = tpu.memref_slice %arg12[%dma_start3A_167] : memref<16384xi32, #tpu.memory_space<hbm>> -> memref<8192xi32, #tpu.memory_space<hbm>>
          tpu.enqueue_dma source(%dma_start3A_168 : memref<8192xi32, #tpu.memory_space<hbm>>) target(%run_scoped3A_158 : memref<8192xi32, #tpu.memory_space<vmem>>) target_semaphore(%run_scoped3A_165 : memref<!tpu.dma_semaphore, #tpu.memory_space<semaphore_mem>>)
          %dma_wait3A = arith.constant 8192 : i32
          %dma_wait3A_169 = tpu.memref_slice %arg12[%dma_wait3A] : memref<16384xi32, #tpu.memory_space<hbm>> -> memref<8192xi32, #tpu.memory_space<hbm>>
          %dma_wait3A_170 = arith.constant 8192 : i32
          %dma_wait3A_171 = tpu.memref_slice %arg12[%dma_wait3A_170] : memref<16384xi32, #tpu.memory_space<hbm>> -> memref<8192xi32, #tpu.memory_space<hbm>>
          tpu.wait_dma2 semaphore(%run_scoped3A_165 : memref<!tpu.dma_semaphore, #tpu.memory_space<semaphore_mem>>) src(%dma_wait3A_171 : memref<8192xi32, #tpu.memory_space<hbm>>) dst(%run_scoped3A_158 : memref<8192xi32, #tpu.memory_space<vmem>>)
          tpu.yield
        }) : () -> ()
        "tpu.region"() ({
          %run_scoped3A_165 = tpu.sem_alloc : memref<!tpu.dma_semaphore, #tpu.memory_space<semaphore_mem>>
          tpu.enqueue_dma source(%arg2 : memref<100000xf32, #tpu.memory_space<hbm>>) target(%run_scoped3A : memref<100000xf32, #tpu.memory_space<vmem>>) target_semaphore(%run_scoped3A_165 : memref<!tpu.dma_semaphore, #tpu.memory_space<semaphore_mem>>)
          tpu.wait_dma2 semaphore(%run_scoped3A_165 : memref<!tpu.dma_semaphore, #tpu.memory_space<semaphore_mem>>) src(%arg2 : memref<100000xf32, #tpu.memory_space<hbm>>) dst(%run_scoped3A : memref<100000xf32, #tpu.memory_space<vmem>>)
          tpu.yield
        }) : () -> ()
        %scan3A = arith.constant 0 : i32
        %scan3A_160 = arith.constant 0 : i32
        %scan3A_161 = arith.constant 512 : i32
        %scan3A_162 = arith.addi %scan3A_160, %scan3A_161 : i32
        %scan3A_163 = arith.constant 1 : i32
        scf.for %scan3A_165 = %scan3A_160 to %scan3A_162 step %scan3A_163  : i32 {
          %mul3A_166 = arith.constant 16 : i32
          %mul3A_167 = arith.muli %scan3A_165, %mul3A_166 : i32
          %get3A = arith.index_cast %mul3A_167 : i32 to index
          %get3A_168 = tpu.vector_load %run_scoped3A_158[%get3A] {strides = array<i32>} : memref<8192xi32, #tpu.memory_space<vmem>>, vector<16xi32>,
          %gather3A = tpu.vector_load_idx %run_scoped3A[%get3A_168] : memref<100000xf32, #tpu.memory_space<vmem>>[vector<16xi32>], vector<16xf32>,
          %swap3A = arith.index_cast %mul3A_167 : i32 to index
          %swap3A_169 = tpu.vector_load %run_scoped3A_159[%swap3A] {strides = array<i32>} : memref<8192xf32, #tpu.memory_space<vmem>>, vector<16xf32>,
          tpu.vector_store %run_scoped3A_159[%swap3A], %gather3A {strides = array<i32>} : memref<8192xf32, #tpu.memory_space<vmem>>, vector<16xf32>,
        }
        %scan3A_164 = arith.constant 512 : i32
        "tpu.region"() ({
          %run_scoped3A_165 = tpu.sem_alloc : memref<!tpu.dma_semaphore, #tpu.memory_space<semaphore_mem>>
          %dma_start3A = arith.constant 8192 : i32
          %dma_start3A_166 = tpu.memref_slice %arg13[%dma_start3A] : memref<16384xf32, #tpu.memory_space<hbm>> -> memref<8192xf32, #tpu.memory_space<hbm>>
          %dma_start3A_167 = arith.constant 8192 : i32
          %dma_start3A_168 = tpu.memref_slice %arg13[%dma_start3A_167] : memref<16384xf32, #tpu.memory_space<hbm>> -> memref<8192xf32, #tpu.memory_space<hbm>>
          tpu.enqueue_dma source(%run_scoped3A_159 : memref<8192xf32, #tpu.memory_space<vmem>>) target(%dma_start3A_168 : memref<8192xf32, #tpu.memory_space<hbm>>) target_semaphore(%run_scoped3A_165 : memref<!tpu.dma_semaphore, #tpu.memory_space<semaphore_mem>>)
          %dma_wait3A = arith.constant 8192 : i32
          %dma_wait3A_169 = tpu.memref_slice %arg13[%dma_wait3A] : memref<16384xf32, #tpu.memory_space<hbm>> -> memref<8192xf32, #tpu.memory_space<hbm>>
          %dma_wait3A_170 = arith.constant 8192 : i32
          %dma_wait3A_171 = tpu.memref_slice %arg13[%dma_wait3A_170] : memref<16384xf32, #tpu.memory_space<hbm>> -> memref<8192xf32, #tpu.memory_space<hbm>>
          tpu.wait_dma2 semaphore(%run_scoped3A_165 : memref<!tpu.dma_semaphore, #tpu.memory_space<semaphore_mem>>) src(%run_scoped3A_159 : memref<8192xf32, #tpu.memory_space<vmem>>) dst(%dma_wait3A_171 : memref<8192xf32, #tpu.memory_space<hbm>>)
          tpu.yield
        }) : () -> ()
        tpu.yield
      }) : () -> ()
    } else {
    }
    %eq3A_8 = arith.constant 2 : i32
    %eq3A_9 = arith.cmpi eq, %add3A, %eq3A_8 : i32
    %convert_element_type3A_10 = arith.extui %eq3A_9 : i1 to i32
    %cond3A_11 = arith.constant 0 : i32
    %cond3A_12 = arith.cmpi ne, %convert_element_type3A_10, %cond3A_11 : i32
    scf.if %cond3A_12 {
      "tpu.region"() ({
        %run_scoped3A = memref.alloca() : memref<100000xf32, #tpu.memory_space<vmem>>
        %run_scoped3A_158 = memref.alloca() : memref<8192xi32, #tpu.memory_space<vmem>>
        %run_scoped3A_159 = memref.alloca() : memref<8192xf32, #tpu.memory_space<vmem>>
        "tpu.region"() ({
          %run_scoped3A_165 = tpu.sem_alloc : memref<!tpu.dma_semaphore, #tpu.memory_space<semaphore_mem>>
          %dma_start3A = arith.constant 0 : i32
          %dma_start3A_166 = tpu.memref_slice %arg12[%dma_start3A] : memref<16384xi32, #tpu.memory_space<hbm>> -> memref<8192xi32, #tpu.memory_space<hbm>>
          %dma_start3A_167 = arith.constant 0 : i32
          %dma_start3A_168 = tpu.memref_slice %arg12[%dma_start3A_167] : memref<16384xi32, #tpu.memory_space<hbm>> -> memref<8192xi32, #tpu.memory_space<hbm>>
          tpu.enqueue_dma source(%dma_start3A_168 : memref<8192xi32, #tpu.memory_space<hbm>>) target(%run_scoped3A_158 : memref<8192xi32, #tpu.memory_space<vmem>>) target_semaphore(%run_scoped3A_165 : memref<!tpu.dma_semaphore, #tpu.memory_space<semaphore_mem>>)
          %dma_wait3A = arith.constant 0 : i32
          %dma_wait3A_169 = tpu.memref_slice %arg12[%dma_wait3A] : memref<16384xi32, #tpu.memory_space<hbm>> -> memref<8192xi32, #tpu.memory_space<hbm>>
          %dma_wait3A_170 = arith.constant 0 : i32
          %dma_wait3A_171 = tpu.memref_slice %arg12[%dma_wait3A_170] : memref<16384xi32, #tpu.memory_space<hbm>> -> memref<8192xi32, #tpu.memory_space<hbm>>
          tpu.wait_dma2 semaphore(%run_scoped3A_165 : memref<!tpu.dma_semaphore, #tpu.memory_space<semaphore_mem>>) src(%dma_wait3A_171 : memref<8192xi32, #tpu.memory_space<hbm>>) dst(%run_scoped3A_158 : memref<8192xi32, #tpu.memory_space<vmem>>)
          tpu.yield
        }) : () -> ()
        "tpu.region"() ({
          %run_scoped3A_165 = tpu.sem_alloc : memref<!tpu.dma_semaphore, #tpu.memory_space<semaphore_mem>>
          tpu.enqueue_dma source(%arg3 : memref<100000xf32, #tpu.memory_space<hbm>>) target(%run_scoped3A : memref<100000xf32, #tpu.memory_space<vmem>>) target_semaphore(%run_scoped3A_165 : memref<!tpu.dma_semaphore, #tpu.memory_space<semaphore_mem>>)
          tpu.wait_dma2 semaphore(%run_scoped3A_165 : memref<!tpu.dma_semaphore, #tpu.memory_space<semaphore_mem>>) src(%arg3 : memref<100000xf32, #tpu.memory_space<hbm>>) dst(%run_scoped3A : memref<100000xf32, #tpu.memory_space<vmem>>)
          tpu.yield
        }) : () -> ()
        %scan3A = arith.constant 0 : i32
        %scan3A_160 = arith.constant 0 : i32
        %scan3A_161 = arith.constant 512 : i32
        %scan3A_162 = arith.addi %scan3A_160, %scan3A_161 : i32
        %scan3A_163 = arith.constant 1 : i32
        scf.for %scan3A_165 = %scan3A_160 to %scan3A_162 step %scan3A_163  : i32 {
          %mul3A_166 = arith.constant 16 : i32
          %mul3A_167 = arith.muli %scan3A_165, %mul3A_166 : i32
          %get3A = arith.index_cast %mul3A_167 : i32 to index
          %get3A_168 = tpu.vector_load %run_scoped3A_158[%get3A] {strides = array<i32>} : memref<8192xi32, #tpu.memory_space<vmem>>, vector<16xi32>,
          %gather3A = tpu.vector_load_idx %run_scoped3A[%get3A_168] : memref<100000xf32, #tpu.memory_space<vmem>>[vector<16xi32>], vector<16xf32>,
          %swap3A = arith.index_cast %mul3A_167 : i32 to index
          %swap3A_169 = tpu.vector_load %run_scoped3A_159[%swap3A] {strides = array<i32>} : memref<8192xf32, #tpu.memory_space<vmem>>, vector<16xf32>,
          tpu.vector_store %run_scoped3A_159[%swap3A], %gather3A {strides = array<i32>} : memref<8192xf32, #tpu.memory_space<vmem>>, vector<16xf32>,
        }
        %scan3A_164 = arith.constant 512 : i32
        "tpu.region"() ({
          %run_scoped3A_165 = tpu.sem_alloc : memref<!tpu.dma_semaphore, #tpu.memory_space<semaphore_mem>>
          %dma_start3A = arith.constant 0 : i32
          %dma_start3A_166 = tpu.memref_slice %arg14[%dma_start3A] : memref<16384xf32, #tpu.memory_space<hbm>> -> memref<8192xf32, #tpu.memory_space<hbm>>
          %dma_start3A_167 = arith.constant 0 : i32
          %dma_start3A_168 = tpu.memref_slice %arg14[%dma_start3A_167] : memref<16384xf32, #tpu.memory_space<hbm>> -> memref<8192xf32, #tpu.memory_space<hbm>>
          tpu.enqueue_dma source(%run_scoped3A_159 : memref<8192xf32, #tpu.memory_space<vmem>>) target(%dma_start3A_168 : memref<8192xf32, #tpu.memory_space<hbm>>) target_semaphore(%run_scoped3A_165 : memref<!tpu.dma_semaphore, #tpu.memory_space<semaphore_mem>>)
          %dma_wait3A = arith.constant 0 : i32
          %dma_wait3A_169 = tpu.memref_slice %arg14[%dma_wait3A] : memref<16384xf32, #tpu.memory_space<hbm>> -> memref<8192xf32, #tpu.memory_space<hbm>>
          %dma_wait3A_170 = arith.constant 0 : i32
          %dma_wait3A_171 = tpu.memref_slice %arg14[%dma_wait3A_170] : memref<16384xf32, #tpu.memory_space<hbm>> -> memref<8192xf32, #tpu.memory_space<hbm>>
          tpu.wait_dma2 semaphore(%run_scoped3A_165 : memref<!tpu.dma_semaphore, #tpu.memory_space<semaphore_mem>>) src(%run_scoped3A_159 : memref<8192xf32, #tpu.memory_space<vmem>>) dst(%dma_wait3A_171 : memref<8192xf32, #tpu.memory_space<hbm>>)
          tpu.yield
        }) : () -> ()
        tpu.yield
      }) : () -> ()
    } else {
    }
    %eq3A_13 = arith.constant 3 : i32
    %eq3A_14 = arith.cmpi eq, %add3A, %eq3A_13 : i32
    %convert_element_type3A_15 = arith.extui %eq3A_14 : i1 to i32
    %cond3A_16 = arith.constant 0 : i32
    %cond3A_17 = arith.cmpi ne, %convert_element_type3A_15, %cond3A_16 : i32
    scf.if %cond3A_17 {
      "tpu.region"() ({
        %run_scoped3A = memref.alloca() : memref<100000xf32, #tpu.memory_space<vmem>>
        %run_scoped3A_158 = memref.alloca() : memref<8192xi32, #tpu.memory_space<vmem>>
        %run_scoped3A_159 = memref.alloca() : memref<8192xf32, #tpu.memory_space<vmem>>
        "tpu.region"() ({
          %run_scoped3A_165 = tpu.sem_alloc : memref<!tpu.dma_semaphore, #tpu.memory_space<semaphore_mem>>
          %dma_start3A = arith.constant 8192 : i32
          %dma_start3A_166 = tpu.memref_slice %arg12[%dma_start3A] : memref<16384xi32, #tpu.memory_space<hbm>> -> memref<8192xi32, #tpu.memory_space<hbm>>
          %dma_start3A_167 = arith.constant 8192 : i32
          %dma_start3A_168 = tpu.memref_slice %arg12[%dma_start3A_167] : memref<16384xi32, #tpu.memory_space<hbm>> -> memref<8192xi32, #tpu.memory_space<hbm>>
          tpu.enqueue_dma source(%dma_start3A_168 : memref<8192xi32, #tpu.memory_space<hbm>>) target(%run_scoped3A_158 : memref<8192xi32, #tpu.memory_space<vmem>>) target_semaphore(%run_scoped3A_165 : memref<!tpu.dma_semaphore, #tpu.memory_space<semaphore_mem>>)
          %dma_wait3A = arith.constant 8192 : i32
          %dma_wait3A_169 = tpu.memref_slice %arg12[%dma_wait3A] : memref<16384xi32, #tpu.memory_space<hbm>> -> memref<8192xi32, #tpu.memory_space<hbm>>
          %dma_wait3A_170 = arith.constant 8192 : i32
          %dma_wait3A_171 = tpu.memref_slice %arg12[%dma_wait3A_170] : memref<16384xi32, #tpu.memory_space<hbm>> -> memref<8192xi32, #tpu.memory_space<hbm>>
          tpu.wait_dma2 semaphore(%run_scoped3A_165 : memref<!tpu.dma_semaphore, #tpu.memory_space<semaphore_mem>>) src(%dma_wait3A_171 : memref<8192xi32, #tpu.memory_space<hbm>>) dst(%run_scoped3A_158 : memref<8192xi32, #tpu.memory_space<vmem>>)
          tpu.yield
        }) : () -> ()
        "tpu.region"() ({
          %run_scoped3A_165 = tpu.sem_alloc : memref<!tpu.dma_semaphore, #tpu.memory_space<semaphore_mem>>
          tpu.enqueue_dma source(%arg3 : memref<100000xf32, #tpu.memory_space<hbm>>) target(%run_scoped3A : memref<100000xf32, #tpu.memory_space<vmem>>) target_semaphore(%run_scoped3A_165 : memref<!tpu.dma_semaphore, #tpu.memory_space<semaphore_mem>>)
          tpu.wait_dma2 semaphore(%run_scoped3A_165 : memref<!tpu.dma_semaphore, #tpu.memory_space<semaphore_mem>>) src(%arg3 : memref<100000xf32, #tpu.memory_space<hbm>>) dst(%run_scoped3A : memref<100000xf32, #tpu.memory_space<vmem>>)
          tpu.yield
        }) : () -> ()
        %scan3A = arith.constant 0 : i32
        %scan3A_160 = arith.constant 0 : i32
        %scan3A_161 = arith.constant 512 : i32
        %scan3A_162 = arith.addi %scan3A_160, %scan3A_161 : i32
        %scan3A_163 = arith.constant 1 : i32
        scf.for %scan3A_165 = %scan3A_160 to %scan3A_162 step %scan3A_163  : i32 {
          %mul3A_166 = arith.constant 16 : i32
          %mul3A_167 = arith.muli %scan3A_165, %mul3A_166 : i32
          %get3A = arith.index_cast %mul3A_167 : i32 to index
          %get3A_168 = tpu.vector_load %run_scoped3A_158[%get3A] {strides = array<i32>} : memref<8192xi32, #tpu.memory_space<vmem>>, vector<16xi32>,
          %gather3A = tpu.vector_load_idx %run_scoped3A[%get3A_168] : memref<100000xf32, #tpu.memory_space<vmem>>[vector<16xi32>], vector<16xf32>,
          %swap3A = arith.index_cast %mul3A_167 : i32 to index
          %swap3A_169 = tpu.vector_load %run_scoped3A_159[%swap3A] {strides = array<i32>} : memref<8192xf32, #tpu.memory_space<vmem>>, vector<16xf32>,
          tpu.vector_store %run_scoped3A_159[%swap3A], %gather3A {strides = array<i32>} : memref<8192xf32, #tpu.memory_space<vmem>>, vector<16xf32>,
        }
        %scan3A_164 = arith.constant 512 : i32
        "tpu.region"() ({
          %run_scoped3A_165 = tpu.sem_alloc : memref<!tpu.dma_semaphore, #tpu.memory_space<semaphore_mem>>
          %dma_start3A = arith.constant 8192 : i32
          %dma_start3A_166 = tpu.memref_slice %arg14[%dma_start3A] : memref<16384xf32, #tpu.memory_space<hbm>> -> memref<8192xf32, #tpu.memory_space<hbm>>
          %dma_start3A_167 = arith.constant 8192 : i32
          %dma_start3A_168 = tpu.memref_slice %arg14[%dma_start3A_167] : memref<16384xf32, #tpu.memory_space<hbm>> -> memref<8192xf32, #tpu.memory_space<hbm>>
          tpu.enqueue_dma source(%run_scoped3A_159 : memref<8192xf32, #tpu.memory_space<vmem>>) target(%dma_start3A_168 : memref<8192xf32, #tpu.memory_space<hbm>>) target_semaphore(%run_scoped3A_165 : memref<!tpu.dma_semaphore, #tpu.memory_space<semaphore_mem>>)
          %dma_wait3A = arith.constant 8192 : i32
          %dma_wait3A_169 = tpu.memref_slice %arg14[%dma_wait3A] : memref<16384xf32, #tpu.memory_space<hbm>> -> memref<8192xf32, #tpu.memory_space<hbm>>
          %dma_wait3A_170 = arith.constant 8192 : i32
          %dma_wait3A_171 = tpu.memref_slice %arg14[%dma_wait3A_170] : memref<16384xf32, #tpu.memory_space<hbm>> -> memref<8192xf32, #tpu.memory_space<hbm>>
          tpu.wait_dma2 semaphore(%run_scoped3A_165 : memref<!tpu.dma_semaphore, #tpu.memory_space<semaphore_mem>>) src(%run_scoped3A_159 : memref<8192xf32, #tpu.memory_space<vmem>>) dst(%dma_wait3A_171 : memref<8192xf32, #tpu.memory_space<hbm>>)
          tpu.yield
        }) : () -> ()
        tpu.yield
      }) : () -> ()
    } else {
    }
    %eq3A_18 = arith.constant 4 : i32
    %eq3A_19 = arith.cmpi eq, %add3A, %eq3A_18 : i32
    %convert_element_type3A_20 = arith.extui %eq3A_19 : i1 to i32
    %cond3A_21 = arith.constant 0 : i32
    %cond3A_22 = arith.cmpi ne, %convert_element_type3A_20, %cond3A_21 : i32
    scf.if %cond3A_22 {
      "tpu.region"() ({
        %run_scoped3A = memref.alloca() : memref<100000xf32, #tpu.memory_space<vmem>>
        %run_scoped3A_158 = memref.alloca() : memref<8192xi32, #tpu.memory_space<vmem>>
        %run_scoped3A_159 = memref.alloca() : memref<8192xf32, #tpu.memory_space<vmem>>
        "tpu.region"() ({
          %run_scoped3A_165 = tpu.sem_alloc : memref<!tpu.dma_semaphore, #tpu.memory_space<semaphore_mem>>
          %dma_start3A = arith.constant 0 : i32
          %dma_start3A_166 = tpu.memref_slice %arg12[%dma_start3A] : memref<16384xi32, #tpu.memory_space<hbm>> -> memref<8192xi32, #tpu.memory_space<hbm>>
          %dma_start3A_167 = arith.constant 0 : i32
          %dma_start3A_168 = tpu.memref_slice %arg12[%dma_start3A_167] : memref<16384xi32, #tpu.memory_space<hbm>> -> memref<8192xi32, #tpu.memory_space<hbm>>
          tpu.enqueue_dma source(%dma_start3A_168 : memref<8192xi32, #tpu.memory_space<hbm>>) target(%run_scoped3A_158 : memref<8192xi32, #tpu.memory_space<vmem>>) target_semaphore(%run_scoped3A_165 : memref<!tpu.dma_semaphore, #tpu.memory_space<semaphore_mem>>)
          %dma_wait3A = arith.constant 0 : i32
          %dma_wait3A_169 = tpu.memref_slice %arg12[%dma_wait3A] : memref<16384xi32, #tpu.memory_space<hbm>> -> memref<8192xi32, #tpu.memory_space<hbm>>
          %dma_wait3A_170 = arith.constant 0 : i32
          %dma_wait3A_171 = tpu.memref_slice %arg12[%dma_wait3A_170] : memref<16384xi32, #tpu.memory_space<hbm>> -> memref<8192xi32, #tpu.memory_space<hbm>>
          tpu.wait_dma2 semaphore(%run_scoped3A_165 : memref<!tpu.dma_semaphore, #tpu.memory_space<semaphore_mem>>) src(%dma_wait3A_171 : memref<8192xi32, #tpu.memory_space<hbm>>) dst(%run_scoped3A_158 : memref<8192xi32, #tpu.memory_space<vmem>>)
          tpu.yield
        }) : () -> ()
        "tpu.region"() ({
          %run_scoped3A_165 = tpu.sem_alloc : memref<!tpu.dma_semaphore, #tpu.memory_space<semaphore_mem>>
          tpu.enqueue_dma source(%arg4 : memref<100000xf32, #tpu.memory_space<hbm>>) target(%run_scoped3A : memref<100000xf32, #tpu.memory_space<vmem>>) target_semaphore(%run_scoped3A_165 : memref<!tpu.dma_semaphore, #tpu.memory_space<semaphore_mem>>)
          tpu.wait_dma2 semaphore(%run_scoped3A_165 : memref<!tpu.dma_semaphore, #tpu.memory_space<semaphore_mem>>) src(%arg4 : memref<100000xf32, #tpu.memory_space<hbm>>) dst(%run_scoped3A : memref<100000xf32, #tpu.memory_space<vmem>>)
          tpu.yield
        }) : () -> ()
        %scan3A = arith.constant 0 : i32
        %scan3A_160 = arith.constant 0 : i32
        %scan3A_161 = arith.constant 512 : i32
        %scan3A_162 = arith.addi %scan3A_160, %scan3A_161 : i32
        %scan3A_163 = arith.constant 1 : i32
        scf.for %scan3A_165 = %scan3A_160 to %scan3A_162 step %scan3A_163  : i32 {
          %mul3A_166 = arith.constant 16 : i32
          %mul3A_167 = arith.muli %scan3A_165, %mul3A_166 : i32
          %get3A = arith.index_cast %mul3A_167 : i32 to index
          %get3A_168 = tpu.vector_load %run_scoped3A_158[%get3A] {strides = array<i32>} : memref<8192xi32, #tpu.memory_space<vmem>>, vector<16xi32>,
          %gather3A = tpu.vector_load_idx %run_scoped3A[%get3A_168] : memref<100000xf32, #tpu.memory_space<vmem>>[vector<16xi32>], vector<16xf32>,
          %swap3A = arith.index_cast %mul3A_167 : i32 to index
          %swap3A_169 = tpu.vector_load %run_scoped3A_159[%swap3A] {strides = array<i32>} : memref<8192xf32, #tpu.memory_space<vmem>>, vector<16xf32>,
          tpu.vector_store %run_scoped3A_159[%swap3A], %gather3A {strides = array<i32>} : memref<8192xf32, #tpu.memory_space<vmem>>, vector<16xf32>,
        }
        %scan3A_164 = arith.constant 512 : i32
        "tpu.region"() ({
          %run_scoped3A_165 = tpu.sem_alloc : memref<!tpu.dma_semaphore, #tpu.memory_space<semaphore_mem>>
          %dma_start3A = arith.constant 0 : i32
          %dma_start3A_166 = tpu.memref_slice %arg15[%dma_start3A] : memref<16384xf32, #tpu.memory_space<hbm>> -> memref<8192xf32, #tpu.memory_space<hbm>>
          %dma_start3A_167 = arith.constant 0 : i32
          %dma_start3A_168 = tpu.memref_slice %arg15[%dma_start3A_167] : memref<16384xf32, #tpu.memory_space<hbm>> -> memref<8192xf32, #tpu.memory_space<hbm>>
          tpu.enqueue_dma source(%run_scoped3A_159 : memref<8192xf32, #tpu.memory_space<vmem>>) target(%dma_start3A_168 : memref<8192xf32, #tpu.memory_space<hbm>>) target_semaphore(%run_scoped3A_165 : memref<!tpu.dma_semaphore, #tpu.memory_space<semaphore_mem>>)
          %dma_wait3A = arith.constant 0 : i32
          %dma_wait3A_169 = tpu.memref_slice %arg15[%dma_wait3A] : memref<16384xf32, #tpu.memory_space<hbm>> -> memref<8192xf32, #tpu.memory_space<hbm>>
          %dma_wait3A_170 = arith.constant 0 : i32
          %dma_wait3A_171 = tpu.memref_slice %arg15[%dma_wait3A_170] : memref<16384xf32, #tpu.memory_space<hbm>> -> memref<8192xf32, #tpu.memory_space<hbm>>
          tpu.wait_dma2 semaphore(%run_scoped3A_165 : memref<!tpu.dma_semaphore, #tpu.memory_space<semaphore_mem>>) src(%run_scoped3A_159 : memref<8192xf32, #tpu.memory_space<vmem>>) dst(%dma_wait3A_171 : memref<8192xf32, #tpu.memory_space<hbm>>)
          tpu.yield
        }) : () -> ()
        tpu.yield
      }) : () -> ()
    } else {
    }
    %eq3A_23 = arith.constant 5 : i32
    %eq3A_24 = arith.cmpi eq, %add3A, %eq3A_23 : i32
    %convert_element_type3A_25 = arith.extui %eq3A_24 : i1 to i32
    %cond3A_26 = arith.constant 0 : i32
    %cond3A_27 = arith.cmpi ne, %convert_element_type3A_25, %cond3A_26 : i32
    scf.if %cond3A_27 {
      "tpu.region"() ({
        %run_scoped3A = memref.alloca() : memref<100000xf32, #tpu.memory_space<vmem>>
        %run_scoped3A_158 = memref.alloca() : memref<8192xi32, #tpu.memory_space<vmem>>
        %run_scoped3A_159 = memref.alloca() : memref<8192xf32, #tpu.memory_space<vmem>>
        "tpu.region"() ({
          %run_scoped3A_165 = tpu.sem_alloc : memref<!tpu.dma_semaphore, #tpu.memory_space<semaphore_mem>>
          %dma_start3A = arith.constant 8192 : i32
          %dma_start3A_166 = tpu.memref_slice %arg12[%dma_start3A] : memref<16384xi32, #tpu.memory_space<hbm>> -> memref<8192xi32, #tpu.memory_space<hbm>>
          %dma_start3A_167 = arith.constant 8192 : i32
          %dma_start3A_168 = tpu.memref_slice %arg12[%dma_start3A_167] : memref<16384xi32, #tpu.memory_space<hbm>> -> memref<8192xi32, #tpu.memory_space<hbm>>
          tpu.enqueue_dma source(%dma_start3A_168 : memref<8192xi32, #tpu.memory_space<hbm>>) target(%run_scoped3A_158 : memref<8192xi32, #tpu.memory_space<vmem>>) target_semaphore(%run_scoped3A_165 : memref<!tpu.dma_semaphore, #tpu.memory_space<semaphore_mem>>)
          %dma_wait3A = arith.constant 8192 : i32
          %dma_wait3A_169 = tpu.memref_slice %arg12[%dma_wait3A] : memref<16384xi32, #tpu.memory_space<hbm>> -> memref<8192xi32, #tpu.memory_space<hbm>>
          %dma_wait3A_170 = arith.constant 8192 : i32
          %dma_wait3A_171 = tpu.memref_slice %arg12[%dma_wait3A_170] : memref<16384xi32, #tpu.memory_space<hbm>> -> memref<8192xi32, #tpu.memory_space<hbm>>
          tpu.wait_dma2 semaphore(%run_scoped3A_165 : memref<!tpu.dma_semaphore, #tpu.memory_space<semaphore_mem>>) src(%dma_wait3A_171 : memref<8192xi32, #tpu.memory_space<hbm>>) dst(%run_scoped3A_158 : memref<8192xi32, #tpu.memory_space<vmem>>)
          tpu.yield
        }) : () -> ()
        "tpu.region"() ({
          %run_scoped3A_165 = tpu.sem_alloc : memref<!tpu.dma_semaphore, #tpu.memory_space<semaphore_mem>>
          tpu.enqueue_dma source(%arg4 : memref<100000xf32, #tpu.memory_space<hbm>>) target(%run_scoped3A : memref<100000xf32, #tpu.memory_space<vmem>>) target_semaphore(%run_scoped3A_165 : memref<!tpu.dma_semaphore, #tpu.memory_space<semaphore_mem>>)
          tpu.wait_dma2 semaphore(%run_scoped3A_165 : memref<!tpu.dma_semaphore, #tpu.memory_space<semaphore_mem>>) src(%arg4 : memref<100000xf32, #tpu.memory_space<hbm>>) dst(%run_scoped3A : memref<100000xf32, #tpu.memory_space<vmem>>)
          tpu.yield
        }) : () -> ()
        %scan3A = arith.constant 0 : i32
        %scan3A_160 = arith.constant 0 : i32
        %scan3A_161 = arith.constant 512 : i32
        %scan3A_162 = arith.addi %scan3A_160, %scan3A_161 : i32
        %scan3A_163 = arith.constant 1 : i32
        scf.for %scan3A_165 = %scan3A_160 to %scan3A_162 step %scan3A_163  : i32 {
          %mul3A_166 = arith.constant 16 : i32
          %mul3A_167 = arith.muli %scan3A_165, %mul3A_166 : i32
          %get3A = arith.index_cast %mul3A_167 : i32 to index
          %get3A_168 = tpu.vector_load %run_scoped3A_158[%get3A] {strides = array<i32>} : memref<8192xi32, #tpu.memory_space<vmem>>, vector<16xi32>,
          %gather3A = tpu.vector_load_idx %run_scoped3A[%get3A_168] : memref<100000xf32, #tpu.memory_space<vmem>>[vector<16xi32>], vector<16xf32>,
          %swap3A = arith.index_cast %mul3A_167 : i32 to index
          %swap3A_169 = tpu.vector_load %run_scoped3A_159[%swap3A] {strides = array<i32>} : memref<8192xf32, #tpu.memory_space<vmem>>, vector<16xf32>,
          tpu.vector_store %run_scoped3A_159[%swap3A], %gather3A {strides = array<i32>} : memref<8192xf32, #tpu.memory_space<vmem>>, vector<16xf32>,
        }
        %scan3A_164 = arith.constant 512 : i32
        "tpu.region"() ({
          %run_scoped3A_165 = tpu.sem_alloc : memref<!tpu.dma_semaphore, #tpu.memory_space<semaphore_mem>>
          %dma_start3A = arith.constant 8192 : i32
          %dma_start3A_166 = tpu.memref_slice %arg15[%dma_start3A] : memref<16384xf32, #tpu.memory_space<hbm>> -> memref<8192xf32, #tpu.memory_space<hbm>>
          %dma_start3A_167 = arith.constant 8192 : i32
          %dma_start3A_168 = tpu.memref_slice %arg15[%dma_start3A_167] : memref<16384xf32, #tpu.memory_space<hbm>> -> memref<8192xf32, #tpu.memory_space<hbm>>
          tpu.enqueue_dma source(%run_scoped3A_159 : memref<8192xf32, #tpu.memory_space<vmem>>) target(%dma_start3A_168 : memref<8192xf32, #tpu.memory_space<hbm>>) target_semaphore(%run_scoped3A_165 : memref<!tpu.dma_semaphore, #tpu.memory_space<semaphore_mem>>)
          %dma_wait3A = arith.constant 8192 : i32
          %dma_wait3A_169 = tpu.memref_slice %arg15[%dma_wait3A] : memref<16384xf32, #tpu.memory_space<hbm>> -> memref<8192xf32, #tpu.memory_space<hbm>>
          %dma_wait3A_170 = arith.constant 8192 : i32
          %dma_wait3A_171 = tpu.memref_slice %arg15[%dma_wait3A_170] : memref<16384xf32, #tpu.memory_space<hbm>> -> memref<8192xf32, #tpu.memory_space<hbm>>
          tpu.wait_dma2 semaphore(%run_scoped3A_165 : memref<!tpu.dma_semaphore, #tpu.memory_space<semaphore_mem>>) src(%run_scoped3A_159 : memref<8192xf32, #tpu.memory_space<vmem>>) dst(%dma_wait3A_171 : memref<8192xf32, #tpu.memory_space<hbm>>)
          tpu.yield
        }) : () -> ()
        tpu.yield
      }) : () -> ()
    } else {
    }
    %eq3A_28 = arith.constant 6 : i32
    %eq3A_29 = arith.cmpi eq, %add3A, %eq3A_28 : i32
    %convert_element_type3A_30 = arith.extui %eq3A_29 : i1 to i32
    %cond3A_31 = arith.constant 0 : i32
    %cond3A_32 = arith.cmpi ne, %convert_element_type3A_30, %cond3A_31 : i32
    scf.if %cond3A_32 {
      "tpu.region"() ({
        %run_scoped3A = memref.alloca() : memref<100000xf32, #tpu.memory_space<vmem>>
        %run_scoped3A_158 = memref.alloca() : memref<8192xi32, #tpu.memory_space<vmem>>
        %run_scoped3A_159 = memref.alloca() : memref<8192xf32, #tpu.memory_space<vmem>>
        "tpu.region"() ({
          %run_scoped3A_165 = tpu.sem_alloc : memref<!tpu.dma_semaphore, #tpu.memory_space<semaphore_mem>>
          %dma_start3A = arith.constant 0 : i32
          %dma_start3A_166 = tpu.memref_slice %arg12[%dma_start3A] : memref<16384xi32, #tpu.memory_space<hbm>> -> memref<8192xi32, #tpu.memory_space<hbm>>
          %dma_start3A_167 = arith.constant 0 : i32
          %dma_start3A_168 = tpu.memref_slice %arg12[%dma_start3A_167] : memref<16384xi32, #tpu.memory_space<hbm>> -> memref<8192xi32, #tpu.memory_space<hbm>>
          tpu.enqueue_dma source(%dma_start3A_168 : memref<8192xi32, #tpu.memory_space<hbm>>) target(%run_scoped3A_158 : memref<8192xi32, #tpu.memory_space<vmem>>) target_semaphore(%run_scoped3A_165 : memref<!tpu.dma_semaphore, #tpu.memory_space<semaphore_mem>>)
          %dma_wait3A = arith.constant 0 : i32
          %dma_wait3A_169 = tpu.memref_slice %arg12[%dma_wait3A] : memref<16384xi32, #tpu.memory_space<hbm>> -> memref<8192xi32, #tpu.memory_space<hbm>>
          %dma_wait3A_170 = arith.constant 0 : i32
          %dma_wait3A_171 = tpu.memref_slice %arg12[%dma_wait3A_170] : memref<16384xi32, #tpu.memory_space<hbm>> -> memref<8192xi32, #tpu.memory_space<hbm>>
          tpu.wait_dma2 semaphore(%run_scoped3A_165 : memref<!tpu.dma_semaphore, #tpu.memory_space<semaphore_mem>>) src(%dma_wait3A_171 : memref<8192xi32, #tpu.memory_space<hbm>>) dst(%run_scoped3A_158 : memref<8192xi32, #tpu.memory_space<vmem>>)
          tpu.yield
        }) : () -> ()
        "tpu.region"() ({
          %run_scoped3A_165 = tpu.sem_alloc : memref<!tpu.dma_semaphore, #tpu.memory_space<semaphore_mem>>
          tpu.enqueue_dma source(%arg5 : memref<100000xf32, #tpu.memory_space<hbm>>) target(%run_scoped3A : memref<100000xf32, #tpu.memory_space<vmem>>) target_semaphore(%run_scoped3A_165 : memref<!tpu.dma_semaphore, #tpu.memory_space<semaphore_mem>>)
          tpu.wait_dma2 semaphore(%run_scoped3A_165 : memref<!tpu.dma_semaphore, #tpu.memory_space<semaphore_mem>>) src(%arg5 : memref<100000xf32, #tpu.memory_space<hbm>>) dst(%run_scoped3A : memref<100000xf32, #tpu.memory_space<vmem>>)
          tpu.yield
        }) : () -> ()
        %scan3A = arith.constant 0 : i32
        %scan3A_160 = arith.constant 0 : i32
        %scan3A_161 = arith.constant 512 : i32
        %scan3A_162 = arith.addi %scan3A_160, %scan3A_161 : i32
        %scan3A_163 = arith.constant 1 : i32
        scf.for %scan3A_165 = %scan3A_160 to %scan3A_162 step %scan3A_163  : i32 {
          %mul3A_166 = arith.constant 16 : i32
          %mul3A_167 = arith.muli %scan3A_165, %mul3A_166 : i32
          %get3A = arith.index_cast %mul3A_167 : i32 to index
          %get3A_168 = tpu.vector_load %run_scoped3A_158[%get3A] {strides = array<i32>} : memref<8192xi32, #tpu.memory_space<vmem>>, vector<16xi32>,
          %gather3A = tpu.vector_load_idx %run_scoped3A[%get3A_168] : memref<100000xf32, #tpu.memory_space<vmem>>[vector<16xi32>], vector<16xf32>,
          %swap3A = arith.index_cast %mul3A_167 : i32 to index
          %swap3A_169 = tpu.vector_load %run_scoped3A_159[%swap3A] {strides = array<i32>} : memref<8192xf32, #tpu.memory_space<vmem>>, vector<16xf32>,
          tpu.vector_store %run_scoped3A_159[%swap3A], %gather3A {strides = array<i32>} : memref<8192xf32, #tpu.memory_space<vmem>>, vector<16xf32>,
        }
        %scan3A_164 = arith.constant 512 : i32
        "tpu.region"() ({
          %run_scoped3A_165 = tpu.sem_alloc : memref<!tpu.dma_semaphore, #tpu.memory_space<semaphore_mem>>
          %dma_start3A = arith.constant 0 : i32
          %dma_start3A_166 = tpu.memref_slice %arg16[%dma_start3A] : memref<16384xf32, #tpu.memory_space<hbm>> -> memref<8192xf32, #tpu.memory_space<hbm>>
          %dma_start3A_167 = arith.constant 0 : i32
          %dma_start3A_168 = tpu.memref_slice %arg16[%dma_start3A_167] : memref<16384xf32, #tpu.memory_space<hbm>> -> memref<8192xf32, #tpu.memory_space<hbm>>
          tpu.enqueue_dma source(%run_scoped3A_159 : memref<8192xf32, #tpu.memory_space<vmem>>) target(%dma_start3A_168 : memref<8192xf32, #tpu.memory_space<hbm>>) target_semaphore(%run_scoped3A_165 : memref<!tpu.dma_semaphore, #tpu.memory_space<semaphore_mem>>)
          %dma_wait3A = arith.constant 0 : i32
          %dma_wait3A_169 = tpu.memref_slice %arg16[%dma_wait3A] : memref<16384xf32, #tpu.memory_space<hbm>> -> memref<8192xf32, #tpu.memory_space<hbm>>
          %dma_wait3A_170 = arith.constant 0 : i32
          %dma_wait3A_171 = tpu.memref_slice %arg16[%dma_wait3A_170] : memref<16384xf32, #tpu.memory_space<hbm>> -> memref<8192xf32, #tpu.memory_space<hbm>>
          tpu.wait_dma2 semaphore(%run_scoped3A_165 : memref<!tpu.dma_semaphore, #tpu.memory_space<semaphore_mem>>) src(%run_scoped3A_159 : memref<8192xf32, #tpu.memory_space<vmem>>) dst(%dma_wait3A_171 : memref<8192xf32, #tpu.memory_space<hbm>>)
          tpu.yield
        }) : () -> ()
        tpu.yield
      }) : () -> ()
    } else {
    }
    %eq3A_33 = arith.constant 7 : i32
    %eq3A_34 = arith.cmpi eq, %add3A, %eq3A_33 : i32
    %convert_element_type3A_35 = arith.extui %eq3A_34 : i1 to i32
    %cond3A_36 = arith.constant 0 : i32
    %cond3A_37 = arith.cmpi ne, %convert_element_type3A_35, %cond3A_36 : i32
    scf.if %cond3A_37 {
      "tpu.region"() ({
        %run_scoped3A = memref.alloca() : memref<100000xf32, #tpu.memory_space<vmem>>
        %run_scoped3A_158 = memref.alloca() : memref<8192xi32, #tpu.memory_space<vmem>>
        %run_scoped3A_159 = memref.alloca() : memref<8192xf32, #tpu.memory_space<vmem>>
        "tpu.region"() ({
          %run_scoped3A_165 = tpu.sem_alloc : memref<!tpu.dma_semaphore, #tpu.memory_space<semaphore_mem>>
          %dma_start3A = arith.constant 8192 : i32
          %dma_start3A_166 = tpu.memref_slice %arg12[%dma_start3A] : memref<16384xi32, #tpu.memory_space<hbm>> -> memref<8192xi32, #tpu.memory_space<hbm>>
          %dma_start3A_167 = arith.constant 8192 : i32
          %dma_start3A_168 = tpu.memref_slice %arg12[%dma_start3A_167] : memref<16384xi32, #tpu.memory_space<hbm>> -> memref<8192xi32, #tpu.memory_space<hbm>>
          tpu.enqueue_dma source(%dma_start3A_168 : memref<8192xi32, #tpu.memory_space<hbm>>) target(%run_scoped3A_158 : memref<8192xi32, #tpu.memory_space<vmem>>) target_semaphore(%run_scoped3A_165 : memref<!tpu.dma_semaphore, #tpu.memory_space<semaphore_mem>>)
          %dma_wait3A = arith.constant 8192 : i32
          %dma_wait3A_169 = tpu.memref_slice %arg12[%dma_wait3A] : memref<16384xi32, #tpu.memory_space<hbm>> -> memref<8192xi32, #tpu.memory_space<hbm>>
          %dma_wait3A_170 = arith.constant 8192 : i32
          %dma_wait3A_171 = tpu.memref_slice %arg12[%dma_wait3A_170] : memref<16384xi32, #tpu.memory_space<hbm>> -> memref<8192xi32, #tpu.memory_space<hbm>>
          tpu.wait_dma2 semaphore(%run_scoped3A_165 : memref<!tpu.dma_semaphore, #tpu.memory_space<semaphore_mem>>) src(%dma_wait3A_171 : memref<8192xi32, #tpu.memory_space<hbm>>) dst(%run_scoped3A_158 : memref<8192xi32, #tpu.memory_space<vmem>>)
          tpu.yield
        }) : () -> ()
        "tpu.region"() ({
          %run_scoped3A_165 = tpu.sem_alloc : memref<!tpu.dma_semaphore, #tpu.memory_space<semaphore_mem>>
          tpu.enqueue_dma source(%arg5 : memref<100000xf32, #tpu.memory_space<hbm>>) target(%run_scoped3A : memref<100000xf32, #tpu.memory_space<vmem>>) target_semaphore(%run_scoped3A_165 : memref<!tpu.dma_semaphore, #tpu.memory_space<semaphore_mem>>)
          tpu.wait_dma2 semaphore(%run_scoped3A_165 : memref<!tpu.dma_semaphore, #tpu.memory_space<semaphore_mem>>) src(%arg5 : memref<100000xf32, #tpu.memory_space<hbm>>) dst(%run_scoped3A : memref<100000xf32, #tpu.memory_space<vmem>>)
          tpu.yield
        }) : () -> ()
        %scan3A = arith.constant 0 : i32
        %scan3A_160 = arith.constant 0 : i32
        %scan3A_161 = arith.constant 512 : i32
        %scan3A_162 = arith.addi %scan3A_160, %scan3A_161 : i32
        %scan3A_163 = arith.constant 1 : i32
        scf.for %scan3A_165 = %scan3A_160 to %scan3A_162 step %scan3A_163  : i32 {
          %mul3A_166 = arith.constant 16 : i32
          %mul3A_167 = arith.muli %scan3A_165, %mul3A_166 : i32
          %get3A = arith.index_cast %mul3A_167 : i32 to index
          %get3A_168 = tpu.vector_load %run_scoped3A_158[%get3A] {strides = array<i32>} : memref<8192xi32, #tpu.memory_space<vmem>>, vector<16xi32>,
          %gather3A = tpu.vector_load_idx %run_scoped3A[%get3A_168] : memref<100000xf32, #tpu.memory_space<vmem>>[vector<16xi32>], vector<16xf32>,
          %swap3A = arith.index_cast %mul3A_167 : i32 to index
          %swap3A_169 = tpu.vector_load %run_scoped3A_159[%swap3A] {strides = array<i32>} : memref<8192xf32, #tpu.memory_space<vmem>>, vector<16xf32>,
          tpu.vector_store %run_scoped3A_159[%swap3A], %gather3A {strides = array<i32>} : memref<8192xf32, #tpu.memory_space<vmem>>, vector<16xf32>,
        }
        %scan3A_164 = arith.constant 512 : i32
        "tpu.region"() ({
          %run_scoped3A_165 = tpu.sem_alloc : memref<!tpu.dma_semaphore, #tpu.memory_space<semaphore_mem>>
          %dma_start3A = arith.constant 8192 : i32
          %dma_start3A_166 = tpu.memref_slice %arg16[%dma_start3A] : memref<16384xf32, #tpu.memory_space<hbm>> -> memref<8192xf32, #tpu.memory_space<hbm>>
          %dma_start3A_167 = arith.constant 8192 : i32
          %dma_start3A_168 = tpu.memref_slice %arg16[%dma_start3A_167] : memref<16384xf32, #tpu.memory_space<hbm>> -> memref<8192xf32, #tpu.memory_space<hbm>>
          tpu.enqueue_dma source(%run_scoped3A_159 : memref<8192xf32, #tpu.memory_space<vmem>>) target(%dma_start3A_168 : memref<8192xf32, #tpu.memory_space<hbm>>) target_semaphore(%run_scoped3A_165 : memref<!tpu.dma_semaphore, #tpu.memory_space<semaphore_mem>>)
          %dma_wait3A = arith.constant 8192 : i32
          %dma_wait3A_169 = tpu.memref_slice %arg16[%dma_wait3A] : memref<16384xf32, #tpu.memory_space<hbm>> -> memref<8192xf32, #tpu.memory_space<hbm>>
          %dma_wait3A_170 = arith.constant 8192 : i32
          %dma_wait3A_171 = tpu.memref_slice %arg16[%dma_wait3A_170] : memref<16384xf32, #tpu.memory_space<hbm>> -> memref<8192xf32, #tpu.memory_space<hbm>>
          tpu.wait_dma2 semaphore(%run_scoped3A_165 : memref<!tpu.dma_semaphore, #tpu.memory_space<semaphore_mem>>) src(%run_scoped3A_159 : memref<8192xf32, #tpu.memory_space<vmem>>) dst(%dma_wait3A_171 : memref<8192xf32, #tpu.memory_space<hbm>>)
          tpu.yield
        }) : () -> ()
        tpu.yield
      }) : () -> ()
    } else {
    }
    %eq3A_38 = arith.constant 8 : i32
    %eq3A_39 = arith.cmpi eq, %add3A, %eq3A_38 : i32
    %convert_element_type3A_40 = arith.extui %eq3A_39 : i1 to i32
    %cond3A_41 = arith.constant 0 : i32
    %cond3A_42 = arith.cmpi ne, %convert_element_type3A_40, %cond3A_41 : i32
    scf.if %cond3A_42 {
      "tpu.region"() ({
        %run_scoped3A = memref.alloca() : memref<100000xf32, #tpu.memory_space<vmem>>
        %run_scoped3A_158 = memref.alloca() : memref<8192xi32, #tpu.memory_space<vmem>>
        %run_scoped3A_159 = memref.alloca() : memref<8192xf32, #tpu.memory_space<vmem>>
        "tpu.region"() ({
          %run_scoped3A_165 = tpu.sem_alloc : memref<!tpu.dma_semaphore, #tpu.memory_space<semaphore_mem>>
          %dma_start3A = arith.constant 0 : i32
          %dma_start3A_166 = tpu.memref_slice %arg12[%dma_start3A] : memref<16384xi32, #tpu.memory_space<hbm>> -> memref<8192xi32, #tpu.memory_space<hbm>>
          %dma_start3A_167 = arith.constant 0 : i32
          %dma_start3A_168 = tpu.memref_slice %arg12[%dma_start3A_167] : memref<16384xi32, #tpu.memory_space<hbm>> -> memref<8192xi32, #tpu.memory_space<hbm>>
          tpu.enqueue_dma source(%dma_start3A_168 : memref<8192xi32, #tpu.memory_space<hbm>>) target(%run_scoped3A_158 : memref<8192xi32, #tpu.memory_space<vmem>>) target_semaphore(%run_scoped3A_165 : memref<!tpu.dma_semaphore, #tpu.memory_space<semaphore_mem>>)
          %dma_wait3A = arith.constant 0 : i32
          %dma_wait3A_169 = tpu.memref_slice %arg12[%dma_wait3A] : memref<16384xi32, #tpu.memory_space<hbm>> -> memref<8192xi32, #tpu.memory_space<hbm>>
          %dma_wait3A_170 = arith.constant 0 : i32
          %dma_wait3A_171 = tpu.memref_slice %arg12[%dma_wait3A_170] : memref<16384xi32, #tpu.memory_space<hbm>> -> memref<8192xi32, #tpu.memory_space<hbm>>
          tpu.wait_dma2 semaphore(%run_scoped3A_165 : memref<!tpu.dma_semaphore, #tpu.memory_space<semaphore_mem>>) src(%dma_wait3A_171 : memref<8192xi32, #tpu.memory_space<hbm>>) dst(%run_scoped3A_158 : memref<8192xi32, #tpu.memory_space<vmem>>)
          tpu.yield
        }) : () -> ()
        "tpu.region"() ({
          %run_scoped3A_165 = tpu.sem_alloc : memref<!tpu.dma_semaphore, #tpu.memory_space<semaphore_mem>>
          tpu.enqueue_dma source(%arg6 : memref<100000xf32, #tpu.memory_space<hbm>>) target(%run_scoped3A : memref<100000xf32, #tpu.memory_space<vmem>>) target_semaphore(%run_scoped3A_165 : memref<!tpu.dma_semaphore, #tpu.memory_space<semaphore_mem>>)
          tpu.wait_dma2 semaphore(%run_scoped3A_165 : memref<!tpu.dma_semaphore, #tpu.memory_space<semaphore_mem>>) src(%arg6 : memref<100000xf32, #tpu.memory_space<hbm>>) dst(%run_scoped3A : memref<100000xf32, #tpu.memory_space<vmem>>)
          tpu.yield
        }) : () -> ()
        %scan3A = arith.constant 0 : i32
        %scan3A_160 = arith.constant 0 : i32
        %scan3A_161 = arith.constant 512 : i32
        %scan3A_162 = arith.addi %scan3A_160, %scan3A_161 : i32
        %scan3A_163 = arith.constant 1 : i32
        scf.for %scan3A_165 = %scan3A_160 to %scan3A_162 step %scan3A_163  : i32 {
          %mul3A_166 = arith.constant 16 : i32
          %mul3A_167 = arith.muli %scan3A_165, %mul3A_166 : i32
          %get3A = arith.index_cast %mul3A_167 : i32 to index
          %get3A_168 = tpu.vector_load %run_scoped3A_158[%get3A] {strides = array<i32>} : memref<8192xi32, #tpu.memory_space<vmem>>, vector<16xi32>,
          %gather3A = tpu.vector_load_idx %run_scoped3A[%get3A_168] : memref<100000xf32, #tpu.memory_space<vmem>>[vector<16xi32>], vector<16xf32>,
          %swap3A = arith.index_cast %mul3A_167 : i32 to index
          %swap3A_169 = tpu.vector_load %run_scoped3A_159[%swap3A] {strides = array<i32>} : memref<8192xf32, #tpu.memory_space<vmem>>, vector<16xf32>,
          tpu.vector_store %run_scoped3A_159[%swap3A], %gather3A {strides = array<i32>} : memref<8192xf32, #tpu.memory_space<vmem>>, vector<16xf32>,
        }
        %scan3A_164 = arith.constant 512 : i32
        "tpu.region"() ({
          %run_scoped3A_165 = tpu.sem_alloc : memref<!tpu.dma_semaphore, #tpu.memory_space<semaphore_mem>>
          %dma_start3A = arith.constant 0 : i32
          %dma_start3A_166 = tpu.memref_slice %arg17[%dma_start3A] : memref<16384xf32, #tpu.memory_space<hbm>> -> memref<8192xf32, #tpu.memory_space<hbm>>
          %dma_start3A_167 = arith.constant 0 : i32
          %dma_start3A_168 = tpu.memref_slice %arg17[%dma_start3A_167] : memref<16384xf32, #tpu.memory_space<hbm>> -> memref<8192xf32, #tpu.memory_space<hbm>>
          tpu.enqueue_dma source(%run_scoped3A_159 : memref<8192xf32, #tpu.memory_space<vmem>>) target(%dma_start3A_168 : memref<8192xf32, #tpu.memory_space<hbm>>) target_semaphore(%run_scoped3A_165 : memref<!tpu.dma_semaphore, #tpu.memory_space<semaphore_mem>>)
          %dma_wait3A = arith.constant 0 : i32
          %dma_wait3A_169 = tpu.memref_slice %arg17[%dma_wait3A] : memref<16384xf32, #tpu.memory_space<hbm>> -> memref<8192xf32, #tpu.memory_space<hbm>>
          %dma_wait3A_170 = arith.constant 0 : i32
          %dma_wait3A_171 = tpu.memref_slice %arg17[%dma_wait3A_170] : memref<16384xf32, #tpu.memory_space<hbm>> -> memref<8192xf32, #tpu.memory_space<hbm>>
          tpu.wait_dma2 semaphore(%run_scoped3A_165 : memref<!tpu.dma_semaphore, #tpu.memory_space<semaphore_mem>>) src(%run_scoped3A_159 : memref<8192xf32, #tpu.memory_space<vmem>>) dst(%dma_wait3A_171 : memref<8192xf32, #tpu.memory_space<hbm>>)
          tpu.yield
        }) : () -> ()
        tpu.yield
      }) : () -> ()
    } else {
    }
    %eq3A_43 = arith.constant 9 : i32
    %eq3A_44 = arith.cmpi eq, %add3A, %eq3A_43 : i32
    %convert_element_type3A_45 = arith.extui %eq3A_44 : i1 to i32
    %cond3A_46 = arith.constant 0 : i32
    %cond3A_47 = arith.cmpi ne, %convert_element_type3A_45, %cond3A_46 : i32
    scf.if %cond3A_47 {
      "tpu.region"() ({
        %run_scoped3A = memref.alloca() : memref<100000xf32, #tpu.memory_space<vmem>>
        %run_scoped3A_158 = memref.alloca() : memref<8192xi32, #tpu.memory_space<vmem>>
        %run_scoped3A_159 = memref.alloca() : memref<8192xf32, #tpu.memory_space<vmem>>
        "tpu.region"() ({
          %run_scoped3A_165 = tpu.sem_alloc : memref<!tpu.dma_semaphore, #tpu.memory_space<semaphore_mem>>
          %dma_start3A = arith.constant 8192 : i32
          %dma_start3A_166 = tpu.memref_slice %arg12[%dma_start3A] : memref<16384xi32, #tpu.memory_space<hbm>> -> memref<8192xi32, #tpu.memory_space<hbm>>
          %dma_start3A_167 = arith.constant 8192 : i32
          %dma_start3A_168 = tpu.memref_slice %arg12[%dma_start3A_167] : memref<16384xi32, #tpu.memory_space<hbm>> -> memref<8192xi32, #tpu.memory_space<hbm>>
          tpu.enqueue_dma source(%dma_start3A_168 : memref<8192xi32, #tpu.memory_space<hbm>>) target(%run_scoped3A_158 : memref<8192xi32, #tpu.memory_space<vmem>>) target_semaphore(%run_scoped3A_165 : memref<!tpu.dma_semaphore, #tpu.memory_space<semaphore_mem>>)
          %dma_wait3A = arith.constant 8192 : i32
          %dma_wait3A_169 = tpu.memref_slice %arg12[%dma_wait3A] : memref<16384xi32, #tpu.memory_space<hbm>> -> memref<8192xi32, #tpu.memory_space<hbm>>
          %dma_wait3A_170 = arith.constant 8192 : i32
          %dma_wait3A_171 = tpu.memref_slice %arg12[%dma_wait3A_170] : memref<16384xi32, #tpu.memory_space<hbm>> -> memref<8192xi32, #tpu.memory_space<hbm>>
          tpu.wait_dma2 semaphore(%run_scoped3A_165 : memref<!tpu.dma_semaphore, #tpu.memory_space<semaphore_mem>>) src(%dma_wait3A_171 : memref<8192xi32, #tpu.memory_space<hbm>>) dst(%run_scoped3A_158 : memref<8192xi32, #tpu.memory_space<vmem>>)
          tpu.yield
        }) : () -> ()
        "tpu.region"() ({
          %run_scoped3A_165 = tpu.sem_alloc : memref<!tpu.dma_semaphore, #tpu.memory_space<semaphore_mem>>
          tpu.enqueue_dma source(%arg6 : memref<100000xf32, #tpu.memory_space<hbm>>) target(%run_scoped3A : memref<100000xf32, #tpu.memory_space<vmem>>) target_semaphore(%run_scoped3A_165 : memref<!tpu.dma_semaphore, #tpu.memory_space<semaphore_mem>>)
          tpu.wait_dma2 semaphore(%run_scoped3A_165 : memref<!tpu.dma_semaphore, #tpu.memory_space<semaphore_mem>>) src(%arg6 : memref<100000xf32, #tpu.memory_space<hbm>>) dst(%run_scoped3A : memref<100000xf32, #tpu.memory_space<vmem>>)
          tpu.yield
        }) : () -> ()
        %scan3A = arith.constant 0 : i32
        %scan3A_160 = arith.constant 0 : i32
        %scan3A_161 = arith.constant 512 : i32
        %scan3A_162 = arith.addi %scan3A_160, %scan3A_161 : i32
        %scan3A_163 = arith.constant 1 : i32
        scf.for %scan3A_165 = %scan3A_160 to %scan3A_162 step %scan3A_163  : i32 {
          %mul3A_166 = arith.constant 16 : i32
          %mul3A_167 = arith.muli %scan3A_165, %mul3A_166 : i32
          %get3A = arith.index_cast %mul3A_167 : i32 to index
          %get3A_168 = tpu.vector_load %run_scoped3A_158[%get3A] {strides = array<i32>} : memref<8192xi32, #tpu.memory_space<vmem>>, vector<16xi32>,
          %gather3A = tpu.vector_load_idx %run_scoped3A[%get3A_168] : memref<100000xf32, #tpu.memory_space<vmem>>[vector<16xi32>], vector<16xf32>,
          %swap3A = arith.index_cast %mul3A_167 : i32 to index
          %swap3A_169 = tpu.vector_load %run_scoped3A_159[%swap3A] {strides = array<i32>} : memref<8192xf32, #tpu.memory_space<vmem>>, vector<16xf32>,
          tpu.vector_store %run_scoped3A_159[%swap3A], %gather3A {strides = array<i32>} : memref<8192xf32, #tpu.memory_space<vmem>>, vector<16xf32>,
        }
        %scan3A_164 = arith.constant 512 : i32
        "tpu.region"() ({
          %run_scoped3A_165 = tpu.sem_alloc : memref<!tpu.dma_semaphore, #tpu.memory_space<semaphore_mem>>
          %dma_start3A = arith.constant 8192 : i32
          %dma_start3A_166 = tpu.memref_slice %arg17[%dma_start3A] : memref<16384xf32, #tpu.memory_space<hbm>> -> memref<8192xf32, #tpu.memory_space<hbm>>
          %dma_start3A_167 = arith.constant 8192 : i32
          %dma_start3A_168 = tpu.memref_slice %arg17[%dma_start3A_167] : memref<16384xf32, #tpu.memory_space<hbm>> -> memref<8192xf32, #tpu.memory_space<hbm>>
          tpu.enqueue_dma source(%run_scoped3A_159 : memref<8192xf32, #tpu.memory_space<vmem>>) target(%dma_start3A_168 : memref<8192xf32, #tpu.memory_space<hbm>>) target_semaphore(%run_scoped3A_165 : memref<!tpu.dma_semaphore, #tpu.memory_space<semaphore_mem>>)
          %dma_wait3A = arith.constant 8192 : i32
          %dma_wait3A_169 = tpu.memref_slice %arg17[%dma_wait3A] : memref<16384xf32, #tpu.memory_space<hbm>> -> memref<8192xf32, #tpu.memory_space<hbm>>
          %dma_wait3A_170 = arith.constant 8192 : i32
          %dma_wait3A_171 = tpu.memref_slice %arg17[%dma_wait3A_170] : memref<16384xf32, #tpu.memory_space<hbm>> -> memref<8192xf32, #tpu.memory_space<hbm>>
          tpu.wait_dma2 semaphore(%run_scoped3A_165 : memref<!tpu.dma_semaphore, #tpu.memory_space<semaphore_mem>>) src(%run_scoped3A_159 : memref<8192xf32, #tpu.memory_space<vmem>>) dst(%dma_wait3A_171 : memref<8192xf32, #tpu.memory_space<hbm>>)
          tpu.yield
        }) : () -> ()
        tpu.yield
      }) : () -> ()
    } else {
    }
    %eq3A_48 = arith.constant 10 : i32
    %eq3A_49 = arith.cmpi eq, %add3A, %eq3A_48 : i32
    %convert_element_type3A_50 = arith.extui %eq3A_49 : i1 to i32
    %cond3A_51 = arith.constant 0 : i32
    %cond3A_52 = arith.cmpi ne, %convert_element_type3A_50, %cond3A_51 : i32
    scf.if %cond3A_52 {
      "tpu.region"() ({
        %run_scoped3A = memref.alloca() : memref<100000xf32, #tpu.memory_space<vmem>>
        %run_scoped3A_158 = memref.alloca() : memref<8192xi32, #tpu.memory_space<vmem>>
        %run_scoped3A_159 = memref.alloca() : memref<8192xf32, #tpu.memory_space<vmem>>
        "tpu.region"() ({
          %run_scoped3A_165 = tpu.sem_alloc : memref<!tpu.dma_semaphore, #tpu.memory_space<semaphore_mem>>
          %dma_start3A = arith.constant 0 : i32
          %dma_start3A_166 = tpu.memref_slice %arg12[%dma_start3A] : memref<16384xi32, #tpu.memory_space<hbm>> -> memref<8192xi32, #tpu.memory_space<hbm>>
          %dma_start3A_167 = arith.constant 0 : i32
          %dma_start3A_168 = tpu.memref_slice %arg12[%dma_start3A_167] : memref<16384xi32, #tpu.memory_space<hbm>> -> memref<8192xi32, #tpu.memory_space<hbm>>
          tpu.enqueue_dma source(%dma_start3A_168 : memref<8192xi32, #tpu.memory_space<hbm>>) target(%run_scoped3A_158 : memref<8192xi32, #tpu.memory_space<vmem>>) target_semaphore(%run_scoped3A_165 : memref<!tpu.dma_semaphore, #tpu.memory_space<semaphore_mem>>)
          %dma_wait3A = arith.constant 0 : i32
          %dma_wait3A_169 = tpu.memref_slice %arg12[%dma_wait3A] : memref<16384xi32, #tpu.memory_space<hbm>> -> memref<8192xi32, #tpu.memory_space<hbm>>
          %dma_wait3A_170 = arith.constant 0 : i32
          %dma_wait3A_171 = tpu.memref_slice %arg12[%dma_wait3A_170] : memref<16384xi32, #tpu.memory_space<hbm>> -> memref<8192xi32, #tpu.memory_space<hbm>>
          tpu.wait_dma2 semaphore(%run_scoped3A_165 : memref<!tpu.dma_semaphore, #tpu.memory_space<semaphore_mem>>) src(%dma_wait3A_171 : memref<8192xi32, #tpu.memory_space<hbm>>) dst(%run_scoped3A_158 : memref<8192xi32, #tpu.memory_space<vmem>>)
          tpu.yield
        }) : () -> ()
        "tpu.region"() ({
          %run_scoped3A_165 = tpu.sem_alloc : memref<!tpu.dma_semaphore, #tpu.memory_space<semaphore_mem>>
          tpu.enqueue_dma source(%arg7 : memref<100000xf32, #tpu.memory_space<hbm>>) target(%run_scoped3A : memref<100000xf32, #tpu.memory_space<vmem>>) target_semaphore(%run_scoped3A_165 : memref<!tpu.dma_semaphore, #tpu.memory_space<semaphore_mem>>)
          tpu.wait_dma2 semaphore(%run_scoped3A_165 : memref<!tpu.dma_semaphore, #tpu.memory_space<semaphore_mem>>) src(%arg7 : memref<100000xf32, #tpu.memory_space<hbm>>) dst(%run_scoped3A : memref<100000xf32, #tpu.memory_space<vmem>>)
          tpu.yield
        }) : () -> ()
        %scan3A = arith.constant 0 : i32
        %scan3A_160 = arith.constant 0 : i32
        %scan3A_161 = arith.constant 512 : i32
        %scan3A_162 = arith.addi %scan3A_160, %scan3A_161 : i32
        %scan3A_163 = arith.constant 1 : i32
        scf.for %scan3A_165 = %scan3A_160 to %scan3A_162 step %scan3A_163  : i32 {
          %mul3A_166 = arith.constant 16 : i32
          %mul3A_167 = arith.muli %scan3A_165, %mul3A_166 : i32
          %get3A = arith.index_cast %mul3A_167 : i32 to index
          %get3A_168 = tpu.vector_load %run_scoped3A_158[%get3A] {strides = array<i32>} : memref<8192xi32, #tpu.memory_space<vmem>>, vector<16xi32>,
          %gather3A = tpu.vector_load_idx %run_scoped3A[%get3A_168] : memref<100000xf32, #tpu.memory_space<vmem>>[vector<16xi32>], vector<16xf32>,
          %swap3A = arith.index_cast %mul3A_167 : i32 to index
          %swap3A_169 = tpu.vector_load %run_scoped3A_159[%swap3A] {strides = array<i32>} : memref<8192xf32, #tpu.memory_space<vmem>>, vector<16xf32>,
          tpu.vector_store %run_scoped3A_159[%swap3A], %gather3A {strides = array<i32>} : memref<8192xf32, #tpu.memory_space<vmem>>, vector<16xf32>,
        }
        %scan3A_164 = arith.constant 512 : i32
        "tpu.region"() ({
          %run_scoped3A_165 = tpu.sem_alloc : memref<!tpu.dma_semaphore, #tpu.memory_space<semaphore_mem>>
          %dma_start3A = arith.constant 0 : i32
          %dma_start3A_166 = tpu.memref_slice %arg18[%dma_start3A] : memref<16384xf32, #tpu.memory_space<hbm>> -> memref<8192xf32, #tpu.memory_space<hbm>>
          %dma_start3A_167 = arith.constant 0 : i32
          %dma_start3A_168 = tpu.memref_slice %arg18[%dma_start3A_167] : memref<16384xf32, #tpu.memory_space<hbm>> -> memref<8192xf32, #tpu.memory_space<hbm>>
          tpu.enqueue_dma source(%run_scoped3A_159 : memref<8192xf32, #tpu.memory_space<vmem>>) target(%dma_start3A_168 : memref<8192xf32, #tpu.memory_space<hbm>>) target_semaphore(%run_scoped3A_165 : memref<!tpu.dma_semaphore, #tpu.memory_space<semaphore_mem>>)
          %dma_wait3A = arith.constant 0 : i32
          %dma_wait3A_169 = tpu.memref_slice %arg18[%dma_wait3A] : memref<16384xf32, #tpu.memory_space<hbm>> -> memref<8192xf32, #tpu.memory_space<hbm>>
          %dma_wait3A_170 = arith.constant 0 : i32
          %dma_wait3A_171 = tpu.memref_slice %arg18[%dma_wait3A_170] : memref<16384xf32, #tpu.memory_space<hbm>> -> memref<8192xf32, #tpu.memory_space<hbm>>
          tpu.wait_dma2 semaphore(%run_scoped3A_165 : memref<!tpu.dma_semaphore, #tpu.memory_space<semaphore_mem>>) src(%run_scoped3A_159 : memref<8192xf32, #tpu.memory_space<vmem>>) dst(%dma_wait3A_171 : memref<8192xf32, #tpu.memory_space<hbm>>)
          tpu.yield
        }) : () -> ()
        tpu.yield
      }) : () -> ()
    } else {
    }
    %eq3A_53 = arith.constant 11 : i32
    %eq3A_54 = arith.cmpi eq, %add3A, %eq3A_53 : i32
    %convert_element_type3A_55 = arith.extui %eq3A_54 : i1 to i32
    %cond3A_56 = arith.constant 0 : i32
    %cond3A_57 = arith.cmpi ne, %convert_element_type3A_55, %cond3A_56 : i32
    scf.if %cond3A_57 {
      "tpu.region"() ({
        %run_scoped3A = memref.alloca() : memref<100000xf32, #tpu.memory_space<vmem>>
        %run_scoped3A_158 = memref.alloca() : memref<8192xi32, #tpu.memory_space<vmem>>
        %run_scoped3A_159 = memref.alloca() : memref<8192xf32, #tpu.memory_space<vmem>>
        "tpu.region"() ({
          %run_scoped3A_165 = tpu.sem_alloc : memref<!tpu.dma_semaphore, #tpu.memory_space<semaphore_mem>>
          %dma_start3A = arith.constant 8192 : i32
          %dma_start3A_166 = tpu.memref_slice %arg12[%dma_start3A] : memref<16384xi32, #tpu.memory_space<hbm>> -> memref<8192xi32, #tpu.memory_space<hbm>>
          %dma_start3A_167 = arith.constant 8192 : i32
          %dma_start3A_168 = tpu.memref_slice %arg12[%dma_start3A_167] : memref<16384xi32, #tpu.memory_space<hbm>> -> memref<8192xi32, #tpu.memory_space<hbm>>
          tpu.enqueue_dma source(%dma_start3A_168 : memref<8192xi32, #tpu.memory_space<hbm>>) target(%run_scoped3A_158 : memref<8192xi32, #tpu.memory_space<vmem>>) target_semaphore(%run_scoped3A_165 : memref<!tpu.dma_semaphore, #tpu.memory_space<semaphore_mem>>)
          %dma_wait3A = arith.constant 8192 : i32
          %dma_wait3A_169 = tpu.memref_slice %arg12[%dma_wait3A] : memref<16384xi32, #tpu.memory_space<hbm>> -> memref<8192xi32, #tpu.memory_space<hbm>>
          %dma_wait3A_170 = arith.constant 8192 : i32
          %dma_wait3A_171 = tpu.memref_slice %arg12[%dma_wait3A_170] : memref<16384xi32, #tpu.memory_space<hbm>> -> memref<8192xi32, #tpu.memory_space<hbm>>
          tpu.wait_dma2 semaphore(%run_scoped3A_165 : memref<!tpu.dma_semaphore, #tpu.memory_space<semaphore_mem>>) src(%dma_wait3A_171 : memref<8192xi32, #tpu.memory_space<hbm>>) dst(%run_scoped3A_158 : memref<8192xi32, #tpu.memory_space<vmem>>)
          tpu.yield
        }) : () -> ()
        "tpu.region"() ({
          %run_scoped3A_165 = tpu.sem_alloc : memref<!tpu.dma_semaphore, #tpu.memory_space<semaphore_mem>>
          tpu.enqueue_dma source(%arg7 : memref<100000xf32, #tpu.memory_space<hbm>>) target(%run_scoped3A : memref<100000xf32, #tpu.memory_space<vmem>>) target_semaphore(%run_scoped3A_165 : memref<!tpu.dma_semaphore, #tpu.memory_space<semaphore_mem>>)
          tpu.wait_dma2 semaphore(%run_scoped3A_165 : memref<!tpu.dma_semaphore, #tpu.memory_space<semaphore_mem>>) src(%arg7 : memref<100000xf32, #tpu.memory_space<hbm>>) dst(%run_scoped3A : memref<100000xf32, #tpu.memory_space<vmem>>)
          tpu.yield
        }) : () -> ()
        %scan3A = arith.constant 0 : i32
        %scan3A_160 = arith.constant 0 : i32
        %scan3A_161 = arith.constant 512 : i32
        %scan3A_162 = arith.addi %scan3A_160, %scan3A_161 : i32
        %scan3A_163 = arith.constant 1 : i32
        scf.for %scan3A_165 = %scan3A_160 to %scan3A_162 step %scan3A_163  : i32 {
          %mul3A_166 = arith.constant 16 : i32
          %mul3A_167 = arith.muli %scan3A_165, %mul3A_166 : i32
          %get3A = arith.index_cast %mul3A_167 : i32 to index
          %get3A_168 = tpu.vector_load %run_scoped3A_158[%get3A] {strides = array<i32>} : memref<8192xi32, #tpu.memory_space<vmem>>, vector<16xi32>,
          %gather3A = tpu.vector_load_idx %run_scoped3A[%get3A_168] : memref<100000xf32, #tpu.memory_space<vmem>>[vector<16xi32>], vector<16xf32>,
          %swap3A = arith.index_cast %mul3A_167 : i32 to index
          %swap3A_169 = tpu.vector_load %run_scoped3A_159[%swap3A] {strides = array<i32>} : memref<8192xf32, #tpu.memory_space<vmem>>, vector<16xf32>,
          tpu.vector_store %run_scoped3A_159[%swap3A], %gather3A {strides = array<i32>} : memref<8192xf32, #tpu.memory_space<vmem>>, vector<16xf32>,
        }
        %scan3A_164 = arith.constant 512 : i32
        "tpu.region"() ({
          %run_scoped3A_165 = tpu.sem_alloc : memref<!tpu.dma_semaphore, #tpu.memory_space<semaphore_mem>>
          %dma_start3A = arith.constant 8192 : i32
          %dma_start3A_166 = tpu.memref_slice %arg18[%dma_start3A] : memref<16384xf32, #tpu.memory_space<hbm>> -> memref<8192xf32, #tpu.memory_space<hbm>>
          %dma_start3A_167 = arith.constant 8192 : i32
          %dma_start3A_168 = tpu.memref_slice %arg18[%dma_start3A_167] : memref<16384xf32, #tpu.memory_space<hbm>> -> memref<8192xf32, #tpu.memory_space<hbm>>
          tpu.enqueue_dma source(%run_scoped3A_159 : memref<8192xf32, #tpu.memory_space<vmem>>) target(%dma_start3A_168 : memref<8192xf32, #tpu.memory_space<hbm>>) target_semaphore(%run_scoped3A_165 : memref<!tpu.dma_semaphore, #tpu.memory_space<semaphore_mem>>)
          %dma_wait3A = arith.constant 8192 : i32
          %dma_wait3A_169 = tpu.memref_slice %arg18[%dma_wait3A] : memref<16384xf32, #tpu.memory_space<hbm>> -> memref<8192xf32, #tpu.memory_space<hbm>>
          %dma_wait3A_170 = arith.constant 8192 : i32
          %dma_wait3A_171 = tpu.memref_slice %arg18[%dma_wait3A_170] : memref<16384xf32, #tpu.memory_space<hbm>> -> memref<8192xf32, #tpu.memory_space<hbm>>
          tpu.wait_dma2 semaphore(%run_scoped3A_165 : memref<!tpu.dma_semaphore, #tpu.memory_space<semaphore_mem>>) src(%run_scoped3A_159 : memref<8192xf32, #tpu.memory_space<vmem>>) dst(%dma_wait3A_171 : memref<8192xf32, #tpu.memory_space<hbm>>)
          tpu.yield
        }) : () -> ()
        tpu.yield
      }) : () -> ()
    } else {
    }
    %eq3A_58 = arith.constant 12 : i32
    %eq3A_59 = arith.cmpi eq, %add3A, %eq3A_58 : i32
    %convert_element_type3A_60 = arith.extui %eq3A_59 : i1 to i32
    %cond3A_61 = arith.constant 0 : i32
    %cond3A_62 = arith.cmpi ne, %convert_element_type3A_60, %cond3A_61 : i32
    scf.if %cond3A_62 {
      "tpu.region"() ({
        %run_scoped3A = memref.alloca() : memref<100000xf32, #tpu.memory_space<vmem>>
        %run_scoped3A_158 = memref.alloca() : memref<8192xi32, #tpu.memory_space<vmem>>
        %run_scoped3A_159 = memref.alloca() : memref<8192xf32, #tpu.memory_space<vmem>>
        "tpu.region"() ({
          %run_scoped3A_165 = tpu.sem_alloc : memref<!tpu.dma_semaphore, #tpu.memory_space<semaphore_mem>>
          %dma_start3A = arith.constant 0 : i32
          %dma_start3A_166 = tpu.memref_slice %arg12[%dma_start3A] : memref<16384xi32, #tpu.memory_space<hbm>> -> memref<8192xi32, #tpu.memory_space<hbm>>
          %dma_start3A_167 = arith.constant 0 : i32
          %dma_start3A_168 = tpu.memref_slice %arg12[%dma_start3A_167] : memref<16384xi32, #tpu.memory_space<hbm>> -> memref<8192xi32, #tpu.memory_space<hbm>>
          tpu.enqueue_dma source(%dma_start3A_168 : memref<8192xi32, #tpu.memory_space<hbm>>) target(%run_scoped3A_158 : memref<8192xi32, #tpu.memory_space<vmem>>) target_semaphore(%run_scoped3A_165 : memref<!tpu.dma_semaphore, #tpu.memory_space<semaphore_mem>>)
          %dma_wait3A = arith.constant 0 : i32
          %dma_wait3A_169 = tpu.memref_slice %arg12[%dma_wait3A] : memref<16384xi32, #tpu.memory_space<hbm>> -> memref<8192xi32, #tpu.memory_space<hbm>>
          %dma_wait3A_170 = arith.constant 0 : i32
          %dma_wait3A_171 = tpu.memref_slice %arg12[%dma_wait3A_170] : memref<16384xi32, #tpu.memory_space<hbm>> -> memref<8192xi32, #tpu.memory_space<hbm>>
          tpu.wait_dma2 semaphore(%run_scoped3A_165 : memref<!tpu.dma_semaphore, #tpu.memory_space<semaphore_mem>>) src(%dma_wait3A_171 : memref<8192xi32, #tpu.memory_space<hbm>>) dst(%run_scoped3A_158 : memref<8192xi32, #tpu.memory_space<vmem>>)
          tpu.yield
        }) : () -> ()
        "tpu.region"() ({
          %run_scoped3A_165 = tpu.sem_alloc : memref<!tpu.dma_semaphore, #tpu.memory_space<semaphore_mem>>
          tpu.enqueue_dma source(%arg8 : memref<100000xf32, #tpu.memory_space<hbm>>) target(%run_scoped3A : memref<100000xf32, #tpu.memory_space<vmem>>) target_semaphore(%run_scoped3A_165 : memref<!tpu.dma_semaphore, #tpu.memory_space<semaphore_mem>>)
          tpu.wait_dma2 semaphore(%run_scoped3A_165 : memref<!tpu.dma_semaphore, #tpu.memory_space<semaphore_mem>>) src(%arg8 : memref<100000xf32, #tpu.memory_space<hbm>>) dst(%run_scoped3A : memref<100000xf32, #tpu.memory_space<vmem>>)
          tpu.yield
        }) : () -> ()
        %scan3A = arith.constant 0 : i32
        %scan3A_160 = arith.constant 0 : i32
        %scan3A_161 = arith.constant 512 : i32
        %scan3A_162 = arith.addi %scan3A_160, %scan3A_161 : i32
        %scan3A_163 = arith.constant 1 : i32
        scf.for %scan3A_165 = %scan3A_160 to %scan3A_162 step %scan3A_163  : i32 {
          %mul3A_166 = arith.constant 16 : i32
          %mul3A_167 = arith.muli %scan3A_165, %mul3A_166 : i32
          %get3A = arith.index_cast %mul3A_167 : i32 to index
          %get3A_168 = tpu.vector_load %run_scoped3A_158[%get3A] {strides = array<i32>} : memref<8192xi32, #tpu.memory_space<vmem>>, vector<16xi32>,
          %gather3A = tpu.vector_load_idx %run_scoped3A[%get3A_168] : memref<100000xf32, #tpu.memory_space<vmem>>[vector<16xi32>], vector<16xf32>,
          %swap3A = arith.index_cast %mul3A_167 : i32 to index
          %swap3A_169 = tpu.vector_load %run_scoped3A_159[%swap3A] {strides = array<i32>} : memref<8192xf32, #tpu.memory_space<vmem>>, vector<16xf32>,
          tpu.vector_store %run_scoped3A_159[%swap3A], %gather3A {strides = array<i32>} : memref<8192xf32, #tpu.memory_space<vmem>>, vector<16xf32>,
        }
        %scan3A_164 = arith.constant 512 : i32
        "tpu.region"() ({
          %run_scoped3A_165 = tpu.sem_alloc : memref<!tpu.dma_semaphore, #tpu.memory_space<semaphore_mem>>
          %dma_start3A = arith.constant 0 : i32
          %dma_start3A_166 = tpu.memref_slice %arg19[%dma_start3A] : memref<16384xf32, #tpu.memory_space<hbm>> -> memref<8192xf32, #tpu.memory_space<hbm>>
          %dma_start3A_167 = arith.constant 0 : i32
          %dma_start3A_168 = tpu.memref_slice %arg19[%dma_start3A_167] : memref<16384xf32, #tpu.memory_space<hbm>> -> memref<8192xf32, #tpu.memory_space<hbm>>
          tpu.enqueue_dma source(%run_scoped3A_159 : memref<8192xf32, #tpu.memory_space<vmem>>) target(%dma_start3A_168 : memref<8192xf32, #tpu.memory_space<hbm>>) target_semaphore(%run_scoped3A_165 : memref<!tpu.dma_semaphore, #tpu.memory_space<semaphore_mem>>)
          %dma_wait3A = arith.constant 0 : i32
          %dma_wait3A_169 = tpu.memref_slice %arg19[%dma_wait3A] : memref<16384xf32, #tpu.memory_space<hbm>> -> memref<8192xf32, #tpu.memory_space<hbm>>
          %dma_wait3A_170 = arith.constant 0 : i32
          %dma_wait3A_171 = tpu.memref_slice %arg19[%dma_wait3A_170] : memref<16384xf32, #tpu.memory_space<hbm>> -> memref<8192xf32, #tpu.memory_space<hbm>>
          tpu.wait_dma2 semaphore(%run_scoped3A_165 : memref<!tpu.dma_semaphore, #tpu.memory_space<semaphore_mem>>) src(%run_scoped3A_159 : memref<8192xf32, #tpu.memory_space<vmem>>) dst(%dma_wait3A_171 : memref<8192xf32, #tpu.memory_space<hbm>>)
          tpu.yield
        }) : () -> ()
        tpu.yield
      }) : () -> ()
    } else {
    }
    %eq3A_63 = arith.constant 13 : i32
    %eq3A_64 = arith.cmpi eq, %add3A, %eq3A_63 : i32
    %convert_element_type3A_65 = arith.extui %eq3A_64 : i1 to i32
    %cond3A_66 = arith.constant 0 : i32
    %cond3A_67 = arith.cmpi ne, %convert_element_type3A_65, %cond3A_66 : i32
    scf.if %cond3A_67 {
      "tpu.region"() ({
        %run_scoped3A = memref.alloca() : memref<100000xf32, #tpu.memory_space<vmem>>
        %run_scoped3A_158 = memref.alloca() : memref<8192xi32, #tpu.memory_space<vmem>>
        %run_scoped3A_159 = memref.alloca() : memref<8192xf32, #tpu.memory_space<vmem>>
        "tpu.region"() ({
          %run_scoped3A_165 = tpu.sem_alloc : memref<!tpu.dma_semaphore, #tpu.memory_space<semaphore_mem>>
          %dma_start3A = arith.constant 8192 : i32
          %dma_start3A_166 = tpu.memref_slice %arg12[%dma_start3A] : memref<16384xi32, #tpu.memory_space<hbm>> -> memref<8192xi32, #tpu.memory_space<hbm>>
          %dma_start3A_167 = arith.constant 8192 : i32
          %dma_start3A_168 = tpu.memref_slice %arg12[%dma_start3A_167] : memref<16384xi32, #tpu.memory_space<hbm>> -> memref<8192xi32, #tpu.memory_space<hbm>>
          tpu.enqueue_dma source(%dma_start3A_168 : memref<8192xi32, #tpu.memory_space<hbm>>) target(%run_scoped3A_158 : memref<8192xi32, #tpu.memory_space<vmem>>) target_semaphore(%run_scoped3A_165 : memref<!tpu.dma_semaphore, #tpu.memory_space<semaphore_mem>>)
          %dma_wait3A = arith.constant 8192 : i32
          %dma_wait3A_169 = tpu.memref_slice %arg12[%dma_wait3A] : memref<16384xi32, #tpu.memory_space<hbm>> -> memref<8192xi32, #tpu.memory_space<hbm>>
          %dma_wait3A_170 = arith.constant 8192 : i32
          %dma_wait3A_171 = tpu.memref_slice %arg12[%dma_wait3A_170] : memref<16384xi32, #tpu.memory_space<hbm>> -> memref<8192xi32, #tpu.memory_space<hbm>>
          tpu.wait_dma2 semaphore(%run_scoped3A_165 : memref<!tpu.dma_semaphore, #tpu.memory_space<semaphore_mem>>) src(%dma_wait3A_171 : memref<8192xi32, #tpu.memory_space<hbm>>) dst(%run_scoped3A_158 : memref<8192xi32, #tpu.memory_space<vmem>>)
          tpu.yield
        }) : () -> ()
        "tpu.region"() ({
          %run_scoped3A_165 = tpu.sem_alloc : memref<!tpu.dma_semaphore, #tpu.memory_space<semaphore_mem>>
          tpu.enqueue_dma source(%arg8 : memref<100000xf32, #tpu.memory_space<hbm>>) target(%run_scoped3A : memref<100000xf32, #tpu.memory_space<vmem>>) target_semaphore(%run_scoped3A_165 : memref<!tpu.dma_semaphore, #tpu.memory_space<semaphore_mem>>)
          tpu.wait_dma2 semaphore(%run_scoped3A_165 : memref<!tpu.dma_semaphore, #tpu.memory_space<semaphore_mem>>) src(%arg8 : memref<100000xf32, #tpu.memory_space<hbm>>) dst(%run_scoped3A : memref<100000xf32, #tpu.memory_space<vmem>>)
          tpu.yield
        }) : () -> ()
        %scan3A = arith.constant 0 : i32
        %scan3A_160 = arith.constant 0 : i32
        %scan3A_161 = arith.constant 512 : i32
        %scan3A_162 = arith.addi %scan3A_160, %scan3A_161 : i32
        %scan3A_163 = arith.constant 1 : i32
        scf.for %scan3A_165 = %scan3A_160 to %scan3A_162 step %scan3A_163  : i32 {
          %mul3A_166 = arith.constant 16 : i32
          %mul3A_167 = arith.muli %scan3A_165, %mul3A_166 : i32
          %get3A = arith.index_cast %mul3A_167 : i32 to index
          %get3A_168 = tpu.vector_load %run_scoped3A_158[%get3A] {strides = array<i32>} : memref<8192xi32, #tpu.memory_space<vmem>>, vector<16xi32>,
          %gather3A = tpu.vector_load_idx %run_scoped3A[%get3A_168] : memref<100000xf32, #tpu.memory_space<vmem>>[vector<16xi32>], vector<16xf32>,
          %swap3A = arith.index_cast %mul3A_167 : i32 to index
          %swap3A_169 = tpu.vector_load %run_scoped3A_159[%swap3A] {strides = array<i32>} : memref<8192xf32, #tpu.memory_space<vmem>>, vector<16xf32>,
          tpu.vector_store %run_scoped3A_159[%swap3A], %gather3A {strides = array<i32>} : memref<8192xf32, #tpu.memory_space<vmem>>, vector<16xf32>,
        }
        %scan3A_164 = arith.constant 512 : i32
        "tpu.region"() ({
          %run_scoped3A_165 = tpu.sem_alloc : memref<!tpu.dma_semaphore, #tpu.memory_space<semaphore_mem>>
          %dma_start3A = arith.constant 8192 : i32
          %dma_start3A_166 = tpu.memref_slice %arg19[%dma_start3A] : memref<16384xf32, #tpu.memory_space<hbm>> -> memref<8192xf32, #tpu.memory_space<hbm>>
          %dma_start3A_167 = arith.constant 8192 : i32
          %dma_start3A_168 = tpu.memref_slice %arg19[%dma_start3A_167] : memref<16384xf32, #tpu.memory_space<hbm>> -> memref<8192xf32, #tpu.memory_space<hbm>>
          tpu.enqueue_dma source(%run_scoped3A_159 : memref<8192xf32, #tpu.memory_space<vmem>>) target(%dma_start3A_168 : memref<8192xf32, #tpu.memory_space<hbm>>) target_semaphore(%run_scoped3A_165 : memref<!tpu.dma_semaphore, #tpu.memory_space<semaphore_mem>>)
          %dma_wait3A = arith.constant 8192 : i32
          %dma_wait3A_169 = tpu.memref_slice %arg19[%dma_wait3A] : memref<16384xf32, #tpu.memory_space<hbm>> -> memref<8192xf32, #tpu.memory_space<hbm>>
          %dma_wait3A_170 = arith.constant 8192 : i32
          %dma_wait3A_171 = tpu.memref_slice %arg19[%dma_wait3A_170] : memref<16384xf32, #tpu.memory_space<hbm>> -> memref<8192xf32, #tpu.memory_space<hbm>>
          tpu.wait_dma2 semaphore(%run_scoped3A_165 : memref<!tpu.dma_semaphore, #tpu.memory_space<semaphore_mem>>) src(%run_scoped3A_159 : memref<8192xf32, #tpu.memory_space<vmem>>) dst(%dma_wait3A_171 : memref<8192xf32, #tpu.memory_space<hbm>>)
          tpu.yield
        }) : () -> ()
        tpu.yield
      }) : () -> ()
    } else {
    }
    %eq3A_68 = arith.constant 14 : i32
    %eq3A_69 = arith.cmpi eq, %add3A, %eq3A_68 : i32
    %convert_element_type3A_70 = arith.extui %eq3A_69 : i1 to i32
    %cond3A_71 = arith.constant 0 : i32
    %cond3A_72 = arith.cmpi ne, %convert_element_type3A_70, %cond3A_71 : i32
    scf.if %cond3A_72 {
      "tpu.region"() ({
        %run_scoped3A = memref.alloca() : memref<100000xf32, #tpu.memory_space<vmem>>
        %run_scoped3A_158 = memref.alloca() : memref<8192xi32, #tpu.memory_space<vmem>>
        %run_scoped3A_159 = memref.alloca() : memref<8192xf32, #tpu.memory_space<vmem>>
        "tpu.region"() ({
          %run_scoped3A_165 = tpu.sem_alloc : memref<!tpu.dma_semaphore, #tpu.memory_space<semaphore_mem>>
          %dma_start3A = arith.constant 0 : i32
          %dma_start3A_166 = tpu.memref_slice %arg12[%dma_start3A] : memref<16384xi32, #tpu.memory_space<hbm>> -> memref<8192xi32, #tpu.memory_space<hbm>>
          %dma_start3A_167 = arith.constant 0 : i32
          %dma_start3A_168 = tpu.memref_slice %arg12[%dma_start3A_167] : memref<16384xi32, #tpu.memory_space<hbm>> -> memref<8192xi32, #tpu.memory_space<hbm>>
          tpu.enqueue_dma source(%dma_start3A_168 : memref<8192xi32, #tpu.memory_space<hbm>>) target(%run_scoped3A_158 : memref<8192xi32, #tpu.memory_space<vmem>>) target_semaphore(%run_scoped3A_165 : memref<!tpu.dma_semaphore, #tpu.memory_space<semaphore_mem>>)
          %dma_wait3A = arith.constant 0 : i32
          %dma_wait3A_169 = tpu.memref_slice %arg12[%dma_wait3A] : memref<16384xi32, #tpu.memory_space<hbm>> -> memref<8192xi32, #tpu.memory_space<hbm>>
          %dma_wait3A_170 = arith.constant 0 : i32
          %dma_wait3A_171 = tpu.memref_slice %arg12[%dma_wait3A_170] : memref<16384xi32, #tpu.memory_space<hbm>> -> memref<8192xi32, #tpu.memory_space<hbm>>
          tpu.wait_dma2 semaphore(%run_scoped3A_165 : memref<!tpu.dma_semaphore, #tpu.memory_space<semaphore_mem>>) src(%dma_wait3A_171 : memref<8192xi32, #tpu.memory_space<hbm>>) dst(%run_scoped3A_158 : memref<8192xi32, #tpu.memory_space<vmem>>)
          tpu.yield
        }) : () -> ()
        "tpu.region"() ({
          %run_scoped3A_165 = tpu.sem_alloc : memref<!tpu.dma_semaphore, #tpu.memory_space<semaphore_mem>>
          tpu.enqueue_dma source(%arg9 : memref<100000xf32, #tpu.memory_space<hbm>>) target(%run_scoped3A : memref<100000xf32, #tpu.memory_space<vmem>>) target_semaphore(%run_scoped3A_165 : memref<!tpu.dma_semaphore, #tpu.memory_space<semaphore_mem>>)
          tpu.wait_dma2 semaphore(%run_scoped3A_165 : memref<!tpu.dma_semaphore, #tpu.memory_space<semaphore_mem>>) src(%arg9 : memref<100000xf32, #tpu.memory_space<hbm>>) dst(%run_scoped3A : memref<100000xf32, #tpu.memory_space<vmem>>)
          tpu.yield
        }) : () -> ()
        %scan3A = arith.constant 0 : i32
        %scan3A_160 = arith.constant 0 : i32
        %scan3A_161 = arith.constant 512 : i32
        %scan3A_162 = arith.addi %scan3A_160, %scan3A_161 : i32
        %scan3A_163 = arith.constant 1 : i32
        scf.for %scan3A_165 = %scan3A_160 to %scan3A_162 step %scan3A_163  : i32 {
          %mul3A_166 = arith.constant 16 : i32
          %mul3A_167 = arith.muli %scan3A_165, %mul3A_166 : i32
          %get3A = arith.index_cast %mul3A_167 : i32 to index
          %get3A_168 = tpu.vector_load %run_scoped3A_158[%get3A] {strides = array<i32>} : memref<8192xi32, #tpu.memory_space<vmem>>, vector<16xi32>,
          %gather3A = tpu.vector_load_idx %run_scoped3A[%get3A_168] : memref<100000xf32, #tpu.memory_space<vmem>>[vector<16xi32>], vector<16xf32>,
          %swap3A = arith.index_cast %mul3A_167 : i32 to index
          %swap3A_169 = tpu.vector_load %run_scoped3A_159[%swap3A] {strides = array<i32>} : memref<8192xf32, #tpu.memory_space<vmem>>, vector<16xf32>,
          tpu.vector_store %run_scoped3A_159[%swap3A], %gather3A {strides = array<i32>} : memref<8192xf32, #tpu.memory_space<vmem>>, vector<16xf32>,
        }
        %scan3A_164 = arith.constant 512 : i32
        "tpu.region"() ({
          %run_scoped3A_165 = tpu.sem_alloc : memref<!tpu.dma_semaphore, #tpu.memory_space<semaphore_mem>>
          %dma_start3A = arith.constant 0 : i32
          %dma_start3A_166 = tpu.memref_slice %arg20[%dma_start3A] : memref<16384xf32, #tpu.memory_space<hbm>> -> memref<8192xf32, #tpu.memory_space<hbm>>
          %dma_start3A_167 = arith.constant 0 : i32
          %dma_start3A_168 = tpu.memref_slice %arg20[%dma_start3A_167] : memref<16384xf32, #tpu.memory_space<hbm>> -> memref<8192xf32, #tpu.memory_space<hbm>>
          tpu.enqueue_dma source(%run_scoped3A_159 : memref<8192xf32, #tpu.memory_space<vmem>>) target(%dma_start3A_168 : memref<8192xf32, #tpu.memory_space<hbm>>) target_semaphore(%run_scoped3A_165 : memref<!tpu.dma_semaphore, #tpu.memory_space<semaphore_mem>>)
          %dma_wait3A = arith.constant 0 : i32
          %dma_wait3A_169 = tpu.memref_slice %arg20[%dma_wait3A] : memref<16384xf32, #tpu.memory_space<hbm>> -> memref<8192xf32, #tpu.memory_space<hbm>>
          %dma_wait3A_170 = arith.constant 0 : i32
          %dma_wait3A_171 = tpu.memref_slice %arg20[%dma_wait3A_170] : memref<16384xf32, #tpu.memory_space<hbm>> -> memref<8192xf32, #tpu.memory_space<hbm>>
          tpu.wait_dma2 semaphore(%run_scoped3A_165 : memref<!tpu.dma_semaphore, #tpu.memory_space<semaphore_mem>>) src(%run_scoped3A_159 : memref<8192xf32, #tpu.memory_space<vmem>>) dst(%dma_wait3A_171 : memref<8192xf32, #tpu.memory_space<hbm>>)
          tpu.yield
        }) : () -> ()
        tpu.yield
      }) : () -> ()
    } else {
    }
    %eq3A_73 = arith.constant 15 : i32
    %eq3A_74 = arith.cmpi eq, %add3A, %eq3A_73 : i32
    %convert_element_type3A_75 = arith.extui %eq3A_74 : i1 to i32
    %cond3A_76 = arith.constant 0 : i32
    %cond3A_77 = arith.cmpi ne, %convert_element_type3A_75, %cond3A_76 : i32
    scf.if %cond3A_77 {
      "tpu.region"() ({
        %run_scoped3A = memref.alloca() : memref<100000xf32, #tpu.memory_space<vmem>>
        %run_scoped3A_158 = memref.alloca() : memref<8192xi32, #tpu.memory_space<vmem>>
        %run_scoped3A_159 = memref.alloca() : memref<8192xf32, #tpu.memory_space<vmem>>
        "tpu.region"() ({
          %run_scoped3A_165 = tpu.sem_alloc : memref<!tpu.dma_semaphore, #tpu.memory_space<semaphore_mem>>
          %dma_start3A = arith.constant 8192 : i32
          %dma_start3A_166 = tpu.memref_slice %arg12[%dma_start3A] : memref<16384xi32, #tpu.memory_space<hbm>> -> memref<8192xi32, #tpu.memory_space<hbm>>
          %dma_start3A_167 = arith.constant 8192 : i32
          %dma_start3A_168 = tpu.memref_slice %arg12[%dma_start3A_167] : memref<16384xi32, #tpu.memory_space<hbm>> -> memref<8192xi32, #tpu.memory_space<hbm>>
          tpu.enqueue_dma source(%dma_start3A_168 : memref<8192xi32, #tpu.memory_space<hbm>>) target(%run_scoped3A_158 : memref<8192xi32, #tpu.memory_space<vmem>>) target_semaphore(%run_scoped3A_165 : memref<!tpu.dma_semaphore, #tpu.memory_space<semaphore_mem>>)
          %dma_wait3A = arith.constant 8192 : i32
          %dma_wait3A_169 = tpu.memref_slice %arg12[%dma_wait3A] : memref<16384xi32, #tpu.memory_space<hbm>> -> memref<8192xi32, #tpu.memory_space<hbm>>
          %dma_wait3A_170 = arith.constant 8192 : i32
          %dma_wait3A_171 = tpu.memref_slice %arg12[%dma_wait3A_170] : memref<16384xi32, #tpu.memory_space<hbm>> -> memref<8192xi32, #tpu.memory_space<hbm>>
          tpu.wait_dma2 semaphore(%run_scoped3A_165 : memref<!tpu.dma_semaphore, #tpu.memory_space<semaphore_mem>>) src(%dma_wait3A_171 : memref<8192xi32, #tpu.memory_space<hbm>>) dst(%run_scoped3A_158 : memref<8192xi32, #tpu.memory_space<vmem>>)
          tpu.yield
        }) : () -> ()
        "tpu.region"() ({
          %run_scoped3A_165 = tpu.sem_alloc : memref<!tpu.dma_semaphore, #tpu.memory_space<semaphore_mem>>
          tpu.enqueue_dma source(%arg9 : memref<100000xf32, #tpu.memory_space<hbm>>) target(%run_scoped3A : memref<100000xf32, #tpu.memory_space<vmem>>) target_semaphore(%run_scoped3A_165 : memref<!tpu.dma_semaphore, #tpu.memory_space<semaphore_mem>>)
          tpu.wait_dma2 semaphore(%run_scoped3A_165 : memref<!tpu.dma_semaphore, #tpu.memory_space<semaphore_mem>>) src(%arg9 : memref<100000xf32, #tpu.memory_space<hbm>>) dst(%run_scoped3A : memref<100000xf32, #tpu.memory_space<vmem>>)
          tpu.yield
        }) : () -> ()
        %scan3A = arith.constant 0 : i32
        %scan3A_160 = arith.constant 0 : i32
        %scan3A_161 = arith.constant 512 : i32
        %scan3A_162 = arith.addi %scan3A_160, %scan3A_161 : i32
        %scan3A_163 = arith.constant 1 : i32
        scf.for %scan3A_165 = %scan3A_160 to %scan3A_162 step %scan3A_163  : i32 {
          %mul3A_166 = arith.constant 16 : i32
          %mul3A_167 = arith.muli %scan3A_165, %mul3A_166 : i32
          %get3A = arith.index_cast %mul3A_167 : i32 to index
          %get3A_168 = tpu.vector_load %run_scoped3A_158[%get3A] {strides = array<i32>} : memref<8192xi32, #tpu.memory_space<vmem>>, vector<16xi32>,
          %gather3A = tpu.vector_load_idx %run_scoped3A[%get3A_168] : memref<100000xf32, #tpu.memory_space<vmem>>[vector<16xi32>], vector<16xf32>,
          %swap3A = arith.index_cast %mul3A_167 : i32 to index
          %swap3A_169 = tpu.vector_load %run_scoped3A_159[%swap3A] {strides = array<i32>} : memref<8192xf32, #tpu.memory_space<vmem>>, vector<16xf32>,
          tpu.vector_store %run_scoped3A_159[%swap3A], %gather3A {strides = array<i32>} : memref<8192xf32, #tpu.memory_space<vmem>>, vector<16xf32>,
        }
        %scan3A_164 = arith.constant 512 : i32
        "tpu.region"() ({
          %run_scoped3A_165 = tpu.sem_alloc : memref<!tpu.dma_semaphore, #tpu.memory_space<semaphore_mem>>
          %dma_start3A = arith.constant 8192 : i32
          %dma_start3A_166 = tpu.memref_slice %arg20[%dma_start3A] : memref<16384xf32, #tpu.memory_space<hbm>> -> memref<8192xf32, #tpu.memory_space<hbm>>
          %dma_start3A_167 = arith.constant 8192 : i32
          %dma_start3A_168 = tpu.memref_slice %arg20[%dma_start3A_167] : memref<16384xf32, #tpu.memory_space<hbm>> -> memref<8192xf32, #tpu.memory_space<hbm>>
          tpu.enqueue_dma source(%run_scoped3A_159 : memref<8192xf32, #tpu.memory_space<vmem>>) target(%dma_start3A_168 : memref<8192xf32, #tpu.memory_space<hbm>>) target_semaphore(%run_scoped3A_165 : memref<!tpu.dma_semaphore, #tpu.memory_space<semaphore_mem>>)
          %dma_wait3A = arith.constant 8192 : i32
          %dma_wait3A_169 = tpu.memref_slice %arg20[%dma_wait3A] : memref<16384xf32, #tpu.memory_space<hbm>> -> memref<8192xf32, #tpu.memory_space<hbm>>
          %dma_wait3A_170 = arith.constant 8192 : i32
          %dma_wait3A_171 = tpu.memref_slice %arg20[%dma_wait3A_170] : memref<16384xf32, #tpu.memory_space<hbm>> -> memref<8192xf32, #tpu.memory_space<hbm>>
          tpu.wait_dma2 semaphore(%run_scoped3A_165 : memref<!tpu.dma_semaphore, #tpu.memory_space<semaphore_mem>>) src(%run_scoped3A_159 : memref<8192xf32, #tpu.memory_space<vmem>>) dst(%dma_wait3A_171 : memref<8192xf32, #tpu.memory_space<hbm>>)
          tpu.yield
        }) : () -> ()
        tpu.yield
      }) : () -> ()
    } else {
    }
    %eq3A_78 = arith.constant 16 : i32
    %eq3A_79 = arith.cmpi eq, %add3A, %eq3A_78 : i32
    %convert_element_type3A_80 = arith.extui %eq3A_79 : i1 to i32
    %cond3A_81 = arith.constant 0 : i32
    %cond3A_82 = arith.cmpi ne, %convert_element_type3A_80, %cond3A_81 : i32
    scf.if %cond3A_82 {
      "tpu.region"() ({
        %run_scoped3A = memref.alloca() : memref<100000xf32, #tpu.memory_space<vmem>>
        %run_scoped3A_158 = memref.alloca() : memref<8192xi32, #tpu.memory_space<vmem>>
        %run_scoped3A_159 = memref.alloca() : memref<8192xf32, #tpu.memory_space<vmem>>
        "tpu.region"() ({
          %run_scoped3A_165 = tpu.sem_alloc : memref<!tpu.dma_semaphore, #tpu.memory_space<semaphore_mem>>
          %dma_start3A = arith.constant 0 : i32
          %dma_start3A_166 = tpu.memref_slice %arg12[%dma_start3A] : memref<16384xi32, #tpu.memory_space<hbm>> -> memref<8192xi32, #tpu.memory_space<hbm>>
          %dma_start3A_167 = arith.constant 0 : i32
          %dma_start3A_168 = tpu.memref_slice %arg12[%dma_start3A_167] : memref<16384xi32, #tpu.memory_space<hbm>> -> memref<8192xi32, #tpu.memory_space<hbm>>
          tpu.enqueue_dma source(%dma_start3A_168 : memref<8192xi32, #tpu.memory_space<hbm>>) target(%run_scoped3A_158 : memref<8192xi32, #tpu.memory_space<vmem>>) target_semaphore(%run_scoped3A_165 : memref<!tpu.dma_semaphore, #tpu.memory_space<semaphore_mem>>)
          %dma_wait3A = arith.constant 0 : i32
          %dma_wait3A_169 = tpu.memref_slice %arg12[%dma_wait3A] : memref<16384xi32, #tpu.memory_space<hbm>> -> memref<8192xi32, #tpu.memory_space<hbm>>
          %dma_wait3A_170 = arith.constant 0 : i32
          %dma_wait3A_171 = tpu.memref_slice %arg12[%dma_wait3A_170] : memref<16384xi32, #tpu.memory_space<hbm>> -> memref<8192xi32, #tpu.memory_space<hbm>>
          tpu.wait_dma2 semaphore(%run_scoped3A_165 : memref<!tpu.dma_semaphore, #tpu.memory_space<semaphore_mem>>) src(%dma_wait3A_171 : memref<8192xi32, #tpu.memory_space<hbm>>) dst(%run_scoped3A_158 : memref<8192xi32, #tpu.memory_space<vmem>>)
          tpu.yield
        }) : () -> ()
        "tpu.region"() ({
          %run_scoped3A_165 = tpu.sem_alloc : memref<!tpu.dma_semaphore, #tpu.memory_space<semaphore_mem>>
          tpu.enqueue_dma source(%arg10 : memref<100000xf32, #tpu.memory_space<hbm>>) target(%run_scoped3A : memref<100000xf32, #tpu.memory_space<vmem>>) target_semaphore(%run_scoped3A_165 : memref<!tpu.dma_semaphore, #tpu.memory_space<semaphore_mem>>)
          tpu.wait_dma2 semaphore(%run_scoped3A_165 : memref<!tpu.dma_semaphore, #tpu.memory_space<semaphore_mem>>) src(%arg10 : memref<100000xf32, #tpu.memory_space<hbm>>) dst(%run_scoped3A : memref<100000xf32, #tpu.memory_space<vmem>>)
          tpu.yield
        }) : () -> ()
        %scan3A = arith.constant 0 : i32
        %scan3A_160 = arith.constant 0 : i32
        %scan3A_161 = arith.constant 512 : i32
        %scan3A_162 = arith.addi %scan3A_160, %scan3A_161 : i32
        %scan3A_163 = arith.constant 1 : i32
        scf.for %scan3A_165 = %scan3A_160 to %scan3A_162 step %scan3A_163  : i32 {
          %mul3A_166 = arith.constant 16 : i32
          %mul3A_167 = arith.muli %scan3A_165, %mul3A_166 : i32
          %get3A = arith.index_cast %mul3A_167 : i32 to index
          %get3A_168 = tpu.vector_load %run_scoped3A_158[%get3A] {strides = array<i32>} : memref<8192xi32, #tpu.memory_space<vmem>>, vector<16xi32>,
          %gather3A = tpu.vector_load_idx %run_scoped3A[%get3A_168] : memref<100000xf32, #tpu.memory_space<vmem>>[vector<16xi32>], vector<16xf32>,
          %swap3A = arith.index_cast %mul3A_167 : i32 to index
          %swap3A_169 = tpu.vector_load %run_scoped3A_159[%swap3A] {strides = array<i32>} : memref<8192xf32, #tpu.memory_space<vmem>>, vector<16xf32>,
          tpu.vector_store %run_scoped3A_159[%swap3A], %gather3A {strides = array<i32>} : memref<8192xf32, #tpu.memory_space<vmem>>, vector<16xf32>,
        }
        %scan3A_164 = arith.constant 512 : i32
        "tpu.region"() ({
          %run_scoped3A_165 = tpu.sem_alloc : memref<!tpu.dma_semaphore, #tpu.memory_space<semaphore_mem>>
          %dma_start3A = arith.constant 0 : i32
          %dma_start3A_166 = tpu.memref_slice %arg21[%dma_start3A] : memref<16384xf32, #tpu.memory_space<hbm>> -> memref<8192xf32, #tpu.memory_space<hbm>>
          %dma_start3A_167 = arith.constant 0 : i32
          %dma_start3A_168 = tpu.memref_slice %arg21[%dma_start3A_167] : memref<16384xf32, #tpu.memory_space<hbm>> -> memref<8192xf32, #tpu.memory_space<hbm>>
          tpu.enqueue_dma source(%run_scoped3A_159 : memref<8192xf32, #tpu.memory_space<vmem>>) target(%dma_start3A_168 : memref<8192xf32, #tpu.memory_space<hbm>>) target_semaphore(%run_scoped3A_165 : memref<!tpu.dma_semaphore, #tpu.memory_space<semaphore_mem>>)
          %dma_wait3A = arith.constant 0 : i32
          %dma_wait3A_169 = tpu.memref_slice %arg21[%dma_wait3A] : memref<16384xf32, #tpu.memory_space<hbm>> -> memref<8192xf32, #tpu.memory_space<hbm>>
          %dma_wait3A_170 = arith.constant 0 : i32
          %dma_wait3A_171 = tpu.memref_slice %arg21[%dma_wait3A_170] : memref<16384xf32, #tpu.memory_space<hbm>> -> memref<8192xf32, #tpu.memory_space<hbm>>
          tpu.wait_dma2 semaphore(%run_scoped3A_165 : memref<!tpu.dma_semaphore, #tpu.memory_space<semaphore_mem>>) src(%run_scoped3A_159 : memref<8192xf32, #tpu.memory_space<vmem>>) dst(%dma_wait3A_171 : memref<8192xf32, #tpu.memory_space<hbm>>)
          tpu.yield
        }) : () -> ()
        tpu.yield
      }) : () -> ()
    } else {
    }
    %eq3A_83 = arith.constant 17 : i32
    %eq3A_84 = arith.cmpi eq, %add3A, %eq3A_83 : i32
    %convert_element_type3A_85 = arith.extui %eq3A_84 : i1 to i32
    %cond3A_86 = arith.constant 0 : i32
    %cond3A_87 = arith.cmpi ne, %convert_element_type3A_85, %cond3A_86 : i32
    scf.if %cond3A_87 {
      "tpu.region"() ({
        %run_scoped3A = memref.alloca() : memref<100000xf32, #tpu.memory_space<vmem>>
        %run_scoped3A_158 = memref.alloca() : memref<8192xi32, #tpu.memory_space<vmem>>
        %run_scoped3A_159 = memref.alloca() : memref<8192xf32, #tpu.memory_space<vmem>>
        "tpu.region"() ({
          %run_scoped3A_165 = tpu.sem_alloc : memref<!tpu.dma_semaphore, #tpu.memory_space<semaphore_mem>>
          %dma_start3A = arith.constant 8192 : i32
          %dma_start3A_166 = tpu.memref_slice %arg12[%dma_start3A] : memref<16384xi32, #tpu.memory_space<hbm>> -> memref<8192xi32, #tpu.memory_space<hbm>>
          %dma_start3A_167 = arith.constant 8192 : i32
          %dma_start3A_168 = tpu.memref_slice %arg12[%dma_start3A_167] : memref<16384xi32, #tpu.memory_space<hbm>> -> memref<8192xi32, #tpu.memory_space<hbm>>
          tpu.enqueue_dma source(%dma_start3A_168 : memref<8192xi32, #tpu.memory_space<hbm>>) target(%run_scoped3A_158 : memref<8192xi32, #tpu.memory_space<vmem>>) target_semaphore(%run_scoped3A_165 : memref<!tpu.dma_semaphore, #tpu.memory_space<semaphore_mem>>)
          %dma_wait3A = arith.constant 8192 : i32
          %dma_wait3A_169 = tpu.memref_slice %arg12[%dma_wait3A] : memref<16384xi32, #tpu.memory_space<hbm>> -> memref<8192xi32, #tpu.memory_space<hbm>>
          %dma_wait3A_170 = arith.constant 8192 : i32
          %dma_wait3A_171 = tpu.memref_slice %arg12[%dma_wait3A_170] : memref<16384xi32, #tpu.memory_space<hbm>> -> memref<8192xi32, #tpu.memory_space<hbm>>
          tpu.wait_dma2 semaphore(%run_scoped3A_165 : memref<!tpu.dma_semaphore, #tpu.memory_space<semaphore_mem>>) src(%dma_wait3A_171 : memref<8192xi32, #tpu.memory_space<hbm>>) dst(%run_scoped3A_158 : memref<8192xi32, #tpu.memory_space<vmem>>)
          tpu.yield
        }) : () -> ()
        "tpu.region"() ({
          %run_scoped3A_165 = tpu.sem_alloc : memref<!tpu.dma_semaphore, #tpu.memory_space<semaphore_mem>>
          tpu.enqueue_dma source(%arg10 : memref<100000xf32, #tpu.memory_space<hbm>>) target(%run_scoped3A : memref<100000xf32, #tpu.memory_space<vmem>>) target_semaphore(%run_scoped3A_165 : memref<!tpu.dma_semaphore, #tpu.memory_space<semaphore_mem>>)
          tpu.wait_dma2 semaphore(%run_scoped3A_165 : memref<!tpu.dma_semaphore, #tpu.memory_space<semaphore_mem>>) src(%arg10 : memref<100000xf32, #tpu.memory_space<hbm>>) dst(%run_scoped3A : memref<100000xf32, #tpu.memory_space<vmem>>)
          tpu.yield
        }) : () -> ()
        %scan3A = arith.constant 0 : i32
        %scan3A_160 = arith.constant 0 : i32
        %scan3A_161 = arith.constant 512 : i32
        %scan3A_162 = arith.addi %scan3A_160, %scan3A_161 : i32
        %scan3A_163 = arith.constant 1 : i32
        scf.for %scan3A_165 = %scan3A_160 to %scan3A_162 step %scan3A_163  : i32 {
          %mul3A_166 = arith.constant 16 : i32
          %mul3A_167 = arith.muli %scan3A_165, %mul3A_166 : i32
          %get3A = arith.index_cast %mul3A_167 : i32 to index
          %get3A_168 = tpu.vector_load %run_scoped3A_158[%get3A] {strides = array<i32>} : memref<8192xi32, #tpu.memory_space<vmem>>, vector<16xi32>,
          %gather3A = tpu.vector_load_idx %run_scoped3A[%get3A_168] : memref<100000xf32, #tpu.memory_space<vmem>>[vector<16xi32>], vector<16xf32>,
          %swap3A = arith.index_cast %mul3A_167 : i32 to index
          %swap3A_169 = tpu.vector_load %run_scoped3A_159[%swap3A] {strides = array<i32>} : memref<8192xf32, #tpu.memory_space<vmem>>, vector<16xf32>,
          tpu.vector_store %run_scoped3A_159[%swap3A], %gather3A {strides = array<i32>} : memref<8192xf32, #tpu.memory_space<vmem>>, vector<16xf32>,
        }
        %scan3A_164 = arith.constant 512 : i32
        "tpu.region"() ({
          %run_scoped3A_165 = tpu.sem_alloc : memref<!tpu.dma_semaphore, #tpu.memory_space<semaphore_mem>>
          %dma_start3A = arith.constant 8192 : i32
          %dma_start3A_166 = tpu.memref_slice %arg21[%dma_start3A] : memref<16384xf32, #tpu.memory_space<hbm>> -> memref<8192xf32, #tpu.memory_space<hbm>>
          %dma_start3A_167 = arith.constant 8192 : i32
          %dma_start3A_168 = tpu.memref_slice %arg21[%dma_start3A_167] : memref<16384xf32, #tpu.memory_space<hbm>> -> memref<8192xf32, #tpu.memory_space<hbm>>
          tpu.enqueue_dma source(%run_scoped3A_159 : memref<8192xf32, #tpu.memory_space<vmem>>) target(%dma_start3A_168 : memref<8192xf32, #tpu.memory_space<hbm>>) target_semaphore(%run_scoped3A_165 : memref<!tpu.dma_semaphore, #tpu.memory_space<semaphore_mem>>)
          %dma_wait3A = arith.constant 8192 : i32
          %dma_wait3A_169 = tpu.memref_slice %arg21[%dma_wait3A] : memref<16384xf32, #tpu.memory_space<hbm>> -> memref<8192xf32, #tpu.memory_space<hbm>>
          %dma_wait3A_170 = arith.constant 8192 : i32
          %dma_wait3A_171 = tpu.memref_slice %arg21[%dma_wait3A_170] : memref<16384xf32, #tpu.memory_space<hbm>> -> memref<8192xf32, #tpu.memory_space<hbm>>
          tpu.wait_dma2 semaphore(%run_scoped3A_165 : memref<!tpu.dma_semaphore, #tpu.memory_space<semaphore_mem>>) src(%run_scoped3A_159 : memref<8192xf32, #tpu.memory_space<vmem>>) dst(%dma_wait3A_171 : memref<8192xf32, #tpu.memory_space<hbm>>)
          tpu.yield
        }) : () -> ()
        tpu.yield
      }) : () -> ()
    } else {
    }
    %eq3A_88 = arith.constant 18 : i32
    %eq3A_89 = arith.cmpi eq, %add3A, %eq3A_88 : i32
    %convert_element_type3A_90 = arith.extui %eq3A_89 : i1 to i32
    %cond3A_91 = arith.constant 0 : i32
    %cond3A_92 = arith.cmpi ne, %convert_element_type3A_90, %cond3A_91 : i32
    scf.if %cond3A_92 {
      "tpu.region"() ({
        %run_scoped3A = memref.alloca() : memref<256x128xf32, #tpu.memory_space<vmem>>
        %run_scoped3A_158 = memref.alloca() : memref<256x128xf32, #tpu.memory_space<vmem>>
        %run_scoped3A_159 = memref.alloca() : memref<1280xi32, #tpu.memory_space<vmem>>
        "tpu.region"() ({
          %run_scoped3A_268 = tpu.sem_alloc : memref<!tpu.dma_semaphore, #tpu.memory_space<semaphore_mem>>
          %dma_start3A_269 = arith.constant 0 : i32
          %dma_start3A_270 = tpu.memref_slice %arg12[%dma_start3A_269] : memref<16384xi32, #tpu.memory_space<hbm>> -> memref<1280xi32, #tpu.memory_space<hbm>>
          %dma_start3A_271 = arith.constant 0 : i32
          %dma_start3A_272 = tpu.memref_slice %arg12[%dma_start3A_271] : memref<16384xi32, #tpu.memory_space<hbm>> -> memref<1280xi32, #tpu.memory_space<hbm>>
          tpu.enqueue_dma source(%dma_start3A_272 : memref<1280xi32, #tpu.memory_space<hbm>>) target(%run_scoped3A_159 : memref<1280xi32, #tpu.memory_space<vmem>>) target_semaphore(%run_scoped3A_268 : memref<!tpu.dma_semaphore, #tpu.memory_space<semaphore_mem>>)
          %dma_wait3A_273 = arith.constant 0 : i32
          %dma_wait3A_274 = tpu.memref_slice %arg12[%dma_wait3A_273] : memref<16384xi32, #tpu.memory_space<hbm>> -> memref<1280xi32, #tpu.memory_space<hbm>>
          %dma_wait3A_275 = arith.constant 0 : i32
          %dma_wait3A_276 = tpu.memref_slice %arg12[%dma_wait3A_275] : memref<16384xi32, #tpu.memory_space<hbm>> -> memref<1280xi32, #tpu.memory_space<hbm>>
          tpu.wait_dma2 semaphore(%run_scoped3A_268 : memref<!tpu.dma_semaphore, #tpu.memory_space<semaphore_mem>>) src(%dma_wait3A_276 : memref<1280xi32, #tpu.memory_space<hbm>>) dst(%run_scoped3A_159 : memref<1280xi32, #tpu.memory_space<vmem>>)
          tpu.yield
        }) : () -> ()
        %dma_start3A = arith.constant 0 : i32
        %dma_start3A_160 = tpu.memref_slice %run_scoped3A_159[%dma_start3A] : memref<1280xi32, #tpu.memory_space<vmem>> -> memref<256xi32, #tpu.memory_space<vmem>>
        %dma_start3A_161 = arith.constant 0 : i32
        %dma_start3A_162 = arith.constant 0 : i32
        %dma_start3A_163 = tpu.memref_slice %arg11[%dma_start3A_161, %dma_start3A_162] : memref<100000x128xf32, #tpu.memory_space<hbm>> -> memref<100000x128xf32, #tpu.memory_space<hbm>>
        tpu.enqueue_indirect_dma source(%dma_start3A_163 : memref<100000x128xf32, #tpu.memory_space<hbm>>) target(%run_scoped3A : memref<256x128xf32, #tpu.memory_space<vmem>>) offsets(%dma_start3A_160 : memref<256xi32, #tpu.memory_space<vmem>>) semaphore(%arg23 : memref<!tpu.dma_semaphore, #tpu.memory_space<semaphore_mem>>)
        %dma_start3A_164 = arith.constant 256 : i32
        %dma_start3A_165 = tpu.memref_slice %run_scoped3A_159[%dma_start3A_164] : memref<1280xi32, #tpu.memory_space<vmem>> -> memref<256xi32, #tpu.memory_space<vmem>>
        %dma_start3A_166 = arith.constant 0 : i32
        %dma_start3A_167 = arith.constant 0 : i32
        %dma_start3A_168 = tpu.memref_slice %arg11[%dma_start3A_166, %dma_start3A_167] : memref<100000x128xf32, #tpu.memory_space<hbm>> -> memref<100000x128xf32, #tpu.memory_space<hbm>>
        tpu.enqueue_indirect_dma source(%dma_start3A_168 : memref<100000x128xf32, #tpu.memory_space<hbm>>) target(%run_scoped3A_158 : memref<256x128xf32, #tpu.memory_space<vmem>>) offsets(%dma_start3A_165 : memref<256xi32, #tpu.memory_space<vmem>>) semaphore(%arg24 : memref<!tpu.dma_semaphore, #tpu.memory_space<semaphore_mem>>)
        %dma_wait3A = arith.constant 0 : i32
        %dma_wait3A_169 = tpu.memref_slice %run_scoped3A_159[%dma_wait3A] : memref<1280xi32, #tpu.memory_space<vmem>> -> memref<256xi32, #tpu.memory_space<vmem>>
        %dma_wait3A_170 = arith.constant 0 : i32
        %dma_wait3A_171 = arith.constant 0 : i32
        %dma_wait3A_172 = tpu.memref_slice %arg11[%dma_wait3A_170, %dma_wait3A_171] : memref<100000x128xf32, #tpu.memory_space<hbm>> -> memref<100000x128xf32, #tpu.memory_space<hbm>>
        tpu.wait_indirect_dma semaphore(%arg23 : memref<!tpu.dma_semaphore, #tpu.memory_space<semaphore_mem>>) src(%dma_wait3A_172 : memref<100000x128xf32, #tpu.memory_space<hbm>>) dst(%run_scoped3A : memref<256x128xf32, #tpu.memory_space<vmem>>)
        %dma_start3A_173 = arith.constant 0 : i32
        %dma_start3A_174 = arith.constant 0 : i32
        %dma_start3A_175 = tpu.memref_slice %arg22[%dma_start3A_173, %dma_start3A_174] : memref<16384x128xf32, #tpu.memory_space<hbm>> -> memref<256x128xf32, #tpu.memory_space<hbm>>
        %dma_start3A_176 = arith.constant 0 : i32
        %dma_start3A_177 = arith.constant 0 : i32
        %dma_start3A_178 = tpu.memref_slice %arg22[%dma_start3A_176, %dma_start3A_177] : memref<16384x128xf32, #tpu.memory_space<hbm>> -> memref<256x128xf32, #tpu.memory_space<hbm>>
        tpu.enqueue_dma source(%run_scoped3A : memref<256x128xf32, #tpu.memory_space<vmem>>) target(%dma_start3A_178 : memref<256x128xf32, #tpu.memory_space<hbm>>) target_semaphore(%arg25 : memref<!tpu.dma_semaphore, #tpu.memory_space<semaphore_mem>>)
        %dma_wait3A_179 = arith.constant 0 : i32
        %dma_wait3A_180 = arith.constant 0 : i32
        %dma_wait3A_181 = tpu.memref_slice %arg22[%dma_wait3A_179, %dma_wait3A_180] : memref<16384x128xf32, #tpu.memory_space<hbm>> -> memref<256x128xf32, #tpu.memory_space<hbm>>
        %dma_wait3A_182 = arith.constant 0 : i32
        %dma_wait3A_183 = arith.constant 0 : i32
        %dma_wait3A_184 = tpu.memref_slice %arg22[%dma_wait3A_182, %dma_wait3A_183] : memref<16384x128xf32, #tpu.memory_space<hbm>> -> memref<256x128xf32, #tpu.memory_space<hbm>>
        tpu.wait_dma2 semaphore(%arg25 : memref<!tpu.dma_semaphore, #tpu.memory_space<semaphore_mem>>) src(%run_scoped3A : memref<256x128xf32, #tpu.memory_space<vmem>>) dst(%dma_wait3A_184 : memref<256x128xf32, #tpu.memory_space<hbm>>)
        %dma_start3A_185 = arith.constant 512 : i32
        %dma_start3A_186 = tpu.memref_slice %run_scoped3A_159[%dma_start3A_185] : memref<1280xi32, #tpu.memory_space<vmem>> -> memref<256xi32, #tpu.memory_space<vmem>>
        %dma_start3A_187 = arith.constant 0 : i32
        %dma_start3A_188 = arith.constant 0 : i32
        %dma_start3A_189 = tpu.memref_slice %arg11[%dma_start3A_187, %dma_start3A_188] : memref<100000x128xf32, #tpu.memory_space<hbm>> -> memref<100000x128xf32, #tpu.memory_space<hbm>>
        tpu.enqueue_indirect_dma source(%dma_start3A_189 : memref<100000x128xf32, #tpu.memory_space<hbm>>) target(%run_scoped3A : memref<256x128xf32, #tpu.memory_space<vmem>>) offsets(%dma_start3A_186 : memref<256xi32, #tpu.memory_space<vmem>>) semaphore(%arg23 : memref<!tpu.dma_semaphore, #tpu.memory_space<semaphore_mem>>)
        %dma_wait3A_190 = arith.constant 256 : i32
        %dma_wait3A_191 = tpu.memref_slice %run_scoped3A_159[%dma_wait3A_190] : memref<1280xi32, #tpu.memory_space<vmem>> -> memref<256xi32, #tpu.memory_space<vmem>>
        %dma_wait3A_192 = arith.constant 0 : i32
        %dma_wait3A_193 = arith.constant 0 : i32
        %dma_wait3A_194 = tpu.memref_slice %arg11[%dma_wait3A_192, %dma_wait3A_193] : memref<100000x128xf32, #tpu.memory_space<hbm>> -> memref<100000x128xf32, #tpu.memory_space<hbm>>
        tpu.wait_indirect_dma semaphore(%arg24 : memref<!tpu.dma_semaphore, #tpu.memory_space<semaphore_mem>>) src(%dma_wait3A_194 : memref<100000x128xf32, #tpu.memory_space<hbm>>) dst(%run_scoped3A_158 : memref<256x128xf32, #tpu.memory_space<vmem>>)
        %dma_start3A_195 = arith.constant 256 : i32
        %dma_start3A_196 = arith.constant 0 : i32
        %dma_start3A_197 = tpu.memref_slice %arg22[%dma_start3A_195, %dma_start3A_196] : memref<16384x128xf32, #tpu.memory_space<hbm>> -> memref<256x128xf32, #tpu.memory_space<hbm>>
        %dma_start3A_198 = arith.constant 256 : i32
        %dma_start3A_199 = arith.constant 0 : i32
        %dma_start3A_200 = tpu.memref_slice %arg22[%dma_start3A_198, %dma_start3A_199] : memref<16384x128xf32, #tpu.memory_space<hbm>> -> memref<256x128xf32, #tpu.memory_space<hbm>>
        tpu.enqueue_dma source(%run_scoped3A_158 : memref<256x128xf32, #tpu.memory_space<vmem>>) target(%dma_start3A_200 : memref<256x128xf32, #tpu.memory_space<hbm>>) target_semaphore(%arg26 : memref<!tpu.dma_semaphore, #tpu.memory_space<semaphore_mem>>)
        %dma_wait3A_201 = arith.constant 256 : i32
        %dma_wait3A_202 = arith.constant 0 : i32
        %dma_wait3A_203 = tpu.memref_slice %arg22[%dma_wait3A_201, %dma_wait3A_202] : memref<16384x128xf32, #tpu.memory_space<hbm>> -> memref<256x128xf32, #tpu.memory_space<hbm>>
        %dma_wait3A_204 = arith.constant 256 : i32
        %dma_wait3A_205 = arith.constant 0 : i32
        %dma_wait3A_206 = tpu.memref_slice %arg22[%dma_wait3A_204, %dma_wait3A_205] : memref<16384x128xf32, #tpu.memory_space<hbm>> -> memref<256x128xf32, #tpu.memory_space<hbm>>
        tpu.wait_dma2 semaphore(%arg26 : memref<!tpu.dma_semaphore, #tpu.memory_space<semaphore_mem>>) src(%run_scoped3A_158 : memref<256x128xf32, #tpu.memory_space<vmem>>) dst(%dma_wait3A_206 : memref<256x128xf32, #tpu.memory_space<hbm>>)
        %dma_start3A_207 = arith.constant 768 : i32
        %dma_start3A_208 = tpu.memref_slice %run_scoped3A_159[%dma_start3A_207] : memref<1280xi32, #tpu.memory_space<vmem>> -> memref<256xi32, #tpu.memory_space<vmem>>
        %dma_start3A_209 = arith.constant 0 : i32
        %dma_start3A_210 = arith.constant 0 : i32
        %dma_start3A_211 = tpu.memref_slice %arg11[%dma_start3A_209, %dma_start3A_210] : memref<100000x128xf32, #tpu.memory_space<hbm>> -> memref<100000x128xf32, #tpu.memory_space<hbm>>
        tpu.enqueue_indirect_dma source(%dma_start3A_211 : memref<100000x128xf32, #tpu.memory_space<hbm>>) target(%run_scoped3A_158 : memref<256x128xf32, #tpu.memory_space<vmem>>) offsets(%dma_start3A_208 : memref<256xi32, #tpu.memory_space<vmem>>) semaphore(%arg24 : memref<!tpu.dma_semaphore, #tpu.memory_space<semaphore_mem>>)
        %dma_wait3A_212 = arith.constant 512 : i32
        %dma_wait3A_213 = tpu.memref_slice %run_scoped3A_159[%dma_wait3A_212] : memref<1280xi32, #tpu.memory_space<vmem>> -> memref<256xi32, #tpu.memory_space<vmem>>
        %dma_wait3A_214 = arith.constant 0 : i32
        %dma_wait3A_215 = arith.constant 0 : i32
        %dma_wait3A_216 = tpu.memref_slice %arg11[%dma_wait3A_214, %dma_wait3A_215] : memref<100000x128xf32, #tpu.memory_space<hbm>> -> memref<100000x128xf32, #tpu.memory_space<hbm>>
        tpu.wait_indirect_dma semaphore(%arg23 : memref<!tpu.dma_semaphore, #tpu.memory_space<semaphore_mem>>) src(%dma_wait3A_216 : memref<100000x128xf32, #tpu.memory_space<hbm>>) dst(%run_scoped3A : memref<256x128xf32, #tpu.memory_space<vmem>>)
        %dma_start3A_217 = arith.constant 512 : i32
        %dma_start3A_218 = arith.constant 0 : i32
        %dma_start3A_219 = tpu.memref_slice %arg22[%dma_start3A_217, %dma_start3A_218] : memref<16384x128xf32, #tpu.memory_space<hbm>> -> memref<256x128xf32, #tpu.memory_space<hbm>>
        %dma_start3A_220 = arith.constant 512 : i32
        %dma_start3A_221 = arith.constant 0 : i32
        %dma_start3A_222 = tpu.memref_slice %arg22[%dma_start3A_220, %dma_start3A_221] : memref<16384x128xf32, #tpu.memory_space<hbm>> -> memref<256x128xf32, #tpu.memory_space<hbm>>
        tpu.enqueue_dma source(%run_scoped3A : memref<256x128xf32, #tpu.memory_space<vmem>>) target(%dma_start3A_222 : memref<256x128xf32, #tpu.memory_space<hbm>>) target_semaphore(%arg25 : memref<!tpu.dma_semaphore, #tpu.memory_space<semaphore_mem>>)
        %dma_wait3A_223 = arith.constant 512 : i32
        %dma_wait3A_224 = arith.constant 0 : i32
        %dma_wait3A_225 = tpu.memref_slice %arg22[%dma_wait3A_223, %dma_wait3A_224] : memref<16384x128xf32, #tpu.memory_space<hbm>> -> memref<256x128xf32, #tpu.memory_space<hbm>>
        %dma_wait3A_226 = arith.constant 512 : i32
        %dma_wait3A_227 = arith.constant 0 : i32
        %dma_wait3A_228 = tpu.memref_slice %arg22[%dma_wait3A_226, %dma_wait3A_227] : memref<16384x128xf32, #tpu.memory_space<hbm>> -> memref<256x128xf32, #tpu.memory_space<hbm>>
        tpu.wait_dma2 semaphore(%arg25 : memref<!tpu.dma_semaphore, #tpu.memory_space<semaphore_mem>>) src(%run_scoped3A : memref<256x128xf32, #tpu.memory_space<vmem>>) dst(%dma_wait3A_228 : memref<256x128xf32, #tpu.memory_space<hbm>>)
        %dma_start3A_229 = arith.constant 1024 : i32
        %dma_start3A_230 = tpu.memref_slice %run_scoped3A_159[%dma_start3A_229] : memref<1280xi32, #tpu.memory_space<vmem>> -> memref<256xi32, #tpu.memory_space<vmem>>
        %dma_start3A_231 = arith.constant 0 : i32
        %dma_start3A_232 = arith.constant 0 : i32
        %dma_start3A_233 = tpu.memref_slice %arg11[%dma_start3A_231, %dma_start3A_232] : memref<100000x128xf32, #tpu.memory_space<hbm>> -> memref<100000x128xf32, #tpu.memory_space<hbm>>
        tpu.enqueue_indirect_dma source(%dma_start3A_233 : memref<100000x128xf32, #tpu.memory_space<hbm>>) target(%run_scoped3A : memref<256x128xf32, #tpu.memory_space<vmem>>) offsets(%dma_start3A_230 : memref<256xi32, #tpu.memory_space<vmem>>) semaphore(%arg23 : memref<!tpu.dma_semaphore, #tpu.memory_space<semaphore_mem>>)
        %dma_wait3A_234 = arith.constant 768 : i32
        %dma_wait3A_235 = tpu.memref_slice %run_scoped3A_159[%dma_wait3A_234] : memref<1280xi32, #tpu.memory_space<vmem>> -> memref<256xi32, #tpu.memory_space<vmem>>
        %dma_wait3A_236 = arith.constant 0 : i32
        %dma_wait3A_237 = arith.constant 0 : i32
        %dma_wait3A_238 = tpu.memref_slice %arg11[%dma_wait3A_236, %dma_wait3A_237] : memref<100000x128xf32, #tpu.memory_space<hbm>> -> memref<100000x128xf32, #tpu.memory_space<hbm>>
        tpu.wait_indirect_dma semaphore(%arg24 : memref<!tpu.dma_semaphore, #tpu.memory_space<semaphore_mem>>) src(%dma_wait3A_238 : memref<100000x128xf32, #tpu.memory_space<hbm>>) dst(%run_scoped3A_158 : memref<256x128xf32, #tpu.memory_space<vmem>>)
        %dma_start3A_239 = arith.constant 768 : i32
        %dma_start3A_240 = arith.constant 0 : i32
        %dma_start3A_241 = tpu.memref_slice %arg22[%dma_start3A_239, %dma_start3A_240] : memref<16384x128xf32, #tpu.memory_space<hbm>> -> memref<256x128xf32, #tpu.memory_space<hbm>>
        %dma_start3A_242 = arith.constant 768 : i32
        %dma_start3A_243 = arith.constant 0 : i32
        %dma_start3A_244 = tpu.memref_slice %arg22[%dma_start3A_242, %dma_start3A_243] : memref<16384x128xf32, #tpu.memory_space<hbm>> -> memref<256x128xf32, #tpu.memory_space<hbm>>
        tpu.enqueue_dma source(%run_scoped3A_158 : memref<256x128xf32, #tpu.memory_space<vmem>>) target(%dma_start3A_244 : memref<256x128xf32, #tpu.memory_space<hbm>>) target_semaphore(%arg26 : memref<!tpu.dma_semaphore, #tpu.memory_space<semaphore_mem>>)
        %dma_wait3A_245 = arith.constant 1024 : i32
        %dma_wait3A_246 = tpu.memref_slice %run_scoped3A_159[%dma_wait3A_245] : memref<1280xi32, #tpu.memory_space<vmem>> -> memref<256xi32, #tpu.memory_space<vmem>>
        %dma_wait3A_247 = arith.constant 0 : i32
        %dma_wait3A_248 = arith.constant 0 : i32
        %dma_wait3A_249 = tpu.memref_slice %arg11[%dma_wait3A_247, %dma_wait3A_248] : memref<100000x128xf32, #tpu.memory_space<hbm>> -> memref<100000x128xf32, #tpu.memory_space<hbm>>
        tpu.wait_indirect_dma semaphore(%arg23 : memref<!tpu.dma_semaphore, #tpu.memory_space<semaphore_mem>>) src(%dma_wait3A_249 : memref<100000x128xf32, #tpu.memory_space<hbm>>) dst(%run_scoped3A : memref<256x128xf32, #tpu.memory_space<vmem>>)
        %dma_start3A_250 = arith.constant 1024 : i32
        %dma_start3A_251 = arith.constant 0 : i32
        %dma_start3A_252 = tpu.memref_slice %arg22[%dma_start3A_250, %dma_start3A_251] : memref<16384x128xf32, #tpu.memory_space<hbm>> -> memref<256x128xf32, #tpu.memory_space<hbm>>
        %dma_start3A_253 = arith.constant 1024 : i32
        %dma_start3A_254 = arith.constant 0 : i32
        %dma_start3A_255 = tpu.memref_slice %arg22[%dma_start3A_253, %dma_start3A_254] : memref<16384x128xf32, #tpu.memory_space<hbm>> -> memref<256x128xf32, #tpu.memory_space<hbm>>
        tpu.enqueue_dma source(%run_scoped3A : memref<256x128xf32, #tpu.memory_space<vmem>>) target(%dma_start3A_255 : memref<256x128xf32, #tpu.memory_space<hbm>>) target_semaphore(%arg25 : memref<!tpu.dma_semaphore, #tpu.memory_space<semaphore_mem>>)
        %dma_wait3A_256 = arith.constant 768 : i32
        %dma_wait3A_257 = arith.constant 0 : i32
        %dma_wait3A_258 = tpu.memref_slice %arg22[%dma_wait3A_256, %dma_wait3A_257] : memref<16384x128xf32, #tpu.memory_space<hbm>> -> memref<256x128xf32, #tpu.memory_space<hbm>>
        %dma_wait3A_259 = arith.constant 768 : i32
        %dma_wait3A_260 = arith.constant 0 : i32
        %dma_wait3A_261 = tpu.memref_slice %arg22[%dma_wait3A_259, %dma_wait3A_260] : memref<16384x128xf32, #tpu.memory_space<hbm>> -> memref<256x128xf32, #tpu.memory_space<hbm>>
        tpu.wait_dma2 semaphore(%arg26 : memref<!tpu.dma_semaphore, #tpu.memory_space<semaphore_mem>>) src(%run_scoped3A_158 : memref<256x128xf32, #tpu.memory_space<vmem>>) dst(%dma_wait3A_261 : memref<256x128xf32, #tpu.memory_space<hbm>>)
        %dma_wait3A_262 = arith.constant 1024 : i32
        %dma_wait3A_263 = arith.constant 0 : i32
        %dma_wait3A_264 = tpu.memref_slice %arg22[%dma_wait3A_262, %dma_wait3A_263] : memref<16384x128xf32, #tpu.memory_space<hbm>> -> memref<256x128xf32, #tpu.memory_space<hbm>>
        %dma_wait3A_265 = arith.constant 1024 : i32
        %dma_wait3A_266 = arith.constant 0 : i32
        %dma_wait3A_267 = tpu.memref_slice %arg22[%dma_wait3A_265, %dma_wait3A_266] : memref<16384x128xf32, #tpu.memory_space<hbm>> -> memref<256x128xf32, #tpu.memory_space<hbm>>
        tpu.wait_dma2 semaphore(%arg25 : memref<!tpu.dma_semaphore, #tpu.memory_space<semaphore_mem>>) src(%run_scoped3A : memref<256x128xf32, #tpu.memory_space<vmem>>) dst(%dma_wait3A_267 : memref<256x128xf32, #tpu.memory_space<hbm>>)
        tpu.yield
      }) : () -> ()
    } else {
    }
    %eq3A_93 = arith.constant 19 : i32
    %eq3A_94 = arith.cmpi eq, %add3A, %eq3A_93 : i32
    %convert_element_type3A_95 = arith.extui %eq3A_94 : i1 to i32
    %cond3A_96 = arith.constant 0 : i32
    %cond3A_97 = arith.cmpi ne, %convert_element_type3A_95, %cond3A_96 : i32
    scf.if %cond3A_97 {
      "tpu.region"() ({
        %run_scoped3A = memref.alloca() : memref<256x128xf32, #tpu.memory_space<vmem>>
        %run_scoped3A_158 = memref.alloca() : memref<256x128xf32, #tpu.memory_space<vmem>>
        %run_scoped3A_159 = memref.alloca() : memref<1280xi32, #tpu.memory_space<vmem>>
        "tpu.region"() ({
          %run_scoped3A_268 = tpu.sem_alloc : memref<!tpu.dma_semaphore, #tpu.memory_space<semaphore_mem>>
          %dma_start3A_269 = arith.constant 1280 : i32
          %dma_start3A_270 = tpu.memref_slice %arg12[%dma_start3A_269] : memref<16384xi32, #tpu.memory_space<hbm>> -> memref<1280xi32, #tpu.memory_space<hbm>>
          %dma_start3A_271 = arith.constant 1280 : i32
          %dma_start3A_272 = tpu.memref_slice %arg12[%dma_start3A_271] : memref<16384xi32, #tpu.memory_space<hbm>> -> memref<1280xi32, #tpu.memory_space<hbm>>
          tpu.enqueue_dma source(%dma_start3A_272 : memref<1280xi32, #tpu.memory_space<hbm>>) target(%run_scoped3A_159 : memref<1280xi32, #tpu.memory_space<vmem>>) target_semaphore(%run_scoped3A_268 : memref<!tpu.dma_semaphore, #tpu.memory_space<semaphore_mem>>)
          %dma_wait3A_273 = arith.constant 1280 : i32
          %dma_wait3A_274 = tpu.memref_slice %arg12[%dma_wait3A_273] : memref<16384xi32, #tpu.memory_space<hbm>> -> memref<1280xi32, #tpu.memory_space<hbm>>
          %dma_wait3A_275 = arith.constant 1280 : i32
          %dma_wait3A_276 = tpu.memref_slice %arg12[%dma_wait3A_275] : memref<16384xi32, #tpu.memory_space<hbm>> -> memref<1280xi32, #tpu.memory_space<hbm>>
          tpu.wait_dma2 semaphore(%run_scoped3A_268 : memref<!tpu.dma_semaphore, #tpu.memory_space<semaphore_mem>>) src(%dma_wait3A_276 : memref<1280xi32, #tpu.memory_space<hbm>>) dst(%run_scoped3A_159 : memref<1280xi32, #tpu.memory_space<vmem>>)
          tpu.yield
        }) : () -> ()
        %dma_start3A = arith.constant 0 : i32
        %dma_start3A_160 = tpu.memref_slice %run_scoped3A_159[%dma_start3A] : memref<1280xi32, #tpu.memory_space<vmem>> -> memref<256xi32, #tpu.memory_space<vmem>>
        %dma_start3A_161 = arith.constant 0 : i32
        %dma_start3A_162 = arith.constant 0 : i32
        %dma_start3A_163 = tpu.memref_slice %arg11[%dma_start3A_161, %dma_start3A_162] : memref<100000x128xf32, #tpu.memory_space<hbm>> -> memref<100000x128xf32, #tpu.memory_space<hbm>>
        tpu.enqueue_indirect_dma source(%dma_start3A_163 : memref<100000x128xf32, #tpu.memory_space<hbm>>) target(%run_scoped3A : memref<256x128xf32, #tpu.memory_space<vmem>>) offsets(%dma_start3A_160 : memref<256xi32, #tpu.memory_space<vmem>>) semaphore(%arg23 : memref<!tpu.dma_semaphore, #tpu.memory_space<semaphore_mem>>)
        %dma_start3A_164 = arith.constant 256 : i32
        %dma_start3A_165 = tpu.memref_slice %run_scoped3A_159[%dma_start3A_164] : memref<1280xi32, #tpu.memory_space<vmem>> -> memref<256xi32, #tpu.memory_space<vmem>>
        %dma_start3A_166 = arith.constant 0 : i32
        %dma_start3A_167 = arith.constant 0 : i32
        %dma_start3A_168 = tpu.memref_slice %arg11[%dma_start3A_166, %dma_start3A_167] : memref<100000x128xf32, #tpu.memory_space<hbm>> -> memref<100000x128xf32, #tpu.memory_space<hbm>>
        tpu.enqueue_indirect_dma source(%dma_start3A_168 : memref<100000x128xf32, #tpu.memory_space<hbm>>) target(%run_scoped3A_158 : memref<256x128xf32, #tpu.memory_space<vmem>>) offsets(%dma_start3A_165 : memref<256xi32, #tpu.memory_space<vmem>>) semaphore(%arg24 : memref<!tpu.dma_semaphore, #tpu.memory_space<semaphore_mem>>)
        %dma_wait3A = arith.constant 0 : i32
        %dma_wait3A_169 = tpu.memref_slice %run_scoped3A_159[%dma_wait3A] : memref<1280xi32, #tpu.memory_space<vmem>> -> memref<256xi32, #tpu.memory_space<vmem>>
        %dma_wait3A_170 = arith.constant 0 : i32
        %dma_wait3A_171 = arith.constant 0 : i32
        %dma_wait3A_172 = tpu.memref_slice %arg11[%dma_wait3A_170, %dma_wait3A_171] : memref<100000x128xf32, #tpu.memory_space<hbm>> -> memref<100000x128xf32, #tpu.memory_space<hbm>>
        tpu.wait_indirect_dma semaphore(%arg23 : memref<!tpu.dma_semaphore, #tpu.memory_space<semaphore_mem>>) src(%dma_wait3A_172 : memref<100000x128xf32, #tpu.memory_space<hbm>>) dst(%run_scoped3A : memref<256x128xf32, #tpu.memory_space<vmem>>)
        %dma_start3A_173 = arith.constant 1280 : i32
        %dma_start3A_174 = arith.constant 0 : i32
        %dma_start3A_175 = tpu.memref_slice %arg22[%dma_start3A_173, %dma_start3A_174] : memref<16384x128xf32, #tpu.memory_space<hbm>> -> memref<256x128xf32, #tpu.memory_space<hbm>>
        %dma_start3A_176 = arith.constant 1280 : i32
        %dma_start3A_177 = arith.constant 0 : i32
        %dma_start3A_178 = tpu.memref_slice %arg22[%dma_start3A_176, %dma_start3A_177] : memref<16384x128xf32, #tpu.memory_space<hbm>> -> memref<256x128xf32, #tpu.memory_space<hbm>>
        tpu.enqueue_dma source(%run_scoped3A : memref<256x128xf32, #tpu.memory_space<vmem>>) target(%dma_start3A_178 : memref<256x128xf32, #tpu.memory_space<hbm>>) target_semaphore(%arg25 : memref<!tpu.dma_semaphore, #tpu.memory_space<semaphore_mem>>)
        %dma_wait3A_179 = arith.constant 1280 : i32
        %dma_wait3A_180 = arith.constant 0 : i32
        %dma_wait3A_181 = tpu.memref_slice %arg22[%dma_wait3A_179, %dma_wait3A_180] : memref<16384x128xf32, #tpu.memory_space<hbm>> -> memref<256x128xf32, #tpu.memory_space<hbm>>
        %dma_wait3A_182 = arith.constant 1280 : i32
        %dma_wait3A_183 = arith.constant 0 : i32
        %dma_wait3A_184 = tpu.memref_slice %arg22[%dma_wait3A_182, %dma_wait3A_183] : memref<16384x128xf32, #tpu.memory_space<hbm>> -> memref<256x128xf32, #tpu.memory_space<hbm>>
        tpu.wait_dma2 semaphore(%arg25 : memref<!tpu.dma_semaphore, #tpu.memory_space<semaphore_mem>>) src(%run_scoped3A : memref<256x128xf32, #tpu.memory_space<vmem>>) dst(%dma_wait3A_184 : memref<256x128xf32, #tpu.memory_space<hbm>>)
        %dma_start3A_185 = arith.constant 512 : i32
        %dma_start3A_186 = tpu.memref_slice %run_scoped3A_159[%dma_start3A_185] : memref<1280xi32, #tpu.memory_space<vmem>> -> memref<256xi32, #tpu.memory_space<vmem>>
        %dma_start3A_187 = arith.constant 0 : i32
        %dma_start3A_188 = arith.constant 0 : i32
        %dma_start3A_189 = tpu.memref_slice %arg11[%dma_start3A_187, %dma_start3A_188] : memref<100000x128xf32, #tpu.memory_space<hbm>> -> memref<100000x128xf32, #tpu.memory_space<hbm>>
        tpu.enqueue_indirect_dma source(%dma_start3A_189 : memref<100000x128xf32, #tpu.memory_space<hbm>>) target(%run_scoped3A : memref<256x128xf32, #tpu.memory_space<vmem>>) offsets(%dma_start3A_186 : memref<256xi32, #tpu.memory_space<vmem>>) semaphore(%arg23 : memref<!tpu.dma_semaphore, #tpu.memory_space<semaphore_mem>>)
        %dma_wait3A_190 = arith.constant 256 : i32
        %dma_wait3A_191 = tpu.memref_slice %run_scoped3A_159[%dma_wait3A_190] : memref<1280xi32, #tpu.memory_space<vmem>> -> memref<256xi32, #tpu.memory_space<vmem>>
        %dma_wait3A_192 = arith.constant 0 : i32
        %dma_wait3A_193 = arith.constant 0 : i32
        %dma_wait3A_194 = tpu.memref_slice %arg11[%dma_wait3A_192, %dma_wait3A_193] : memref<100000x128xf32, #tpu.memory_space<hbm>> -> memref<100000x128xf32, #tpu.memory_space<hbm>>
        tpu.wait_indirect_dma semaphore(%arg24 : memref<!tpu.dma_semaphore, #tpu.memory_space<semaphore_mem>>) src(%dma_wait3A_194 : memref<100000x128xf32, #tpu.memory_space<hbm>>) dst(%run_scoped3A_158 : memref<256x128xf32, #tpu.memory_space<vmem>>)
        %dma_start3A_195 = arith.constant 1536 : i32
        %dma_start3A_196 = arith.constant 0 : i32
        %dma_start3A_197 = tpu.memref_slice %arg22[%dma_start3A_195, %dma_start3A_196] : memref<16384x128xf32, #tpu.memory_space<hbm>> -> memref<256x128xf32, #tpu.memory_space<hbm>>
        %dma_start3A_198 = arith.constant 1536 : i32
        %dma_start3A_199 = arith.constant 0 : i32
        %dma_start3A_200 = tpu.memref_slice %arg22[%dma_start3A_198, %dma_start3A_199] : memref<16384x128xf32, #tpu.memory_space<hbm>> -> memref<256x128xf32, #tpu.memory_space<hbm>>
        tpu.enqueue_dma source(%run_scoped3A_158 : memref<256x128xf32, #tpu.memory_space<vmem>>) target(%dma_start3A_200 : memref<256x128xf32, #tpu.memory_space<hbm>>) target_semaphore(%arg26 : memref<!tpu.dma_semaphore, #tpu.memory_space<semaphore_mem>>)
        %dma_wait3A_201 = arith.constant 1536 : i32
        %dma_wait3A_202 = arith.constant 0 : i32
        %dma_wait3A_203 = tpu.memref_slice %arg22[%dma_wait3A_201, %dma_wait3A_202] : memref<16384x128xf32, #tpu.memory_space<hbm>> -> memref<256x128xf32, #tpu.memory_space<hbm>>
        %dma_wait3A_204 = arith.constant 1536 : i32
        %dma_wait3A_205 = arith.constant 0 : i32
        %dma_wait3A_206 = tpu.memref_slice %arg22[%dma_wait3A_204, %dma_wait3A_205] : memref<16384x128xf32, #tpu.memory_space<hbm>> -> memref<256x128xf32, #tpu.memory_space<hbm>>
        tpu.wait_dma2 semaphore(%arg26 : memref<!tpu.dma_semaphore, #tpu.memory_space<semaphore_mem>>) src(%run_scoped3A_158 : memref<256x128xf32, #tpu.memory_space<vmem>>) dst(%dma_wait3A_206 : memref<256x128xf32, #tpu.memory_space<hbm>>)
        %dma_start3A_207 = arith.constant 768 : i32
        %dma_start3A_208 = tpu.memref_slice %run_scoped3A_159[%dma_start3A_207] : memref<1280xi32, #tpu.memory_space<vmem>> -> memref<256xi32, #tpu.memory_space<vmem>>
        %dma_start3A_209 = arith.constant 0 : i32
        %dma_start3A_210 = arith.constant 0 : i32
        %dma_start3A_211 = tpu.memref_slice %arg11[%dma_start3A_209, %dma_start3A_210] : memref<100000x128xf32, #tpu.memory_space<hbm>> -> memref<100000x128xf32, #tpu.memory_space<hbm>>
        tpu.enqueue_indirect_dma source(%dma_start3A_211 : memref<100000x128xf32, #tpu.memory_space<hbm>>) target(%run_scoped3A_158 : memref<256x128xf32, #tpu.memory_space<vmem>>) offsets(%dma_start3A_208 : memref<256xi32, #tpu.memory_space<vmem>>) semaphore(%arg24 : memref<!tpu.dma_semaphore, #tpu.memory_space<semaphore_mem>>)
        %dma_wait3A_212 = arith.constant 512 : i32
        %dma_wait3A_213 = tpu.memref_slice %run_scoped3A_159[%dma_wait3A_212] : memref<1280xi32, #tpu.memory_space<vmem>> -> memref<256xi32, #tpu.memory_space<vmem>>
        %dma_wait3A_214 = arith.constant 0 : i32
        %dma_wait3A_215 = arith.constant 0 : i32
        %dma_wait3A_216 = tpu.memref_slice %arg11[%dma_wait3A_214, %dma_wait3A_215] : memref<100000x128xf32, #tpu.memory_space<hbm>> -> memref<100000x128xf32, #tpu.memory_space<hbm>>
        tpu.wait_indirect_dma semaphore(%arg23 : memref<!tpu.dma_semaphore, #tpu.memory_space<semaphore_mem>>) src(%dma_wait3A_216 : memref<100000x128xf32, #tpu.memory_space<hbm>>) dst(%run_scoped3A : memref<256x128xf32, #tpu.memory_space<vmem>>)
        %dma_start3A_217 = arith.constant 1792 : i32
        %dma_start3A_218 = arith.constant 0 : i32
        %dma_start3A_219 = tpu.memref_slice %arg22[%dma_start3A_217, %dma_start3A_218] : memref<16384x128xf32, #tpu.memory_space<hbm>> -> memref<256x128xf32, #tpu.memory_space<hbm>>
        %dma_start3A_220 = arith.constant 1792 : i32
        %dma_start3A_221 = arith.constant 0 : i32
        %dma_start3A_222 = tpu.memref_slice %arg22[%dma_start3A_220, %dma_start3A_221] : memref<16384x128xf32, #tpu.memory_space<hbm>> -> memref<256x128xf32, #tpu.memory_space<hbm>>
        tpu.enqueue_dma source(%run_scoped3A : memref<256x128xf32, #tpu.memory_space<vmem>>) target(%dma_start3A_222 : memref<256x128xf32, #tpu.memory_space<hbm>>) target_semaphore(%arg25 : memref<!tpu.dma_semaphore, #tpu.memory_space<semaphore_mem>>)
        %dma_wait3A_223 = arith.constant 1792 : i32
        %dma_wait3A_224 = arith.constant 0 : i32
        %dma_wait3A_225 = tpu.memref_slice %arg22[%dma_wait3A_223, %dma_wait3A_224] : memref<16384x128xf32, #tpu.memory_space<hbm>> -> memref<256x128xf32, #tpu.memory_space<hbm>>
        %dma_wait3A_226 = arith.constant 1792 : i32
        %dma_wait3A_227 = arith.constant 0 : i32
        %dma_wait3A_228 = tpu.memref_slice %arg22[%dma_wait3A_226, %dma_wait3A_227] : memref<16384x128xf32, #tpu.memory_space<hbm>> -> memref<256x128xf32, #tpu.memory_space<hbm>>
        tpu.wait_dma2 semaphore(%arg25 : memref<!tpu.dma_semaphore, #tpu.memory_space<semaphore_mem>>) src(%run_scoped3A : memref<256x128xf32, #tpu.memory_space<vmem>>) dst(%dma_wait3A_228 : memref<256x128xf32, #tpu.memory_space<hbm>>)
        %dma_start3A_229 = arith.constant 1024 : i32
        %dma_start3A_230 = tpu.memref_slice %run_scoped3A_159[%dma_start3A_229] : memref<1280xi32, #tpu.memory_space<vmem>> -> memref<256xi32, #tpu.memory_space<vmem>>
        %dma_start3A_231 = arith.constant 0 : i32
        %dma_start3A_232 = arith.constant 0 : i32
        %dma_start3A_233 = tpu.memref_slice %arg11[%dma_start3A_231, %dma_start3A_232] : memref<100000x128xf32, #tpu.memory_space<hbm>> -> memref<100000x128xf32, #tpu.memory_space<hbm>>
        tpu.enqueue_indirect_dma source(%dma_start3A_233 : memref<100000x128xf32, #tpu.memory_space<hbm>>) target(%run_scoped3A : memref<256x128xf32, #tpu.memory_space<vmem>>) offsets(%dma_start3A_230 : memref<256xi32, #tpu.memory_space<vmem>>) semaphore(%arg23 : memref<!tpu.dma_semaphore, #tpu.memory_space<semaphore_mem>>)
        %dma_wait3A_234 = arith.constant 768 : i32
        %dma_wait3A_235 = tpu.memref_slice %run_scoped3A_159[%dma_wait3A_234] : memref<1280xi32, #tpu.memory_space<vmem>> -> memref<256xi32, #tpu.memory_space<vmem>>
        %dma_wait3A_236 = arith.constant 0 : i32
        %dma_wait3A_237 = arith.constant 0 : i32
        %dma_wait3A_238 = tpu.memref_slice %arg11[%dma_wait3A_236, %dma_wait3A_237] : memref<100000x128xf32, #tpu.memory_space<hbm>> -> memref<100000x128xf32, #tpu.memory_space<hbm>>
        tpu.wait_indirect_dma semaphore(%arg24 : memref<!tpu.dma_semaphore, #tpu.memory_space<semaphore_mem>>) src(%dma_wait3A_238 : memref<100000x128xf32, #tpu.memory_space<hbm>>) dst(%run_scoped3A_158 : memref<256x128xf32, #tpu.memory_space<vmem>>)
        %dma_start3A_239 = arith.constant 2048 : i32
        %dma_start3A_240 = arith.constant 0 : i32
        %dma_start3A_241 = tpu.memref_slice %arg22[%dma_start3A_239, %dma_start3A_240] : memref<16384x128xf32, #tpu.memory_space<hbm>> -> memref<256x128xf32, #tpu.memory_space<hbm>>
        %dma_start3A_242 = arith.constant 2048 : i32
        %dma_start3A_243 = arith.constant 0 : i32
        %dma_start3A_244 = tpu.memref_slice %arg22[%dma_start3A_242, %dma_start3A_243] : memref<16384x128xf32, #tpu.memory_space<hbm>> -> memref<256x128xf32, #tpu.memory_space<hbm>>
        tpu.enqueue_dma source(%run_scoped3A_158 : memref<256x128xf32, #tpu.memory_space<vmem>>) target(%dma_start3A_244 : memref<256x128xf32, #tpu.memory_space<hbm>>) target_semaphore(%arg26 : memref<!tpu.dma_semaphore, #tpu.memory_space<semaphore_mem>>)
        %dma_wait3A_245 = arith.constant 1024 : i32
        %dma_wait3A_246 = tpu.memref_slice %run_scoped3A_159[%dma_wait3A_245] : memref<1280xi32, #tpu.memory_space<vmem>> -> memref<256xi32, #tpu.memory_space<vmem>>
        %dma_wait3A_247 = arith.constant 0 : i32
        %dma_wait3A_248 = arith.constant 0 : i32
        %dma_wait3A_249 = tpu.memref_slice %arg11[%dma_wait3A_247, %dma_wait3A_248] : memref<100000x128xf32, #tpu.memory_space<hbm>> -> memref<100000x128xf32, #tpu.memory_space<hbm>>
        tpu.wait_indirect_dma semaphore(%arg23 : memref<!tpu.dma_semaphore, #tpu.memory_space<semaphore_mem>>) src(%dma_wait3A_249 : memref<100000x128xf32, #tpu.memory_space<hbm>>) dst(%run_scoped3A : memref<256x128xf32, #tpu.memory_space<vmem>>)
        %dma_start3A_250 = arith.constant 2304 : i32
        %dma_start3A_251 = arith.constant 0 : i32
        %dma_start3A_252 = tpu.memref_slice %arg22[%dma_start3A_250, %dma_start3A_251] : memref<16384x128xf32, #tpu.memory_space<hbm>> -> memref<256x128xf32, #tpu.memory_space<hbm>>
        %dma_start3A_253 = arith.constant 2304 : i32
        %dma_start3A_254 = arith.constant 0 : i32
        %dma_start3A_255 = tpu.memref_slice %arg22[%dma_start3A_253, %dma_start3A_254] : memref<16384x128xf32, #tpu.memory_space<hbm>> -> memref<256x128xf32, #tpu.memory_space<hbm>>
        tpu.enqueue_dma source(%run_scoped3A : memref<256x128xf32, #tpu.memory_space<vmem>>) target(%dma_start3A_255 : memref<256x128xf32, #tpu.memory_space<hbm>>) target_semaphore(%arg25 : memref<!tpu.dma_semaphore, #tpu.memory_space<semaphore_mem>>)
        %dma_wait3A_256 = arith.constant 2048 : i32
        %dma_wait3A_257 = arith.constant 0 : i32
        %dma_wait3A_258 = tpu.memref_slice %arg22[%dma_wait3A_256, %dma_wait3A_257] : memref<16384x128xf32, #tpu.memory_space<hbm>> -> memref<256x128xf32, #tpu.memory_space<hbm>>
        %dma_wait3A_259 = arith.constant 2048 : i32
        %dma_wait3A_260 = arith.constant 0 : i32
        %dma_wait3A_261 = tpu.memref_slice %arg22[%dma_wait3A_259, %dma_wait3A_260] : memref<16384x128xf32, #tpu.memory_space<hbm>> -> memref<256x128xf32, #tpu.memory_space<hbm>>
        tpu.wait_dma2 semaphore(%arg26 : memref<!tpu.dma_semaphore, #tpu.memory_space<semaphore_mem>>) src(%run_scoped3A_158 : memref<256x128xf32, #tpu.memory_space<vmem>>) dst(%dma_wait3A_261 : memref<256x128xf32, #tpu.memory_space<hbm>>)
        %dma_wait3A_262 = arith.constant 2304 : i32
        %dma_wait3A_263 = arith.constant 0 : i32
        %dma_wait3A_264 = tpu.memref_slice %arg22[%dma_wait3A_262, %dma_wait3A_263] : memref<16384x128xf32, #tpu.memory_space<hbm>> -> memref<256x128xf32, #tpu.memory_space<hbm>>
        %dma_wait3A_265 = arith.constant 2304 : i32
        %dma_wait3A_266 = arith.constant 0 : i32
        %dma_wait3A_267 = tpu.memref_slice %arg22[%dma_wait3A_265, %dma_wait3A_266] : memref<16384x128xf32, #tpu.memory_space<hbm>> -> memref<256x128xf32, #tpu.memory_space<hbm>>
        tpu.wait_dma2 semaphore(%arg25 : memref<!tpu.dma_semaphore, #tpu.memory_space<semaphore_mem>>) src(%run_scoped3A : memref<256x128xf32, #tpu.memory_space<vmem>>) dst(%dma_wait3A_267 : memref<256x128xf32, #tpu.memory_space<hbm>>)
        tpu.yield
      }) : () -> ()
    } else {
    }
    %eq3A_98 = arith.constant 20 : i32
    %eq3A_99 = arith.cmpi eq, %add3A, %eq3A_98 : i32
    %convert_element_type3A_100 = arith.extui %eq3A_99 : i1 to i32
    %cond3A_101 = arith.constant 0 : i32
    %cond3A_102 = arith.cmpi ne, %convert_element_type3A_100, %cond3A_101 : i32
    scf.if %cond3A_102 {
      "tpu.region"() ({
        %run_scoped3A = memref.alloca() : memref<256x128xf32, #tpu.memory_space<vmem>>
        %run_scoped3A_158 = memref.alloca() : memref<256x128xf32, #tpu.memory_space<vmem>>
        %run_scoped3A_159 = memref.alloca() : memref<1280xi32, #tpu.memory_space<vmem>>
        "tpu.region"() ({
          %run_scoped3A_268 = tpu.sem_alloc : memref<!tpu.dma_semaphore, #tpu.memory_space<semaphore_mem>>
          %dma_start3A_269 = arith.constant 2560 : i32
          %dma_start3A_270 = tpu.memref_slice %arg12[%dma_start3A_269] : memref<16384xi32, #tpu.memory_space<hbm>> -> memref<1280xi32, #tpu.memory_space<hbm>>
          %dma_start3A_271 = arith.constant 2560 : i32
          %dma_start3A_272 = tpu.memref_slice %arg12[%dma_start3A_271] : memref<16384xi32, #tpu.memory_space<hbm>> -> memref<1280xi32, #tpu.memory_space<hbm>>
          tpu.enqueue_dma source(%dma_start3A_272 : memref<1280xi32, #tpu.memory_space<hbm>>) target(%run_scoped3A_159 : memref<1280xi32, #tpu.memory_space<vmem>>) target_semaphore(%run_scoped3A_268 : memref<!tpu.dma_semaphore, #tpu.memory_space<semaphore_mem>>)
          %dma_wait3A_273 = arith.constant 2560 : i32
          %dma_wait3A_274 = tpu.memref_slice %arg12[%dma_wait3A_273] : memref<16384xi32, #tpu.memory_space<hbm>> -> memref<1280xi32, #tpu.memory_space<hbm>>
          %dma_wait3A_275 = arith.constant 2560 : i32
          %dma_wait3A_276 = tpu.memref_slice %arg12[%dma_wait3A_275] : memref<16384xi32, #tpu.memory_space<hbm>> -> memref<1280xi32, #tpu.memory_space<hbm>>
          tpu.wait_dma2 semaphore(%run_scoped3A_268 : memref<!tpu.dma_semaphore, #tpu.memory_space<semaphore_mem>>) src(%dma_wait3A_276 : memref<1280xi32, #tpu.memory_space<hbm>>) dst(%run_scoped3A_159 : memref<1280xi32, #tpu.memory_space<vmem>>)
          tpu.yield
        }) : () -> ()
        %dma_start3A = arith.constant 0 : i32
        %dma_start3A_160 = tpu.memref_slice %run_scoped3A_159[%dma_start3A] : memref<1280xi32, #tpu.memory_space<vmem>> -> memref<256xi32, #tpu.memory_space<vmem>>
        %dma_start3A_161 = arith.constant 0 : i32
        %dma_start3A_162 = arith.constant 0 : i32
        %dma_start3A_163 = tpu.memref_slice %arg11[%dma_start3A_161, %dma_start3A_162] : memref<100000x128xf32, #tpu.memory_space<hbm>> -> memref<100000x128xf32, #tpu.memory_space<hbm>>
        tpu.enqueue_indirect_dma source(%dma_start3A_163 : memref<100000x128xf32, #tpu.memory_space<hbm>>) target(%run_scoped3A : memref<256x128xf32, #tpu.memory_space<vmem>>) offsets(%dma_start3A_160 : memref<256xi32, #tpu.memory_space<vmem>>) semaphore(%arg23 : memref<!tpu.dma_semaphore, #tpu.memory_space<semaphore_mem>>)
        %dma_start3A_164 = arith.constant 256 : i32
        %dma_start3A_165 = tpu.memref_slice %run_scoped3A_159[%dma_start3A_164] : memref<1280xi32, #tpu.memory_space<vmem>> -> memref<256xi32, #tpu.memory_space<vmem>>
        %dma_start3A_166 = arith.constant 0 : i32
        %dma_start3A_167 = arith.constant 0 : i32
        %dma_start3A_168 = tpu.memref_slice %arg11[%dma_start3A_166, %dma_start3A_167] : memref<100000x128xf32, #tpu.memory_space<hbm>> -> memref<100000x128xf32, #tpu.memory_space<hbm>>
        tpu.enqueue_indirect_dma source(%dma_start3A_168 : memref<100000x128xf32, #tpu.memory_space<hbm>>) target(%run_scoped3A_158 : memref<256x128xf32, #tpu.memory_space<vmem>>) offsets(%dma_start3A_165 : memref<256xi32, #tpu.memory_space<vmem>>) semaphore(%arg24 : memref<!tpu.dma_semaphore, #tpu.memory_space<semaphore_mem>>)
        %dma_wait3A = arith.constant 0 : i32
        %dma_wait3A_169 = tpu.memref_slice %run_scoped3A_159[%dma_wait3A] : memref<1280xi32, #tpu.memory_space<vmem>> -> memref<256xi32, #tpu.memory_space<vmem>>
        %dma_wait3A_170 = arith.constant 0 : i32
        %dma_wait3A_171 = arith.constant 0 : i32
        %dma_wait3A_172 = tpu.memref_slice %arg11[%dma_wait3A_170, %dma_wait3A_171] : memref<100000x128xf32, #tpu.memory_space<hbm>> -> memref<100000x128xf32, #tpu.memory_space<hbm>>
        tpu.wait_indirect_dma semaphore(%arg23 : memref<!tpu.dma_semaphore, #tpu.memory_space<semaphore_mem>>) src(%dma_wait3A_172 : memref<100000x128xf32, #tpu.memory_space<hbm>>) dst(%run_scoped3A : memref<256x128xf32, #tpu.memory_space<vmem>>)
        %dma_start3A_173 = arith.constant 2560 : i32
        %dma_start3A_174 = arith.constant 0 : i32
        %dma_start3A_175 = tpu.memref_slice %arg22[%dma_start3A_173, %dma_start3A_174] : memref<16384x128xf32, #tpu.memory_space<hbm>> -> memref<256x128xf32, #tpu.memory_space<hbm>>
        %dma_start3A_176 = arith.constant 2560 : i32
        %dma_start3A_177 = arith.constant 0 : i32
        %dma_start3A_178 = tpu.memref_slice %arg22[%dma_start3A_176, %dma_start3A_177] : memref<16384x128xf32, #tpu.memory_space<hbm>> -> memref<256x128xf32, #tpu.memory_space<hbm>>
        tpu.enqueue_dma source(%run_scoped3A : memref<256x128xf32, #tpu.memory_space<vmem>>) target(%dma_start3A_178 : memref<256x128xf32, #tpu.memory_space<hbm>>) target_semaphore(%arg25 : memref<!tpu.dma_semaphore, #tpu.memory_space<semaphore_mem>>)
        %dma_wait3A_179 = arith.constant 2560 : i32
        %dma_wait3A_180 = arith.constant 0 : i32
        %dma_wait3A_181 = tpu.memref_slice %arg22[%dma_wait3A_179, %dma_wait3A_180] : memref<16384x128xf32, #tpu.memory_space<hbm>> -> memref<256x128xf32, #tpu.memory_space<hbm>>
        %dma_wait3A_182 = arith.constant 2560 : i32
        %dma_wait3A_183 = arith.constant 0 : i32
        %dma_wait3A_184 = tpu.memref_slice %arg22[%dma_wait3A_182, %dma_wait3A_183] : memref<16384x128xf32, #tpu.memory_space<hbm>> -> memref<256x128xf32, #tpu.memory_space<hbm>>
        tpu.wait_dma2 semaphore(%arg25 : memref<!tpu.dma_semaphore, #tpu.memory_space<semaphore_mem>>) src(%run_scoped3A : memref<256x128xf32, #tpu.memory_space<vmem>>) dst(%dma_wait3A_184 : memref<256x128xf32, #tpu.memory_space<hbm>>)
        %dma_start3A_185 = arith.constant 512 : i32
        %dma_start3A_186 = tpu.memref_slice %run_scoped3A_159[%dma_start3A_185] : memref<1280xi32, #tpu.memory_space<vmem>> -> memref<256xi32, #tpu.memory_space<vmem>>
        %dma_start3A_187 = arith.constant 0 : i32
        %dma_start3A_188 = arith.constant 0 : i32
        %dma_start3A_189 = tpu.memref_slice %arg11[%dma_start3A_187, %dma_start3A_188] : memref<100000x128xf32, #tpu.memory_space<hbm>> -> memref<100000x128xf32, #tpu.memory_space<hbm>>
        tpu.enqueue_indirect_dma source(%dma_start3A_189 : memref<100000x128xf32, #tpu.memory_space<hbm>>) target(%run_scoped3A : memref<256x128xf32, #tpu.memory_space<vmem>>) offsets(%dma_start3A_186 : memref<256xi32, #tpu.memory_space<vmem>>) semaphore(%arg23 : memref<!tpu.dma_semaphore, #tpu.memory_space<semaphore_mem>>)
        %dma_wait3A_190 = arith.constant 256 : i32
        %dma_wait3A_191 = tpu.memref_slice %run_scoped3A_159[%dma_wait3A_190] : memref<1280xi32, #tpu.memory_space<vmem>> -> memref<256xi32, #tpu.memory_space<vmem>>
        %dma_wait3A_192 = arith.constant 0 : i32
        %dma_wait3A_193 = arith.constant 0 : i32
        %dma_wait3A_194 = tpu.memref_slice %arg11[%dma_wait3A_192, %dma_wait3A_193] : memref<100000x128xf32, #tpu.memory_space<hbm>> -> memref<100000x128xf32, #tpu.memory_space<hbm>>
        tpu.wait_indirect_dma semaphore(%arg24 : memref<!tpu.dma_semaphore, #tpu.memory_space<semaphore_mem>>) src(%dma_wait3A_194 : memref<100000x128xf32, #tpu.memory_space<hbm>>) dst(%run_scoped3A_158 : memref<256x128xf32, #tpu.memory_space<vmem>>)
        %dma_start3A_195 = arith.constant 2816 : i32
        %dma_start3A_196 = arith.constant 0 : i32
        %dma_start3A_197 = tpu.memref_slice %arg22[%dma_start3A_195, %dma_start3A_196] : memref<16384x128xf32, #tpu.memory_space<hbm>> -> memref<256x128xf32, #tpu.memory_space<hbm>>
        %dma_start3A_198 = arith.constant 2816 : i32
        %dma_start3A_199 = arith.constant 0 : i32
        %dma_start3A_200 = tpu.memref_slice %arg22[%dma_start3A_198, %dma_start3A_199] : memref<16384x128xf32, #tpu.memory_space<hbm>> -> memref<256x128xf32, #tpu.memory_space<hbm>>
        tpu.enqueue_dma source(%run_scoped3A_158 : memref<256x128xf32, #tpu.memory_space<vmem>>) target(%dma_start3A_200 : memref<256x128xf32, #tpu.memory_space<hbm>>) target_semaphore(%arg26 : memref<!tpu.dma_semaphore, #tpu.memory_space<semaphore_mem>>)
        %dma_wait3A_201 = arith.constant 2816 : i32
        %dma_wait3A_202 = arith.constant 0 : i32
        %dma_wait3A_203 = tpu.memref_slice %arg22[%dma_wait3A_201, %dma_wait3A_202] : memref<16384x128xf32, #tpu.memory_space<hbm>> -> memref<256x128xf32, #tpu.memory_space<hbm>>
        %dma_wait3A_204 = arith.constant 2816 : i32
        %dma_wait3A_205 = arith.constant 0 : i32
        %dma_wait3A_206 = tpu.memref_slice %arg22[%dma_wait3A_204, %dma_wait3A_205] : memref<16384x128xf32, #tpu.memory_space<hbm>> -> memref<256x128xf32, #tpu.memory_space<hbm>>
        tpu.wait_dma2 semaphore(%arg26 : memref<!tpu.dma_semaphore, #tpu.memory_space<semaphore_mem>>) src(%run_scoped3A_158 : memref<256x128xf32, #tpu.memory_space<vmem>>) dst(%dma_wait3A_206 : memref<256x128xf32, #tpu.memory_space<hbm>>)
        %dma_start3A_207 = arith.constant 768 : i32
        %dma_start3A_208 = tpu.memref_slice %run_scoped3A_159[%dma_start3A_207] : memref<1280xi32, #tpu.memory_space<vmem>> -> memref<256xi32, #tpu.memory_space<vmem>>
        %dma_start3A_209 = arith.constant 0 : i32
        %dma_start3A_210 = arith.constant 0 : i32
        %dma_start3A_211 = tpu.memref_slice %arg11[%dma_start3A_209, %dma_start3A_210] : memref<100000x128xf32, #tpu.memory_space<hbm>> -> memref<100000x128xf32, #tpu.memory_space<hbm>>
        tpu.enqueue_indirect_dma source(%dma_start3A_211 : memref<100000x128xf32, #tpu.memory_space<hbm>>) target(%run_scoped3A_158 : memref<256x128xf32, #tpu.memory_space<vmem>>) offsets(%dma_start3A_208 : memref<256xi32, #tpu.memory_space<vmem>>) semaphore(%arg24 : memref<!tpu.dma_semaphore, #tpu.memory_space<semaphore_mem>>)
        %dma_wait3A_212 = arith.constant 512 : i32
        %dma_wait3A_213 = tpu.memref_slice %run_scoped3A_159[%dma_wait3A_212] : memref<1280xi32, #tpu.memory_space<vmem>> -> memref<256xi32, #tpu.memory_space<vmem>>
        %dma_wait3A_214 = arith.constant 0 : i32
        %dma_wait3A_215 = arith.constant 0 : i32
        %dma_wait3A_216 = tpu.memref_slice %arg11[%dma_wait3A_214, %dma_wait3A_215] : memref<100000x128xf32, #tpu.memory_space<hbm>> -> memref<100000x128xf32, #tpu.memory_space<hbm>>
        tpu.wait_indirect_dma semaphore(%arg23 : memref<!tpu.dma_semaphore, #tpu.memory_space<semaphore_mem>>) src(%dma_wait3A_216 : memref<100000x128xf32, #tpu.memory_space<hbm>>) dst(%run_scoped3A : memref<256x128xf32, #tpu.memory_space<vmem>>)
        %dma_start3A_217 = arith.constant 3072 : i32
        %dma_start3A_218 = arith.constant 0 : i32
        %dma_start3A_219 = tpu.memref_slice %arg22[%dma_start3A_217, %dma_start3A_218] : memref<16384x128xf32, #tpu.memory_space<hbm>> -> memref<256x128xf32, #tpu.memory_space<hbm>>
        %dma_start3A_220 = arith.constant 3072 : i32
        %dma_start3A_221 = arith.constant 0 : i32
        %dma_start3A_222 = tpu.memref_slice %arg22[%dma_start3A_220, %dma_start3A_221] : memref<16384x128xf32, #tpu.memory_space<hbm>> -> memref<256x128xf32, #tpu.memory_space<hbm>>
        tpu.enqueue_dma source(%run_scoped3A : memref<256x128xf32, #tpu.memory_space<vmem>>) target(%dma_start3A_222 : memref<256x128xf32, #tpu.memory_space<hbm>>) target_semaphore(%arg25 : memref<!tpu.dma_semaphore, #tpu.memory_space<semaphore_mem>>)
        %dma_wait3A_223 = arith.constant 3072 : i32
        %dma_wait3A_224 = arith.constant 0 : i32
        %dma_wait3A_225 = tpu.memref_slice %arg22[%dma_wait3A_223, %dma_wait3A_224] : memref<16384x128xf32, #tpu.memory_space<hbm>> -> memref<256x128xf32, #tpu.memory_space<hbm>>
        %dma_wait3A_226 = arith.constant 3072 : i32
        %dma_wait3A_227 = arith.constant 0 : i32
        %dma_wait3A_228 = tpu.memref_slice %arg22[%dma_wait3A_226, %dma_wait3A_227] : memref<16384x128xf32, #tpu.memory_space<hbm>> -> memref<256x128xf32, #tpu.memory_space<hbm>>
        tpu.wait_dma2 semaphore(%arg25 : memref<!tpu.dma_semaphore, #tpu.memory_space<semaphore_mem>>) src(%run_scoped3A : memref<256x128xf32, #tpu.memory_space<vmem>>) dst(%dma_wait3A_228 : memref<256x128xf32, #tpu.memory_space<hbm>>)
        %dma_start3A_229 = arith.constant 1024 : i32
        %dma_start3A_230 = tpu.memref_slice %run_scoped3A_159[%dma_start3A_229] : memref<1280xi32, #tpu.memory_space<vmem>> -> memref<256xi32, #tpu.memory_space<vmem>>
        %dma_start3A_231 = arith.constant 0 : i32
        %dma_start3A_232 = arith.constant 0 : i32
        %dma_start3A_233 = tpu.memref_slice %arg11[%dma_start3A_231, %dma_start3A_232] : memref<100000x128xf32, #tpu.memory_space<hbm>> -> memref<100000x128xf32, #tpu.memory_space<hbm>>
        tpu.enqueue_indirect_dma source(%dma_start3A_233 : memref<100000x128xf32, #tpu.memory_space<hbm>>) target(%run_scoped3A : memref<256x128xf32, #tpu.memory_space<vmem>>) offsets(%dma_start3A_230 : memref<256xi32, #tpu.memory_space<vmem>>) semaphore(%arg23 : memref<!tpu.dma_semaphore, #tpu.memory_space<semaphore_mem>>)
        %dma_wait3A_234 = arith.constant 768 : i32
        %dma_wait3A_235 = tpu.memref_slice %run_scoped3A_159[%dma_wait3A_234] : memref<1280xi32, #tpu.memory_space<vmem>> -> memref<256xi32, #tpu.memory_space<vmem>>
        %dma_wait3A_236 = arith.constant 0 : i32
        %dma_wait3A_237 = arith.constant 0 : i32
        %dma_wait3A_238 = tpu.memref_slice %arg11[%dma_wait3A_236, %dma_wait3A_237] : memref<100000x128xf32, #tpu.memory_space<hbm>> -> memref<100000x128xf32, #tpu.memory_space<hbm>>
        tpu.wait_indirect_dma semaphore(%arg24 : memref<!tpu.dma_semaphore, #tpu.memory_space<semaphore_mem>>) src(%dma_wait3A_238 : memref<100000x128xf32, #tpu.memory_space<hbm>>) dst(%run_scoped3A_158 : memref<256x128xf32, #tpu.memory_space<vmem>>)
        %dma_start3A_239 = arith.constant 3328 : i32
        %dma_start3A_240 = arith.constant 0 : i32
        %dma_start3A_241 = tpu.memref_slice %arg22[%dma_start3A_239, %dma_start3A_240] : memref<16384x128xf32, #tpu.memory_space<hbm>> -> memref<256x128xf32, #tpu.memory_space<hbm>>
        %dma_start3A_242 = arith.constant 3328 : i32
        %dma_start3A_243 = arith.constant 0 : i32
        %dma_start3A_244 = tpu.memref_slice %arg22[%dma_start3A_242, %dma_start3A_243] : memref<16384x128xf32, #tpu.memory_space<hbm>> -> memref<256x128xf32, #tpu.memory_space<hbm>>
        tpu.enqueue_dma source(%run_scoped3A_158 : memref<256x128xf32, #tpu.memory_space<vmem>>) target(%dma_start3A_244 : memref<256x128xf32, #tpu.memory_space<hbm>>) target_semaphore(%arg26 : memref<!tpu.dma_semaphore, #tpu.memory_space<semaphore_mem>>)
        %dma_wait3A_245 = arith.constant 1024 : i32
        %dma_wait3A_246 = tpu.memref_slice %run_scoped3A_159[%dma_wait3A_245] : memref<1280xi32, #tpu.memory_space<vmem>> -> memref<256xi32, #tpu.memory_space<vmem>>
        %dma_wait3A_247 = arith.constant 0 : i32
        %dma_wait3A_248 = arith.constant 0 : i32
        %dma_wait3A_249 = tpu.memref_slice %arg11[%dma_wait3A_247, %dma_wait3A_248] : memref<100000x128xf32, #tpu.memory_space<hbm>> -> memref<100000x128xf32, #tpu.memory_space<hbm>>
        tpu.wait_indirect_dma semaphore(%arg23 : memref<!tpu.dma_semaphore, #tpu.memory_space<semaphore_mem>>) src(%dma_wait3A_249 : memref<100000x128xf32, #tpu.memory_space<hbm>>) dst(%run_scoped3A : memref<256x128xf32, #tpu.memory_space<vmem>>)
        %dma_start3A_250 = arith.constant 3584 : i32
        %dma_start3A_251 = arith.constant 0 : i32
        %dma_start3A_252 = tpu.memref_slice %arg22[%dma_start3A_250, %dma_start3A_251] : memref<16384x128xf32, #tpu.memory_space<hbm>> -> memref<256x128xf32, #tpu.memory_space<hbm>>
        %dma_start3A_253 = arith.constant 3584 : i32
        %dma_start3A_254 = arith.constant 0 : i32
        %dma_start3A_255 = tpu.memref_slice %arg22[%dma_start3A_253, %dma_start3A_254] : memref<16384x128xf32, #tpu.memory_space<hbm>> -> memref<256x128xf32, #tpu.memory_space<hbm>>
        tpu.enqueue_dma source(%run_scoped3A : memref<256x128xf32, #tpu.memory_space<vmem>>) target(%dma_start3A_255 : memref<256x128xf32, #tpu.memory_space<hbm>>) target_semaphore(%arg25 : memref<!tpu.dma_semaphore, #tpu.memory_space<semaphore_mem>>)
        %dma_wait3A_256 = arith.constant 3328 : i32
        %dma_wait3A_257 = arith.constant 0 : i32
        %dma_wait3A_258 = tpu.memref_slice %arg22[%dma_wait3A_256, %dma_wait3A_257] : memref<16384x128xf32, #tpu.memory_space<hbm>> -> memref<256x128xf32, #tpu.memory_space<hbm>>
        %dma_wait3A_259 = arith.constant 3328 : i32
        %dma_wait3A_260 = arith.constant 0 : i32
        %dma_wait3A_261 = tpu.memref_slice %arg22[%dma_wait3A_259, %dma_wait3A_260] : memref<16384x128xf32, #tpu.memory_space<hbm>> -> memref<256x128xf32, #tpu.memory_space<hbm>>
        tpu.wait_dma2 semaphore(%arg26 : memref<!tpu.dma_semaphore, #tpu.memory_space<semaphore_mem>>) src(%run_scoped3A_158 : memref<256x128xf32, #tpu.memory_space<vmem>>) dst(%dma_wait3A_261 : memref<256x128xf32, #tpu.memory_space<hbm>>)
        %dma_wait3A_262 = arith.constant 3584 : i32
        %dma_wait3A_263 = arith.constant 0 : i32
        %dma_wait3A_264 = tpu.memref_slice %arg22[%dma_wait3A_262, %dma_wait3A_263] : memref<16384x128xf32, #tpu.memory_space<hbm>> -> memref<256x128xf32, #tpu.memory_space<hbm>>
        %dma_wait3A_265 = arith.constant 3584 : i32
        %dma_wait3A_266 = arith.constant 0 : i32
        %dma_wait3A_267 = tpu.memref_slice %arg22[%dma_wait3A_265, %dma_wait3A_266] : memref<16384x128xf32, #tpu.memory_space<hbm>> -> memref<256x128xf32, #tpu.memory_space<hbm>>
        tpu.wait_dma2 semaphore(%arg25 : memref<!tpu.dma_semaphore, #tpu.memory_space<semaphore_mem>>) src(%run_scoped3A : memref<256x128xf32, #tpu.memory_space<vmem>>) dst(%dma_wait3A_267 : memref<256x128xf32, #tpu.memory_space<hbm>>)
        tpu.yield
      }) : () -> ()
    } else {
    }
    %eq3A_103 = arith.constant 21 : i32
    %eq3A_104 = arith.cmpi eq, %add3A, %eq3A_103 : i32
    %convert_element_type3A_105 = arith.extui %eq3A_104 : i1 to i32
    %cond3A_106 = arith.constant 0 : i32
    %cond3A_107 = arith.cmpi ne, %convert_element_type3A_105, %cond3A_106 : i32
    scf.if %cond3A_107 {
      "tpu.region"() ({
        %run_scoped3A = memref.alloca() : memref<256x128xf32, #tpu.memory_space<vmem>>
        %run_scoped3A_158 = memref.alloca() : memref<256x128xf32, #tpu.memory_space<vmem>>
        %run_scoped3A_159 = memref.alloca() : memref<1280xi32, #tpu.memory_space<vmem>>
        "tpu.region"() ({
          %run_scoped3A_268 = tpu.sem_alloc : memref<!tpu.dma_semaphore, #tpu.memory_space<semaphore_mem>>
          %dma_start3A_269 = arith.constant 3840 : i32
          %dma_start3A_270 = tpu.memref_slice %arg12[%dma_start3A_269] : memref<16384xi32, #tpu.memory_space<hbm>> -> memref<1280xi32, #tpu.memory_space<hbm>>
          %dma_start3A_271 = arith.constant 3840 : i32
          %dma_start3A_272 = tpu.memref_slice %arg12[%dma_start3A_271] : memref<16384xi32, #tpu.memory_space<hbm>> -> memref<1280xi32, #tpu.memory_space<hbm>>
          tpu.enqueue_dma source(%dma_start3A_272 : memref<1280xi32, #tpu.memory_space<hbm>>) target(%run_scoped3A_159 : memref<1280xi32, #tpu.memory_space<vmem>>) target_semaphore(%run_scoped3A_268 : memref<!tpu.dma_semaphore, #tpu.memory_space<semaphore_mem>>)
          %dma_wait3A_273 = arith.constant 3840 : i32
          %dma_wait3A_274 = tpu.memref_slice %arg12[%dma_wait3A_273] : memref<16384xi32, #tpu.memory_space<hbm>> -> memref<1280xi32, #tpu.memory_space<hbm>>
          %dma_wait3A_275 = arith.constant 3840 : i32
          %dma_wait3A_276 = tpu.memref_slice %arg12[%dma_wait3A_275] : memref<16384xi32, #tpu.memory_space<hbm>> -> memref<1280xi32, #tpu.memory_space<hbm>>
          tpu.wait_dma2 semaphore(%run_scoped3A_268 : memref<!tpu.dma_semaphore, #tpu.memory_space<semaphore_mem>>) src(%dma_wait3A_276 : memref<1280xi32, #tpu.memory_space<hbm>>) dst(%run_scoped3A_159 : memref<1280xi32, #tpu.memory_space<vmem>>)
          tpu.yield
        }) : () -> ()
        %dma_start3A = arith.constant 0 : i32
        %dma_start3A_160 = tpu.memref_slice %run_scoped3A_159[%dma_start3A] : memref<1280xi32, #tpu.memory_space<vmem>> -> memref<256xi32, #tpu.memory_space<vmem>>
        %dma_start3A_161 = arith.constant 0 : i32
        %dma_start3A_162 = arith.constant 0 : i32
        %dma_start3A_163 = tpu.memref_slice %arg11[%dma_start3A_161, %dma_start3A_162] : memref<100000x128xf32, #tpu.memory_space<hbm>> -> memref<100000x128xf32, #tpu.memory_space<hbm>>
        tpu.enqueue_indirect_dma source(%dma_start3A_163 : memref<100000x128xf32, #tpu.memory_space<hbm>>) target(%run_scoped3A : memref<256x128xf32, #tpu.memory_space<vmem>>) offsets(%dma_start3A_160 : memref<256xi32, #tpu.memory_space<vmem>>) semaphore(%arg23 : memref<!tpu.dma_semaphore, #tpu.memory_space<semaphore_mem>>)
        %dma_start3A_164 = arith.constant 256 : i32
        %dma_start3A_165 = tpu.memref_slice %run_scoped3A_159[%dma_start3A_164] : memref<1280xi32, #tpu.memory_space<vmem>> -> memref<256xi32, #tpu.memory_space<vmem>>
        %dma_start3A_166 = arith.constant 0 : i32
        %dma_start3A_167 = arith.constant 0 : i32
        %dma_start3A_168 = tpu.memref_slice %arg11[%dma_start3A_166, %dma_start3A_167] : memref<100000x128xf32, #tpu.memory_space<hbm>> -> memref<100000x128xf32, #tpu.memory_space<hbm>>
        tpu.enqueue_indirect_dma source(%dma_start3A_168 : memref<100000x128xf32, #tpu.memory_space<hbm>>) target(%run_scoped3A_158 : memref<256x128xf32, #tpu.memory_space<vmem>>) offsets(%dma_start3A_165 : memref<256xi32, #tpu.memory_space<vmem>>) semaphore(%arg24 : memref<!tpu.dma_semaphore, #tpu.memory_space<semaphore_mem>>)
        %dma_wait3A = arith.constant 0 : i32
        %dma_wait3A_169 = tpu.memref_slice %run_scoped3A_159[%dma_wait3A] : memref<1280xi32, #tpu.memory_space<vmem>> -> memref<256xi32, #tpu.memory_space<vmem>>
        %dma_wait3A_170 = arith.constant 0 : i32
        %dma_wait3A_171 = arith.constant 0 : i32
        %dma_wait3A_172 = tpu.memref_slice %arg11[%dma_wait3A_170, %dma_wait3A_171] : memref<100000x128xf32, #tpu.memory_space<hbm>> -> memref<100000x128xf32, #tpu.memory_space<hbm>>
        tpu.wait_indirect_dma semaphore(%arg23 : memref<!tpu.dma_semaphore, #tpu.memory_space<semaphore_mem>>) src(%dma_wait3A_172 : memref<100000x128xf32, #tpu.memory_space<hbm>>) dst(%run_scoped3A : memref<256x128xf32, #tpu.memory_space<vmem>>)
        %dma_start3A_173 = arith.constant 3840 : i32
        %dma_start3A_174 = arith.constant 0 : i32
        %dma_start3A_175 = tpu.memref_slice %arg22[%dma_start3A_173, %dma_start3A_174] : memref<16384x128xf32, #tpu.memory_space<hbm>> -> memref<256x128xf32, #tpu.memory_space<hbm>>
        %dma_start3A_176 = arith.constant 3840 : i32
        %dma_start3A_177 = arith.constant 0 : i32
        %dma_start3A_178 = tpu.memref_slice %arg22[%dma_start3A_176, %dma_start3A_177] : memref<16384x128xf32, #tpu.memory_space<hbm>> -> memref<256x128xf32, #tpu.memory_space<hbm>>
        tpu.enqueue_dma source(%run_scoped3A : memref<256x128xf32, #tpu.memory_space<vmem>>) target(%dma_start3A_178 : memref<256x128xf32, #tpu.memory_space<hbm>>) target_semaphore(%arg25 : memref<!tpu.dma_semaphore, #tpu.memory_space<semaphore_mem>>)
        %dma_wait3A_179 = arith.constant 3840 : i32
        %dma_wait3A_180 = arith.constant 0 : i32
        %dma_wait3A_181 = tpu.memref_slice %arg22[%dma_wait3A_179, %dma_wait3A_180] : memref<16384x128xf32, #tpu.memory_space<hbm>> -> memref<256x128xf32, #tpu.memory_space<hbm>>
        %dma_wait3A_182 = arith.constant 3840 : i32
        %dma_wait3A_183 = arith.constant 0 : i32
        %dma_wait3A_184 = tpu.memref_slice %arg22[%dma_wait3A_182, %dma_wait3A_183] : memref<16384x128xf32, #tpu.memory_space<hbm>> -> memref<256x128xf32, #tpu.memory_space<hbm>>
        tpu.wait_dma2 semaphore(%arg25 : memref<!tpu.dma_semaphore, #tpu.memory_space<semaphore_mem>>) src(%run_scoped3A : memref<256x128xf32, #tpu.memory_space<vmem>>) dst(%dma_wait3A_184 : memref<256x128xf32, #tpu.memory_space<hbm>>)
        %dma_start3A_185 = arith.constant 512 : i32
        %dma_start3A_186 = tpu.memref_slice %run_scoped3A_159[%dma_start3A_185] : memref<1280xi32, #tpu.memory_space<vmem>> -> memref<256xi32, #tpu.memory_space<vmem>>
        %dma_start3A_187 = arith.constant 0 : i32
        %dma_start3A_188 = arith.constant 0 : i32
        %dma_start3A_189 = tpu.memref_slice %arg11[%dma_start3A_187, %dma_start3A_188] : memref<100000x128xf32, #tpu.memory_space<hbm>> -> memref<100000x128xf32, #tpu.memory_space<hbm>>
        tpu.enqueue_indirect_dma source(%dma_start3A_189 : memref<100000x128xf32, #tpu.memory_space<hbm>>) target(%run_scoped3A : memref<256x128xf32, #tpu.memory_space<vmem>>) offsets(%dma_start3A_186 : memref<256xi32, #tpu.memory_space<vmem>>) semaphore(%arg23 : memref<!tpu.dma_semaphore, #tpu.memory_space<semaphore_mem>>)
        %dma_wait3A_190 = arith.constant 256 : i32
        %dma_wait3A_191 = tpu.memref_slice %run_scoped3A_159[%dma_wait3A_190] : memref<1280xi32, #tpu.memory_space<vmem>> -> memref<256xi32, #tpu.memory_space<vmem>>
        %dma_wait3A_192 = arith.constant 0 : i32
        %dma_wait3A_193 = arith.constant 0 : i32
        %dma_wait3A_194 = tpu.memref_slice %arg11[%dma_wait3A_192, %dma_wait3A_193] : memref<100000x128xf32, #tpu.memory_space<hbm>> -> memref<100000x128xf32, #tpu.memory_space<hbm>>
        tpu.wait_indirect_dma semaphore(%arg24 : memref<!tpu.dma_semaphore, #tpu.memory_space<semaphore_mem>>) src(%dma_wait3A_194 : memref<100000x128xf32, #tpu.memory_space<hbm>>) dst(%run_scoped3A_158 : memref<256x128xf32, #tpu.memory_space<vmem>>)
        %dma_start3A_195 = arith.constant 4096 : i32
        %dma_start3A_196 = arith.constant 0 : i32
        %dma_start3A_197 = tpu.memref_slice %arg22[%dma_start3A_195, %dma_start3A_196] : memref<16384x128xf32, #tpu.memory_space<hbm>> -> memref<256x128xf32, #tpu.memory_space<hbm>>
        %dma_start3A_198 = arith.constant 4096 : i32
        %dma_start3A_199 = arith.constant 0 : i32
        %dma_start3A_200 = tpu.memref_slice %arg22[%dma_start3A_198, %dma_start3A_199] : memref<16384x128xf32, #tpu.memory_space<hbm>> -> memref<256x128xf32, #tpu.memory_space<hbm>>
        tpu.enqueue_dma source(%run_scoped3A_158 : memref<256x128xf32, #tpu.memory_space<vmem>>) target(%dma_start3A_200 : memref<256x128xf32, #tpu.memory_space<hbm>>) target_semaphore(%arg26 : memref<!tpu.dma_semaphore, #tpu.memory_space<semaphore_mem>>)
        %dma_wait3A_201 = arith.constant 4096 : i32
        %dma_wait3A_202 = arith.constant 0 : i32
        %dma_wait3A_203 = tpu.memref_slice %arg22[%dma_wait3A_201, %dma_wait3A_202] : memref<16384x128xf32, #tpu.memory_space<hbm>> -> memref<256x128xf32, #tpu.memory_space<hbm>>
        %dma_wait3A_204 = arith.constant 4096 : i32
        %dma_wait3A_205 = arith.constant 0 : i32
        %dma_wait3A_206 = tpu.memref_slice %arg22[%dma_wait3A_204, %dma_wait3A_205] : memref<16384x128xf32, #tpu.memory_space<hbm>> -> memref<256x128xf32, #tpu.memory_space<hbm>>
        tpu.wait_dma2 semaphore(%arg26 : memref<!tpu.dma_semaphore, #tpu.memory_space<semaphore_mem>>) src(%run_scoped3A_158 : memref<256x128xf32, #tpu.memory_space<vmem>>) dst(%dma_wait3A_206 : memref<256x128xf32, #tpu.memory_space<hbm>>)
        %dma_start3A_207 = arith.constant 768 : i32
        %dma_start3A_208 = tpu.memref_slice %run_scoped3A_159[%dma_start3A_207] : memref<1280xi32, #tpu.memory_space<vmem>> -> memref<256xi32, #tpu.memory_space<vmem>>
        %dma_start3A_209 = arith.constant 0 : i32
        %dma_start3A_210 = arith.constant 0 : i32
        %dma_start3A_211 = tpu.memref_slice %arg11[%dma_start3A_209, %dma_start3A_210] : memref<100000x128xf32, #tpu.memory_space<hbm>> -> memref<100000x128xf32, #tpu.memory_space<hbm>>
        tpu.enqueue_indirect_dma source(%dma_start3A_211 : memref<100000x128xf32, #tpu.memory_space<hbm>>) target(%run_scoped3A_158 : memref<256x128xf32, #tpu.memory_space<vmem>>) offsets(%dma_start3A_208 : memref<256xi32, #tpu.memory_space<vmem>>) semaphore(%arg24 : memref<!tpu.dma_semaphore, #tpu.memory_space<semaphore_mem>>)
        %dma_wait3A_212 = arith.constant 512 : i32
        %dma_wait3A_213 = tpu.memref_slice %run_scoped3A_159[%dma_wait3A_212] : memref<1280xi32, #tpu.memory_space<vmem>> -> memref<256xi32, #tpu.memory_space<vmem>>
        %dma_wait3A_214 = arith.constant 0 : i32
        %dma_wait3A_215 = arith.constant 0 : i32
        %dma_wait3A_216 = tpu.memref_slice %arg11[%dma_wait3A_214, %dma_wait3A_215] : memref<100000x128xf32, #tpu.memory_space<hbm>> -> memref<100000x128xf32, #tpu.memory_space<hbm>>
        tpu.wait_indirect_dma semaphore(%arg23 : memref<!tpu.dma_semaphore, #tpu.memory_space<semaphore_mem>>) src(%dma_wait3A_216 : memref<100000x128xf32, #tpu.memory_space<hbm>>) dst(%run_scoped3A : memref<256x128xf32, #tpu.memory_space<vmem>>)
        %dma_start3A_217 = arith.constant 4352 : i32
        %dma_start3A_218 = arith.constant 0 : i32
        %dma_start3A_219 = tpu.memref_slice %arg22[%dma_start3A_217, %dma_start3A_218] : memref<16384x128xf32, #tpu.memory_space<hbm>> -> memref<256x128xf32, #tpu.memory_space<hbm>>
        %dma_start3A_220 = arith.constant 4352 : i32
        %dma_start3A_221 = arith.constant 0 : i32
        %dma_start3A_222 = tpu.memref_slice %arg22[%dma_start3A_220, %dma_start3A_221] : memref<16384x128xf32, #tpu.memory_space<hbm>> -> memref<256x128xf32, #tpu.memory_space<hbm>>
        tpu.enqueue_dma source(%run_scoped3A : memref<256x128xf32, #tpu.memory_space<vmem>>) target(%dma_start3A_222 : memref<256x128xf32, #tpu.memory_space<hbm>>) target_semaphore(%arg25 : memref<!tpu.dma_semaphore, #tpu.memory_space<semaphore_mem>>)
        %dma_wait3A_223 = arith.constant 4352 : i32
        %dma_wait3A_224 = arith.constant 0 : i32
        %dma_wait3A_225 = tpu.memref_slice %arg22[%dma_wait3A_223, %dma_wait3A_224] : memref<16384x128xf32, #tpu.memory_space<hbm>> -> memref<256x128xf32, #tpu.memory_space<hbm>>
        %dma_wait3A_226 = arith.constant 4352 : i32
        %dma_wait3A_227 = arith.constant 0 : i32
        %dma_wait3A_228 = tpu.memref_slice %arg22[%dma_wait3A_226, %dma_wait3A_227] : memref<16384x128xf32, #tpu.memory_space<hbm>> -> memref<256x128xf32, #tpu.memory_space<hbm>>
        tpu.wait_dma2 semaphore(%arg25 : memref<!tpu.dma_semaphore, #tpu.memory_space<semaphore_mem>>) src(%run_scoped3A : memref<256x128xf32, #tpu.memory_space<vmem>>) dst(%dma_wait3A_228 : memref<256x128xf32, #tpu.memory_space<hbm>>)
        %dma_start3A_229 = arith.constant 1024 : i32
        %dma_start3A_230 = tpu.memref_slice %run_scoped3A_159[%dma_start3A_229] : memref<1280xi32, #tpu.memory_space<vmem>> -> memref<256xi32, #tpu.memory_space<vmem>>
        %dma_start3A_231 = arith.constant 0 : i32
        %dma_start3A_232 = arith.constant 0 : i32
        %dma_start3A_233 = tpu.memref_slice %arg11[%dma_start3A_231, %dma_start3A_232] : memref<100000x128xf32, #tpu.memory_space<hbm>> -> memref<100000x128xf32, #tpu.memory_space<hbm>>
        tpu.enqueue_indirect_dma source(%dma_start3A_233 : memref<100000x128xf32, #tpu.memory_space<hbm>>) target(%run_scoped3A : memref<256x128xf32, #tpu.memory_space<vmem>>) offsets(%dma_start3A_230 : memref<256xi32, #tpu.memory_space<vmem>>) semaphore(%arg23 : memref<!tpu.dma_semaphore, #tpu.memory_space<semaphore_mem>>)
        %dma_wait3A_234 = arith.constant 768 : i32
        %dma_wait3A_235 = tpu.memref_slice %run_scoped3A_159[%dma_wait3A_234] : memref<1280xi32, #tpu.memory_space<vmem>> -> memref<256xi32, #tpu.memory_space<vmem>>
        %dma_wait3A_236 = arith.constant 0 : i32
        %dma_wait3A_237 = arith.constant 0 : i32
        %dma_wait3A_238 = tpu.memref_slice %arg11[%dma_wait3A_236, %dma_wait3A_237] : memref<100000x128xf32, #tpu.memory_space<hbm>> -> memref<100000x128xf32, #tpu.memory_space<hbm>>
        tpu.wait_indirect_dma semaphore(%arg24 : memref<!tpu.dma_semaphore, #tpu.memory_space<semaphore_mem>>) src(%dma_wait3A_238 : memref<100000x128xf32, #tpu.memory_space<hbm>>) dst(%run_scoped3A_158 : memref<256x128xf32, #tpu.memory_space<vmem>>)
        %dma_start3A_239 = arith.constant 4608 : i32
        %dma_start3A_240 = arith.constant 0 : i32
        %dma_start3A_241 = tpu.memref_slice %arg22[%dma_start3A_239, %dma_start3A_240] : memref<16384x128xf32, #tpu.memory_space<hbm>> -> memref<256x128xf32, #tpu.memory_space<hbm>>
        %dma_start3A_242 = arith.constant 4608 : i32
        %dma_start3A_243 = arith.constant 0 : i32
        %dma_start3A_244 = tpu.memref_slice %arg22[%dma_start3A_242, %dma_start3A_243] : memref<16384x128xf32, #tpu.memory_space<hbm>> -> memref<256x128xf32, #tpu.memory_space<hbm>>
        tpu.enqueue_dma source(%run_scoped3A_158 : memref<256x128xf32, #tpu.memory_space<vmem>>) target(%dma_start3A_244 : memref<256x128xf32, #tpu.memory_space<hbm>>) target_semaphore(%arg26 : memref<!tpu.dma_semaphore, #tpu.memory_space<semaphore_mem>>)
        %dma_wait3A_245 = arith.constant 1024 : i32
        %dma_wait3A_246 = tpu.memref_slice %run_scoped3A_159[%dma_wait3A_245] : memref<1280xi32, #tpu.memory_space<vmem>> -> memref<256xi32, #tpu.memory_space<vmem>>
        %dma_wait3A_247 = arith.constant 0 : i32
        %dma_wait3A_248 = arith.constant 0 : i32
        %dma_wait3A_249 = tpu.memref_slice %arg11[%dma_wait3A_247, %dma_wait3A_248] : memref<100000x128xf32, #tpu.memory_space<hbm>> -> memref<100000x128xf32, #tpu.memory_space<hbm>>
        tpu.wait_indirect_dma semaphore(%arg23 : memref<!tpu.dma_semaphore, #tpu.memory_space<semaphore_mem>>) src(%dma_wait3A_249 : memref<100000x128xf32, #tpu.memory_space<hbm>>) dst(%run_scoped3A : memref<256x128xf32, #tpu.memory_space<vmem>>)
        %dma_start3A_250 = arith.constant 4864 : i32
        %dma_start3A_251 = arith.constant 0 : i32
        %dma_start3A_252 = tpu.memref_slice %arg22[%dma_start3A_250, %dma_start3A_251] : memref<16384x128xf32, #tpu.memory_space<hbm>> -> memref<256x128xf32, #tpu.memory_space<hbm>>
        %dma_start3A_253 = arith.constant 4864 : i32
        %dma_start3A_254 = arith.constant 0 : i32
        %dma_start3A_255 = tpu.memref_slice %arg22[%dma_start3A_253, %dma_start3A_254] : memref<16384x128xf32, #tpu.memory_space<hbm>> -> memref<256x128xf32, #tpu.memory_space<hbm>>
        tpu.enqueue_dma source(%run_scoped3A : memref<256x128xf32, #tpu.memory_space<vmem>>) target(%dma_start3A_255 : memref<256x128xf32, #tpu.memory_space<hbm>>) target_semaphore(%arg25 : memref<!tpu.dma_semaphore, #tpu.memory_space<semaphore_mem>>)
        %dma_wait3A_256 = arith.constant 4608 : i32
        %dma_wait3A_257 = arith.constant 0 : i32
        %dma_wait3A_258 = tpu.memref_slice %arg22[%dma_wait3A_256, %dma_wait3A_257] : memref<16384x128xf32, #tpu.memory_space<hbm>> -> memref<256x128xf32, #tpu.memory_space<hbm>>
        %dma_wait3A_259 = arith.constant 4608 : i32
        %dma_wait3A_260 = arith.constant 0 : i32
        %dma_wait3A_261 = tpu.memref_slice %arg22[%dma_wait3A_259, %dma_wait3A_260] : memref<16384x128xf32, #tpu.memory_space<hbm>> -> memref<256x128xf32, #tpu.memory_space<hbm>>
        tpu.wait_dma2 semaphore(%arg26 : memref<!tpu.dma_semaphore, #tpu.memory_space<semaphore_mem>>) src(%run_scoped3A_158 : memref<256x128xf32, #tpu.memory_space<vmem>>) dst(%dma_wait3A_261 : memref<256x128xf32, #tpu.memory_space<hbm>>)
        %dma_wait3A_262 = arith.constant 4864 : i32
        %dma_wait3A_263 = arith.constant 0 : i32
        %dma_wait3A_264 = tpu.memref_slice %arg22[%dma_wait3A_262, %dma_wait3A_263] : memref<16384x128xf32, #tpu.memory_space<hbm>> -> memref<256x128xf32, #tpu.memory_space<hbm>>
        %dma_wait3A_265 = arith.constant 4864 : i32
        %dma_wait3A_266 = arith.constant 0 : i32
        %dma_wait3A_267 = tpu.memref_slice %arg22[%dma_wait3A_265, %dma_wait3A_266] : memref<16384x128xf32, #tpu.memory_space<hbm>> -> memref<256x128xf32, #tpu.memory_space<hbm>>
        tpu.wait_dma2 semaphore(%arg25 : memref<!tpu.dma_semaphore, #tpu.memory_space<semaphore_mem>>) src(%run_scoped3A : memref<256x128xf32, #tpu.memory_space<vmem>>) dst(%dma_wait3A_267 : memref<256x128xf32, #tpu.memory_space<hbm>>)
        tpu.yield
      }) : () -> ()
    } else {
    }
    %eq3A_108 = arith.constant 22 : i32
    %eq3A_109 = arith.cmpi eq, %add3A, %eq3A_108 : i32
    %convert_element_type3A_110 = arith.extui %eq3A_109 : i1 to i32
    %cond3A_111 = arith.constant 0 : i32
    %cond3A_112 = arith.cmpi ne, %convert_element_type3A_110, %cond3A_111 : i32
    scf.if %cond3A_112 {
      "tpu.region"() ({
        %run_scoped3A = memref.alloca() : memref<256x128xf32, #tpu.memory_space<vmem>>
        %run_scoped3A_158 = memref.alloca() : memref<256x128xf32, #tpu.memory_space<vmem>>
        %run_scoped3A_159 = memref.alloca() : memref<1280xi32, #tpu.memory_space<vmem>>
        "tpu.region"() ({
          %run_scoped3A_268 = tpu.sem_alloc : memref<!tpu.dma_semaphore, #tpu.memory_space<semaphore_mem>>
          %dma_start3A_269 = arith.constant 5120 : i32
          %dma_start3A_270 = tpu.memref_slice %arg12[%dma_start3A_269] : memref<16384xi32, #tpu.memory_space<hbm>> -> memref<1280xi32, #tpu.memory_space<hbm>>
          %dma_start3A_271 = arith.constant 5120 : i32
          %dma_start3A_272 = tpu.memref_slice %arg12[%dma_start3A_271] : memref<16384xi32, #tpu.memory_space<hbm>> -> memref<1280xi32, #tpu.memory_space<hbm>>
          tpu.enqueue_dma source(%dma_start3A_272 : memref<1280xi32, #tpu.memory_space<hbm>>) target(%run_scoped3A_159 : memref<1280xi32, #tpu.memory_space<vmem>>) target_semaphore(%run_scoped3A_268 : memref<!tpu.dma_semaphore, #tpu.memory_space<semaphore_mem>>)
          %dma_wait3A_273 = arith.constant 5120 : i32
          %dma_wait3A_274 = tpu.memref_slice %arg12[%dma_wait3A_273] : memref<16384xi32, #tpu.memory_space<hbm>> -> memref<1280xi32, #tpu.memory_space<hbm>>
          %dma_wait3A_275 = arith.constant 5120 : i32
          %dma_wait3A_276 = tpu.memref_slice %arg12[%dma_wait3A_275] : memref<16384xi32, #tpu.memory_space<hbm>> -> memref<1280xi32, #tpu.memory_space<hbm>>
          tpu.wait_dma2 semaphore(%run_scoped3A_268 : memref<!tpu.dma_semaphore, #tpu.memory_space<semaphore_mem>>) src(%dma_wait3A_276 : memref<1280xi32, #tpu.memory_space<hbm>>) dst(%run_scoped3A_159 : memref<1280xi32, #tpu.memory_space<vmem>>)
          tpu.yield
        }) : () -> ()
        %dma_start3A = arith.constant 0 : i32
        %dma_start3A_160 = tpu.memref_slice %run_scoped3A_159[%dma_start3A] : memref<1280xi32, #tpu.memory_space<vmem>> -> memref<256xi32, #tpu.memory_space<vmem>>
        %dma_start3A_161 = arith.constant 0 : i32
        %dma_start3A_162 = arith.constant 0 : i32
        %dma_start3A_163 = tpu.memref_slice %arg11[%dma_start3A_161, %dma_start3A_162] : memref<100000x128xf32, #tpu.memory_space<hbm>> -> memref<100000x128xf32, #tpu.memory_space<hbm>>
        tpu.enqueue_indirect_dma source(%dma_start3A_163 : memref<100000x128xf32, #tpu.memory_space<hbm>>) target(%run_scoped3A : memref<256x128xf32, #tpu.memory_space<vmem>>) offsets(%dma_start3A_160 : memref<256xi32, #tpu.memory_space<vmem>>) semaphore(%arg23 : memref<!tpu.dma_semaphore, #tpu.memory_space<semaphore_mem>>)
        %dma_start3A_164 = arith.constant 256 : i32
        %dma_start3A_165 = tpu.memref_slice %run_scoped3A_159[%dma_start3A_164] : memref<1280xi32, #tpu.memory_space<vmem>> -> memref<256xi32, #tpu.memory_space<vmem>>
        %dma_start3A_166 = arith.constant 0 : i32
        %dma_start3A_167 = arith.constant 0 : i32
        %dma_start3A_168 = tpu.memref_slice %arg11[%dma_start3A_166, %dma_start3A_167] : memref<100000x128xf32, #tpu.memory_space<hbm>> -> memref<100000x128xf32, #tpu.memory_space<hbm>>
        tpu.enqueue_indirect_dma source(%dma_start3A_168 : memref<100000x128xf32, #tpu.memory_space<hbm>>) target(%run_scoped3A_158 : memref<256x128xf32, #tpu.memory_space<vmem>>) offsets(%dma_start3A_165 : memref<256xi32, #tpu.memory_space<vmem>>) semaphore(%arg24 : memref<!tpu.dma_semaphore, #tpu.memory_space<semaphore_mem>>)
        %dma_wait3A = arith.constant 0 : i32
        %dma_wait3A_169 = tpu.memref_slice %run_scoped3A_159[%dma_wait3A] : memref<1280xi32, #tpu.memory_space<vmem>> -> memref<256xi32, #tpu.memory_space<vmem>>
        %dma_wait3A_170 = arith.constant 0 : i32
        %dma_wait3A_171 = arith.constant 0 : i32
        %dma_wait3A_172 = tpu.memref_slice %arg11[%dma_wait3A_170, %dma_wait3A_171] : memref<100000x128xf32, #tpu.memory_space<hbm>> -> memref<100000x128xf32, #tpu.memory_space<hbm>>
        tpu.wait_indirect_dma semaphore(%arg23 : memref<!tpu.dma_semaphore, #tpu.memory_space<semaphore_mem>>) src(%dma_wait3A_172 : memref<100000x128xf32, #tpu.memory_space<hbm>>) dst(%run_scoped3A : memref<256x128xf32, #tpu.memory_space<vmem>>)
        %dma_start3A_173 = arith.constant 5120 : i32
        %dma_start3A_174 = arith.constant 0 : i32
        %dma_start3A_175 = tpu.memref_slice %arg22[%dma_start3A_173, %dma_start3A_174] : memref<16384x128xf32, #tpu.memory_space<hbm>> -> memref<256x128xf32, #tpu.memory_space<hbm>>
        %dma_start3A_176 = arith.constant 5120 : i32
        %dma_start3A_177 = arith.constant 0 : i32
        %dma_start3A_178 = tpu.memref_slice %arg22[%dma_start3A_176, %dma_start3A_177] : memref<16384x128xf32, #tpu.memory_space<hbm>> -> memref<256x128xf32, #tpu.memory_space<hbm>>
        tpu.enqueue_dma source(%run_scoped3A : memref<256x128xf32, #tpu.memory_space<vmem>>) target(%dma_start3A_178 : memref<256x128xf32, #tpu.memory_space<hbm>>) target_semaphore(%arg25 : memref<!tpu.dma_semaphore, #tpu.memory_space<semaphore_mem>>)
        %dma_wait3A_179 = arith.constant 5120 : i32
        %dma_wait3A_180 = arith.constant 0 : i32
        %dma_wait3A_181 = tpu.memref_slice %arg22[%dma_wait3A_179, %dma_wait3A_180] : memref<16384x128xf32, #tpu.memory_space<hbm>> -> memref<256x128xf32, #tpu.memory_space<hbm>>
        %dma_wait3A_182 = arith.constant 5120 : i32
        %dma_wait3A_183 = arith.constant 0 : i32
        %dma_wait3A_184 = tpu.memref_slice %arg22[%dma_wait3A_182, %dma_wait3A_183] : memref<16384x128xf32, #tpu.memory_space<hbm>> -> memref<256x128xf32, #tpu.memory_space<hbm>>
        tpu.wait_dma2 semaphore(%arg25 : memref<!tpu.dma_semaphore, #tpu.memory_space<semaphore_mem>>) src(%run_scoped3A : memref<256x128xf32, #tpu.memory_space<vmem>>) dst(%dma_wait3A_184 : memref<256x128xf32, #tpu.memory_space<hbm>>)
        %dma_start3A_185 = arith.constant 512 : i32
        %dma_start3A_186 = tpu.memref_slice %run_scoped3A_159[%dma_start3A_185] : memref<1280xi32, #tpu.memory_space<vmem>> -> memref<256xi32, #tpu.memory_space<vmem>>
        %dma_start3A_187 = arith.constant 0 : i32
        %dma_start3A_188 = arith.constant 0 : i32
        %dma_start3A_189 = tpu.memref_slice %arg11[%dma_start3A_187, %dma_start3A_188] : memref<100000x128xf32, #tpu.memory_space<hbm>> -> memref<100000x128xf32, #tpu.memory_space<hbm>>
        tpu.enqueue_indirect_dma source(%dma_start3A_189 : memref<100000x128xf32, #tpu.memory_space<hbm>>) target(%run_scoped3A : memref<256x128xf32, #tpu.memory_space<vmem>>) offsets(%dma_start3A_186 : memref<256xi32, #tpu.memory_space<vmem>>) semaphore(%arg23 : memref<!tpu.dma_semaphore, #tpu.memory_space<semaphore_mem>>)
        %dma_wait3A_190 = arith.constant 256 : i32
        %dma_wait3A_191 = tpu.memref_slice %run_scoped3A_159[%dma_wait3A_190] : memref<1280xi32, #tpu.memory_space<vmem>> -> memref<256xi32, #tpu.memory_space<vmem>>
        %dma_wait3A_192 = arith.constant 0 : i32
        %dma_wait3A_193 = arith.constant 0 : i32
        %dma_wait3A_194 = tpu.memref_slice %arg11[%dma_wait3A_192, %dma_wait3A_193] : memref<100000x128xf32, #tpu.memory_space<hbm>> -> memref<100000x128xf32, #tpu.memory_space<hbm>>
        tpu.wait_indirect_dma semaphore(%arg24 : memref<!tpu.dma_semaphore, #tpu.memory_space<semaphore_mem>>) src(%dma_wait3A_194 : memref<100000x128xf32, #tpu.memory_space<hbm>>) dst(%run_scoped3A_158 : memref<256x128xf32, #tpu.memory_space<vmem>>)
        %dma_start3A_195 = arith.constant 5376 : i32
        %dma_start3A_196 = arith.constant 0 : i32
        %dma_start3A_197 = tpu.memref_slice %arg22[%dma_start3A_195, %dma_start3A_196] : memref<16384x128xf32, #tpu.memory_space<hbm>> -> memref<256x128xf32, #tpu.memory_space<hbm>>
        %dma_start3A_198 = arith.constant 5376 : i32
        %dma_start3A_199 = arith.constant 0 : i32
        %dma_start3A_200 = tpu.memref_slice %arg22[%dma_start3A_198, %dma_start3A_199] : memref<16384x128xf32, #tpu.memory_space<hbm>> -> memref<256x128xf32, #tpu.memory_space<hbm>>
        tpu.enqueue_dma source(%run_scoped3A_158 : memref<256x128xf32, #tpu.memory_space<vmem>>) target(%dma_start3A_200 : memref<256x128xf32, #tpu.memory_space<hbm>>) target_semaphore(%arg26 : memref<!tpu.dma_semaphore, #tpu.memory_space<semaphore_mem>>)
        %dma_wait3A_201 = arith.constant 5376 : i32
        %dma_wait3A_202 = arith.constant 0 : i32
        %dma_wait3A_203 = tpu.memref_slice %arg22[%dma_wait3A_201, %dma_wait3A_202] : memref<16384x128xf32, #tpu.memory_space<hbm>> -> memref<256x128xf32, #tpu.memory_space<hbm>>
        %dma_wait3A_204 = arith.constant 5376 : i32
        %dma_wait3A_205 = arith.constant 0 : i32
        %dma_wait3A_206 = tpu.memref_slice %arg22[%dma_wait3A_204, %dma_wait3A_205] : memref<16384x128xf32, #tpu.memory_space<hbm>> -> memref<256x128xf32, #tpu.memory_space<hbm>>
        tpu.wait_dma2 semaphore(%arg26 : memref<!tpu.dma_semaphore, #tpu.memory_space<semaphore_mem>>) src(%run_scoped3A_158 : memref<256x128xf32, #tpu.memory_space<vmem>>) dst(%dma_wait3A_206 : memref<256x128xf32, #tpu.memory_space<hbm>>)
        %dma_start3A_207 = arith.constant 768 : i32
        %dma_start3A_208 = tpu.memref_slice %run_scoped3A_159[%dma_start3A_207] : memref<1280xi32, #tpu.memory_space<vmem>> -> memref<256xi32, #tpu.memory_space<vmem>>
        %dma_start3A_209 = arith.constant 0 : i32
        %dma_start3A_210 = arith.constant 0 : i32
        %dma_start3A_211 = tpu.memref_slice %arg11[%dma_start3A_209, %dma_start3A_210] : memref<100000x128xf32, #tpu.memory_space<hbm>> -> memref<100000x128xf32, #tpu.memory_space<hbm>>
        tpu.enqueue_indirect_dma source(%dma_start3A_211 : memref<100000x128xf32, #tpu.memory_space<hbm>>) target(%run_scoped3A_158 : memref<256x128xf32, #tpu.memory_space<vmem>>) offsets(%dma_start3A_208 : memref<256xi32, #tpu.memory_space<vmem>>) semaphore(%arg24 : memref<!tpu.dma_semaphore, #tpu.memory_space<semaphore_mem>>)
        %dma_wait3A_212 = arith.constant 512 : i32
        %dma_wait3A_213 = tpu.memref_slice %run_scoped3A_159[%dma_wait3A_212] : memref<1280xi32, #tpu.memory_space<vmem>> -> memref<256xi32, #tpu.memory_space<vmem>>
        %dma_wait3A_214 = arith.constant 0 : i32
        %dma_wait3A_215 = arith.constant 0 : i32
        %dma_wait3A_216 = tpu.memref_slice %arg11[%dma_wait3A_214, %dma_wait3A_215] : memref<100000x128xf32, #tpu.memory_space<hbm>> -> memref<100000x128xf32, #tpu.memory_space<hbm>>
        tpu.wait_indirect_dma semaphore(%arg23 : memref<!tpu.dma_semaphore, #tpu.memory_space<semaphore_mem>>) src(%dma_wait3A_216 : memref<100000x128xf32, #tpu.memory_space<hbm>>) dst(%run_scoped3A : memref<256x128xf32, #tpu.memory_space<vmem>>)
        %dma_start3A_217 = arith.constant 5632 : i32
        %dma_start3A_218 = arith.constant 0 : i32
        %dma_start3A_219 = tpu.memref_slice %arg22[%dma_start3A_217, %dma_start3A_218] : memref<16384x128xf32, #tpu.memory_space<hbm>> -> memref<256x128xf32, #tpu.memory_space<hbm>>
        %dma_start3A_220 = arith.constant 5632 : i32
        %dma_start3A_221 = arith.constant 0 : i32
        %dma_start3A_222 = tpu.memref_slice %arg22[%dma_start3A_220, %dma_start3A_221] : memref<16384x128xf32, #tpu.memory_space<hbm>> -> memref<256x128xf32, #tpu.memory_space<hbm>>
        tpu.enqueue_dma source(%run_scoped3A : memref<256x128xf32, #tpu.memory_space<vmem>>) target(%dma_start3A_222 : memref<256x128xf32, #tpu.memory_space<hbm>>) target_semaphore(%arg25 : memref<!tpu.dma_semaphore, #tpu.memory_space<semaphore_mem>>)
        %dma_wait3A_223 = arith.constant 5632 : i32
        %dma_wait3A_224 = arith.constant 0 : i32
        %dma_wait3A_225 = tpu.memref_slice %arg22[%dma_wait3A_223, %dma_wait3A_224] : memref<16384x128xf32, #tpu.memory_space<hbm>> -> memref<256x128xf32, #tpu.memory_space<hbm>>
        %dma_wait3A_226 = arith.constant 5632 : i32
        %dma_wait3A_227 = arith.constant 0 : i32
        %dma_wait3A_228 = tpu.memref_slice %arg22[%dma_wait3A_226, %dma_wait3A_227] : memref<16384x128xf32, #tpu.memory_space<hbm>> -> memref<256x128xf32, #tpu.memory_space<hbm>>
        tpu.wait_dma2 semaphore(%arg25 : memref<!tpu.dma_semaphore, #tpu.memory_space<semaphore_mem>>) src(%run_scoped3A : memref<256x128xf32, #tpu.memory_space<vmem>>) dst(%dma_wait3A_228 : memref<256x128xf32, #tpu.memory_space<hbm>>)
        %dma_start3A_229 = arith.constant 1024 : i32
        %dma_start3A_230 = tpu.memref_slice %run_scoped3A_159[%dma_start3A_229] : memref<1280xi32, #tpu.memory_space<vmem>> -> memref<256xi32, #tpu.memory_space<vmem>>
        %dma_start3A_231 = arith.constant 0 : i32
        %dma_start3A_232 = arith.constant 0 : i32
        %dma_start3A_233 = tpu.memref_slice %arg11[%dma_start3A_231, %dma_start3A_232] : memref<100000x128xf32, #tpu.memory_space<hbm>> -> memref<100000x128xf32, #tpu.memory_space<hbm>>
        tpu.enqueue_indirect_dma source(%dma_start3A_233 : memref<100000x128xf32, #tpu.memory_space<hbm>>) target(%run_scoped3A : memref<256x128xf32, #tpu.memory_space<vmem>>) offsets(%dma_start3A_230 : memref<256xi32, #tpu.memory_space<vmem>>) semaphore(%arg23 : memref<!tpu.dma_semaphore, #tpu.memory_space<semaphore_mem>>)
        %dma_wait3A_234 = arith.constant 768 : i32
        %dma_wait3A_235 = tpu.memref_slice %run_scoped3A_159[%dma_wait3A_234] : memref<1280xi32, #tpu.memory_space<vmem>> -> memref<256xi32, #tpu.memory_space<vmem>>
        %dma_wait3A_236 = arith.constant 0 : i32
        %dma_wait3A_237 = arith.constant 0 : i32
        %dma_wait3A_238 = tpu.memref_slice %arg11[%dma_wait3A_236, %dma_wait3A_237] : memref<100000x128xf32, #tpu.memory_space<hbm>> -> memref<100000x128xf32, #tpu.memory_space<hbm>>
        tpu.wait_indirect_dma semaphore(%arg24 : memref<!tpu.dma_semaphore, #tpu.memory_space<semaphore_mem>>) src(%dma_wait3A_238 : memref<100000x128xf32, #tpu.memory_space<hbm>>) dst(%run_scoped3A_158 : memref<256x128xf32, #tpu.memory_space<vmem>>)
        %dma_start3A_239 = arith.constant 5888 : i32
        %dma_start3A_240 = arith.constant 0 : i32
        %dma_start3A_241 = tpu.memref_slice %arg22[%dma_start3A_239, %dma_start3A_240] : memref<16384x128xf32, #tpu.memory_space<hbm>> -> memref<256x128xf32, #tpu.memory_space<hbm>>
        %dma_start3A_242 = arith.constant 5888 : i32
        %dma_start3A_243 = arith.constant 0 : i32
        %dma_start3A_244 = tpu.memref_slice %arg22[%dma_start3A_242, %dma_start3A_243] : memref<16384x128xf32, #tpu.memory_space<hbm>> -> memref<256x128xf32, #tpu.memory_space<hbm>>
        tpu.enqueue_dma source(%run_scoped3A_158 : memref<256x128xf32, #tpu.memory_space<vmem>>) target(%dma_start3A_244 : memref<256x128xf32, #tpu.memory_space<hbm>>) target_semaphore(%arg26 : memref<!tpu.dma_semaphore, #tpu.memory_space<semaphore_mem>>)
        %dma_wait3A_245 = arith.constant 1024 : i32
        %dma_wait3A_246 = tpu.memref_slice %run_scoped3A_159[%dma_wait3A_245] : memref<1280xi32, #tpu.memory_space<vmem>> -> memref<256xi32, #tpu.memory_space<vmem>>
        %dma_wait3A_247 = arith.constant 0 : i32
        %dma_wait3A_248 = arith.constant 0 : i32
        %dma_wait3A_249 = tpu.memref_slice %arg11[%dma_wait3A_247, %dma_wait3A_248] : memref<100000x128xf32, #tpu.memory_space<hbm>> -> memref<100000x128xf32, #tpu.memory_space<hbm>>
        tpu.wait_indirect_dma semaphore(%arg23 : memref<!tpu.dma_semaphore, #tpu.memory_space<semaphore_mem>>) src(%dma_wait3A_249 : memref<100000x128xf32, #tpu.memory_space<hbm>>) dst(%run_scoped3A : memref<256x128xf32, #tpu.memory_space<vmem>>)
        %dma_start3A_250 = arith.constant 6144 : i32
        %dma_start3A_251 = arith.constant 0 : i32
        %dma_start3A_252 = tpu.memref_slice %arg22[%dma_start3A_250, %dma_start3A_251] : memref<16384x128xf32, #tpu.memory_space<hbm>> -> memref<256x128xf32, #tpu.memory_space<hbm>>
        %dma_start3A_253 = arith.constant 6144 : i32
        %dma_start3A_254 = arith.constant 0 : i32
        %dma_start3A_255 = tpu.memref_slice %arg22[%dma_start3A_253, %dma_start3A_254] : memref<16384x128xf32, #tpu.memory_space<hbm>> -> memref<256x128xf32, #tpu.memory_space<hbm>>
        tpu.enqueue_dma source(%run_scoped3A : memref<256x128xf32, #tpu.memory_space<vmem>>) target(%dma_start3A_255 : memref<256x128xf32, #tpu.memory_space<hbm>>) target_semaphore(%arg25 : memref<!tpu.dma_semaphore, #tpu.memory_space<semaphore_mem>>)
        %dma_wait3A_256 = arith.constant 5888 : i32
        %dma_wait3A_257 = arith.constant 0 : i32
        %dma_wait3A_258 = tpu.memref_slice %arg22[%dma_wait3A_256, %dma_wait3A_257] : memref<16384x128xf32, #tpu.memory_space<hbm>> -> memref<256x128xf32, #tpu.memory_space<hbm>>
        %dma_wait3A_259 = arith.constant 5888 : i32
        %dma_wait3A_260 = arith.constant 0 : i32
        %dma_wait3A_261 = tpu.memref_slice %arg22[%dma_wait3A_259, %dma_wait3A_260] : memref<16384x128xf32, #tpu.memory_space<hbm>> -> memref<256x128xf32, #tpu.memory_space<hbm>>
        tpu.wait_dma2 semaphore(%arg26 : memref<!tpu.dma_semaphore, #tpu.memory_space<semaphore_mem>>) src(%run_scoped3A_158 : memref<256x128xf32, #tpu.memory_space<vmem>>) dst(%dma_wait3A_261 : memref<256x128xf32, #tpu.memory_space<hbm>>)
        %dma_wait3A_262 = arith.constant 6144 : i32
        %dma_wait3A_263 = arith.constant 0 : i32
        %dma_wait3A_264 = tpu.memref_slice %arg22[%dma_wait3A_262, %dma_wait3A_263] : memref<16384x128xf32, #tpu.memory_space<hbm>> -> memref<256x128xf32, #tpu.memory_space<hbm>>
        %dma_wait3A_265 = arith.constant 6144 : i32
        %dma_wait3A_266 = arith.constant 0 : i32
        %dma_wait3A_267 = tpu.memref_slice %arg22[%dma_wait3A_265, %dma_wait3A_266] : memref<16384x128xf32, #tpu.memory_space<hbm>> -> memref<256x128xf32, #tpu.memory_space<hbm>>
        tpu.wait_dma2 semaphore(%arg25 : memref<!tpu.dma_semaphore, #tpu.memory_space<semaphore_mem>>) src(%run_scoped3A : memref<256x128xf32, #tpu.memory_space<vmem>>) dst(%dma_wait3A_267 : memref<256x128xf32, #tpu.memory_space<hbm>>)
        tpu.yield
      }) : () -> ()
    } else {
    }
    %eq3A_113 = arith.constant 23 : i32
    %eq3A_114 = arith.cmpi eq, %add3A, %eq3A_113 : i32
    %convert_element_type3A_115 = arith.extui %eq3A_114 : i1 to i32
    %cond3A_116 = arith.constant 0 : i32
    %cond3A_117 = arith.cmpi ne, %convert_element_type3A_115, %cond3A_116 : i32
    scf.if %cond3A_117 {
      "tpu.region"() ({
        %run_scoped3A = memref.alloca() : memref<256x128xf32, #tpu.memory_space<vmem>>
        %run_scoped3A_158 = memref.alloca() : memref<256x128xf32, #tpu.memory_space<vmem>>
        %run_scoped3A_159 = memref.alloca() : memref<1280xi32, #tpu.memory_space<vmem>>
        "tpu.region"() ({
          %run_scoped3A_268 = tpu.sem_alloc : memref<!tpu.dma_semaphore, #tpu.memory_space<semaphore_mem>>
          %dma_start3A_269 = arith.constant 6400 : i32
          %dma_start3A_270 = tpu.memref_slice %arg12[%dma_start3A_269] : memref<16384xi32, #tpu.memory_space<hbm>> -> memref<1280xi32, #tpu.memory_space<hbm>>
          %dma_start3A_271 = arith.constant 6400 : i32
          %dma_start3A_272 = tpu.memref_slice %arg12[%dma_start3A_271] : memref<16384xi32, #tpu.memory_space<hbm>> -> memref<1280xi32, #tpu.memory_space<hbm>>
          tpu.enqueue_dma source(%dma_start3A_272 : memref<1280xi32, #tpu.memory_space<hbm>>) target(%run_scoped3A_159 : memref<1280xi32, #tpu.memory_space<vmem>>) target_semaphore(%run_scoped3A_268 : memref<!tpu.dma_semaphore, #tpu.memory_space<semaphore_mem>>)
          %dma_wait3A_273 = arith.constant 6400 : i32
          %dma_wait3A_274 = tpu.memref_slice %arg12[%dma_wait3A_273] : memref<16384xi32, #tpu.memory_space<hbm>> -> memref<1280xi32, #tpu.memory_space<hbm>>
          %dma_wait3A_275 = arith.constant 6400 : i32
          %dma_wait3A_276 = tpu.memref_slice %arg12[%dma_wait3A_275] : memref<16384xi32, #tpu.memory_space<hbm>> -> memref<1280xi32, #tpu.memory_space<hbm>>
          tpu.wait_dma2 semaphore(%run_scoped3A_268 : memref<!tpu.dma_semaphore, #tpu.memory_space<semaphore_mem>>) src(%dma_wait3A_276 : memref<1280xi32, #tpu.memory_space<hbm>>) dst(%run_scoped3A_159 : memref<1280xi32, #tpu.memory_space<vmem>>)
          tpu.yield
        }) : () -> ()
        %dma_start3A = arith.constant 0 : i32
        %dma_start3A_160 = tpu.memref_slice %run_scoped3A_159[%dma_start3A] : memref<1280xi32, #tpu.memory_space<vmem>> -> memref<256xi32, #tpu.memory_space<vmem>>
        %dma_start3A_161 = arith.constant 0 : i32
        %dma_start3A_162 = arith.constant 0 : i32
        %dma_start3A_163 = tpu.memref_slice %arg11[%dma_start3A_161, %dma_start3A_162] : memref<100000x128xf32, #tpu.memory_space<hbm>> -> memref<100000x128xf32, #tpu.memory_space<hbm>>
        tpu.enqueue_indirect_dma source(%dma_start3A_163 : memref<100000x128xf32, #tpu.memory_space<hbm>>) target(%run_scoped3A : memref<256x128xf32, #tpu.memory_space<vmem>>) offsets(%dma_start3A_160 : memref<256xi32, #tpu.memory_space<vmem>>) semaphore(%arg23 : memref<!tpu.dma_semaphore, #tpu.memory_space<semaphore_mem>>)
        %dma_start3A_164 = arith.constant 256 : i32
        %dma_start3A_165 = tpu.memref_slice %run_scoped3A_159[%dma_start3A_164] : memref<1280xi32, #tpu.memory_space<vmem>> -> memref<256xi32, #tpu.memory_space<vmem>>
        %dma_start3A_166 = arith.constant 0 : i32
        %dma_start3A_167 = arith.constant 0 : i32
        %dma_start3A_168 = tpu.memref_slice %arg11[%dma_start3A_166, %dma_start3A_167] : memref<100000x128xf32, #tpu.memory_space<hbm>> -> memref<100000x128xf32, #tpu.memory_space<hbm>>
        tpu.enqueue_indirect_dma source(%dma_start3A_168 : memref<100000x128xf32, #tpu.memory_space<hbm>>) target(%run_scoped3A_158 : memref<256x128xf32, #tpu.memory_space<vmem>>) offsets(%dma_start3A_165 : memref<256xi32, #tpu.memory_space<vmem>>) semaphore(%arg24 : memref<!tpu.dma_semaphore, #tpu.memory_space<semaphore_mem>>)
        %dma_wait3A = arith.constant 0 : i32
        %dma_wait3A_169 = tpu.memref_slice %run_scoped3A_159[%dma_wait3A] : memref<1280xi32, #tpu.memory_space<vmem>> -> memref<256xi32, #tpu.memory_space<vmem>>
        %dma_wait3A_170 = arith.constant 0 : i32
        %dma_wait3A_171 = arith.constant 0 : i32
        %dma_wait3A_172 = tpu.memref_slice %arg11[%dma_wait3A_170, %dma_wait3A_171] : memref<100000x128xf32, #tpu.memory_space<hbm>> -> memref<100000x128xf32, #tpu.memory_space<hbm>>
        tpu.wait_indirect_dma semaphore(%arg23 : memref<!tpu.dma_semaphore, #tpu.memory_space<semaphore_mem>>) src(%dma_wait3A_172 : memref<100000x128xf32, #tpu.memory_space<hbm>>) dst(%run_scoped3A : memref<256x128xf32, #tpu.memory_space<vmem>>)
        %dma_start3A_173 = arith.constant 6400 : i32
        %dma_start3A_174 = arith.constant 0 : i32
        %dma_start3A_175 = tpu.memref_slice %arg22[%dma_start3A_173, %dma_start3A_174] : memref<16384x128xf32, #tpu.memory_space<hbm>> -> memref<256x128xf32, #tpu.memory_space<hbm>>
        %dma_start3A_176 = arith.constant 6400 : i32
        %dma_start3A_177 = arith.constant 0 : i32
        %dma_start3A_178 = tpu.memref_slice %arg22[%dma_start3A_176, %dma_start3A_177] : memref<16384x128xf32, #tpu.memory_space<hbm>> -> memref<256x128xf32, #tpu.memory_space<hbm>>
        tpu.enqueue_dma source(%run_scoped3A : memref<256x128xf32, #tpu.memory_space<vmem>>) target(%dma_start3A_178 : memref<256x128xf32, #tpu.memory_space<hbm>>) target_semaphore(%arg25 : memref<!tpu.dma_semaphore, #tpu.memory_space<semaphore_mem>>)
        %dma_wait3A_179 = arith.constant 6400 : i32
        %dma_wait3A_180 = arith.constant 0 : i32
        %dma_wait3A_181 = tpu.memref_slice %arg22[%dma_wait3A_179, %dma_wait3A_180] : memref<16384x128xf32, #tpu.memory_space<hbm>> -> memref<256x128xf32, #tpu.memory_space<hbm>>
        %dma_wait3A_182 = arith.constant 6400 : i32
        %dma_wait3A_183 = arith.constant 0 : i32
        %dma_wait3A_184 = tpu.memref_slice %arg22[%dma_wait3A_182, %dma_wait3A_183] : memref<16384x128xf32, #tpu.memory_space<hbm>> -> memref<256x128xf32, #tpu.memory_space<hbm>>
        tpu.wait_dma2 semaphore(%arg25 : memref<!tpu.dma_semaphore, #tpu.memory_space<semaphore_mem>>) src(%run_scoped3A : memref<256x128xf32, #tpu.memory_space<vmem>>) dst(%dma_wait3A_184 : memref<256x128xf32, #tpu.memory_space<hbm>>)
        %dma_start3A_185 = arith.constant 512 : i32
        %dma_start3A_186 = tpu.memref_slice %run_scoped3A_159[%dma_start3A_185] : memref<1280xi32, #tpu.memory_space<vmem>> -> memref<256xi32, #tpu.memory_space<vmem>>
        %dma_start3A_187 = arith.constant 0 : i32
        %dma_start3A_188 = arith.constant 0 : i32
        %dma_start3A_189 = tpu.memref_slice %arg11[%dma_start3A_187, %dma_start3A_188] : memref<100000x128xf32, #tpu.memory_space<hbm>> -> memref<100000x128xf32, #tpu.memory_space<hbm>>
        tpu.enqueue_indirect_dma source(%dma_start3A_189 : memref<100000x128xf32, #tpu.memory_space<hbm>>) target(%run_scoped3A : memref<256x128xf32, #tpu.memory_space<vmem>>) offsets(%dma_start3A_186 : memref<256xi32, #tpu.memory_space<vmem>>) semaphore(%arg23 : memref<!tpu.dma_semaphore, #tpu.memory_space<semaphore_mem>>)
        %dma_wait3A_190 = arith.constant 256 : i32
        %dma_wait3A_191 = tpu.memref_slice %run_scoped3A_159[%dma_wait3A_190] : memref<1280xi32, #tpu.memory_space<vmem>> -> memref<256xi32, #tpu.memory_space<vmem>>
        %dma_wait3A_192 = arith.constant 0 : i32
        %dma_wait3A_193 = arith.constant 0 : i32
        %dma_wait3A_194 = tpu.memref_slice %arg11[%dma_wait3A_192, %dma_wait3A_193] : memref<100000x128xf32, #tpu.memory_space<hbm>> -> memref<100000x128xf32, #tpu.memory_space<hbm>>
        tpu.wait_indirect_dma semaphore(%arg24 : memref<!tpu.dma_semaphore, #tpu.memory_space<semaphore_mem>>) src(%dma_wait3A_194 : memref<100000x128xf32, #tpu.memory_space<hbm>>) dst(%run_scoped3A_158 : memref<256x128xf32, #tpu.memory_space<vmem>>)
        %dma_start3A_195 = arith.constant 6656 : i32
        %dma_start3A_196 = arith.constant 0 : i32
        %dma_start3A_197 = tpu.memref_slice %arg22[%dma_start3A_195, %dma_start3A_196] : memref<16384x128xf32, #tpu.memory_space<hbm>> -> memref<256x128xf32, #tpu.memory_space<hbm>>
        %dma_start3A_198 = arith.constant 6656 : i32
        %dma_start3A_199 = arith.constant 0 : i32
        %dma_start3A_200 = tpu.memref_slice %arg22[%dma_start3A_198, %dma_start3A_199] : memref<16384x128xf32, #tpu.memory_space<hbm>> -> memref<256x128xf32, #tpu.memory_space<hbm>>
        tpu.enqueue_dma source(%run_scoped3A_158 : memref<256x128xf32, #tpu.memory_space<vmem>>) target(%dma_start3A_200 : memref<256x128xf32, #tpu.memory_space<hbm>>) target_semaphore(%arg26 : memref<!tpu.dma_semaphore, #tpu.memory_space<semaphore_mem>>)
        %dma_wait3A_201 = arith.constant 6656 : i32
        %dma_wait3A_202 = arith.constant 0 : i32
        %dma_wait3A_203 = tpu.memref_slice %arg22[%dma_wait3A_201, %dma_wait3A_202] : memref<16384x128xf32, #tpu.memory_space<hbm>> -> memref<256x128xf32, #tpu.memory_space<hbm>>
        %dma_wait3A_204 = arith.constant 6656 : i32
        %dma_wait3A_205 = arith.constant 0 : i32
        %dma_wait3A_206 = tpu.memref_slice %arg22[%dma_wait3A_204, %dma_wait3A_205] : memref<16384x128xf32, #tpu.memory_space<hbm>> -> memref<256x128xf32, #tpu.memory_space<hbm>>
        tpu.wait_dma2 semaphore(%arg26 : memref<!tpu.dma_semaphore, #tpu.memory_space<semaphore_mem>>) src(%run_scoped3A_158 : memref<256x128xf32, #tpu.memory_space<vmem>>) dst(%dma_wait3A_206 : memref<256x128xf32, #tpu.memory_space<hbm>>)
        %dma_start3A_207 = arith.constant 768 : i32
        %dma_start3A_208 = tpu.memref_slice %run_scoped3A_159[%dma_start3A_207] : memref<1280xi32, #tpu.memory_space<vmem>> -> memref<256xi32, #tpu.memory_space<vmem>>
        %dma_start3A_209 = arith.constant 0 : i32
        %dma_start3A_210 = arith.constant 0 : i32
        %dma_start3A_211 = tpu.memref_slice %arg11[%dma_start3A_209, %dma_start3A_210] : memref<100000x128xf32, #tpu.memory_space<hbm>> -> memref<100000x128xf32, #tpu.memory_space<hbm>>
        tpu.enqueue_indirect_dma source(%dma_start3A_211 : memref<100000x128xf32, #tpu.memory_space<hbm>>) target(%run_scoped3A_158 : memref<256x128xf32, #tpu.memory_space<vmem>>) offsets(%dma_start3A_208 : memref<256xi32, #tpu.memory_space<vmem>>) semaphore(%arg24 : memref<!tpu.dma_semaphore, #tpu.memory_space<semaphore_mem>>)
        %dma_wait3A_212 = arith.constant 512 : i32
        %dma_wait3A_213 = tpu.memref_slice %run_scoped3A_159[%dma_wait3A_212] : memref<1280xi32, #tpu.memory_space<vmem>> -> memref<256xi32, #tpu.memory_space<vmem>>
        %dma_wait3A_214 = arith.constant 0 : i32
        %dma_wait3A_215 = arith.constant 0 : i32
        %dma_wait3A_216 = tpu.memref_slice %arg11[%dma_wait3A_214, %dma_wait3A_215] : memref<100000x128xf32, #tpu.memory_space<hbm>> -> memref<100000x128xf32, #tpu.memory_space<hbm>>
        tpu.wait_indirect_dma semaphore(%arg23 : memref<!tpu.dma_semaphore, #tpu.memory_space<semaphore_mem>>) src(%dma_wait3A_216 : memref<100000x128xf32, #tpu.memory_space<hbm>>) dst(%run_scoped3A : memref<256x128xf32, #tpu.memory_space<vmem>>)
        %dma_start3A_217 = arith.constant 6912 : i32
        %dma_start3A_218 = arith.constant 0 : i32
        %dma_start3A_219 = tpu.memref_slice %arg22[%dma_start3A_217, %dma_start3A_218] : memref<16384x128xf32, #tpu.memory_space<hbm>> -> memref<256x128xf32, #tpu.memory_space<hbm>>
        %dma_start3A_220 = arith.constant 6912 : i32
        %dma_start3A_221 = arith.constant 0 : i32
        %dma_start3A_222 = tpu.memref_slice %arg22[%dma_start3A_220, %dma_start3A_221] : memref<16384x128xf32, #tpu.memory_space<hbm>> -> memref<256x128xf32, #tpu.memory_space<hbm>>
        tpu.enqueue_dma source(%run_scoped3A : memref<256x128xf32, #tpu.memory_space<vmem>>) target(%dma_start3A_222 : memref<256x128xf32, #tpu.memory_space<hbm>>) target_semaphore(%arg25 : memref<!tpu.dma_semaphore, #tpu.memory_space<semaphore_mem>>)
        %dma_wait3A_223 = arith.constant 6912 : i32
        %dma_wait3A_224 = arith.constant 0 : i32
        %dma_wait3A_225 = tpu.memref_slice %arg22[%dma_wait3A_223, %dma_wait3A_224] : memref<16384x128xf32, #tpu.memory_space<hbm>> -> memref<256x128xf32, #tpu.memory_space<hbm>>
        %dma_wait3A_226 = arith.constant 6912 : i32
        %dma_wait3A_227 = arith.constant 0 : i32
        %dma_wait3A_228 = tpu.memref_slice %arg22[%dma_wait3A_226, %dma_wait3A_227] : memref<16384x128xf32, #tpu.memory_space<hbm>> -> memref<256x128xf32, #tpu.memory_space<hbm>>
        tpu.wait_dma2 semaphore(%arg25 : memref<!tpu.dma_semaphore, #tpu.memory_space<semaphore_mem>>) src(%run_scoped3A : memref<256x128xf32, #tpu.memory_space<vmem>>) dst(%dma_wait3A_228 : memref<256x128xf32, #tpu.memory_space<hbm>>)
        %dma_start3A_229 = arith.constant 1024 : i32
        %dma_start3A_230 = tpu.memref_slice %run_scoped3A_159[%dma_start3A_229] : memref<1280xi32, #tpu.memory_space<vmem>> -> memref<256xi32, #tpu.memory_space<vmem>>
        %dma_start3A_231 = arith.constant 0 : i32
        %dma_start3A_232 = arith.constant 0 : i32
        %dma_start3A_233 = tpu.memref_slice %arg11[%dma_start3A_231, %dma_start3A_232] : memref<100000x128xf32, #tpu.memory_space<hbm>> -> memref<100000x128xf32, #tpu.memory_space<hbm>>
        tpu.enqueue_indirect_dma source(%dma_start3A_233 : memref<100000x128xf32, #tpu.memory_space<hbm>>) target(%run_scoped3A : memref<256x128xf32, #tpu.memory_space<vmem>>) offsets(%dma_start3A_230 : memref<256xi32, #tpu.memory_space<vmem>>) semaphore(%arg23 : memref<!tpu.dma_semaphore, #tpu.memory_space<semaphore_mem>>)
        %dma_wait3A_234 = arith.constant 768 : i32
        %dma_wait3A_235 = tpu.memref_slice %run_scoped3A_159[%dma_wait3A_234] : memref<1280xi32, #tpu.memory_space<vmem>> -> memref<256xi32, #tpu.memory_space<vmem>>
        %dma_wait3A_236 = arith.constant 0 : i32
        %dma_wait3A_237 = arith.constant 0 : i32
        %dma_wait3A_238 = tpu.memref_slice %arg11[%dma_wait3A_236, %dma_wait3A_237] : memref<100000x128xf32, #tpu.memory_space<hbm>> -> memref<100000x128xf32, #tpu.memory_space<hbm>>
        tpu.wait_indirect_dma semaphore(%arg24 : memref<!tpu.dma_semaphore, #tpu.memory_space<semaphore_mem>>) src(%dma_wait3A_238 : memref<100000x128xf32, #tpu.memory_space<hbm>>) dst(%run_scoped3A_158 : memref<256x128xf32, #tpu.memory_space<vmem>>)
        %dma_start3A_239 = arith.constant 7168 : i32
        %dma_start3A_240 = arith.constant 0 : i32
        %dma_start3A_241 = tpu.memref_slice %arg22[%dma_start3A_239, %dma_start3A_240] : memref<16384x128xf32, #tpu.memory_space<hbm>> -> memref<256x128xf32, #tpu.memory_space<hbm>>
        %dma_start3A_242 = arith.constant 7168 : i32
        %dma_start3A_243 = arith.constant 0 : i32
        %dma_start3A_244 = tpu.memref_slice %arg22[%dma_start3A_242, %dma_start3A_243] : memref<16384x128xf32, #tpu.memory_space<hbm>> -> memref<256x128xf32, #tpu.memory_space<hbm>>
        tpu.enqueue_dma source(%run_scoped3A_158 : memref<256x128xf32, #tpu.memory_space<vmem>>) target(%dma_start3A_244 : memref<256x128xf32, #tpu.memory_space<hbm>>) target_semaphore(%arg26 : memref<!tpu.dma_semaphore, #tpu.memory_space<semaphore_mem>>)
        %dma_wait3A_245 = arith.constant 1024 : i32
        %dma_wait3A_246 = tpu.memref_slice %run_scoped3A_159[%dma_wait3A_245] : memref<1280xi32, #tpu.memory_space<vmem>> -> memref<256xi32, #tpu.memory_space<vmem>>
        %dma_wait3A_247 = arith.constant 0 : i32
        %dma_wait3A_248 = arith.constant 0 : i32
        %dma_wait3A_249 = tpu.memref_slice %arg11[%dma_wait3A_247, %dma_wait3A_248] : memref<100000x128xf32, #tpu.memory_space<hbm>> -> memref<100000x128xf32, #tpu.memory_space<hbm>>
        tpu.wait_indirect_dma semaphore(%arg23 : memref<!tpu.dma_semaphore, #tpu.memory_space<semaphore_mem>>) src(%dma_wait3A_249 : memref<100000x128xf32, #tpu.memory_space<hbm>>) dst(%run_scoped3A : memref<256x128xf32, #tpu.memory_space<vmem>>)
        %dma_start3A_250 = arith.constant 7424 : i32
        %dma_start3A_251 = arith.constant 0 : i32
        %dma_start3A_252 = tpu.memref_slice %arg22[%dma_start3A_250, %dma_start3A_251] : memref<16384x128xf32, #tpu.memory_space<hbm>> -> memref<256x128xf32, #tpu.memory_space<hbm>>
        %dma_start3A_253 = arith.constant 7424 : i32
        %dma_start3A_254 = arith.constant 0 : i32
        %dma_start3A_255 = tpu.memref_slice %arg22[%dma_start3A_253, %dma_start3A_254] : memref<16384x128xf32, #tpu.memory_space<hbm>> -> memref<256x128xf32, #tpu.memory_space<hbm>>
        tpu.enqueue_dma source(%run_scoped3A : memref<256x128xf32, #tpu.memory_space<vmem>>) target(%dma_start3A_255 : memref<256x128xf32, #tpu.memory_space<hbm>>) target_semaphore(%arg25 : memref<!tpu.dma_semaphore, #tpu.memory_space<semaphore_mem>>)
        %dma_wait3A_256 = arith.constant 7168 : i32
        %dma_wait3A_257 = arith.constant 0 : i32
        %dma_wait3A_258 = tpu.memref_slice %arg22[%dma_wait3A_256, %dma_wait3A_257] : memref<16384x128xf32, #tpu.memory_space<hbm>> -> memref<256x128xf32, #tpu.memory_space<hbm>>
        %dma_wait3A_259 = arith.constant 7168 : i32
        %dma_wait3A_260 = arith.constant 0 : i32
        %dma_wait3A_261 = tpu.memref_slice %arg22[%dma_wait3A_259, %dma_wait3A_260] : memref<16384x128xf32, #tpu.memory_space<hbm>> -> memref<256x128xf32, #tpu.memory_space<hbm>>
        tpu.wait_dma2 semaphore(%arg26 : memref<!tpu.dma_semaphore, #tpu.memory_space<semaphore_mem>>) src(%run_scoped3A_158 : memref<256x128xf32, #tpu.memory_space<vmem>>) dst(%dma_wait3A_261 : memref<256x128xf32, #tpu.memory_space<hbm>>)
        %dma_wait3A_262 = arith.constant 7424 : i32
        %dma_wait3A_263 = arith.constant 0 : i32
        %dma_wait3A_264 = tpu.memref_slice %arg22[%dma_wait3A_262, %dma_wait3A_263] : memref<16384x128xf32, #tpu.memory_space<hbm>> -> memref<256x128xf32, #tpu.memory_space<hbm>>
        %dma_wait3A_265 = arith.constant 7424 : i32
        %dma_wait3A_266 = arith.constant 0 : i32
        %dma_wait3A_267 = tpu.memref_slice %arg22[%dma_wait3A_265, %dma_wait3A_266] : memref<16384x128xf32, #tpu.memory_space<hbm>> -> memref<256x128xf32, #tpu.memory_space<hbm>>
        tpu.wait_dma2 semaphore(%arg25 : memref<!tpu.dma_semaphore, #tpu.memory_space<semaphore_mem>>) src(%run_scoped3A : memref<256x128xf32, #tpu.memory_space<vmem>>) dst(%dma_wait3A_267 : memref<256x128xf32, #tpu.memory_space<hbm>>)
        tpu.yield
      }) : () -> ()
    } else {
    }
    %eq3A_118 = arith.constant 24 : i32
    %eq3A_119 = arith.cmpi eq, %add3A, %eq3A_118 : i32
    %convert_element_type3A_120 = arith.extui %eq3A_119 : i1 to i32
    %cond3A_121 = arith.constant 0 : i32
    %cond3A_122 = arith.cmpi ne, %convert_element_type3A_120, %cond3A_121 : i32
    scf.if %cond3A_122 {
      "tpu.region"() ({
        %run_scoped3A = memref.alloca() : memref<256x128xf32, #tpu.memory_space<vmem>>
        %run_scoped3A_158 = memref.alloca() : memref<256x128xf32, #tpu.memory_space<vmem>>
        %run_scoped3A_159 = memref.alloca() : memref<1280xi32, #tpu.memory_space<vmem>>
        "tpu.region"() ({
          %run_scoped3A_268 = tpu.sem_alloc : memref<!tpu.dma_semaphore, #tpu.memory_space<semaphore_mem>>
          %dma_start3A_269 = arith.constant 7680 : i32
          %dma_start3A_270 = tpu.memref_slice %arg12[%dma_start3A_269] : memref<16384xi32, #tpu.memory_space<hbm>> -> memref<1280xi32, #tpu.memory_space<hbm>>
          %dma_start3A_271 = arith.constant 7680 : i32
          %dma_start3A_272 = tpu.memref_slice %arg12[%dma_start3A_271] : memref<16384xi32, #tpu.memory_space<hbm>> -> memref<1280xi32, #tpu.memory_space<hbm>>
          tpu.enqueue_dma source(%dma_start3A_272 : memref<1280xi32, #tpu.memory_space<hbm>>) target(%run_scoped3A_159 : memref<1280xi32, #tpu.memory_space<vmem>>) target_semaphore(%run_scoped3A_268 : memref<!tpu.dma_semaphore, #tpu.memory_space<semaphore_mem>>)
          %dma_wait3A_273 = arith.constant 7680 : i32
          %dma_wait3A_274 = tpu.memref_slice %arg12[%dma_wait3A_273] : memref<16384xi32, #tpu.memory_space<hbm>> -> memref<1280xi32, #tpu.memory_space<hbm>>
          %dma_wait3A_275 = arith.constant 7680 : i32
          %dma_wait3A_276 = tpu.memref_slice %arg12[%dma_wait3A_275] : memref<16384xi32, #tpu.memory_space<hbm>> -> memref<1280xi32, #tpu.memory_space<hbm>>
          tpu.wait_dma2 semaphore(%run_scoped3A_268 : memref<!tpu.dma_semaphore, #tpu.memory_space<semaphore_mem>>) src(%dma_wait3A_276 : memref<1280xi32, #tpu.memory_space<hbm>>) dst(%run_scoped3A_159 : memref<1280xi32, #tpu.memory_space<vmem>>)
          tpu.yield
        }) : () -> ()
        %dma_start3A = arith.constant 0 : i32
        %dma_start3A_160 = tpu.memref_slice %run_scoped3A_159[%dma_start3A] : memref<1280xi32, #tpu.memory_space<vmem>> -> memref<256xi32, #tpu.memory_space<vmem>>
        %dma_start3A_161 = arith.constant 0 : i32
        %dma_start3A_162 = arith.constant 0 : i32
        %dma_start3A_163 = tpu.memref_slice %arg11[%dma_start3A_161, %dma_start3A_162] : memref<100000x128xf32, #tpu.memory_space<hbm>> -> memref<100000x128xf32, #tpu.memory_space<hbm>>
        tpu.enqueue_indirect_dma source(%dma_start3A_163 : memref<100000x128xf32, #tpu.memory_space<hbm>>) target(%run_scoped3A : memref<256x128xf32, #tpu.memory_space<vmem>>) offsets(%dma_start3A_160 : memref<256xi32, #tpu.memory_space<vmem>>) semaphore(%arg23 : memref<!tpu.dma_semaphore, #tpu.memory_space<semaphore_mem>>)
        %dma_start3A_164 = arith.constant 256 : i32
        %dma_start3A_165 = tpu.memref_slice %run_scoped3A_159[%dma_start3A_164] : memref<1280xi32, #tpu.memory_space<vmem>> -> memref<256xi32, #tpu.memory_space<vmem>>
        %dma_start3A_166 = arith.constant 0 : i32
        %dma_start3A_167 = arith.constant 0 : i32
        %dma_start3A_168 = tpu.memref_slice %arg11[%dma_start3A_166, %dma_start3A_167] : memref<100000x128xf32, #tpu.memory_space<hbm>> -> memref<100000x128xf32, #tpu.memory_space<hbm>>
        tpu.enqueue_indirect_dma source(%dma_start3A_168 : memref<100000x128xf32, #tpu.memory_space<hbm>>) target(%run_scoped3A_158 : memref<256x128xf32, #tpu.memory_space<vmem>>) offsets(%dma_start3A_165 : memref<256xi32, #tpu.memory_space<vmem>>) semaphore(%arg24 : memref<!tpu.dma_semaphore, #tpu.memory_space<semaphore_mem>>)
        %dma_wait3A = arith.constant 0 : i32
        %dma_wait3A_169 = tpu.memref_slice %run_scoped3A_159[%dma_wait3A] : memref<1280xi32, #tpu.memory_space<vmem>> -> memref<256xi32, #tpu.memory_space<vmem>>
        %dma_wait3A_170 = arith.constant 0 : i32
        %dma_wait3A_171 = arith.constant 0 : i32
        %dma_wait3A_172 = tpu.memref_slice %arg11[%dma_wait3A_170, %dma_wait3A_171] : memref<100000x128xf32, #tpu.memory_space<hbm>> -> memref<100000x128xf32, #tpu.memory_space<hbm>>
        tpu.wait_indirect_dma semaphore(%arg23 : memref<!tpu.dma_semaphore, #tpu.memory_space<semaphore_mem>>) src(%dma_wait3A_172 : memref<100000x128xf32, #tpu.memory_space<hbm>>) dst(%run_scoped3A : memref<256x128xf32, #tpu.memory_space<vmem>>)
        %dma_start3A_173 = arith.constant 7680 : i32
        %dma_start3A_174 = arith.constant 0 : i32
        %dma_start3A_175 = tpu.memref_slice %arg22[%dma_start3A_173, %dma_start3A_174] : memref<16384x128xf32, #tpu.memory_space<hbm>> -> memref<256x128xf32, #tpu.memory_space<hbm>>
        %dma_start3A_176 = arith.constant 7680 : i32
        %dma_start3A_177 = arith.constant 0 : i32
        %dma_start3A_178 = tpu.memref_slice %arg22[%dma_start3A_176, %dma_start3A_177] : memref<16384x128xf32, #tpu.memory_space<hbm>> -> memref<256x128xf32, #tpu.memory_space<hbm>>
        tpu.enqueue_dma source(%run_scoped3A : memref<256x128xf32, #tpu.memory_space<vmem>>) target(%dma_start3A_178 : memref<256x128xf32, #tpu.memory_space<hbm>>) target_semaphore(%arg25 : memref<!tpu.dma_semaphore, #tpu.memory_space<semaphore_mem>>)
        %dma_wait3A_179 = arith.constant 7680 : i32
        %dma_wait3A_180 = arith.constant 0 : i32
        %dma_wait3A_181 = tpu.memref_slice %arg22[%dma_wait3A_179, %dma_wait3A_180] : memref<16384x128xf32, #tpu.memory_space<hbm>> -> memref<256x128xf32, #tpu.memory_space<hbm>>
        %dma_wait3A_182 = arith.constant 7680 : i32
        %dma_wait3A_183 = arith.constant 0 : i32
        %dma_wait3A_184 = tpu.memref_slice %arg22[%dma_wait3A_182, %dma_wait3A_183] : memref<16384x128xf32, #tpu.memory_space<hbm>> -> memref<256x128xf32, #tpu.memory_space<hbm>>
        tpu.wait_dma2 semaphore(%arg25 : memref<!tpu.dma_semaphore, #tpu.memory_space<semaphore_mem>>) src(%run_scoped3A : memref<256x128xf32, #tpu.memory_space<vmem>>) dst(%dma_wait3A_184 : memref<256x128xf32, #tpu.memory_space<hbm>>)
        %dma_start3A_185 = arith.constant 512 : i32
        %dma_start3A_186 = tpu.memref_slice %run_scoped3A_159[%dma_start3A_185] : memref<1280xi32, #tpu.memory_space<vmem>> -> memref<256xi32, #tpu.memory_space<vmem>>
        %dma_start3A_187 = arith.constant 0 : i32
        %dma_start3A_188 = arith.constant 0 : i32
        %dma_start3A_189 = tpu.memref_slice %arg11[%dma_start3A_187, %dma_start3A_188] : memref<100000x128xf32, #tpu.memory_space<hbm>> -> memref<100000x128xf32, #tpu.memory_space<hbm>>
        tpu.enqueue_indirect_dma source(%dma_start3A_189 : memref<100000x128xf32, #tpu.memory_space<hbm>>) target(%run_scoped3A : memref<256x128xf32, #tpu.memory_space<vmem>>) offsets(%dma_start3A_186 : memref<256xi32, #tpu.memory_space<vmem>>) semaphore(%arg23 : memref<!tpu.dma_semaphore, #tpu.memory_space<semaphore_mem>>)
        %dma_wait3A_190 = arith.constant 256 : i32
        %dma_wait3A_191 = tpu.memref_slice %run_scoped3A_159[%dma_wait3A_190] : memref<1280xi32, #tpu.memory_space<vmem>> -> memref<256xi32, #tpu.memory_space<vmem>>
        %dma_wait3A_192 = arith.constant 0 : i32
        %dma_wait3A_193 = arith.constant 0 : i32
        %dma_wait3A_194 = tpu.memref_slice %arg11[%dma_wait3A_192, %dma_wait3A_193] : memref<100000x128xf32, #tpu.memory_space<hbm>> -> memref<100000x128xf32, #tpu.memory_space<hbm>>
        tpu.wait_indirect_dma semaphore(%arg24 : memref<!tpu.dma_semaphore, #tpu.memory_space<semaphore_mem>>) src(%dma_wait3A_194 : memref<100000x128xf32, #tpu.memory_space<hbm>>) dst(%run_scoped3A_158 : memref<256x128xf32, #tpu.memory_space<vmem>>)
        %dma_start3A_195 = arith.constant 7936 : i32
        %dma_start3A_196 = arith.constant 0 : i32
        %dma_start3A_197 = tpu.memref_slice %arg22[%dma_start3A_195, %dma_start3A_196] : memref<16384x128xf32, #tpu.memory_space<hbm>> -> memref<256x128xf32, #tpu.memory_space<hbm>>
        %dma_start3A_198 = arith.constant 7936 : i32
        %dma_start3A_199 = arith.constant 0 : i32
        %dma_start3A_200 = tpu.memref_slice %arg22[%dma_start3A_198, %dma_start3A_199] : memref<16384x128xf32, #tpu.memory_space<hbm>> -> memref<256x128xf32, #tpu.memory_space<hbm>>
        tpu.enqueue_dma source(%run_scoped3A_158 : memref<256x128xf32, #tpu.memory_space<vmem>>) target(%dma_start3A_200 : memref<256x128xf32, #tpu.memory_space<hbm>>) target_semaphore(%arg26 : memref<!tpu.dma_semaphore, #tpu.memory_space<semaphore_mem>>)
        %dma_wait3A_201 = arith.constant 7936 : i32
        %dma_wait3A_202 = arith.constant 0 : i32
        %dma_wait3A_203 = tpu.memref_slice %arg22[%dma_wait3A_201, %dma_wait3A_202] : memref<16384x128xf32, #tpu.memory_space<hbm>> -> memref<256x128xf32, #tpu.memory_space<hbm>>
        %dma_wait3A_204 = arith.constant 7936 : i32
        %dma_wait3A_205 = arith.constant 0 : i32
        %dma_wait3A_206 = tpu.memref_slice %arg22[%dma_wait3A_204, %dma_wait3A_205] : memref<16384x128xf32, #tpu.memory_space<hbm>> -> memref<256x128xf32, #tpu.memory_space<hbm>>
        tpu.wait_dma2 semaphore(%arg26 : memref<!tpu.dma_semaphore, #tpu.memory_space<semaphore_mem>>) src(%run_scoped3A_158 : memref<256x128xf32, #tpu.memory_space<vmem>>) dst(%dma_wait3A_206 : memref<256x128xf32, #tpu.memory_space<hbm>>)
        %dma_start3A_207 = arith.constant 768 : i32
        %dma_start3A_208 = tpu.memref_slice %run_scoped3A_159[%dma_start3A_207] : memref<1280xi32, #tpu.memory_space<vmem>> -> memref<256xi32, #tpu.memory_space<vmem>>
        %dma_start3A_209 = arith.constant 0 : i32
        %dma_start3A_210 = arith.constant 0 : i32
        %dma_start3A_211 = tpu.memref_slice %arg11[%dma_start3A_209, %dma_start3A_210] : memref<100000x128xf32, #tpu.memory_space<hbm>> -> memref<100000x128xf32, #tpu.memory_space<hbm>>
        tpu.enqueue_indirect_dma source(%dma_start3A_211 : memref<100000x128xf32, #tpu.memory_space<hbm>>) target(%run_scoped3A_158 : memref<256x128xf32, #tpu.memory_space<vmem>>) offsets(%dma_start3A_208 : memref<256xi32, #tpu.memory_space<vmem>>) semaphore(%arg24 : memref<!tpu.dma_semaphore, #tpu.memory_space<semaphore_mem>>)
        %dma_wait3A_212 = arith.constant 512 : i32
        %dma_wait3A_213 = tpu.memref_slice %run_scoped3A_159[%dma_wait3A_212] : memref<1280xi32, #tpu.memory_space<vmem>> -> memref<256xi32, #tpu.memory_space<vmem>>
        %dma_wait3A_214 = arith.constant 0 : i32
        %dma_wait3A_215 = arith.constant 0 : i32
        %dma_wait3A_216 = tpu.memref_slice %arg11[%dma_wait3A_214, %dma_wait3A_215] : memref<100000x128xf32, #tpu.memory_space<hbm>> -> memref<100000x128xf32, #tpu.memory_space<hbm>>
        tpu.wait_indirect_dma semaphore(%arg23 : memref<!tpu.dma_semaphore, #tpu.memory_space<semaphore_mem>>) src(%dma_wait3A_216 : memref<100000x128xf32, #tpu.memory_space<hbm>>) dst(%run_scoped3A : memref<256x128xf32, #tpu.memory_space<vmem>>)
        %dma_start3A_217 = arith.constant 8192 : i32
        %dma_start3A_218 = arith.constant 0 : i32
        %dma_start3A_219 = tpu.memref_slice %arg22[%dma_start3A_217, %dma_start3A_218] : memref<16384x128xf32, #tpu.memory_space<hbm>> -> memref<256x128xf32, #tpu.memory_space<hbm>>
        %dma_start3A_220 = arith.constant 8192 : i32
        %dma_start3A_221 = arith.constant 0 : i32
        %dma_start3A_222 = tpu.memref_slice %arg22[%dma_start3A_220, %dma_start3A_221] : memref<16384x128xf32, #tpu.memory_space<hbm>> -> memref<256x128xf32, #tpu.memory_space<hbm>>
        tpu.enqueue_dma source(%run_scoped3A : memref<256x128xf32, #tpu.memory_space<vmem>>) target(%dma_start3A_222 : memref<256x128xf32, #tpu.memory_space<hbm>>) target_semaphore(%arg25 : memref<!tpu.dma_semaphore, #tpu.memory_space<semaphore_mem>>)
        %dma_wait3A_223 = arith.constant 8192 : i32
        %dma_wait3A_224 = arith.constant 0 : i32
        %dma_wait3A_225 = tpu.memref_slice %arg22[%dma_wait3A_223, %dma_wait3A_224] : memref<16384x128xf32, #tpu.memory_space<hbm>> -> memref<256x128xf32, #tpu.memory_space<hbm>>
        %dma_wait3A_226 = arith.constant 8192 : i32
        %dma_wait3A_227 = arith.constant 0 : i32
        %dma_wait3A_228 = tpu.memref_slice %arg22[%dma_wait3A_226, %dma_wait3A_227] : memref<16384x128xf32, #tpu.memory_space<hbm>> -> memref<256x128xf32, #tpu.memory_space<hbm>>
        tpu.wait_dma2 semaphore(%arg25 : memref<!tpu.dma_semaphore, #tpu.memory_space<semaphore_mem>>) src(%run_scoped3A : memref<256x128xf32, #tpu.memory_space<vmem>>) dst(%dma_wait3A_228 : memref<256x128xf32, #tpu.memory_space<hbm>>)
        %dma_start3A_229 = arith.constant 1024 : i32
        %dma_start3A_230 = tpu.memref_slice %run_scoped3A_159[%dma_start3A_229] : memref<1280xi32, #tpu.memory_space<vmem>> -> memref<256xi32, #tpu.memory_space<vmem>>
        %dma_start3A_231 = arith.constant 0 : i32
        %dma_start3A_232 = arith.constant 0 : i32
        %dma_start3A_233 = tpu.memref_slice %arg11[%dma_start3A_231, %dma_start3A_232] : memref<100000x128xf32, #tpu.memory_space<hbm>> -> memref<100000x128xf32, #tpu.memory_space<hbm>>
        tpu.enqueue_indirect_dma source(%dma_start3A_233 : memref<100000x128xf32, #tpu.memory_space<hbm>>) target(%run_scoped3A : memref<256x128xf32, #tpu.memory_space<vmem>>) offsets(%dma_start3A_230 : memref<256xi32, #tpu.memory_space<vmem>>) semaphore(%arg23 : memref<!tpu.dma_semaphore, #tpu.memory_space<semaphore_mem>>)
        %dma_wait3A_234 = arith.constant 768 : i32
        %dma_wait3A_235 = tpu.memref_slice %run_scoped3A_159[%dma_wait3A_234] : memref<1280xi32, #tpu.memory_space<vmem>> -> memref<256xi32, #tpu.memory_space<vmem>>
        %dma_wait3A_236 = arith.constant 0 : i32
        %dma_wait3A_237 = arith.constant 0 : i32
        %dma_wait3A_238 = tpu.memref_slice %arg11[%dma_wait3A_236, %dma_wait3A_237] : memref<100000x128xf32, #tpu.memory_space<hbm>> -> memref<100000x128xf32, #tpu.memory_space<hbm>>
        tpu.wait_indirect_dma semaphore(%arg24 : memref<!tpu.dma_semaphore, #tpu.memory_space<semaphore_mem>>) src(%dma_wait3A_238 : memref<100000x128xf32, #tpu.memory_space<hbm>>) dst(%run_scoped3A_158 : memref<256x128xf32, #tpu.memory_space<vmem>>)
        %dma_start3A_239 = arith.constant 8448 : i32
        %dma_start3A_240 = arith.constant 0 : i32
        %dma_start3A_241 = tpu.memref_slice %arg22[%dma_start3A_239, %dma_start3A_240] : memref<16384x128xf32, #tpu.memory_space<hbm>> -> memref<256x128xf32, #tpu.memory_space<hbm>>
        %dma_start3A_242 = arith.constant 8448 : i32
        %dma_start3A_243 = arith.constant 0 : i32
        %dma_start3A_244 = tpu.memref_slice %arg22[%dma_start3A_242, %dma_start3A_243] : memref<16384x128xf32, #tpu.memory_space<hbm>> -> memref<256x128xf32, #tpu.memory_space<hbm>>
        tpu.enqueue_dma source(%run_scoped3A_158 : memref<256x128xf32, #tpu.memory_space<vmem>>) target(%dma_start3A_244 : memref<256x128xf32, #tpu.memory_space<hbm>>) target_semaphore(%arg26 : memref<!tpu.dma_semaphore, #tpu.memory_space<semaphore_mem>>)
        %dma_wait3A_245 = arith.constant 1024 : i32
        %dma_wait3A_246 = tpu.memref_slice %run_scoped3A_159[%dma_wait3A_245] : memref<1280xi32, #tpu.memory_space<vmem>> -> memref<256xi32, #tpu.memory_space<vmem>>
        %dma_wait3A_247 = arith.constant 0 : i32
        %dma_wait3A_248 = arith.constant 0 : i32
        %dma_wait3A_249 = tpu.memref_slice %arg11[%dma_wait3A_247, %dma_wait3A_248] : memref<100000x128xf32, #tpu.memory_space<hbm>> -> memref<100000x128xf32, #tpu.memory_space<hbm>>
        tpu.wait_indirect_dma semaphore(%arg23 : memref<!tpu.dma_semaphore, #tpu.memory_space<semaphore_mem>>) src(%dma_wait3A_249 : memref<100000x128xf32, #tpu.memory_space<hbm>>) dst(%run_scoped3A : memref<256x128xf32, #tpu.memory_space<vmem>>)
        %dma_start3A_250 = arith.constant 8704 : i32
        %dma_start3A_251 = arith.constant 0 : i32
        %dma_start3A_252 = tpu.memref_slice %arg22[%dma_start3A_250, %dma_start3A_251] : memref<16384x128xf32, #tpu.memory_space<hbm>> -> memref<256x128xf32, #tpu.memory_space<hbm>>
        %dma_start3A_253 = arith.constant 8704 : i32
        %dma_start3A_254 = arith.constant 0 : i32
        %dma_start3A_255 = tpu.memref_slice %arg22[%dma_start3A_253, %dma_start3A_254] : memref<16384x128xf32, #tpu.memory_space<hbm>> -> memref<256x128xf32, #tpu.memory_space<hbm>>
        tpu.enqueue_dma source(%run_scoped3A : memref<256x128xf32, #tpu.memory_space<vmem>>) target(%dma_start3A_255 : memref<256x128xf32, #tpu.memory_space<hbm>>) target_semaphore(%arg25 : memref<!tpu.dma_semaphore, #tpu.memory_space<semaphore_mem>>)
        %dma_wait3A_256 = arith.constant 8448 : i32
        %dma_wait3A_257 = arith.constant 0 : i32
        %dma_wait3A_258 = tpu.memref_slice %arg22[%dma_wait3A_256, %dma_wait3A_257] : memref<16384x128xf32, #tpu.memory_space<hbm>> -> memref<256x128xf32, #tpu.memory_space<hbm>>
        %dma_wait3A_259 = arith.constant 8448 : i32
        %dma_wait3A_260 = arith.constant 0 : i32
        %dma_wait3A_261 = tpu.memref_slice %arg22[%dma_wait3A_259, %dma_wait3A_260] : memref<16384x128xf32, #tpu.memory_space<hbm>> -> memref<256x128xf32, #tpu.memory_space<hbm>>
        tpu.wait_dma2 semaphore(%arg26 : memref<!tpu.dma_semaphore, #tpu.memory_space<semaphore_mem>>) src(%run_scoped3A_158 : memref<256x128xf32, #tpu.memory_space<vmem>>) dst(%dma_wait3A_261 : memref<256x128xf32, #tpu.memory_space<hbm>>)
        %dma_wait3A_262 = arith.constant 8704 : i32
        %dma_wait3A_263 = arith.constant 0 : i32
        %dma_wait3A_264 = tpu.memref_slice %arg22[%dma_wait3A_262, %dma_wait3A_263] : memref<16384x128xf32, #tpu.memory_space<hbm>> -> memref<256x128xf32, #tpu.memory_space<hbm>>
        %dma_wait3A_265 = arith.constant 8704 : i32
        %dma_wait3A_266 = arith.constant 0 : i32
        %dma_wait3A_267 = tpu.memref_slice %arg22[%dma_wait3A_265, %dma_wait3A_266] : memref<16384x128xf32, #tpu.memory_space<hbm>> -> memref<256x128xf32, #tpu.memory_space<hbm>>
        tpu.wait_dma2 semaphore(%arg25 : memref<!tpu.dma_semaphore, #tpu.memory_space<semaphore_mem>>) src(%run_scoped3A : memref<256x128xf32, #tpu.memory_space<vmem>>) dst(%dma_wait3A_267 : memref<256x128xf32, #tpu.memory_space<hbm>>)
        tpu.yield
      }) : () -> ()
    } else {
    }
    %eq3A_123 = arith.constant 25 : i32
    %eq3A_124 = arith.cmpi eq, %add3A, %eq3A_123 : i32
    %convert_element_type3A_125 = arith.extui %eq3A_124 : i1 to i32
    %cond3A_126 = arith.constant 0 : i32
    %cond3A_127 = arith.cmpi ne, %convert_element_type3A_125, %cond3A_126 : i32
    scf.if %cond3A_127 {
      "tpu.region"() ({
        %run_scoped3A = memref.alloca() : memref<256x128xf32, #tpu.memory_space<vmem>>
        %run_scoped3A_158 = memref.alloca() : memref<256x128xf32, #tpu.memory_space<vmem>>
        %run_scoped3A_159 = memref.alloca() : memref<1280xi32, #tpu.memory_space<vmem>>
        "tpu.region"() ({
          %run_scoped3A_268 = tpu.sem_alloc : memref<!tpu.dma_semaphore, #tpu.memory_space<semaphore_mem>>
          %dma_start3A_269 = arith.constant 8960 : i32
          %dma_start3A_270 = tpu.memref_slice %arg12[%dma_start3A_269] : memref<16384xi32, #tpu.memory_space<hbm>> -> memref<1280xi32, #tpu.memory_space<hbm>>
          %dma_start3A_271 = arith.constant 8960 : i32
          %dma_start3A_272 = tpu.memref_slice %arg12[%dma_start3A_271] : memref<16384xi32, #tpu.memory_space<hbm>> -> memref<1280xi32, #tpu.memory_space<hbm>>
          tpu.enqueue_dma source(%dma_start3A_272 : memref<1280xi32, #tpu.memory_space<hbm>>) target(%run_scoped3A_159 : memref<1280xi32, #tpu.memory_space<vmem>>) target_semaphore(%run_scoped3A_268 : memref<!tpu.dma_semaphore, #tpu.memory_space<semaphore_mem>>)
          %dma_wait3A_273 = arith.constant 8960 : i32
          %dma_wait3A_274 = tpu.memref_slice %arg12[%dma_wait3A_273] : memref<16384xi32, #tpu.memory_space<hbm>> -> memref<1280xi32, #tpu.memory_space<hbm>>
          %dma_wait3A_275 = arith.constant 8960 : i32
          %dma_wait3A_276 = tpu.memref_slice %arg12[%dma_wait3A_275] : memref<16384xi32, #tpu.memory_space<hbm>> -> memref<1280xi32, #tpu.memory_space<hbm>>
          tpu.wait_dma2 semaphore(%run_scoped3A_268 : memref<!tpu.dma_semaphore, #tpu.memory_space<semaphore_mem>>) src(%dma_wait3A_276 : memref<1280xi32, #tpu.memory_space<hbm>>) dst(%run_scoped3A_159 : memref<1280xi32, #tpu.memory_space<vmem>>)
          tpu.yield
        }) : () -> ()
        %dma_start3A = arith.constant 0 : i32
        %dma_start3A_160 = tpu.memref_slice %run_scoped3A_159[%dma_start3A] : memref<1280xi32, #tpu.memory_space<vmem>> -> memref<256xi32, #tpu.memory_space<vmem>>
        %dma_start3A_161 = arith.constant 0 : i32
        %dma_start3A_162 = arith.constant 0 : i32
        %dma_start3A_163 = tpu.memref_slice %arg11[%dma_start3A_161, %dma_start3A_162] : memref<100000x128xf32, #tpu.memory_space<hbm>> -> memref<100000x128xf32, #tpu.memory_space<hbm>>
        tpu.enqueue_indirect_dma source(%dma_start3A_163 : memref<100000x128xf32, #tpu.memory_space<hbm>>) target(%run_scoped3A : memref<256x128xf32, #tpu.memory_space<vmem>>) offsets(%dma_start3A_160 : memref<256xi32, #tpu.memory_space<vmem>>) semaphore(%arg23 : memref<!tpu.dma_semaphore, #tpu.memory_space<semaphore_mem>>)
        %dma_start3A_164 = arith.constant 256 : i32
        %dma_start3A_165 = tpu.memref_slice %run_scoped3A_159[%dma_start3A_164] : memref<1280xi32, #tpu.memory_space<vmem>> -> memref<256xi32, #tpu.memory_space<vmem>>
        %dma_start3A_166 = arith.constant 0 : i32
        %dma_start3A_167 = arith.constant 0 : i32
        %dma_start3A_168 = tpu.memref_slice %arg11[%dma_start3A_166, %dma_start3A_167] : memref<100000x128xf32, #tpu.memory_space<hbm>> -> memref<100000x128xf32, #tpu.memory_space<hbm>>
        tpu.enqueue_indirect_dma source(%dma_start3A_168 : memref<100000x128xf32, #tpu.memory_space<hbm>>) target(%run_scoped3A_158 : memref<256x128xf32, #tpu.memory_space<vmem>>) offsets(%dma_start3A_165 : memref<256xi32, #tpu.memory_space<vmem>>) semaphore(%arg24 : memref<!tpu.dma_semaphore, #tpu.memory_space<semaphore_mem>>)
        %dma_wait3A = arith.constant 0 : i32
        %dma_wait3A_169 = tpu.memref_slice %run_scoped3A_159[%dma_wait3A] : memref<1280xi32, #tpu.memory_space<vmem>> -> memref<256xi32, #tpu.memory_space<vmem>>
        %dma_wait3A_170 = arith.constant 0 : i32
        %dma_wait3A_171 = arith.constant 0 : i32
        %dma_wait3A_172 = tpu.memref_slice %arg11[%dma_wait3A_170, %dma_wait3A_171] : memref<100000x128xf32, #tpu.memory_space<hbm>> -> memref<100000x128xf32, #tpu.memory_space<hbm>>
        tpu.wait_indirect_dma semaphore(%arg23 : memref<!tpu.dma_semaphore, #tpu.memory_space<semaphore_mem>>) src(%dma_wait3A_172 : memref<100000x128xf32, #tpu.memory_space<hbm>>) dst(%run_scoped3A : memref<256x128xf32, #tpu.memory_space<vmem>>)
        %dma_start3A_173 = arith.constant 8960 : i32
        %dma_start3A_174 = arith.constant 0 : i32
        %dma_start3A_175 = tpu.memref_slice %arg22[%dma_start3A_173, %dma_start3A_174] : memref<16384x128xf32, #tpu.memory_space<hbm>> -> memref<256x128xf32, #tpu.memory_space<hbm>>
        %dma_start3A_176 = arith.constant 8960 : i32
        %dma_start3A_177 = arith.constant 0 : i32
        %dma_start3A_178 = tpu.memref_slice %arg22[%dma_start3A_176, %dma_start3A_177] : memref<16384x128xf32, #tpu.memory_space<hbm>> -> memref<256x128xf32, #tpu.memory_space<hbm>>
        tpu.enqueue_dma source(%run_scoped3A : memref<256x128xf32, #tpu.memory_space<vmem>>) target(%dma_start3A_178 : memref<256x128xf32, #tpu.memory_space<hbm>>) target_semaphore(%arg25 : memref<!tpu.dma_semaphore, #tpu.memory_space<semaphore_mem>>)
        %dma_wait3A_179 = arith.constant 8960 : i32
        %dma_wait3A_180 = arith.constant 0 : i32
        %dma_wait3A_181 = tpu.memref_slice %arg22[%dma_wait3A_179, %dma_wait3A_180] : memref<16384x128xf32, #tpu.memory_space<hbm>> -> memref<256x128xf32, #tpu.memory_space<hbm>>
        %dma_wait3A_182 = arith.constant 8960 : i32
        %dma_wait3A_183 = arith.constant 0 : i32
        %dma_wait3A_184 = tpu.memref_slice %arg22[%dma_wait3A_182, %dma_wait3A_183] : memref<16384x128xf32, #tpu.memory_space<hbm>> -> memref<256x128xf32, #tpu.memory_space<hbm>>
        tpu.wait_dma2 semaphore(%arg25 : memref<!tpu.dma_semaphore, #tpu.memory_space<semaphore_mem>>) src(%run_scoped3A : memref<256x128xf32, #tpu.memory_space<vmem>>) dst(%dma_wait3A_184 : memref<256x128xf32, #tpu.memory_space<hbm>>)
        %dma_start3A_185 = arith.constant 512 : i32
        %dma_start3A_186 = tpu.memref_slice %run_scoped3A_159[%dma_start3A_185] : memref<1280xi32, #tpu.memory_space<vmem>> -> memref<256xi32, #tpu.memory_space<vmem>>
        %dma_start3A_187 = arith.constant 0 : i32
        %dma_start3A_188 = arith.constant 0 : i32
        %dma_start3A_189 = tpu.memref_slice %arg11[%dma_start3A_187, %dma_start3A_188] : memref<100000x128xf32, #tpu.memory_space<hbm>> -> memref<100000x128xf32, #tpu.memory_space<hbm>>
        tpu.enqueue_indirect_dma source(%dma_start3A_189 : memref<100000x128xf32, #tpu.memory_space<hbm>>) target(%run_scoped3A : memref<256x128xf32, #tpu.memory_space<vmem>>) offsets(%dma_start3A_186 : memref<256xi32, #tpu.memory_space<vmem>>) semaphore(%arg23 : memref<!tpu.dma_semaphore, #tpu.memory_space<semaphore_mem>>)
        %dma_wait3A_190 = arith.constant 256 : i32
        %dma_wait3A_191 = tpu.memref_slice %run_scoped3A_159[%dma_wait3A_190] : memref<1280xi32, #tpu.memory_space<vmem>> -> memref<256xi32, #tpu.memory_space<vmem>>
        %dma_wait3A_192 = arith.constant 0 : i32
        %dma_wait3A_193 = arith.constant 0 : i32
        %dma_wait3A_194 = tpu.memref_slice %arg11[%dma_wait3A_192, %dma_wait3A_193] : memref<100000x128xf32, #tpu.memory_space<hbm>> -> memref<100000x128xf32, #tpu.memory_space<hbm>>
        tpu.wait_indirect_dma semaphore(%arg24 : memref<!tpu.dma_semaphore, #tpu.memory_space<semaphore_mem>>) src(%dma_wait3A_194 : memref<100000x128xf32, #tpu.memory_space<hbm>>) dst(%run_scoped3A_158 : memref<256x128xf32, #tpu.memory_space<vmem>>)
        %dma_start3A_195 = arith.constant 9216 : i32
        %dma_start3A_196 = arith.constant 0 : i32
        %dma_start3A_197 = tpu.memref_slice %arg22[%dma_start3A_195, %dma_start3A_196] : memref<16384x128xf32, #tpu.memory_space<hbm>> -> memref<256x128xf32, #tpu.memory_space<hbm>>
        %dma_start3A_198 = arith.constant 9216 : i32
        %dma_start3A_199 = arith.constant 0 : i32
        %dma_start3A_200 = tpu.memref_slice %arg22[%dma_start3A_198, %dma_start3A_199] : memref<16384x128xf32, #tpu.memory_space<hbm>> -> memref<256x128xf32, #tpu.memory_space<hbm>>
        tpu.enqueue_dma source(%run_scoped3A_158 : memref<256x128xf32, #tpu.memory_space<vmem>>) target(%dma_start3A_200 : memref<256x128xf32, #tpu.memory_space<hbm>>) target_semaphore(%arg26 : memref<!tpu.dma_semaphore, #tpu.memory_space<semaphore_mem>>)
        %dma_wait3A_201 = arith.constant 9216 : i32
        %dma_wait3A_202 = arith.constant 0 : i32
        %dma_wait3A_203 = tpu.memref_slice %arg22[%dma_wait3A_201, %dma_wait3A_202] : memref<16384x128xf32, #tpu.memory_space<hbm>> -> memref<256x128xf32, #tpu.memory_space<hbm>>
        %dma_wait3A_204 = arith.constant 9216 : i32
        %dma_wait3A_205 = arith.constant 0 : i32
        %dma_wait3A_206 = tpu.memref_slice %arg22[%dma_wait3A_204, %dma_wait3A_205] : memref<16384x128xf32, #tpu.memory_space<hbm>> -> memref<256x128xf32, #tpu.memory_space<hbm>>
        tpu.wait_dma2 semaphore(%arg26 : memref<!tpu.dma_semaphore, #tpu.memory_space<semaphore_mem>>) src(%run_scoped3A_158 : memref<256x128xf32, #tpu.memory_space<vmem>>) dst(%dma_wait3A_206 : memref<256x128xf32, #tpu.memory_space<hbm>>)
        %dma_start3A_207 = arith.constant 768 : i32
        %dma_start3A_208 = tpu.memref_slice %run_scoped3A_159[%dma_start3A_207] : memref<1280xi32, #tpu.memory_space<vmem>> -> memref<256xi32, #tpu.memory_space<vmem>>
        %dma_start3A_209 = arith.constant 0 : i32
        %dma_start3A_210 = arith.constant 0 : i32
        %dma_start3A_211 = tpu.memref_slice %arg11[%dma_start3A_209, %dma_start3A_210] : memref<100000x128xf32, #tpu.memory_space<hbm>> -> memref<100000x128xf32, #tpu.memory_space<hbm>>
        tpu.enqueue_indirect_dma source(%dma_start3A_211 : memref<100000x128xf32, #tpu.memory_space<hbm>>) target(%run_scoped3A_158 : memref<256x128xf32, #tpu.memory_space<vmem>>) offsets(%dma_start3A_208 : memref<256xi32, #tpu.memory_space<vmem>>) semaphore(%arg24 : memref<!tpu.dma_semaphore, #tpu.memory_space<semaphore_mem>>)
        %dma_wait3A_212 = arith.constant 512 : i32
        %dma_wait3A_213 = tpu.memref_slice %run_scoped3A_159[%dma_wait3A_212] : memref<1280xi32, #tpu.memory_space<vmem>> -> memref<256xi32, #tpu.memory_space<vmem>>
        %dma_wait3A_214 = arith.constant 0 : i32
        %dma_wait3A_215 = arith.constant 0 : i32
        %dma_wait3A_216 = tpu.memref_slice %arg11[%dma_wait3A_214, %dma_wait3A_215] : memref<100000x128xf32, #tpu.memory_space<hbm>> -> memref<100000x128xf32, #tpu.memory_space<hbm>>
        tpu.wait_indirect_dma semaphore(%arg23 : memref<!tpu.dma_semaphore, #tpu.memory_space<semaphore_mem>>) src(%dma_wait3A_216 : memref<100000x128xf32, #tpu.memory_space<hbm>>) dst(%run_scoped3A : memref<256x128xf32, #tpu.memory_space<vmem>>)
        %dma_start3A_217 = arith.constant 9472 : i32
        %dma_start3A_218 = arith.constant 0 : i32
        %dma_start3A_219 = tpu.memref_slice %arg22[%dma_start3A_217, %dma_start3A_218] : memref<16384x128xf32, #tpu.memory_space<hbm>> -> memref<256x128xf32, #tpu.memory_space<hbm>>
        %dma_start3A_220 = arith.constant 9472 : i32
        %dma_start3A_221 = arith.constant 0 : i32
        %dma_start3A_222 = tpu.memref_slice %arg22[%dma_start3A_220, %dma_start3A_221] : memref<16384x128xf32, #tpu.memory_space<hbm>> -> memref<256x128xf32, #tpu.memory_space<hbm>>
        tpu.enqueue_dma source(%run_scoped3A : memref<256x128xf32, #tpu.memory_space<vmem>>) target(%dma_start3A_222 : memref<256x128xf32, #tpu.memory_space<hbm>>) target_semaphore(%arg25 : memref<!tpu.dma_semaphore, #tpu.memory_space<semaphore_mem>>)
        %dma_wait3A_223 = arith.constant 9472 : i32
        %dma_wait3A_224 = arith.constant 0 : i32
        %dma_wait3A_225 = tpu.memref_slice %arg22[%dma_wait3A_223, %dma_wait3A_224] : memref<16384x128xf32, #tpu.memory_space<hbm>> -> memref<256x128xf32, #tpu.memory_space<hbm>>
        %dma_wait3A_226 = arith.constant 9472 : i32
        %dma_wait3A_227 = arith.constant 0 : i32
        %dma_wait3A_228 = tpu.memref_slice %arg22[%dma_wait3A_226, %dma_wait3A_227] : memref<16384x128xf32, #tpu.memory_space<hbm>> -> memref<256x128xf32, #tpu.memory_space<hbm>>
        tpu.wait_dma2 semaphore(%arg25 : memref<!tpu.dma_semaphore, #tpu.memory_space<semaphore_mem>>) src(%run_scoped3A : memref<256x128xf32, #tpu.memory_space<vmem>>) dst(%dma_wait3A_228 : memref<256x128xf32, #tpu.memory_space<hbm>>)
        %dma_start3A_229 = arith.constant 1024 : i32
        %dma_start3A_230 = tpu.memref_slice %run_scoped3A_159[%dma_start3A_229] : memref<1280xi32, #tpu.memory_space<vmem>> -> memref<256xi32, #tpu.memory_space<vmem>>
        %dma_start3A_231 = arith.constant 0 : i32
        %dma_start3A_232 = arith.constant 0 : i32
        %dma_start3A_233 = tpu.memref_slice %arg11[%dma_start3A_231, %dma_start3A_232] : memref<100000x128xf32, #tpu.memory_space<hbm>> -> memref<100000x128xf32, #tpu.memory_space<hbm>>
        tpu.enqueue_indirect_dma source(%dma_start3A_233 : memref<100000x128xf32, #tpu.memory_space<hbm>>) target(%run_scoped3A : memref<256x128xf32, #tpu.memory_space<vmem>>) offsets(%dma_start3A_230 : memref<256xi32, #tpu.memory_space<vmem>>) semaphore(%arg23 : memref<!tpu.dma_semaphore, #tpu.memory_space<semaphore_mem>>)
        %dma_wait3A_234 = arith.constant 768 : i32
        %dma_wait3A_235 = tpu.memref_slice %run_scoped3A_159[%dma_wait3A_234] : memref<1280xi32, #tpu.memory_space<vmem>> -> memref<256xi32, #tpu.memory_space<vmem>>
        %dma_wait3A_236 = arith.constant 0 : i32
        %dma_wait3A_237 = arith.constant 0 : i32
        %dma_wait3A_238 = tpu.memref_slice %arg11[%dma_wait3A_236, %dma_wait3A_237] : memref<100000x128xf32, #tpu.memory_space<hbm>> -> memref<100000x128xf32, #tpu.memory_space<hbm>>
        tpu.wait_indirect_dma semaphore(%arg24 : memref<!tpu.dma_semaphore, #tpu.memory_space<semaphore_mem>>) src(%dma_wait3A_238 : memref<100000x128xf32, #tpu.memory_space<hbm>>) dst(%run_scoped3A_158 : memref<256x128xf32, #tpu.memory_space<vmem>>)
        %dma_start3A_239 = arith.constant 9728 : i32
        %dma_start3A_240 = arith.constant 0 : i32
        %dma_start3A_241 = tpu.memref_slice %arg22[%dma_start3A_239, %dma_start3A_240] : memref<16384x128xf32, #tpu.memory_space<hbm>> -> memref<256x128xf32, #tpu.memory_space<hbm>>
        %dma_start3A_242 = arith.constant 9728 : i32
        %dma_start3A_243 = arith.constant 0 : i32
        %dma_start3A_244 = tpu.memref_slice %arg22[%dma_start3A_242, %dma_start3A_243] : memref<16384x128xf32, #tpu.memory_space<hbm>> -> memref<256x128xf32, #tpu.memory_space<hbm>>
        tpu.enqueue_dma source(%run_scoped3A_158 : memref<256x128xf32, #tpu.memory_space<vmem>>) target(%dma_start3A_244 : memref<256x128xf32, #tpu.memory_space<hbm>>) target_semaphore(%arg26 : memref<!tpu.dma_semaphore, #tpu.memory_space<semaphore_mem>>)
        %dma_wait3A_245 = arith.constant 1024 : i32
        %dma_wait3A_246 = tpu.memref_slice %run_scoped3A_159[%dma_wait3A_245] : memref<1280xi32, #tpu.memory_space<vmem>> -> memref<256xi32, #tpu.memory_space<vmem>>
        %dma_wait3A_247 = arith.constant 0 : i32
        %dma_wait3A_248 = arith.constant 0 : i32
        %dma_wait3A_249 = tpu.memref_slice %arg11[%dma_wait3A_247, %dma_wait3A_248] : memref<100000x128xf32, #tpu.memory_space<hbm>> -> memref<100000x128xf32, #tpu.memory_space<hbm>>
        tpu.wait_indirect_dma semaphore(%arg23 : memref<!tpu.dma_semaphore, #tpu.memory_space<semaphore_mem>>) src(%dma_wait3A_249 : memref<100000x128xf32, #tpu.memory_space<hbm>>) dst(%run_scoped3A : memref<256x128xf32, #tpu.memory_space<vmem>>)
        %dma_start3A_250 = arith.constant 9984 : i32
        %dma_start3A_251 = arith.constant 0 : i32
        %dma_start3A_252 = tpu.memref_slice %arg22[%dma_start3A_250, %dma_start3A_251] : memref<16384x128xf32, #tpu.memory_space<hbm>> -> memref<256x128xf32, #tpu.memory_space<hbm>>
        %dma_start3A_253 = arith.constant 9984 : i32
        %dma_start3A_254 = arith.constant 0 : i32
        %dma_start3A_255 = tpu.memref_slice %arg22[%dma_start3A_253, %dma_start3A_254] : memref<16384x128xf32, #tpu.memory_space<hbm>> -> memref<256x128xf32, #tpu.memory_space<hbm>>
        tpu.enqueue_dma source(%run_scoped3A : memref<256x128xf32, #tpu.memory_space<vmem>>) target(%dma_start3A_255 : memref<256x128xf32, #tpu.memory_space<hbm>>) target_semaphore(%arg25 : memref<!tpu.dma_semaphore, #tpu.memory_space<semaphore_mem>>)
        %dma_wait3A_256 = arith.constant 9728 : i32
        %dma_wait3A_257 = arith.constant 0 : i32
        %dma_wait3A_258 = tpu.memref_slice %arg22[%dma_wait3A_256, %dma_wait3A_257] : memref<16384x128xf32, #tpu.memory_space<hbm>> -> memref<256x128xf32, #tpu.memory_space<hbm>>
        %dma_wait3A_259 = arith.constant 9728 : i32
        %dma_wait3A_260 = arith.constant 0 : i32
        %dma_wait3A_261 = tpu.memref_slice %arg22[%dma_wait3A_259, %dma_wait3A_260] : memref<16384x128xf32, #tpu.memory_space<hbm>> -> memref<256x128xf32, #tpu.memory_space<hbm>>
        tpu.wait_dma2 semaphore(%arg26 : memref<!tpu.dma_semaphore, #tpu.memory_space<semaphore_mem>>) src(%run_scoped3A_158 : memref<256x128xf32, #tpu.memory_space<vmem>>) dst(%dma_wait3A_261 : memref<256x128xf32, #tpu.memory_space<hbm>>)
        %dma_wait3A_262 = arith.constant 9984 : i32
        %dma_wait3A_263 = arith.constant 0 : i32
        %dma_wait3A_264 = tpu.memref_slice %arg22[%dma_wait3A_262, %dma_wait3A_263] : memref<16384x128xf32, #tpu.memory_space<hbm>> -> memref<256x128xf32, #tpu.memory_space<hbm>>
        %dma_wait3A_265 = arith.constant 9984 : i32
        %dma_wait3A_266 = arith.constant 0 : i32
        %dma_wait3A_267 = tpu.memref_slice %arg22[%dma_wait3A_265, %dma_wait3A_266] : memref<16384x128xf32, #tpu.memory_space<hbm>> -> memref<256x128xf32, #tpu.memory_space<hbm>>
        tpu.wait_dma2 semaphore(%arg25 : memref<!tpu.dma_semaphore, #tpu.memory_space<semaphore_mem>>) src(%run_scoped3A : memref<256x128xf32, #tpu.memory_space<vmem>>) dst(%dma_wait3A_267 : memref<256x128xf32, #tpu.memory_space<hbm>>)
        tpu.yield
      }) : () -> ()
    } else {
    }
    %eq3A_128 = arith.constant 26 : i32
    %eq3A_129 = arith.cmpi eq, %add3A, %eq3A_128 : i32
    %convert_element_type3A_130 = arith.extui %eq3A_129 : i1 to i32
    %cond3A_131 = arith.constant 0 : i32
    %cond3A_132 = arith.cmpi ne, %convert_element_type3A_130, %cond3A_131 : i32
    scf.if %cond3A_132 {
      "tpu.region"() ({
        %run_scoped3A = memref.alloca() : memref<256x128xf32, #tpu.memory_space<vmem>>
        %run_scoped3A_158 = memref.alloca() : memref<256x128xf32, #tpu.memory_space<vmem>>
        %run_scoped3A_159 = memref.alloca() : memref<1024xi32, #tpu.memory_space<vmem>>
        "tpu.region"() ({
          %run_scoped3A_246 = tpu.sem_alloc : memref<!tpu.dma_semaphore, #tpu.memory_space<semaphore_mem>>
          %dma_start3A_247 = arith.constant 10240 : i32
          %dma_start3A_248 = tpu.memref_slice %arg12[%dma_start3A_247] : memref<16384xi32, #tpu.memory_space<hbm>> -> memref<1024xi32, #tpu.memory_space<hbm>>
          %dma_start3A_249 = arith.constant 10240 : i32
          %dma_start3A_250 = tpu.memref_slice %arg12[%dma_start3A_249] : memref<16384xi32, #tpu.memory_space<hbm>> -> memref<1024xi32, #tpu.memory_space<hbm>>
          tpu.enqueue_dma source(%dma_start3A_250 : memref<1024xi32, #tpu.memory_space<hbm>>) target(%run_scoped3A_159 : memref<1024xi32, #tpu.memory_space<vmem>>) target_semaphore(%run_scoped3A_246 : memref<!tpu.dma_semaphore, #tpu.memory_space<semaphore_mem>>)
          %dma_wait3A_251 = arith.constant 10240 : i32
          %dma_wait3A_252 = tpu.memref_slice %arg12[%dma_wait3A_251] : memref<16384xi32, #tpu.memory_space<hbm>> -> memref<1024xi32, #tpu.memory_space<hbm>>
          %dma_wait3A_253 = arith.constant 10240 : i32
          %dma_wait3A_254 = tpu.memref_slice %arg12[%dma_wait3A_253] : memref<16384xi32, #tpu.memory_space<hbm>> -> memref<1024xi32, #tpu.memory_space<hbm>>
          tpu.wait_dma2 semaphore(%run_scoped3A_246 : memref<!tpu.dma_semaphore, #tpu.memory_space<semaphore_mem>>) src(%dma_wait3A_254 : memref<1024xi32, #tpu.memory_space<hbm>>) dst(%run_scoped3A_159 : memref<1024xi32, #tpu.memory_space<vmem>>)
          tpu.yield
        }) : () -> ()
        %dma_start3A = arith.constant 0 : i32
        %dma_start3A_160 = tpu.memref_slice %run_scoped3A_159[%dma_start3A] : memref<1024xi32, #tpu.memory_space<vmem>> -> memref<256xi32, #tpu.memory_space<vmem>>
        %dma_start3A_161 = arith.constant 0 : i32
        %dma_start3A_162 = arith.constant 0 : i32
        %dma_start3A_163 = tpu.memref_slice %arg11[%dma_start3A_161, %dma_start3A_162] : memref<100000x128xf32, #tpu.memory_space<hbm>> -> memref<100000x128xf32, #tpu.memory_space<hbm>>
        tpu.enqueue_indirect_dma source(%dma_start3A_163 : memref<100000x128xf32, #tpu.memory_space<hbm>>) target(%run_scoped3A : memref<256x128xf32, #tpu.memory_space<vmem>>) offsets(%dma_start3A_160 : memref<256xi32, #tpu.memory_space<vmem>>) semaphore(%arg23 : memref<!tpu.dma_semaphore, #tpu.memory_space<semaphore_mem>>)
        %dma_start3A_164 = arith.constant 256 : i32
        %dma_start3A_165 = tpu.memref_slice %run_scoped3A_159[%dma_start3A_164] : memref<1024xi32, #tpu.memory_space<vmem>> -> memref<256xi32, #tpu.memory_space<vmem>>
        %dma_start3A_166 = arith.constant 0 : i32
        %dma_start3A_167 = arith.constant 0 : i32
        %dma_start3A_168 = tpu.memref_slice %arg11[%dma_start3A_166, %dma_start3A_167] : memref<100000x128xf32, #tpu.memory_space<hbm>> -> memref<100000x128xf32, #tpu.memory_space<hbm>>
        tpu.enqueue_indirect_dma source(%dma_start3A_168 : memref<100000x128xf32, #tpu.memory_space<hbm>>) target(%run_scoped3A_158 : memref<256x128xf32, #tpu.memory_space<vmem>>) offsets(%dma_start3A_165 : memref<256xi32, #tpu.memory_space<vmem>>) semaphore(%arg24 : memref<!tpu.dma_semaphore, #tpu.memory_space<semaphore_mem>>)
        %dma_wait3A = arith.constant 0 : i32
        %dma_wait3A_169 = tpu.memref_slice %run_scoped3A_159[%dma_wait3A] : memref<1024xi32, #tpu.memory_space<vmem>> -> memref<256xi32, #tpu.memory_space<vmem>>
        %dma_wait3A_170 = arith.constant 0 : i32
        %dma_wait3A_171 = arith.constant 0 : i32
        %dma_wait3A_172 = tpu.memref_slice %arg11[%dma_wait3A_170, %dma_wait3A_171] : memref<100000x128xf32, #tpu.memory_space<hbm>> -> memref<100000x128xf32, #tpu.memory_space<hbm>>
        tpu.wait_indirect_dma semaphore(%arg23 : memref<!tpu.dma_semaphore, #tpu.memory_space<semaphore_mem>>) src(%dma_wait3A_172 : memref<100000x128xf32, #tpu.memory_space<hbm>>) dst(%run_scoped3A : memref<256x128xf32, #tpu.memory_space<vmem>>)
        %dma_start3A_173 = arith.constant 10240 : i32
        %dma_start3A_174 = arith.constant 0 : i32
        %dma_start3A_175 = tpu.memref_slice %arg22[%dma_start3A_173, %dma_start3A_174] : memref<16384x128xf32, #tpu.memory_space<hbm>> -> memref<256x128xf32, #tpu.memory_space<hbm>>
        %dma_start3A_176 = arith.constant 10240 : i32
        %dma_start3A_177 = arith.constant 0 : i32
        %dma_start3A_178 = tpu.memref_slice %arg22[%dma_start3A_176, %dma_start3A_177] : memref<16384x128xf32, #tpu.memory_space<hbm>> -> memref<256x128xf32, #tpu.memory_space<hbm>>
        tpu.enqueue_dma source(%run_scoped3A : memref<256x128xf32, #tpu.memory_space<vmem>>) target(%dma_start3A_178 : memref<256x128xf32, #tpu.memory_space<hbm>>) target_semaphore(%arg25 : memref<!tpu.dma_semaphore, #tpu.memory_space<semaphore_mem>>)
        %dma_wait3A_179 = arith.constant 10240 : i32
        %dma_wait3A_180 = arith.constant 0 : i32
        %dma_wait3A_181 = tpu.memref_slice %arg22[%dma_wait3A_179, %dma_wait3A_180] : memref<16384x128xf32, #tpu.memory_space<hbm>> -> memref<256x128xf32, #tpu.memory_space<hbm>>
        %dma_wait3A_182 = arith.constant 10240 : i32
        %dma_wait3A_183 = arith.constant 0 : i32
        %dma_wait3A_184 = tpu.memref_slice %arg22[%dma_wait3A_182, %dma_wait3A_183] : memref<16384x128xf32, #tpu.memory_space<hbm>> -> memref<256x128xf32, #tpu.memory_space<hbm>>
        tpu.wait_dma2 semaphore(%arg25 : memref<!tpu.dma_semaphore, #tpu.memory_space<semaphore_mem>>) src(%run_scoped3A : memref<256x128xf32, #tpu.memory_space<vmem>>) dst(%dma_wait3A_184 : memref<256x128xf32, #tpu.memory_space<hbm>>)
        %dma_start3A_185 = arith.constant 512 : i32
        %dma_start3A_186 = tpu.memref_slice %run_scoped3A_159[%dma_start3A_185] : memref<1024xi32, #tpu.memory_space<vmem>> -> memref<256xi32, #tpu.memory_space<vmem>>
        %dma_start3A_187 = arith.constant 0 : i32
        %dma_start3A_188 = arith.constant 0 : i32
        %dma_start3A_189 = tpu.memref_slice %arg11[%dma_start3A_187, %dma_start3A_188] : memref<100000x128xf32, #tpu.memory_space<hbm>> -> memref<100000x128xf32, #tpu.memory_space<hbm>>
        tpu.enqueue_indirect_dma source(%dma_start3A_189 : memref<100000x128xf32, #tpu.memory_space<hbm>>) target(%run_scoped3A : memref<256x128xf32, #tpu.memory_space<vmem>>) offsets(%dma_start3A_186 : memref<256xi32, #tpu.memory_space<vmem>>) semaphore(%arg23 : memref<!tpu.dma_semaphore, #tpu.memory_space<semaphore_mem>>)
        %dma_wait3A_190 = arith.constant 256 : i32
        %dma_wait3A_191 = tpu.memref_slice %run_scoped3A_159[%dma_wait3A_190] : memref<1024xi32, #tpu.memory_space<vmem>> -> memref<256xi32, #tpu.memory_space<vmem>>
        %dma_wait3A_192 = arith.constant 0 : i32
        %dma_wait3A_193 = arith.constant 0 : i32
        %dma_wait3A_194 = tpu.memref_slice %arg11[%dma_wait3A_192, %dma_wait3A_193] : memref<100000x128xf32, #tpu.memory_space<hbm>> -> memref<100000x128xf32, #tpu.memory_space<hbm>>
        tpu.wait_indirect_dma semaphore(%arg24 : memref<!tpu.dma_semaphore, #tpu.memory_space<semaphore_mem>>) src(%dma_wait3A_194 : memref<100000x128xf32, #tpu.memory_space<hbm>>) dst(%run_scoped3A_158 : memref<256x128xf32, #tpu.memory_space<vmem>>)
        %dma_start3A_195 = arith.constant 10496 : i32
        %dma_start3A_196 = arith.constant 0 : i32
        %dma_start3A_197 = tpu.memref_slice %arg22[%dma_start3A_195, %dma_start3A_196] : memref<16384x128xf32, #tpu.memory_space<hbm>> -> memref<256x128xf32, #tpu.memory_space<hbm>>
        %dma_start3A_198 = arith.constant 10496 : i32
        %dma_start3A_199 = arith.constant 0 : i32
        %dma_start3A_200 = tpu.memref_slice %arg22[%dma_start3A_198, %dma_start3A_199] : memref<16384x128xf32, #tpu.memory_space<hbm>> -> memref<256x128xf32, #tpu.memory_space<hbm>>
        tpu.enqueue_dma source(%run_scoped3A_158 : memref<256x128xf32, #tpu.memory_space<vmem>>) target(%dma_start3A_200 : memref<256x128xf32, #tpu.memory_space<hbm>>) target_semaphore(%arg26 : memref<!tpu.dma_semaphore, #tpu.memory_space<semaphore_mem>>)
        %dma_wait3A_201 = arith.constant 10496 : i32
        %dma_wait3A_202 = arith.constant 0 : i32
        %dma_wait3A_203 = tpu.memref_slice %arg22[%dma_wait3A_201, %dma_wait3A_202] : memref<16384x128xf32, #tpu.memory_space<hbm>> -> memref<256x128xf32, #tpu.memory_space<hbm>>
        %dma_wait3A_204 = arith.constant 10496 : i32
        %dma_wait3A_205 = arith.constant 0 : i32
        %dma_wait3A_206 = tpu.memref_slice %arg22[%dma_wait3A_204, %dma_wait3A_205] : memref<16384x128xf32, #tpu.memory_space<hbm>> -> memref<256x128xf32, #tpu.memory_space<hbm>>
        tpu.wait_dma2 semaphore(%arg26 : memref<!tpu.dma_semaphore, #tpu.memory_space<semaphore_mem>>) src(%run_scoped3A_158 : memref<256x128xf32, #tpu.memory_space<vmem>>) dst(%dma_wait3A_206 : memref<256x128xf32, #tpu.memory_space<hbm>>)
        %dma_start3A_207 = arith.constant 768 : i32
        %dma_start3A_208 = tpu.memref_slice %run_scoped3A_159[%dma_start3A_207] : memref<1024xi32, #tpu.memory_space<vmem>> -> memref<256xi32, #tpu.memory_space<vmem>>
        %dma_start3A_209 = arith.constant 0 : i32
        %dma_start3A_210 = arith.constant 0 : i32
        %dma_start3A_211 = tpu.memref_slice %arg11[%dma_start3A_209, %dma_start3A_210] : memref<100000x128xf32, #tpu.memory_space<hbm>> -> memref<100000x128xf32, #tpu.memory_space<hbm>>
        tpu.enqueue_indirect_dma source(%dma_start3A_211 : memref<100000x128xf32, #tpu.memory_space<hbm>>) target(%run_scoped3A_158 : memref<256x128xf32, #tpu.memory_space<vmem>>) offsets(%dma_start3A_208 : memref<256xi32, #tpu.memory_space<vmem>>) semaphore(%arg24 : memref<!tpu.dma_semaphore, #tpu.memory_space<semaphore_mem>>)
        %dma_wait3A_212 = arith.constant 512 : i32
        %dma_wait3A_213 = tpu.memref_slice %run_scoped3A_159[%dma_wait3A_212] : memref<1024xi32, #tpu.memory_space<vmem>> -> memref<256xi32, #tpu.memory_space<vmem>>
        %dma_wait3A_214 = arith.constant 0 : i32
        %dma_wait3A_215 = arith.constant 0 : i32
        %dma_wait3A_216 = tpu.memref_slice %arg11[%dma_wait3A_214, %dma_wait3A_215] : memref<100000x128xf32, #tpu.memory_space<hbm>> -> memref<100000x128xf32, #tpu.memory_space<hbm>>
        tpu.wait_indirect_dma semaphore(%arg23 : memref<!tpu.dma_semaphore, #tpu.memory_space<semaphore_mem>>) src(%dma_wait3A_216 : memref<100000x128xf32, #tpu.memory_space<hbm>>) dst(%run_scoped3A : memref<256x128xf32, #tpu.memory_space<vmem>>)
        %dma_start3A_217 = arith.constant 10752 : i32
        %dma_start3A_218 = arith.constant 0 : i32
        %dma_start3A_219 = tpu.memref_slice %arg22[%dma_start3A_217, %dma_start3A_218] : memref<16384x128xf32, #tpu.memory_space<hbm>> -> memref<256x128xf32, #tpu.memory_space<hbm>>
        %dma_start3A_220 = arith.constant 10752 : i32
        %dma_start3A_221 = arith.constant 0 : i32
        %dma_start3A_222 = tpu.memref_slice %arg22[%dma_start3A_220, %dma_start3A_221] : memref<16384x128xf32, #tpu.memory_space<hbm>> -> memref<256x128xf32, #tpu.memory_space<hbm>>
        tpu.enqueue_dma source(%run_scoped3A : memref<256x128xf32, #tpu.memory_space<vmem>>) target(%dma_start3A_222 : memref<256x128xf32, #tpu.memory_space<hbm>>) target_semaphore(%arg25 : memref<!tpu.dma_semaphore, #tpu.memory_space<semaphore_mem>>)
        %dma_wait3A_223 = arith.constant 768 : i32
        %dma_wait3A_224 = tpu.memref_slice %run_scoped3A_159[%dma_wait3A_223] : memref<1024xi32, #tpu.memory_space<vmem>> -> memref<256xi32, #tpu.memory_space<vmem>>
        %dma_wait3A_225 = arith.constant 0 : i32
        %dma_wait3A_226 = arith.constant 0 : i32
        %dma_wait3A_227 = tpu.memref_slice %arg11[%dma_wait3A_225, %dma_wait3A_226] : memref<100000x128xf32, #tpu.memory_space<hbm>> -> memref<100000x128xf32, #tpu.memory_space<hbm>>
        tpu.wait_indirect_dma semaphore(%arg24 : memref<!tpu.dma_semaphore, #tpu.memory_space<semaphore_mem>>) src(%dma_wait3A_227 : memref<100000x128xf32, #tpu.memory_space<hbm>>) dst(%run_scoped3A_158 : memref<256x128xf32, #tpu.memory_space<vmem>>)
        %dma_start3A_228 = arith.constant 11008 : i32
        %dma_start3A_229 = arith.constant 0 : i32
        %dma_start3A_230 = tpu.memref_slice %arg22[%dma_start3A_228, %dma_start3A_229] : memref<16384x128xf32, #tpu.memory_space<hbm>> -> memref<256x128xf32, #tpu.memory_space<hbm>>
        %dma_start3A_231 = arith.constant 11008 : i32
        %dma_start3A_232 = arith.constant 0 : i32
        %dma_start3A_233 = tpu.memref_slice %arg22[%dma_start3A_231, %dma_start3A_232] : memref<16384x128xf32, #tpu.memory_space<hbm>> -> memref<256x128xf32, #tpu.memory_space<hbm>>
        tpu.enqueue_dma source(%run_scoped3A_158 : memref<256x128xf32, #tpu.memory_space<vmem>>) target(%dma_start3A_233 : memref<256x128xf32, #tpu.memory_space<hbm>>) target_semaphore(%arg26 : memref<!tpu.dma_semaphore, #tpu.memory_space<semaphore_mem>>)
        %dma_wait3A_234 = arith.constant 10752 : i32
        %dma_wait3A_235 = arith.constant 0 : i32
        %dma_wait3A_236 = tpu.memref_slice %arg22[%dma_wait3A_234, %dma_wait3A_235] : memref<16384x128xf32, #tpu.memory_space<hbm>> -> memref<256x128xf32, #tpu.memory_space<hbm>>
        %dma_wait3A_237 = arith.constant 10752 : i32
        %dma_wait3A_238 = arith.constant 0 : i32
        %dma_wait3A_239 = tpu.memref_slice %arg22[%dma_wait3A_237, %dma_wait3A_238] : memref<16384x128xf32, #tpu.memory_space<hbm>> -> memref<256x128xf32, #tpu.memory_space<hbm>>
        tpu.wait_dma2 semaphore(%arg25 : memref<!tpu.dma_semaphore, #tpu.memory_space<semaphore_mem>>) src(%run_scoped3A : memref<256x128xf32, #tpu.memory_space<vmem>>) dst(%dma_wait3A_239 : memref<256x128xf32, #tpu.memory_space<hbm>>)
        %dma_wait3A_240 = arith.constant 11008 : i32
        %dma_wait3A_241 = arith.constant 0 : i32
        %dma_wait3A_242 = tpu.memref_slice %arg22[%dma_wait3A_240, %dma_wait3A_241] : memref<16384x128xf32, #tpu.memory_space<hbm>> -> memref<256x128xf32, #tpu.memory_space<hbm>>
        %dma_wait3A_243 = arith.constant 11008 : i32
        %dma_wait3A_244 = arith.constant 0 : i32
        %dma_wait3A_245 = tpu.memref_slice %arg22[%dma_wait3A_243, %dma_wait3A_244] : memref<16384x128xf32, #tpu.memory_space<hbm>> -> memref<256x128xf32, #tpu.memory_space<hbm>>
        tpu.wait_dma2 semaphore(%arg26 : memref<!tpu.dma_semaphore, #tpu.memory_space<semaphore_mem>>) src(%run_scoped3A_158 : memref<256x128xf32, #tpu.memory_space<vmem>>) dst(%dma_wait3A_245 : memref<256x128xf32, #tpu.memory_space<hbm>>)
        tpu.yield
      }) : () -> ()
    } else {
    }
    %eq3A_133 = arith.constant 27 : i32
    %eq3A_134 = arith.cmpi eq, %add3A, %eq3A_133 : i32
    %convert_element_type3A_135 = arith.extui %eq3A_134 : i1 to i32
    %cond3A_136 = arith.constant 0 : i32
    %cond3A_137 = arith.cmpi ne, %convert_element_type3A_135, %cond3A_136 : i32
    scf.if %cond3A_137 {
      "tpu.region"() ({
        %run_scoped3A = memref.alloca() : memref<256x128xf32, #tpu.memory_space<vmem>>
        %run_scoped3A_158 = memref.alloca() : memref<256x128xf32, #tpu.memory_space<vmem>>
        %run_scoped3A_159 = memref.alloca() : memref<1024xi32, #tpu.memory_space<vmem>>
        "tpu.region"() ({
          %run_scoped3A_246 = tpu.sem_alloc : memref<!tpu.dma_semaphore, #tpu.memory_space<semaphore_mem>>
          %dma_start3A_247 = arith.constant 11264 : i32
          %dma_start3A_248 = tpu.memref_slice %arg12[%dma_start3A_247] : memref<16384xi32, #tpu.memory_space<hbm>> -> memref<1024xi32, #tpu.memory_space<hbm>>
          %dma_start3A_249 = arith.constant 11264 : i32
          %dma_start3A_250 = tpu.memref_slice %arg12[%dma_start3A_249] : memref<16384xi32, #tpu.memory_space<hbm>> -> memref<1024xi32, #tpu.memory_space<hbm>>
          tpu.enqueue_dma source(%dma_start3A_250 : memref<1024xi32, #tpu.memory_space<hbm>>) target(%run_scoped3A_159 : memref<1024xi32, #tpu.memory_space<vmem>>) target_semaphore(%run_scoped3A_246 : memref<!tpu.dma_semaphore, #tpu.memory_space<semaphore_mem>>)
          %dma_wait3A_251 = arith.constant 11264 : i32
          %dma_wait3A_252 = tpu.memref_slice %arg12[%dma_wait3A_251] : memref<16384xi32, #tpu.memory_space<hbm>> -> memref<1024xi32, #tpu.memory_space<hbm>>
          %dma_wait3A_253 = arith.constant 11264 : i32
          %dma_wait3A_254 = tpu.memref_slice %arg12[%dma_wait3A_253] : memref<16384xi32, #tpu.memory_space<hbm>> -> memref<1024xi32, #tpu.memory_space<hbm>>
          tpu.wait_dma2 semaphore(%run_scoped3A_246 : memref<!tpu.dma_semaphore, #tpu.memory_space<semaphore_mem>>) src(%dma_wait3A_254 : memref<1024xi32, #tpu.memory_space<hbm>>) dst(%run_scoped3A_159 : memref<1024xi32, #tpu.memory_space<vmem>>)
          tpu.yield
        }) : () -> ()
        %dma_start3A = arith.constant 0 : i32
        %dma_start3A_160 = tpu.memref_slice %run_scoped3A_159[%dma_start3A] : memref<1024xi32, #tpu.memory_space<vmem>> -> memref<256xi32, #tpu.memory_space<vmem>>
        %dma_start3A_161 = arith.constant 0 : i32
        %dma_start3A_162 = arith.constant 0 : i32
        %dma_start3A_163 = tpu.memref_slice %arg11[%dma_start3A_161, %dma_start3A_162] : memref<100000x128xf32, #tpu.memory_space<hbm>> -> memref<100000x128xf32, #tpu.memory_space<hbm>>
        tpu.enqueue_indirect_dma source(%dma_start3A_163 : memref<100000x128xf32, #tpu.memory_space<hbm>>) target(%run_scoped3A : memref<256x128xf32, #tpu.memory_space<vmem>>) offsets(%dma_start3A_160 : memref<256xi32, #tpu.memory_space<vmem>>) semaphore(%arg23 : memref<!tpu.dma_semaphore, #tpu.memory_space<semaphore_mem>>)
        %dma_start3A_164 = arith.constant 256 : i32
        %dma_start3A_165 = tpu.memref_slice %run_scoped3A_159[%dma_start3A_164] : memref<1024xi32, #tpu.memory_space<vmem>> -> memref<256xi32, #tpu.memory_space<vmem>>
        %dma_start3A_166 = arith.constant 0 : i32
        %dma_start3A_167 = arith.constant 0 : i32
        %dma_start3A_168 = tpu.memref_slice %arg11[%dma_start3A_166, %dma_start3A_167] : memref<100000x128xf32, #tpu.memory_space<hbm>> -> memref<100000x128xf32, #tpu.memory_space<hbm>>
        tpu.enqueue_indirect_dma source(%dma_start3A_168 : memref<100000x128xf32, #tpu.memory_space<hbm>>) target(%run_scoped3A_158 : memref<256x128xf32, #tpu.memory_space<vmem>>) offsets(%dma_start3A_165 : memref<256xi32, #tpu.memory_space<vmem>>) semaphore(%arg24 : memref<!tpu.dma_semaphore, #tpu.memory_space<semaphore_mem>>)
        %dma_wait3A = arith.constant 0 : i32
        %dma_wait3A_169 = tpu.memref_slice %run_scoped3A_159[%dma_wait3A] : memref<1024xi32, #tpu.memory_space<vmem>> -> memref<256xi32, #tpu.memory_space<vmem>>
        %dma_wait3A_170 = arith.constant 0 : i32
        %dma_wait3A_171 = arith.constant 0 : i32
        %dma_wait3A_172 = tpu.memref_slice %arg11[%dma_wait3A_170, %dma_wait3A_171] : memref<100000x128xf32, #tpu.memory_space<hbm>> -> memref<100000x128xf32, #tpu.memory_space<hbm>>
        tpu.wait_indirect_dma semaphore(%arg23 : memref<!tpu.dma_semaphore, #tpu.memory_space<semaphore_mem>>) src(%dma_wait3A_172 : memref<100000x128xf32, #tpu.memory_space<hbm>>) dst(%run_scoped3A : memref<256x128xf32, #tpu.memory_space<vmem>>)
        %dma_start3A_173 = arith.constant 11264 : i32
        %dma_start3A_174 = arith.constant 0 : i32
        %dma_start3A_175 = tpu.memref_slice %arg22[%dma_start3A_173, %dma_start3A_174] : memref<16384x128xf32, #tpu.memory_space<hbm>> -> memref<256x128xf32, #tpu.memory_space<hbm>>
        %dma_start3A_176 = arith.constant 11264 : i32
        %dma_start3A_177 = arith.constant 0 : i32
        %dma_start3A_178 = tpu.memref_slice %arg22[%dma_start3A_176, %dma_start3A_177] : memref<16384x128xf32, #tpu.memory_space<hbm>> -> memref<256x128xf32, #tpu.memory_space<hbm>>
        tpu.enqueue_dma source(%run_scoped3A : memref<256x128xf32, #tpu.memory_space<vmem>>) target(%dma_start3A_178 : memref<256x128xf32, #tpu.memory_space<hbm>>) target_semaphore(%arg25 : memref<!tpu.dma_semaphore, #tpu.memory_space<semaphore_mem>>)
        %dma_wait3A_179 = arith.constant 11264 : i32
        %dma_wait3A_180 = arith.constant 0 : i32
        %dma_wait3A_181 = tpu.memref_slice %arg22[%dma_wait3A_179, %dma_wait3A_180] : memref<16384x128xf32, #tpu.memory_space<hbm>> -> memref<256x128xf32, #tpu.memory_space<hbm>>
        %dma_wait3A_182 = arith.constant 11264 : i32
        %dma_wait3A_183 = arith.constant 0 : i32
        %dma_wait3A_184 = tpu.memref_slice %arg22[%dma_wait3A_182, %dma_wait3A_183] : memref<16384x128xf32, #tpu.memory_space<hbm>> -> memref<256x128xf32, #tpu.memory_space<hbm>>
        tpu.wait_dma2 semaphore(%arg25 : memref<!tpu.dma_semaphore, #tpu.memory_space<semaphore_mem>>) src(%run_scoped3A : memref<256x128xf32, #tpu.memory_space<vmem>>) dst(%dma_wait3A_184 : memref<256x128xf32, #tpu.memory_space<hbm>>)
        %dma_start3A_185 = arith.constant 512 : i32
        %dma_start3A_186 = tpu.memref_slice %run_scoped3A_159[%dma_start3A_185] : memref<1024xi32, #tpu.memory_space<vmem>> -> memref<256xi32, #tpu.memory_space<vmem>>
        %dma_start3A_187 = arith.constant 0 : i32
        %dma_start3A_188 = arith.constant 0 : i32
        %dma_start3A_189 = tpu.memref_slice %arg11[%dma_start3A_187, %dma_start3A_188] : memref<100000x128xf32, #tpu.memory_space<hbm>> -> memref<100000x128xf32, #tpu.memory_space<hbm>>
        tpu.enqueue_indirect_dma source(%dma_start3A_189 : memref<100000x128xf32, #tpu.memory_space<hbm>>) target(%run_scoped3A : memref<256x128xf32, #tpu.memory_space<vmem>>) offsets(%dma_start3A_186 : memref<256xi32, #tpu.memory_space<vmem>>) semaphore(%arg23 : memref<!tpu.dma_semaphore, #tpu.memory_space<semaphore_mem>>)
        %dma_wait3A_190 = arith.constant 256 : i32
        %dma_wait3A_191 = tpu.memref_slice %run_scoped3A_159[%dma_wait3A_190] : memref<1024xi32, #tpu.memory_space<vmem>> -> memref<256xi32, #tpu.memory_space<vmem>>
        %dma_wait3A_192 = arith.constant 0 : i32
        %dma_wait3A_193 = arith.constant 0 : i32
        %dma_wait3A_194 = tpu.memref_slice %arg11[%dma_wait3A_192, %dma_wait3A_193] : memref<100000x128xf32, #tpu.memory_space<hbm>> -> memref<100000x128xf32, #tpu.memory_space<hbm>>
        tpu.wait_indirect_dma semaphore(%arg24 : memref<!tpu.dma_semaphore, #tpu.memory_space<semaphore_mem>>) src(%dma_wait3A_194 : memref<100000x128xf32, #tpu.memory_space<hbm>>) dst(%run_scoped3A_158 : memref<256x128xf32, #tpu.memory_space<vmem>>)
        %dma_start3A_195 = arith.constant 11520 : i32
        %dma_start3A_196 = arith.constant 0 : i32
        %dma_start3A_197 = tpu.memref_slice %arg22[%dma_start3A_195, %dma_start3A_196] : memref<16384x128xf32, #tpu.memory_space<hbm>> -> memref<256x128xf32, #tpu.memory_space<hbm>>
        %dma_start3A_198 = arith.constant 11520 : i32
        %dma_start3A_199 = arith.constant 0 : i32
        %dma_start3A_200 = tpu.memref_slice %arg22[%dma_start3A_198, %dma_start3A_199] : memref<16384x128xf32, #tpu.memory_space<hbm>> -> memref<256x128xf32, #tpu.memory_space<hbm>>
        tpu.enqueue_dma source(%run_scoped3A_158 : memref<256x128xf32, #tpu.memory_space<vmem>>) target(%dma_start3A_200 : memref<256x128xf32, #tpu.memory_space<hbm>>) target_semaphore(%arg26 : memref<!tpu.dma_semaphore, #tpu.memory_space<semaphore_mem>>)
        %dma_wait3A_201 = arith.constant 11520 : i32
        %dma_wait3A_202 = arith.constant 0 : i32
        %dma_wait3A_203 = tpu.memref_slice %arg22[%dma_wait3A_201, %dma_wait3A_202] : memref<16384x128xf32, #tpu.memory_space<hbm>> -> memref<256x128xf32, #tpu.memory_space<hbm>>
        %dma_wait3A_204 = arith.constant 11520 : i32
        %dma_wait3A_205 = arith.constant 0 : i32
        %dma_wait3A_206 = tpu.memref_slice %arg22[%dma_wait3A_204, %dma_wait3A_205] : memref<16384x128xf32, #tpu.memory_space<hbm>> -> memref<256x128xf32, #tpu.memory_space<hbm>>
        tpu.wait_dma2 semaphore(%arg26 : memref<!tpu.dma_semaphore, #tpu.memory_space<semaphore_mem>>) src(%run_scoped3A_158 : memref<256x128xf32, #tpu.memory_space<vmem>>) dst(%dma_wait3A_206 : memref<256x128xf32, #tpu.memory_space<hbm>>)
        %dma_start3A_207 = arith.constant 768 : i32
        %dma_start3A_208 = tpu.memref_slice %run_scoped3A_159[%dma_start3A_207] : memref<1024xi32, #tpu.memory_space<vmem>> -> memref<256xi32, #tpu.memory_space<vmem>>
        %dma_start3A_209 = arith.constant 0 : i32
        %dma_start3A_210 = arith.constant 0 : i32
        %dma_start3A_211 = tpu.memref_slice %arg11[%dma_start3A_209, %dma_start3A_210] : memref<100000x128xf32, #tpu.memory_space<hbm>> -> memref<100000x128xf32, #tpu.memory_space<hbm>>
        tpu.enqueue_indirect_dma source(%dma_start3A_211 : memref<100000x128xf32, #tpu.memory_space<hbm>>) target(%run_scoped3A_158 : memref<256x128xf32, #tpu.memory_space<vmem>>) offsets(%dma_start3A_208 : memref<256xi32, #tpu.memory_space<vmem>>) semaphore(%arg24 : memref<!tpu.dma_semaphore, #tpu.memory_space<semaphore_mem>>)
        %dma_wait3A_212 = arith.constant 512 : i32
        %dma_wait3A_213 = tpu.memref_slice %run_scoped3A_159[%dma_wait3A_212] : memref<1024xi32, #tpu.memory_space<vmem>> -> memref<256xi32, #tpu.memory_space<vmem>>
        %dma_wait3A_214 = arith.constant 0 : i32
        %dma_wait3A_215 = arith.constant 0 : i32
        %dma_wait3A_216 = tpu.memref_slice %arg11[%dma_wait3A_214, %dma_wait3A_215] : memref<100000x128xf32, #tpu.memory_space<hbm>> -> memref<100000x128xf32, #tpu.memory_space<hbm>>
        tpu.wait_indirect_dma semaphore(%arg23 : memref<!tpu.dma_semaphore, #tpu.memory_space<semaphore_mem>>) src(%dma_wait3A_216 : memref<100000x128xf32, #tpu.memory_space<hbm>>) dst(%run_scoped3A : memref<256x128xf32, #tpu.memory_space<vmem>>)
        %dma_start3A_217 = arith.constant 11776 : i32
        %dma_start3A_218 = arith.constant 0 : i32
        %dma_start3A_219 = tpu.memref_slice %arg22[%dma_start3A_217, %dma_start3A_218] : memref<16384x128xf32, #tpu.memory_space<hbm>> -> memref<256x128xf32, #tpu.memory_space<hbm>>
        %dma_start3A_220 = arith.constant 11776 : i32
        %dma_start3A_221 = arith.constant 0 : i32
        %dma_start3A_222 = tpu.memref_slice %arg22[%dma_start3A_220, %dma_start3A_221] : memref<16384x128xf32, #tpu.memory_space<hbm>> -> memref<256x128xf32, #tpu.memory_space<hbm>>
        tpu.enqueue_dma source(%run_scoped3A : memref<256x128xf32, #tpu.memory_space<vmem>>) target(%dma_start3A_222 : memref<256x128xf32, #tpu.memory_space<hbm>>) target_semaphore(%arg25 : memref<!tpu.dma_semaphore, #tpu.memory_space<semaphore_mem>>)
        %dma_wait3A_223 = arith.constant 768 : i32
        %dma_wait3A_224 = tpu.memref_slice %run_scoped3A_159[%dma_wait3A_223] : memref<1024xi32, #tpu.memory_space<vmem>> -> memref<256xi32, #tpu.memory_space<vmem>>
        %dma_wait3A_225 = arith.constant 0 : i32
        %dma_wait3A_226 = arith.constant 0 : i32
        %dma_wait3A_227 = tpu.memref_slice %arg11[%dma_wait3A_225, %dma_wait3A_226] : memref<100000x128xf32, #tpu.memory_space<hbm>> -> memref<100000x128xf32, #tpu.memory_space<hbm>>
        tpu.wait_indirect_dma semaphore(%arg24 : memref<!tpu.dma_semaphore, #tpu.memory_space<semaphore_mem>>) src(%dma_wait3A_227 : memref<100000x128xf32, #tpu.memory_space<hbm>>) dst(%run_scoped3A_158 : memref<256x128xf32, #tpu.memory_space<vmem>>)
        %dma_start3A_228 = arith.constant 12032 : i32
        %dma_start3A_229 = arith.constant 0 : i32
        %dma_start3A_230 = tpu.memref_slice %arg22[%dma_start3A_228, %dma_start3A_229] : memref<16384x128xf32, #tpu.memory_space<hbm>> -> memref<256x128xf32, #tpu.memory_space<hbm>>
        %dma_start3A_231 = arith.constant 12032 : i32
        %dma_start3A_232 = arith.constant 0 : i32
        %dma_start3A_233 = tpu.memref_slice %arg22[%dma_start3A_231, %dma_start3A_232] : memref<16384x128xf32, #tpu.memory_space<hbm>> -> memref<256x128xf32, #tpu.memory_space<hbm>>
        tpu.enqueue_dma source(%run_scoped3A_158 : memref<256x128xf32, #tpu.memory_space<vmem>>) target(%dma_start3A_233 : memref<256x128xf32, #tpu.memory_space<hbm>>) target_semaphore(%arg26 : memref<!tpu.dma_semaphore, #tpu.memory_space<semaphore_mem>>)
        %dma_wait3A_234 = arith.constant 11776 : i32
        %dma_wait3A_235 = arith.constant 0 : i32
        %dma_wait3A_236 = tpu.memref_slice %arg22[%dma_wait3A_234, %dma_wait3A_235] : memref<16384x128xf32, #tpu.memory_space<hbm>> -> memref<256x128xf32, #tpu.memory_space<hbm>>
        %dma_wait3A_237 = arith.constant 11776 : i32
        %dma_wait3A_238 = arith.constant 0 : i32
        %dma_wait3A_239 = tpu.memref_slice %arg22[%dma_wait3A_237, %dma_wait3A_238] : memref<16384x128xf32, #tpu.memory_space<hbm>> -> memref<256x128xf32, #tpu.memory_space<hbm>>
        tpu.wait_dma2 semaphore(%arg25 : memref<!tpu.dma_semaphore, #tpu.memory_space<semaphore_mem>>) src(%run_scoped3A : memref<256x128xf32, #tpu.memory_space<vmem>>) dst(%dma_wait3A_239 : memref<256x128xf32, #tpu.memory_space<hbm>>)
        %dma_wait3A_240 = arith.constant 12032 : i32
        %dma_wait3A_241 = arith.constant 0 : i32
        %dma_wait3A_242 = tpu.memref_slice %arg22[%dma_wait3A_240, %dma_wait3A_241] : memref<16384x128xf32, #tpu.memory_space<hbm>> -> memref<256x128xf32, #tpu.memory_space<hbm>>
        %dma_wait3A_243 = arith.constant 12032 : i32
        %dma_wait3A_244 = arith.constant 0 : i32
        %dma_wait3A_245 = tpu.memref_slice %arg22[%dma_wait3A_243, %dma_wait3A_244] : memref<16384x128xf32, #tpu.memory_space<hbm>> -> memref<256x128xf32, #tpu.memory_space<hbm>>
        tpu.wait_dma2 semaphore(%arg26 : memref<!tpu.dma_semaphore, #tpu.memory_space<semaphore_mem>>) src(%run_scoped3A_158 : memref<256x128xf32, #tpu.memory_space<vmem>>) dst(%dma_wait3A_245 : memref<256x128xf32, #tpu.memory_space<hbm>>)
        tpu.yield
      }) : () -> ()
    } else {
    }
    %eq3A_138 = arith.constant 28 : i32
    %eq3A_139 = arith.cmpi eq, %add3A, %eq3A_138 : i32
    %convert_element_type3A_140 = arith.extui %eq3A_139 : i1 to i32
    %cond3A_141 = arith.constant 0 : i32
    %cond3A_142 = arith.cmpi ne, %convert_element_type3A_140, %cond3A_141 : i32
    scf.if %cond3A_142 {
      "tpu.region"() ({
        %run_scoped3A = memref.alloca() : memref<256x128xf32, #tpu.memory_space<vmem>>
        %run_scoped3A_158 = memref.alloca() : memref<256x128xf32, #tpu.memory_space<vmem>>
        %run_scoped3A_159 = memref.alloca() : memref<1024xi32, #tpu.memory_space<vmem>>
        "tpu.region"() ({
          %run_scoped3A_246 = tpu.sem_alloc : memref<!tpu.dma_semaphore, #tpu.memory_space<semaphore_mem>>
          %dma_start3A_247 = arith.constant 12288 : i32
          %dma_start3A_248 = tpu.memref_slice %arg12[%dma_start3A_247] : memref<16384xi32, #tpu.memory_space<hbm>> -> memref<1024xi32, #tpu.memory_space<hbm>>
          %dma_start3A_249 = arith.constant 12288 : i32
          %dma_start3A_250 = tpu.memref_slice %arg12[%dma_start3A_249] : memref<16384xi32, #tpu.memory_space<hbm>> -> memref<1024xi32, #tpu.memory_space<hbm>>
          tpu.enqueue_dma source(%dma_start3A_250 : memref<1024xi32, #tpu.memory_space<hbm>>) target(%run_scoped3A_159 : memref<1024xi32, #tpu.memory_space<vmem>>) target_semaphore(%run_scoped3A_246 : memref<!tpu.dma_semaphore, #tpu.memory_space<semaphore_mem>>)
          %dma_wait3A_251 = arith.constant 12288 : i32
          %dma_wait3A_252 = tpu.memref_slice %arg12[%dma_wait3A_251] : memref<16384xi32, #tpu.memory_space<hbm>> -> memref<1024xi32, #tpu.memory_space<hbm>>
          %dma_wait3A_253 = arith.constant 12288 : i32
          %dma_wait3A_254 = tpu.memref_slice %arg12[%dma_wait3A_253] : memref<16384xi32, #tpu.memory_space<hbm>> -> memref<1024xi32, #tpu.memory_space<hbm>>
          tpu.wait_dma2 semaphore(%run_scoped3A_246 : memref<!tpu.dma_semaphore, #tpu.memory_space<semaphore_mem>>) src(%dma_wait3A_254 : memref<1024xi32, #tpu.memory_space<hbm>>) dst(%run_scoped3A_159 : memref<1024xi32, #tpu.memory_space<vmem>>)
          tpu.yield
        }) : () -> ()
        %dma_start3A = arith.constant 0 : i32
        %dma_start3A_160 = tpu.memref_slice %run_scoped3A_159[%dma_start3A] : memref<1024xi32, #tpu.memory_space<vmem>> -> memref<256xi32, #tpu.memory_space<vmem>>
        %dma_start3A_161 = arith.constant 0 : i32
        %dma_start3A_162 = arith.constant 0 : i32
        %dma_start3A_163 = tpu.memref_slice %arg11[%dma_start3A_161, %dma_start3A_162] : memref<100000x128xf32, #tpu.memory_space<hbm>> -> memref<100000x128xf32, #tpu.memory_space<hbm>>
        tpu.enqueue_indirect_dma source(%dma_start3A_163 : memref<100000x128xf32, #tpu.memory_space<hbm>>) target(%run_scoped3A : memref<256x128xf32, #tpu.memory_space<vmem>>) offsets(%dma_start3A_160 : memref<256xi32, #tpu.memory_space<vmem>>) semaphore(%arg23 : memref<!tpu.dma_semaphore, #tpu.memory_space<semaphore_mem>>)
        %dma_start3A_164 = arith.constant 256 : i32
        %dma_start3A_165 = tpu.memref_slice %run_scoped3A_159[%dma_start3A_164] : memref<1024xi32, #tpu.memory_space<vmem>> -> memref<256xi32, #tpu.memory_space<vmem>>
        %dma_start3A_166 = arith.constant 0 : i32
        %dma_start3A_167 = arith.constant 0 : i32
        %dma_start3A_168 = tpu.memref_slice %arg11[%dma_start3A_166, %dma_start3A_167] : memref<100000x128xf32, #tpu.memory_space<hbm>> -> memref<100000x128xf32, #tpu.memory_space<hbm>>
        tpu.enqueue_indirect_dma source(%dma_start3A_168 : memref<100000x128xf32, #tpu.memory_space<hbm>>) target(%run_scoped3A_158 : memref<256x128xf32, #tpu.memory_space<vmem>>) offsets(%dma_start3A_165 : memref<256xi32, #tpu.memory_space<vmem>>) semaphore(%arg24 : memref<!tpu.dma_semaphore, #tpu.memory_space<semaphore_mem>>)
        %dma_wait3A = arith.constant 0 : i32
        %dma_wait3A_169 = tpu.memref_slice %run_scoped3A_159[%dma_wait3A] : memref<1024xi32, #tpu.memory_space<vmem>> -> memref<256xi32, #tpu.memory_space<vmem>>
        %dma_wait3A_170 = arith.constant 0 : i32
        %dma_wait3A_171 = arith.constant 0 : i32
        %dma_wait3A_172 = tpu.memref_slice %arg11[%dma_wait3A_170, %dma_wait3A_171] : memref<100000x128xf32, #tpu.memory_space<hbm>> -> memref<100000x128xf32, #tpu.memory_space<hbm>>
        tpu.wait_indirect_dma semaphore(%arg23 : memref<!tpu.dma_semaphore, #tpu.memory_space<semaphore_mem>>) src(%dma_wait3A_172 : memref<100000x128xf32, #tpu.memory_space<hbm>>) dst(%run_scoped3A : memref<256x128xf32, #tpu.memory_space<vmem>>)
        %dma_start3A_173 = arith.constant 12288 : i32
        %dma_start3A_174 = arith.constant 0 : i32
        %dma_start3A_175 = tpu.memref_slice %arg22[%dma_start3A_173, %dma_start3A_174] : memref<16384x128xf32, #tpu.memory_space<hbm>> -> memref<256x128xf32, #tpu.memory_space<hbm>>
        %dma_start3A_176 = arith.constant 12288 : i32
        %dma_start3A_177 = arith.constant 0 : i32
        %dma_start3A_178 = tpu.memref_slice %arg22[%dma_start3A_176, %dma_start3A_177] : memref<16384x128xf32, #tpu.memory_space<hbm>> -> memref<256x128xf32, #tpu.memory_space<hbm>>
        tpu.enqueue_dma source(%run_scoped3A : memref<256x128xf32, #tpu.memory_space<vmem>>) target(%dma_start3A_178 : memref<256x128xf32, #tpu.memory_space<hbm>>) target_semaphore(%arg25 : memref<!tpu.dma_semaphore, #tpu.memory_space<semaphore_mem>>)
        %dma_wait3A_179 = arith.constant 12288 : i32
        %dma_wait3A_180 = arith.constant 0 : i32
        %dma_wait3A_181 = tpu.memref_slice %arg22[%dma_wait3A_179, %dma_wait3A_180] : memref<16384x128xf32, #tpu.memory_space<hbm>> -> memref<256x128xf32, #tpu.memory_space<hbm>>
        %dma_wait3A_182 = arith.constant 12288 : i32
        %dma_wait3A_183 = arith.constant 0 : i32
        %dma_wait3A_184 = tpu.memref_slice %arg22[%dma_wait3A_182, %dma_wait3A_183] : memref<16384x128xf32, #tpu.memory_space<hbm>> -> memref<256x128xf32, #tpu.memory_space<hbm>>
        tpu.wait_dma2 semaphore(%arg25 : memref<!tpu.dma_semaphore, #tpu.memory_space<semaphore_mem>>) src(%run_scoped3A : memref<256x128xf32, #tpu.memory_space<vmem>>) dst(%dma_wait3A_184 : memref<256x128xf32, #tpu.memory_space<hbm>>)
        %dma_start3A_185 = arith.constant 512 : i32
        %dma_start3A_186 = tpu.memref_slice %run_scoped3A_159[%dma_start3A_185] : memref<1024xi32, #tpu.memory_space<vmem>> -> memref<256xi32, #tpu.memory_space<vmem>>
        %dma_start3A_187 = arith.constant 0 : i32
        %dma_start3A_188 = arith.constant 0 : i32
        %dma_start3A_189 = tpu.memref_slice %arg11[%dma_start3A_187, %dma_start3A_188] : memref<100000x128xf32, #tpu.memory_space<hbm>> -> memref<100000x128xf32, #tpu.memory_space<hbm>>
        tpu.enqueue_indirect_dma source(%dma_start3A_189 : memref<100000x128xf32, #tpu.memory_space<hbm>>) target(%run_scoped3A : memref<256x128xf32, #tpu.memory_space<vmem>>) offsets(%dma_start3A_186 : memref<256xi32, #tpu.memory_space<vmem>>) semaphore(%arg23 : memref<!tpu.dma_semaphore, #tpu.memory_space<semaphore_mem>>)
        %dma_wait3A_190 = arith.constant 256 : i32
        %dma_wait3A_191 = tpu.memref_slice %run_scoped3A_159[%dma_wait3A_190] : memref<1024xi32, #tpu.memory_space<vmem>> -> memref<256xi32, #tpu.memory_space<vmem>>
        %dma_wait3A_192 = arith.constant 0 : i32
        %dma_wait3A_193 = arith.constant 0 : i32
        %dma_wait3A_194 = tpu.memref_slice %arg11[%dma_wait3A_192, %dma_wait3A_193] : memref<100000x128xf32, #tpu.memory_space<hbm>> -> memref<100000x128xf32, #tpu.memory_space<hbm>>
        tpu.wait_indirect_dma semaphore(%arg24 : memref<!tpu.dma_semaphore, #tpu.memory_space<semaphore_mem>>) src(%dma_wait3A_194 : memref<100000x128xf32, #tpu.memory_space<hbm>>) dst(%run_scoped3A_158 : memref<256x128xf32, #tpu.memory_space<vmem>>)
        %dma_start3A_195 = arith.constant 12544 : i32
        %dma_start3A_196 = arith.constant 0 : i32
        %dma_start3A_197 = tpu.memref_slice %arg22[%dma_start3A_195, %dma_start3A_196] : memref<16384x128xf32, #tpu.memory_space<hbm>> -> memref<256x128xf32, #tpu.memory_space<hbm>>
        %dma_start3A_198 = arith.constant 12544 : i32
        %dma_start3A_199 = arith.constant 0 : i32
        %dma_start3A_200 = tpu.memref_slice %arg22[%dma_start3A_198, %dma_start3A_199] : memref<16384x128xf32, #tpu.memory_space<hbm>> -> memref<256x128xf32, #tpu.memory_space<hbm>>
        tpu.enqueue_dma source(%run_scoped3A_158 : memref<256x128xf32, #tpu.memory_space<vmem>>) target(%dma_start3A_200 : memref<256x128xf32, #tpu.memory_space<hbm>>) target_semaphore(%arg26 : memref<!tpu.dma_semaphore, #tpu.memory_space<semaphore_mem>>)
        %dma_wait3A_201 = arith.constant 12544 : i32
        %dma_wait3A_202 = arith.constant 0 : i32
        %dma_wait3A_203 = tpu.memref_slice %arg22[%dma_wait3A_201, %dma_wait3A_202] : memref<16384x128xf32, #tpu.memory_space<hbm>> -> memref<256x128xf32, #tpu.memory_space<hbm>>
        %dma_wait3A_204 = arith.constant 12544 : i32
        %dma_wait3A_205 = arith.constant 0 : i32
        %dma_wait3A_206 = tpu.memref_slice %arg22[%dma_wait3A_204, %dma_wait3A_205] : memref<16384x128xf32, #tpu.memory_space<hbm>> -> memref<256x128xf32, #tpu.memory_space<hbm>>
        tpu.wait_dma2 semaphore(%arg26 : memref<!tpu.dma_semaphore, #tpu.memory_space<semaphore_mem>>) src(%run_scoped3A_158 : memref<256x128xf32, #tpu.memory_space<vmem>>) dst(%dma_wait3A_206 : memref<256x128xf32, #tpu.memory_space<hbm>>)
        %dma_start3A_207 = arith.constant 768 : i32
        %dma_start3A_208 = tpu.memref_slice %run_scoped3A_159[%dma_start3A_207] : memref<1024xi32, #tpu.memory_space<vmem>> -> memref<256xi32, #tpu.memory_space<vmem>>
        %dma_start3A_209 = arith.constant 0 : i32
        %dma_start3A_210 = arith.constant 0 : i32
        %dma_start3A_211 = tpu.memref_slice %arg11[%dma_start3A_209, %dma_start3A_210] : memref<100000x128xf32, #tpu.memory_space<hbm>> -> memref<100000x128xf32, #tpu.memory_space<hbm>>
        tpu.enqueue_indirect_dma source(%dma_start3A_211 : memref<100000x128xf32, #tpu.memory_space<hbm>>) target(%run_scoped3A_158 : memref<256x128xf32, #tpu.memory_space<vmem>>) offsets(%dma_start3A_208 : memref<256xi32, #tpu.memory_space<vmem>>) semaphore(%arg24 : memref<!tpu.dma_semaphore, #tpu.memory_space<semaphore_mem>>)
        %dma_wait3A_212 = arith.constant 512 : i32
        %dma_wait3A_213 = tpu.memref_slice %run_scoped3A_159[%dma_wait3A_212] : memref<1024xi32, #tpu.memory_space<vmem>> -> memref<256xi32, #tpu.memory_space<vmem>>
        %dma_wait3A_214 = arith.constant 0 : i32
        %dma_wait3A_215 = arith.constant 0 : i32
        %dma_wait3A_216 = tpu.memref_slice %arg11[%dma_wait3A_214, %dma_wait3A_215] : memref<100000x128xf32, #tpu.memory_space<hbm>> -> memref<100000x128xf32, #tpu.memory_space<hbm>>
        tpu.wait_indirect_dma semaphore(%arg23 : memref<!tpu.dma_semaphore, #tpu.memory_space<semaphore_mem>>) src(%dma_wait3A_216 : memref<100000x128xf32, #tpu.memory_space<hbm>>) dst(%run_scoped3A : memref<256x128xf32, #tpu.memory_space<vmem>>)
        %dma_start3A_217 = arith.constant 12800 : i32
        %dma_start3A_218 = arith.constant 0 : i32
        %dma_start3A_219 = tpu.memref_slice %arg22[%dma_start3A_217, %dma_start3A_218] : memref<16384x128xf32, #tpu.memory_space<hbm>> -> memref<256x128xf32, #tpu.memory_space<hbm>>
        %dma_start3A_220 = arith.constant 12800 : i32
        %dma_start3A_221 = arith.constant 0 : i32
        %dma_start3A_222 = tpu.memref_slice %arg22[%dma_start3A_220, %dma_start3A_221] : memref<16384x128xf32, #tpu.memory_space<hbm>> -> memref<256x128xf32, #tpu.memory_space<hbm>>
        tpu.enqueue_dma source(%run_scoped3A : memref<256x128xf32, #tpu.memory_space<vmem>>) target(%dma_start3A_222 : memref<256x128xf32, #tpu.memory_space<hbm>>) target_semaphore(%arg25 : memref<!tpu.dma_semaphore, #tpu.memory_space<semaphore_mem>>)
        %dma_wait3A_223 = arith.constant 768 : i32
        %dma_wait3A_224 = tpu.memref_slice %run_scoped3A_159[%dma_wait3A_223] : memref<1024xi32, #tpu.memory_space<vmem>> -> memref<256xi32, #tpu.memory_space<vmem>>
        %dma_wait3A_225 = arith.constant 0 : i32
        %dma_wait3A_226 = arith.constant 0 : i32
        %dma_wait3A_227 = tpu.memref_slice %arg11[%dma_wait3A_225, %dma_wait3A_226] : memref<100000x128xf32, #tpu.memory_space<hbm>> -> memref<100000x128xf32, #tpu.memory_space<hbm>>
        tpu.wait_indirect_dma semaphore(%arg24 : memref<!tpu.dma_semaphore, #tpu.memory_space<semaphore_mem>>) src(%dma_wait3A_227 : memref<100000x128xf32, #tpu.memory_space<hbm>>) dst(%run_scoped3A_158 : memref<256x128xf32, #tpu.memory_space<vmem>>)
        %dma_start3A_228 = arith.constant 13056 : i32
        %dma_start3A_229 = arith.constant 0 : i32
        %dma_start3A_230 = tpu.memref_slice %arg22[%dma_start3A_228, %dma_start3A_229] : memref<16384x128xf32, #tpu.memory_space<hbm>> -> memref<256x128xf32, #tpu.memory_space<hbm>>
        %dma_start3A_231 = arith.constant 13056 : i32
        %dma_start3A_232 = arith.constant 0 : i32
        %dma_start3A_233 = tpu.memref_slice %arg22[%dma_start3A_231, %dma_start3A_232] : memref<16384x128xf32, #tpu.memory_space<hbm>> -> memref<256x128xf32, #tpu.memory_space<hbm>>
        tpu.enqueue_dma source(%run_scoped3A_158 : memref<256x128xf32, #tpu.memory_space<vmem>>) target(%dma_start3A_233 : memref<256x128xf32, #tpu.memory_space<hbm>>) target_semaphore(%arg26 : memref<!tpu.dma_semaphore, #tpu.memory_space<semaphore_mem>>)
        %dma_wait3A_234 = arith.constant 12800 : i32
        %dma_wait3A_235 = arith.constant 0 : i32
        %dma_wait3A_236 = tpu.memref_slice %arg22[%dma_wait3A_234, %dma_wait3A_235] : memref<16384x128xf32, #tpu.memory_space<hbm>> -> memref<256x128xf32, #tpu.memory_space<hbm>>
        %dma_wait3A_237 = arith.constant 12800 : i32
        %dma_wait3A_238 = arith.constant 0 : i32
        %dma_wait3A_239 = tpu.memref_slice %arg22[%dma_wait3A_237, %dma_wait3A_238] : memref<16384x128xf32, #tpu.memory_space<hbm>> -> memref<256x128xf32, #tpu.memory_space<hbm>>
        tpu.wait_dma2 semaphore(%arg25 : memref<!tpu.dma_semaphore, #tpu.memory_space<semaphore_mem>>) src(%run_scoped3A : memref<256x128xf32, #tpu.memory_space<vmem>>) dst(%dma_wait3A_239 : memref<256x128xf32, #tpu.memory_space<hbm>>)
        %dma_wait3A_240 = arith.constant 13056 : i32
        %dma_wait3A_241 = arith.constant 0 : i32
        %dma_wait3A_242 = tpu.memref_slice %arg22[%dma_wait3A_240, %dma_wait3A_241] : memref<16384x128xf32, #tpu.memory_space<hbm>> -> memref<256x128xf32, #tpu.memory_space<hbm>>
        %dma_wait3A_243 = arith.constant 13056 : i32
        %dma_wait3A_244 = arith.constant 0 : i32
        %dma_wait3A_245 = tpu.memref_slice %arg22[%dma_wait3A_243, %dma_wait3A_244] : memref<16384x128xf32, #tpu.memory_space<hbm>> -> memref<256x128xf32, #tpu.memory_space<hbm>>
        tpu.wait_dma2 semaphore(%arg26 : memref<!tpu.dma_semaphore, #tpu.memory_space<semaphore_mem>>) src(%run_scoped3A_158 : memref<256x128xf32, #tpu.memory_space<vmem>>) dst(%dma_wait3A_245 : memref<256x128xf32, #tpu.memory_space<hbm>>)
        tpu.yield
      }) : () -> ()
    } else {
    }
    %eq3A_143 = arith.constant 29 : i32
    %eq3A_144 = arith.cmpi eq, %add3A, %eq3A_143 : i32
    %convert_element_type3A_145 = arith.extui %eq3A_144 : i1 to i32
    %cond3A_146 = arith.constant 0 : i32
    %cond3A_147 = arith.cmpi ne, %convert_element_type3A_145, %cond3A_146 : i32
    scf.if %cond3A_147 {
      "tpu.region"() ({
        %run_scoped3A = memref.alloca() : memref<256x128xf32, #tpu.memory_space<vmem>>
        %run_scoped3A_158 = memref.alloca() : memref<256x128xf32, #tpu.memory_space<vmem>>
        %run_scoped3A_159 = memref.alloca() : memref<1024xi32, #tpu.memory_space<vmem>>
        "tpu.region"() ({
          %run_scoped3A_246 = tpu.sem_alloc : memref<!tpu.dma_semaphore, #tpu.memory_space<semaphore_mem>>
          %dma_start3A_247 = arith.constant 13312 : i32
          %dma_start3A_248 = tpu.memref_slice %arg12[%dma_start3A_247] : memref<16384xi32, #tpu.memory_space<hbm>> -> memref<1024xi32, #tpu.memory_space<hbm>>
          %dma_start3A_249 = arith.constant 13312 : i32
          %dma_start3A_250 = tpu.memref_slice %arg12[%dma_start3A_249] : memref<16384xi32, #tpu.memory_space<hbm>> -> memref<1024xi32, #tpu.memory_space<hbm>>
          tpu.enqueue_dma source(%dma_start3A_250 : memref<1024xi32, #tpu.memory_space<hbm>>) target(%run_scoped3A_159 : memref<1024xi32, #tpu.memory_space<vmem>>) target_semaphore(%run_scoped3A_246 : memref<!tpu.dma_semaphore, #tpu.memory_space<semaphore_mem>>)
          %dma_wait3A_251 = arith.constant 13312 : i32
          %dma_wait3A_252 = tpu.memref_slice %arg12[%dma_wait3A_251] : memref<16384xi32, #tpu.memory_space<hbm>> -> memref<1024xi32, #tpu.memory_space<hbm>>
          %dma_wait3A_253 = arith.constant 13312 : i32
          %dma_wait3A_254 = tpu.memref_slice %arg12[%dma_wait3A_253] : memref<16384xi32, #tpu.memory_space<hbm>> -> memref<1024xi32, #tpu.memory_space<hbm>>
          tpu.wait_dma2 semaphore(%run_scoped3A_246 : memref<!tpu.dma_semaphore, #tpu.memory_space<semaphore_mem>>) src(%dma_wait3A_254 : memref<1024xi32, #tpu.memory_space<hbm>>) dst(%run_scoped3A_159 : memref<1024xi32, #tpu.memory_space<vmem>>)
          tpu.yield
        }) : () -> ()
        %dma_start3A = arith.constant 0 : i32
        %dma_start3A_160 = tpu.memref_slice %run_scoped3A_159[%dma_start3A] : memref<1024xi32, #tpu.memory_space<vmem>> -> memref<256xi32, #tpu.memory_space<vmem>>
        %dma_start3A_161 = arith.constant 0 : i32
        %dma_start3A_162 = arith.constant 0 : i32
        %dma_start3A_163 = tpu.memref_slice %arg11[%dma_start3A_161, %dma_start3A_162] : memref<100000x128xf32, #tpu.memory_space<hbm>> -> memref<100000x128xf32, #tpu.memory_space<hbm>>
        tpu.enqueue_indirect_dma source(%dma_start3A_163 : memref<100000x128xf32, #tpu.memory_space<hbm>>) target(%run_scoped3A : memref<256x128xf32, #tpu.memory_space<vmem>>) offsets(%dma_start3A_160 : memref<256xi32, #tpu.memory_space<vmem>>) semaphore(%arg23 : memref<!tpu.dma_semaphore, #tpu.memory_space<semaphore_mem>>)
        %dma_start3A_164 = arith.constant 256 : i32
        %dma_start3A_165 = tpu.memref_slice %run_scoped3A_159[%dma_start3A_164] : memref<1024xi32, #tpu.memory_space<vmem>> -> memref<256xi32, #tpu.memory_space<vmem>>
        %dma_start3A_166 = arith.constant 0 : i32
        %dma_start3A_167 = arith.constant 0 : i32
        %dma_start3A_168 = tpu.memref_slice %arg11[%dma_start3A_166, %dma_start3A_167] : memref<100000x128xf32, #tpu.memory_space<hbm>> -> memref<100000x128xf32, #tpu.memory_space<hbm>>
        tpu.enqueue_indirect_dma source(%dma_start3A_168 : memref<100000x128xf32, #tpu.memory_space<hbm>>) target(%run_scoped3A_158 : memref<256x128xf32, #tpu.memory_space<vmem>>) offsets(%dma_start3A_165 : memref<256xi32, #tpu.memory_space<vmem>>) semaphore(%arg24 : memref<!tpu.dma_semaphore, #tpu.memory_space<semaphore_mem>>)
        %dma_wait3A = arith.constant 0 : i32
        %dma_wait3A_169 = tpu.memref_slice %run_scoped3A_159[%dma_wait3A] : memref<1024xi32, #tpu.memory_space<vmem>> -> memref<256xi32, #tpu.memory_space<vmem>>
        %dma_wait3A_170 = arith.constant 0 : i32
        %dma_wait3A_171 = arith.constant 0 : i32
        %dma_wait3A_172 = tpu.memref_slice %arg11[%dma_wait3A_170, %dma_wait3A_171] : memref<100000x128xf32, #tpu.memory_space<hbm>> -> memref<100000x128xf32, #tpu.memory_space<hbm>>
        tpu.wait_indirect_dma semaphore(%arg23 : memref<!tpu.dma_semaphore, #tpu.memory_space<semaphore_mem>>) src(%dma_wait3A_172 : memref<100000x128xf32, #tpu.memory_space<hbm>>) dst(%run_scoped3A : memref<256x128xf32, #tpu.memory_space<vmem>>)
        %dma_start3A_173 = arith.constant 13312 : i32
        %dma_start3A_174 = arith.constant 0 : i32
        %dma_start3A_175 = tpu.memref_slice %arg22[%dma_start3A_173, %dma_start3A_174] : memref<16384x128xf32, #tpu.memory_space<hbm>> -> memref<256x128xf32, #tpu.memory_space<hbm>>
        %dma_start3A_176 = arith.constant 13312 : i32
        %dma_start3A_177 = arith.constant 0 : i32
        %dma_start3A_178 = tpu.memref_slice %arg22[%dma_start3A_176, %dma_start3A_177] : memref<16384x128xf32, #tpu.memory_space<hbm>> -> memref<256x128xf32, #tpu.memory_space<hbm>>
        tpu.enqueue_dma source(%run_scoped3A : memref<256x128xf32, #tpu.memory_space<vmem>>) target(%dma_start3A_178 : memref<256x128xf32, #tpu.memory_space<hbm>>) target_semaphore(%arg25 : memref<!tpu.dma_semaphore, #tpu.memory_space<semaphore_mem>>)
        %dma_wait3A_179 = arith.constant 13312 : i32
        %dma_wait3A_180 = arith.constant 0 : i32
        %dma_wait3A_181 = tpu.memref_slice %arg22[%dma_wait3A_179, %dma_wait3A_180] : memref<16384x128xf32, #tpu.memory_space<hbm>> -> memref<256x128xf32, #tpu.memory_space<hbm>>
        %dma_wait3A_182 = arith.constant 13312 : i32
        %dma_wait3A_183 = arith.constant 0 : i32
        %dma_wait3A_184 = tpu.memref_slice %arg22[%dma_wait3A_182, %dma_wait3A_183] : memref<16384x128xf32, #tpu.memory_space<hbm>> -> memref<256x128xf32, #tpu.memory_space<hbm>>
        tpu.wait_dma2 semaphore(%arg25 : memref<!tpu.dma_semaphore, #tpu.memory_space<semaphore_mem>>) src(%run_scoped3A : memref<256x128xf32, #tpu.memory_space<vmem>>) dst(%dma_wait3A_184 : memref<256x128xf32, #tpu.memory_space<hbm>>)
        %dma_start3A_185 = arith.constant 512 : i32
        %dma_start3A_186 = tpu.memref_slice %run_scoped3A_159[%dma_start3A_185] : memref<1024xi32, #tpu.memory_space<vmem>> -> memref<256xi32, #tpu.memory_space<vmem>>
        %dma_start3A_187 = arith.constant 0 : i32
        %dma_start3A_188 = arith.constant 0 : i32
        %dma_start3A_189 = tpu.memref_slice %arg11[%dma_start3A_187, %dma_start3A_188] : memref<100000x128xf32, #tpu.memory_space<hbm>> -> memref<100000x128xf32, #tpu.memory_space<hbm>>
        tpu.enqueue_indirect_dma source(%dma_start3A_189 : memref<100000x128xf32, #tpu.memory_space<hbm>>) target(%run_scoped3A : memref<256x128xf32, #tpu.memory_space<vmem>>) offsets(%dma_start3A_186 : memref<256xi32, #tpu.memory_space<vmem>>) semaphore(%arg23 : memref<!tpu.dma_semaphore, #tpu.memory_space<semaphore_mem>>)
        %dma_wait3A_190 = arith.constant 256 : i32
        %dma_wait3A_191 = tpu.memref_slice %run_scoped3A_159[%dma_wait3A_190] : memref<1024xi32, #tpu.memory_space<vmem>> -> memref<256xi32, #tpu.memory_space<vmem>>
        %dma_wait3A_192 = arith.constant 0 : i32
        %dma_wait3A_193 = arith.constant 0 : i32
        %dma_wait3A_194 = tpu.memref_slice %arg11[%dma_wait3A_192, %dma_wait3A_193] : memref<100000x128xf32, #tpu.memory_space<hbm>> -> memref<100000x128xf32, #tpu.memory_space<hbm>>
        tpu.wait_indirect_dma semaphore(%arg24 : memref<!tpu.dma_semaphore, #tpu.memory_space<semaphore_mem>>) src(%dma_wait3A_194 : memref<100000x128xf32, #tpu.memory_space<hbm>>) dst(%run_scoped3A_158 : memref<256x128xf32, #tpu.memory_space<vmem>>)
        %dma_start3A_195 = arith.constant 13568 : i32
        %dma_start3A_196 = arith.constant 0 : i32
        %dma_start3A_197 = tpu.memref_slice %arg22[%dma_start3A_195, %dma_start3A_196] : memref<16384x128xf32, #tpu.memory_space<hbm>> -> memref<256x128xf32, #tpu.memory_space<hbm>>
        %dma_start3A_198 = arith.constant 13568 : i32
        %dma_start3A_199 = arith.constant 0 : i32
        %dma_start3A_200 = tpu.memref_slice %arg22[%dma_start3A_198, %dma_start3A_199] : memref<16384x128xf32, #tpu.memory_space<hbm>> -> memref<256x128xf32, #tpu.memory_space<hbm>>
        tpu.enqueue_dma source(%run_scoped3A_158 : memref<256x128xf32, #tpu.memory_space<vmem>>) target(%dma_start3A_200 : memref<256x128xf32, #tpu.memory_space<hbm>>) target_semaphore(%arg26 : memref<!tpu.dma_semaphore, #tpu.memory_space<semaphore_mem>>)
        %dma_wait3A_201 = arith.constant 13568 : i32
        %dma_wait3A_202 = arith.constant 0 : i32
        %dma_wait3A_203 = tpu.memref_slice %arg22[%dma_wait3A_201, %dma_wait3A_202] : memref<16384x128xf32, #tpu.memory_space<hbm>> -> memref<256x128xf32, #tpu.memory_space<hbm>>
        %dma_wait3A_204 = arith.constant 13568 : i32
        %dma_wait3A_205 = arith.constant 0 : i32
        %dma_wait3A_206 = tpu.memref_slice %arg22[%dma_wait3A_204, %dma_wait3A_205] : memref<16384x128xf32, #tpu.memory_space<hbm>> -> memref<256x128xf32, #tpu.memory_space<hbm>>
        tpu.wait_dma2 semaphore(%arg26 : memref<!tpu.dma_semaphore, #tpu.memory_space<semaphore_mem>>) src(%run_scoped3A_158 : memref<256x128xf32, #tpu.memory_space<vmem>>) dst(%dma_wait3A_206 : memref<256x128xf32, #tpu.memory_space<hbm>>)
        %dma_start3A_207 = arith.constant 768 : i32
        %dma_start3A_208 = tpu.memref_slice %run_scoped3A_159[%dma_start3A_207] : memref<1024xi32, #tpu.memory_space<vmem>> -> memref<256xi32, #tpu.memory_space<vmem>>
        %dma_start3A_209 = arith.constant 0 : i32
        %dma_start3A_210 = arith.constant 0 : i32
        %dma_start3A_211 = tpu.memref_slice %arg11[%dma_start3A_209, %dma_start3A_210] : memref<100000x128xf32, #tpu.memory_space<hbm>> -> memref<100000x128xf32, #tpu.memory_space<hbm>>
        tpu.enqueue_indirect_dma source(%dma_start3A_211 : memref<100000x128xf32, #tpu.memory_space<hbm>>) target(%run_scoped3A_158 : memref<256x128xf32, #tpu.memory_space<vmem>>) offsets(%dma_start3A_208 : memref<256xi32, #tpu.memory_space<vmem>>) semaphore(%arg24 : memref<!tpu.dma_semaphore, #tpu.memory_space<semaphore_mem>>)
        %dma_wait3A_212 = arith.constant 512 : i32
        %dma_wait3A_213 = tpu.memref_slice %run_scoped3A_159[%dma_wait3A_212] : memref<1024xi32, #tpu.memory_space<vmem>> -> memref<256xi32, #tpu.memory_space<vmem>>
        %dma_wait3A_214 = arith.constant 0 : i32
        %dma_wait3A_215 = arith.constant 0 : i32
        %dma_wait3A_216 = tpu.memref_slice %arg11[%dma_wait3A_214, %dma_wait3A_215] : memref<100000x128xf32, #tpu.memory_space<hbm>> -> memref<100000x128xf32, #tpu.memory_space<hbm>>
        tpu.wait_indirect_dma semaphore(%arg23 : memref<!tpu.dma_semaphore, #tpu.memory_space<semaphore_mem>>) src(%dma_wait3A_216 : memref<100000x128xf32, #tpu.memory_space<hbm>>) dst(%run_scoped3A : memref<256x128xf32, #tpu.memory_space<vmem>>)
        %dma_start3A_217 = arith.constant 13824 : i32
        %dma_start3A_218 = arith.constant 0 : i32
        %dma_start3A_219 = tpu.memref_slice %arg22[%dma_start3A_217, %dma_start3A_218] : memref<16384x128xf32, #tpu.memory_space<hbm>> -> memref<256x128xf32, #tpu.memory_space<hbm>>
        %dma_start3A_220 = arith.constant 13824 : i32
        %dma_start3A_221 = arith.constant 0 : i32
        %dma_start3A_222 = tpu.memref_slice %arg22[%dma_start3A_220, %dma_start3A_221] : memref<16384x128xf32, #tpu.memory_space<hbm>> -> memref<256x128xf32, #tpu.memory_space<hbm>>
        tpu.enqueue_dma source(%run_scoped3A : memref<256x128xf32, #tpu.memory_space<vmem>>) target(%dma_start3A_222 : memref<256x128xf32, #tpu.memory_space<hbm>>) target_semaphore(%arg25 : memref<!tpu.dma_semaphore, #tpu.memory_space<semaphore_mem>>)
        %dma_wait3A_223 = arith.constant 768 : i32
        %dma_wait3A_224 = tpu.memref_slice %run_scoped3A_159[%dma_wait3A_223] : memref<1024xi32, #tpu.memory_space<vmem>> -> memref<256xi32, #tpu.memory_space<vmem>>
        %dma_wait3A_225 = arith.constant 0 : i32
        %dma_wait3A_226 = arith.constant 0 : i32
        %dma_wait3A_227 = tpu.memref_slice %arg11[%dma_wait3A_225, %dma_wait3A_226] : memref<100000x128xf32, #tpu.memory_space<hbm>> -> memref<100000x128xf32, #tpu.memory_space<hbm>>
        tpu.wait_indirect_dma semaphore(%arg24 : memref<!tpu.dma_semaphore, #tpu.memory_space<semaphore_mem>>) src(%dma_wait3A_227 : memref<100000x128xf32, #tpu.memory_space<hbm>>) dst(%run_scoped3A_158 : memref<256x128xf32, #tpu.memory_space<vmem>>)
        %dma_start3A_228 = arith.constant 14080 : i32
        %dma_start3A_229 = arith.constant 0 : i32
        %dma_start3A_230 = tpu.memref_slice %arg22[%dma_start3A_228, %dma_start3A_229] : memref<16384x128xf32, #tpu.memory_space<hbm>> -> memref<256x128xf32, #tpu.memory_space<hbm>>
        %dma_start3A_231 = arith.constant 14080 : i32
        %dma_start3A_232 = arith.constant 0 : i32
        %dma_start3A_233 = tpu.memref_slice %arg22[%dma_start3A_231, %dma_start3A_232] : memref<16384x128xf32, #tpu.memory_space<hbm>> -> memref<256x128xf32, #tpu.memory_space<hbm>>
        tpu.enqueue_dma source(%run_scoped3A_158 : memref<256x128xf32, #tpu.memory_space<vmem>>) target(%dma_start3A_233 : memref<256x128xf32, #tpu.memory_space<hbm>>) target_semaphore(%arg26 : memref<!tpu.dma_semaphore, #tpu.memory_space<semaphore_mem>>)
        %dma_wait3A_234 = arith.constant 13824 : i32
        %dma_wait3A_235 = arith.constant 0 : i32
        %dma_wait3A_236 = tpu.memref_slice %arg22[%dma_wait3A_234, %dma_wait3A_235] : memref<16384x128xf32, #tpu.memory_space<hbm>> -> memref<256x128xf32, #tpu.memory_space<hbm>>
        %dma_wait3A_237 = arith.constant 13824 : i32
        %dma_wait3A_238 = arith.constant 0 : i32
        %dma_wait3A_239 = tpu.memref_slice %arg22[%dma_wait3A_237, %dma_wait3A_238] : memref<16384x128xf32, #tpu.memory_space<hbm>> -> memref<256x128xf32, #tpu.memory_space<hbm>>
        tpu.wait_dma2 semaphore(%arg25 : memref<!tpu.dma_semaphore, #tpu.memory_space<semaphore_mem>>) src(%run_scoped3A : memref<256x128xf32, #tpu.memory_space<vmem>>) dst(%dma_wait3A_239 : memref<256x128xf32, #tpu.memory_space<hbm>>)
        %dma_wait3A_240 = arith.constant 14080 : i32
        %dma_wait3A_241 = arith.constant 0 : i32
        %dma_wait3A_242 = tpu.memref_slice %arg22[%dma_wait3A_240, %dma_wait3A_241] : memref<16384x128xf32, #tpu.memory_space<hbm>> -> memref<256x128xf32, #tpu.memory_space<hbm>>
        %dma_wait3A_243 = arith.constant 14080 : i32
        %dma_wait3A_244 = arith.constant 0 : i32
        %dma_wait3A_245 = tpu.memref_slice %arg22[%dma_wait3A_243, %dma_wait3A_244] : memref<16384x128xf32, #tpu.memory_space<hbm>> -> memref<256x128xf32, #tpu.memory_space<hbm>>
        tpu.wait_dma2 semaphore(%arg26 : memref<!tpu.dma_semaphore, #tpu.memory_space<semaphore_mem>>) src(%run_scoped3A_158 : memref<256x128xf32, #tpu.memory_space<vmem>>) dst(%dma_wait3A_245 : memref<256x128xf32, #tpu.memory_space<hbm>>)
        tpu.yield
      }) : () -> ()
    } else {
    }
    %eq3A_148 = arith.constant 30 : i32
    %eq3A_149 = arith.cmpi eq, %add3A, %eq3A_148 : i32
    %convert_element_type3A_150 = arith.extui %eq3A_149 : i1 to i32
    %cond3A_151 = arith.constant 0 : i32
    %cond3A_152 = arith.cmpi ne, %convert_element_type3A_150, %cond3A_151 : i32
    scf.if %cond3A_152 {
      "tpu.region"() ({
        %run_scoped3A = memref.alloca() : memref<256x128xf32, #tpu.memory_space<vmem>>
        %run_scoped3A_158 = memref.alloca() : memref<256x128xf32, #tpu.memory_space<vmem>>
        %run_scoped3A_159 = memref.alloca() : memref<1024xi32, #tpu.memory_space<vmem>>
        "tpu.region"() ({
          %run_scoped3A_246 = tpu.sem_alloc : memref<!tpu.dma_semaphore, #tpu.memory_space<semaphore_mem>>
          %dma_start3A_247 = arith.constant 14336 : i32
          %dma_start3A_248 = tpu.memref_slice %arg12[%dma_start3A_247] : memref<16384xi32, #tpu.memory_space<hbm>> -> memref<1024xi32, #tpu.memory_space<hbm>>
          %dma_start3A_249 = arith.constant 14336 : i32
          %dma_start3A_250 = tpu.memref_slice %arg12[%dma_start3A_249] : memref<16384xi32, #tpu.memory_space<hbm>> -> memref<1024xi32, #tpu.memory_space<hbm>>
          tpu.enqueue_dma source(%dma_start3A_250 : memref<1024xi32, #tpu.memory_space<hbm>>) target(%run_scoped3A_159 : memref<1024xi32, #tpu.memory_space<vmem>>) target_semaphore(%run_scoped3A_246 : memref<!tpu.dma_semaphore, #tpu.memory_space<semaphore_mem>>)
          %dma_wait3A_251 = arith.constant 14336 : i32
          %dma_wait3A_252 = tpu.memref_slice %arg12[%dma_wait3A_251] : memref<16384xi32, #tpu.memory_space<hbm>> -> memref<1024xi32, #tpu.memory_space<hbm>>
          %dma_wait3A_253 = arith.constant 14336 : i32
          %dma_wait3A_254 = tpu.memref_slice %arg12[%dma_wait3A_253] : memref<16384xi32, #tpu.memory_space<hbm>> -> memref<1024xi32, #tpu.memory_space<hbm>>
          tpu.wait_dma2 semaphore(%run_scoped3A_246 : memref<!tpu.dma_semaphore, #tpu.memory_space<semaphore_mem>>) src(%dma_wait3A_254 : memref<1024xi32, #tpu.memory_space<hbm>>) dst(%run_scoped3A_159 : memref<1024xi32, #tpu.memory_space<vmem>>)
          tpu.yield
        }) : () -> ()
        %dma_start3A = arith.constant 0 : i32
        %dma_start3A_160 = tpu.memref_slice %run_scoped3A_159[%dma_start3A] : memref<1024xi32, #tpu.memory_space<vmem>> -> memref<256xi32, #tpu.memory_space<vmem>>
        %dma_start3A_161 = arith.constant 0 : i32
        %dma_start3A_162 = arith.constant 0 : i32
        %dma_start3A_163 = tpu.memref_slice %arg11[%dma_start3A_161, %dma_start3A_162] : memref<100000x128xf32, #tpu.memory_space<hbm>> -> memref<100000x128xf32, #tpu.memory_space<hbm>>
        tpu.enqueue_indirect_dma source(%dma_start3A_163 : memref<100000x128xf32, #tpu.memory_space<hbm>>) target(%run_scoped3A : memref<256x128xf32, #tpu.memory_space<vmem>>) offsets(%dma_start3A_160 : memref<256xi32, #tpu.memory_space<vmem>>) semaphore(%arg23 : memref<!tpu.dma_semaphore, #tpu.memory_space<semaphore_mem>>)
        %dma_start3A_164 = arith.constant 256 : i32
        %dma_start3A_165 = tpu.memref_slice %run_scoped3A_159[%dma_start3A_164] : memref<1024xi32, #tpu.memory_space<vmem>> -> memref<256xi32, #tpu.memory_space<vmem>>
        %dma_start3A_166 = arith.constant 0 : i32
        %dma_start3A_167 = arith.constant 0 : i32
        %dma_start3A_168 = tpu.memref_slice %arg11[%dma_start3A_166, %dma_start3A_167] : memref<100000x128xf32, #tpu.memory_space<hbm>> -> memref<100000x128xf32, #tpu.memory_space<hbm>>
        tpu.enqueue_indirect_dma source(%dma_start3A_168 : memref<100000x128xf32, #tpu.memory_space<hbm>>) target(%run_scoped3A_158 : memref<256x128xf32, #tpu.memory_space<vmem>>) offsets(%dma_start3A_165 : memref<256xi32, #tpu.memory_space<vmem>>) semaphore(%arg24 : memref<!tpu.dma_semaphore, #tpu.memory_space<semaphore_mem>>)
        %dma_wait3A = arith.constant 0 : i32
        %dma_wait3A_169 = tpu.memref_slice %run_scoped3A_159[%dma_wait3A] : memref<1024xi32, #tpu.memory_space<vmem>> -> memref<256xi32, #tpu.memory_space<vmem>>
        %dma_wait3A_170 = arith.constant 0 : i32
        %dma_wait3A_171 = arith.constant 0 : i32
        %dma_wait3A_172 = tpu.memref_slice %arg11[%dma_wait3A_170, %dma_wait3A_171] : memref<100000x128xf32, #tpu.memory_space<hbm>> -> memref<100000x128xf32, #tpu.memory_space<hbm>>
        tpu.wait_indirect_dma semaphore(%arg23 : memref<!tpu.dma_semaphore, #tpu.memory_space<semaphore_mem>>) src(%dma_wait3A_172 : memref<100000x128xf32, #tpu.memory_space<hbm>>) dst(%run_scoped3A : memref<256x128xf32, #tpu.memory_space<vmem>>)
        %dma_start3A_173 = arith.constant 14336 : i32
        %dma_start3A_174 = arith.constant 0 : i32
        %dma_start3A_175 = tpu.memref_slice %arg22[%dma_start3A_173, %dma_start3A_174] : memref<16384x128xf32, #tpu.memory_space<hbm>> -> memref<256x128xf32, #tpu.memory_space<hbm>>
        %dma_start3A_176 = arith.constant 14336 : i32
        %dma_start3A_177 = arith.constant 0 : i32
        %dma_start3A_178 = tpu.memref_slice %arg22[%dma_start3A_176, %dma_start3A_177] : memref<16384x128xf32, #tpu.memory_space<hbm>> -> memref<256x128xf32, #tpu.memory_space<hbm>>
        tpu.enqueue_dma source(%run_scoped3A : memref<256x128xf32, #tpu.memory_space<vmem>>) target(%dma_start3A_178 : memref<256x128xf32, #tpu.memory_space<hbm>>) target_semaphore(%arg25 : memref<!tpu.dma_semaphore, #tpu.memory_space<semaphore_mem>>)
        %dma_wait3A_179 = arith.constant 14336 : i32
        %dma_wait3A_180 = arith.constant 0 : i32
        %dma_wait3A_181 = tpu.memref_slice %arg22[%dma_wait3A_179, %dma_wait3A_180] : memref<16384x128xf32, #tpu.memory_space<hbm>> -> memref<256x128xf32, #tpu.memory_space<hbm>>
        %dma_wait3A_182 = arith.constant 14336 : i32
        %dma_wait3A_183 = arith.constant 0 : i32
        %dma_wait3A_184 = tpu.memref_slice %arg22[%dma_wait3A_182, %dma_wait3A_183] : memref<16384x128xf32, #tpu.memory_space<hbm>> -> memref<256x128xf32, #tpu.memory_space<hbm>>
        tpu.wait_dma2 semaphore(%arg25 : memref<!tpu.dma_semaphore, #tpu.memory_space<semaphore_mem>>) src(%run_scoped3A : memref<256x128xf32, #tpu.memory_space<vmem>>) dst(%dma_wait3A_184 : memref<256x128xf32, #tpu.memory_space<hbm>>)
        %dma_start3A_185 = arith.constant 512 : i32
        %dma_start3A_186 = tpu.memref_slice %run_scoped3A_159[%dma_start3A_185] : memref<1024xi32, #tpu.memory_space<vmem>> -> memref<256xi32, #tpu.memory_space<vmem>>
        %dma_start3A_187 = arith.constant 0 : i32
        %dma_start3A_188 = arith.constant 0 : i32
        %dma_start3A_189 = tpu.memref_slice %arg11[%dma_start3A_187, %dma_start3A_188] : memref<100000x128xf32, #tpu.memory_space<hbm>> -> memref<100000x128xf32, #tpu.memory_space<hbm>>
        tpu.enqueue_indirect_dma source(%dma_start3A_189 : memref<100000x128xf32, #tpu.memory_space<hbm>>) target(%run_scoped3A : memref<256x128xf32, #tpu.memory_space<vmem>>) offsets(%dma_start3A_186 : memref<256xi32, #tpu.memory_space<vmem>>) semaphore(%arg23 : memref<!tpu.dma_semaphore, #tpu.memory_space<semaphore_mem>>)
        %dma_wait3A_190 = arith.constant 256 : i32
        %dma_wait3A_191 = tpu.memref_slice %run_scoped3A_159[%dma_wait3A_190] : memref<1024xi32, #tpu.memory_space<vmem>> -> memref<256xi32, #tpu.memory_space<vmem>>
        %dma_wait3A_192 = arith.constant 0 : i32
        %dma_wait3A_193 = arith.constant 0 : i32
        %dma_wait3A_194 = tpu.memref_slice %arg11[%dma_wait3A_192, %dma_wait3A_193] : memref<100000x128xf32, #tpu.memory_space<hbm>> -> memref<100000x128xf32, #tpu.memory_space<hbm>>
        tpu.wait_indirect_dma semaphore(%arg24 : memref<!tpu.dma_semaphore, #tpu.memory_space<semaphore_mem>>) src(%dma_wait3A_194 : memref<100000x128xf32, #tpu.memory_space<hbm>>) dst(%run_scoped3A_158 : memref<256x128xf32, #tpu.memory_space<vmem>>)
        %dma_start3A_195 = arith.constant 14592 : i32
        %dma_start3A_196 = arith.constant 0 : i32
        %dma_start3A_197 = tpu.memref_slice %arg22[%dma_start3A_195, %dma_start3A_196] : memref<16384x128xf32, #tpu.memory_space<hbm>> -> memref<256x128xf32, #tpu.memory_space<hbm>>
        %dma_start3A_198 = arith.constant 14592 : i32
        %dma_start3A_199 = arith.constant 0 : i32
        %dma_start3A_200 = tpu.memref_slice %arg22[%dma_start3A_198, %dma_start3A_199] : memref<16384x128xf32, #tpu.memory_space<hbm>> -> memref<256x128xf32, #tpu.memory_space<hbm>>
        tpu.enqueue_dma source(%run_scoped3A_158 : memref<256x128xf32, #tpu.memory_space<vmem>>) target(%dma_start3A_200 : memref<256x128xf32, #tpu.memory_space<hbm>>) target_semaphore(%arg26 : memref<!tpu.dma_semaphore, #tpu.memory_space<semaphore_mem>>)
        %dma_wait3A_201 = arith.constant 14592 : i32
        %dma_wait3A_202 = arith.constant 0 : i32
        %dma_wait3A_203 = tpu.memref_slice %arg22[%dma_wait3A_201, %dma_wait3A_202] : memref<16384x128xf32, #tpu.memory_space<hbm>> -> memref<256x128xf32, #tpu.memory_space<hbm>>
        %dma_wait3A_204 = arith.constant 14592 : i32
        %dma_wait3A_205 = arith.constant 0 : i32
        %dma_wait3A_206 = tpu.memref_slice %arg22[%dma_wait3A_204, %dma_wait3A_205] : memref<16384x128xf32, #tpu.memory_space<hbm>> -> memref<256x128xf32, #tpu.memory_space<hbm>>
        tpu.wait_dma2 semaphore(%arg26 : memref<!tpu.dma_semaphore, #tpu.memory_space<semaphore_mem>>) src(%run_scoped3A_158 : memref<256x128xf32, #tpu.memory_space<vmem>>) dst(%dma_wait3A_206 : memref<256x128xf32, #tpu.memory_space<hbm>>)
        %dma_start3A_207 = arith.constant 768 : i32
        %dma_start3A_208 = tpu.memref_slice %run_scoped3A_159[%dma_start3A_207] : memref<1024xi32, #tpu.memory_space<vmem>> -> memref<256xi32, #tpu.memory_space<vmem>>
        %dma_start3A_209 = arith.constant 0 : i32
        %dma_start3A_210 = arith.constant 0 : i32
        %dma_start3A_211 = tpu.memref_slice %arg11[%dma_start3A_209, %dma_start3A_210] : memref<100000x128xf32, #tpu.memory_space<hbm>> -> memref<100000x128xf32, #tpu.memory_space<hbm>>
        tpu.enqueue_indirect_dma source(%dma_start3A_211 : memref<100000x128xf32, #tpu.memory_space<hbm>>) target(%run_scoped3A_158 : memref<256x128xf32, #tpu.memory_space<vmem>>) offsets(%dma_start3A_208 : memref<256xi32, #tpu.memory_space<vmem>>) semaphore(%arg24 : memref<!tpu.dma_semaphore, #tpu.memory_space<semaphore_mem>>)
        %dma_wait3A_212 = arith.constant 512 : i32
        %dma_wait3A_213 = tpu.memref_slice %run_scoped3A_159[%dma_wait3A_212] : memref<1024xi32, #tpu.memory_space<vmem>> -> memref<256xi32, #tpu.memory_space<vmem>>
        %dma_wait3A_214 = arith.constant 0 : i32
        %dma_wait3A_215 = arith.constant 0 : i32
        %dma_wait3A_216 = tpu.memref_slice %arg11[%dma_wait3A_214, %dma_wait3A_215] : memref<100000x128xf32, #tpu.memory_space<hbm>> -> memref<100000x128xf32, #tpu.memory_space<hbm>>
        tpu.wait_indirect_dma semaphore(%arg23 : memref<!tpu.dma_semaphore, #tpu.memory_space<semaphore_mem>>) src(%dma_wait3A_216 : memref<100000x128xf32, #tpu.memory_space<hbm>>) dst(%run_scoped3A : memref<256x128xf32, #tpu.memory_space<vmem>>)
        %dma_start3A_217 = arith.constant 14848 : i32
        %dma_start3A_218 = arith.constant 0 : i32
        %dma_start3A_219 = tpu.memref_slice %arg22[%dma_start3A_217, %dma_start3A_218] : memref<16384x128xf32, #tpu.memory_space<hbm>> -> memref<256x128xf32, #tpu.memory_space<hbm>>
        %dma_start3A_220 = arith.constant 14848 : i32
        %dma_start3A_221 = arith.constant 0 : i32
        %dma_start3A_222 = tpu.memref_slice %arg22[%dma_start3A_220, %dma_start3A_221] : memref<16384x128xf32, #tpu.memory_space<hbm>> -> memref<256x128xf32, #tpu.memory_space<hbm>>
        tpu.enqueue_dma source(%run_scoped3A : memref<256x128xf32, #tpu.memory_space<vmem>>) target(%dma_start3A_222 : memref<256x128xf32, #tpu.memory_space<hbm>>) target_semaphore(%arg25 : memref<!tpu.dma_semaphore, #tpu.memory_space<semaphore_mem>>)
        %dma_wait3A_223 = arith.constant 768 : i32
        %dma_wait3A_224 = tpu.memref_slice %run_scoped3A_159[%dma_wait3A_223] : memref<1024xi32, #tpu.memory_space<vmem>> -> memref<256xi32, #tpu.memory_space<vmem>>
        %dma_wait3A_225 = arith.constant 0 : i32
        %dma_wait3A_226 = arith.constant 0 : i32
        %dma_wait3A_227 = tpu.memref_slice %arg11[%dma_wait3A_225, %dma_wait3A_226] : memref<100000x128xf32, #tpu.memory_space<hbm>> -> memref<100000x128xf32, #tpu.memory_space<hbm>>
        tpu.wait_indirect_dma semaphore(%arg24 : memref<!tpu.dma_semaphore, #tpu.memory_space<semaphore_mem>>) src(%dma_wait3A_227 : memref<100000x128xf32, #tpu.memory_space<hbm>>) dst(%run_scoped3A_158 : memref<256x128xf32, #tpu.memory_space<vmem>>)
        %dma_start3A_228 = arith.constant 15104 : i32
        %dma_start3A_229 = arith.constant 0 : i32
        %dma_start3A_230 = tpu.memref_slice %arg22[%dma_start3A_228, %dma_start3A_229] : memref<16384x128xf32, #tpu.memory_space<hbm>> -> memref<256x128xf32, #tpu.memory_space<hbm>>
        %dma_start3A_231 = arith.constant 15104 : i32
        %dma_start3A_232 = arith.constant 0 : i32
        %dma_start3A_233 = tpu.memref_slice %arg22[%dma_start3A_231, %dma_start3A_232] : memref<16384x128xf32, #tpu.memory_space<hbm>> -> memref<256x128xf32, #tpu.memory_space<hbm>>
        tpu.enqueue_dma source(%run_scoped3A_158 : memref<256x128xf32, #tpu.memory_space<vmem>>) target(%dma_start3A_233 : memref<256x128xf32, #tpu.memory_space<hbm>>) target_semaphore(%arg26 : memref<!tpu.dma_semaphore, #tpu.memory_space<semaphore_mem>>)
        %dma_wait3A_234 = arith.constant 14848 : i32
        %dma_wait3A_235 = arith.constant 0 : i32
        %dma_wait3A_236 = tpu.memref_slice %arg22[%dma_wait3A_234, %dma_wait3A_235] : memref<16384x128xf32, #tpu.memory_space<hbm>> -> memref<256x128xf32, #tpu.memory_space<hbm>>
        %dma_wait3A_237 = arith.constant 14848 : i32
        %dma_wait3A_238 = arith.constant 0 : i32
        %dma_wait3A_239 = tpu.memref_slice %arg22[%dma_wait3A_237, %dma_wait3A_238] : memref<16384x128xf32, #tpu.memory_space<hbm>> -> memref<256x128xf32, #tpu.memory_space<hbm>>
        tpu.wait_dma2 semaphore(%arg25 : memref<!tpu.dma_semaphore, #tpu.memory_space<semaphore_mem>>) src(%run_scoped3A : memref<256x128xf32, #tpu.memory_space<vmem>>) dst(%dma_wait3A_239 : memref<256x128xf32, #tpu.memory_space<hbm>>)
        %dma_wait3A_240 = arith.constant 15104 : i32
        %dma_wait3A_241 = arith.constant 0 : i32
        %dma_wait3A_242 = tpu.memref_slice %arg22[%dma_wait3A_240, %dma_wait3A_241] : memref<16384x128xf32, #tpu.memory_space<hbm>> -> memref<256x128xf32, #tpu.memory_space<hbm>>
        %dma_wait3A_243 = arith.constant 15104 : i32
        %dma_wait3A_244 = arith.constant 0 : i32
        %dma_wait3A_245 = tpu.memref_slice %arg22[%dma_wait3A_243, %dma_wait3A_244] : memref<16384x128xf32, #tpu.memory_space<hbm>> -> memref<256x128xf32, #tpu.memory_space<hbm>>
        tpu.wait_dma2 semaphore(%arg26 : memref<!tpu.dma_semaphore, #tpu.memory_space<semaphore_mem>>) src(%run_scoped3A_158 : memref<256x128xf32, #tpu.memory_space<vmem>>) dst(%dma_wait3A_245 : memref<256x128xf32, #tpu.memory_space<hbm>>)
        tpu.yield
      }) : () -> ()
    } else {
    }
    %eq3A_153 = arith.constant 31 : i32
    %eq3A_154 = arith.cmpi eq, %add3A, %eq3A_153 : i32
    %convert_element_type3A_155 = arith.extui %eq3A_154 : i1 to i32
    %cond3A_156 = arith.constant 0 : i32
    %cond3A_157 = arith.cmpi ne, %convert_element_type3A_155, %cond3A_156 : i32
    scf.if %cond3A_157 {
      "tpu.region"() ({
        %run_scoped3A = memref.alloca() : memref<256x128xf32, #tpu.memory_space<vmem>>
        %run_scoped3A_158 = memref.alloca() : memref<256x128xf32, #tpu.memory_space<vmem>>
        %run_scoped3A_159 = memref.alloca() : memref<1024xi32, #tpu.memory_space<vmem>>
        "tpu.region"() ({
          %run_scoped3A_246 = tpu.sem_alloc : memref<!tpu.dma_semaphore, #tpu.memory_space<semaphore_mem>>
          %dma_start3A_247 = arith.constant 15360 : i32
          %dma_start3A_248 = tpu.memref_slice %arg12[%dma_start3A_247] : memref<16384xi32, #tpu.memory_space<hbm>> -> memref<1024xi32, #tpu.memory_space<hbm>>
          %dma_start3A_249 = arith.constant 15360 : i32
          %dma_start3A_250 = tpu.memref_slice %arg12[%dma_start3A_249] : memref<16384xi32, #tpu.memory_space<hbm>> -> memref<1024xi32, #tpu.memory_space<hbm>>
          tpu.enqueue_dma source(%dma_start3A_250 : memref<1024xi32, #tpu.memory_space<hbm>>) target(%run_scoped3A_159 : memref<1024xi32, #tpu.memory_space<vmem>>) target_semaphore(%run_scoped3A_246 : memref<!tpu.dma_semaphore, #tpu.memory_space<semaphore_mem>>)
          %dma_wait3A_251 = arith.constant 15360 : i32
          %dma_wait3A_252 = tpu.memref_slice %arg12[%dma_wait3A_251] : memref<16384xi32, #tpu.memory_space<hbm>> -> memref<1024xi32, #tpu.memory_space<hbm>>
          %dma_wait3A_253 = arith.constant 15360 : i32
          %dma_wait3A_254 = tpu.memref_slice %arg12[%dma_wait3A_253] : memref<16384xi32, #tpu.memory_space<hbm>> -> memref<1024xi32, #tpu.memory_space<hbm>>
          tpu.wait_dma2 semaphore(%run_scoped3A_246 : memref<!tpu.dma_semaphore, #tpu.memory_space<semaphore_mem>>) src(%dma_wait3A_254 : memref<1024xi32, #tpu.memory_space<hbm>>) dst(%run_scoped3A_159 : memref<1024xi32, #tpu.memory_space<vmem>>)
          tpu.yield
        }) : () -> ()
        %dma_start3A = arith.constant 0 : i32
        %dma_start3A_160 = tpu.memref_slice %run_scoped3A_159[%dma_start3A] : memref<1024xi32, #tpu.memory_space<vmem>> -> memref<256xi32, #tpu.memory_space<vmem>>
        %dma_start3A_161 = arith.constant 0 : i32
        %dma_start3A_162 = arith.constant 0 : i32
        %dma_start3A_163 = tpu.memref_slice %arg11[%dma_start3A_161, %dma_start3A_162] : memref<100000x128xf32, #tpu.memory_space<hbm>> -> memref<100000x128xf32, #tpu.memory_space<hbm>>
        tpu.enqueue_indirect_dma source(%dma_start3A_163 : memref<100000x128xf32, #tpu.memory_space<hbm>>) target(%run_scoped3A : memref<256x128xf32, #tpu.memory_space<vmem>>) offsets(%dma_start3A_160 : memref<256xi32, #tpu.memory_space<vmem>>) semaphore(%arg23 : memref<!tpu.dma_semaphore, #tpu.memory_space<semaphore_mem>>)
        %dma_start3A_164 = arith.constant 256 : i32
        %dma_start3A_165 = tpu.memref_slice %run_scoped3A_159[%dma_start3A_164] : memref<1024xi32, #tpu.memory_space<vmem>> -> memref<256xi32, #tpu.memory_space<vmem>>
        %dma_start3A_166 = arith.constant 0 : i32
        %dma_start3A_167 = arith.constant 0 : i32
        %dma_start3A_168 = tpu.memref_slice %arg11[%dma_start3A_166, %dma_start3A_167] : memref<100000x128xf32, #tpu.memory_space<hbm>> -> memref<100000x128xf32, #tpu.memory_space<hbm>>
        tpu.enqueue_indirect_dma source(%dma_start3A_168 : memref<100000x128xf32, #tpu.memory_space<hbm>>) target(%run_scoped3A_158 : memref<256x128xf32, #tpu.memory_space<vmem>>) offsets(%dma_start3A_165 : memref<256xi32, #tpu.memory_space<vmem>>) semaphore(%arg24 : memref<!tpu.dma_semaphore, #tpu.memory_space<semaphore_mem>>)
        %dma_wait3A = arith.constant 0 : i32
        %dma_wait3A_169 = tpu.memref_slice %run_scoped3A_159[%dma_wait3A] : memref<1024xi32, #tpu.memory_space<vmem>> -> memref<256xi32, #tpu.memory_space<vmem>>
        %dma_wait3A_170 = arith.constant 0 : i32
        %dma_wait3A_171 = arith.constant 0 : i32
        %dma_wait3A_172 = tpu.memref_slice %arg11[%dma_wait3A_170, %dma_wait3A_171] : memref<100000x128xf32, #tpu.memory_space<hbm>> -> memref<100000x128xf32, #tpu.memory_space<hbm>>
        tpu.wait_indirect_dma semaphore(%arg23 : memref<!tpu.dma_semaphore, #tpu.memory_space<semaphore_mem>>) src(%dma_wait3A_172 : memref<100000x128xf32, #tpu.memory_space<hbm>>) dst(%run_scoped3A : memref<256x128xf32, #tpu.memory_space<vmem>>)
        %dma_start3A_173 = arith.constant 15360 : i32
        %dma_start3A_174 = arith.constant 0 : i32
        %dma_start3A_175 = tpu.memref_slice %arg22[%dma_start3A_173, %dma_start3A_174] : memref<16384x128xf32, #tpu.memory_space<hbm>> -> memref<256x128xf32, #tpu.memory_space<hbm>>
        %dma_start3A_176 = arith.constant 15360 : i32
        %dma_start3A_177 = arith.constant 0 : i32
        %dma_start3A_178 = tpu.memref_slice %arg22[%dma_start3A_176, %dma_start3A_177] : memref<16384x128xf32, #tpu.memory_space<hbm>> -> memref<256x128xf32, #tpu.memory_space<hbm>>
        tpu.enqueue_dma source(%run_scoped3A : memref<256x128xf32, #tpu.memory_space<vmem>>) target(%dma_start3A_178 : memref<256x128xf32, #tpu.memory_space<hbm>>) target_semaphore(%arg25 : memref<!tpu.dma_semaphore, #tpu.memory_space<semaphore_mem>>)
        %dma_wait3A_179 = arith.constant 15360 : i32
        %dma_wait3A_180 = arith.constant 0 : i32
        %dma_wait3A_181 = tpu.memref_slice %arg22[%dma_wait3A_179, %dma_wait3A_180] : memref<16384x128xf32, #tpu.memory_space<hbm>> -> memref<256x128xf32, #tpu.memory_space<hbm>>
        %dma_wait3A_182 = arith.constant 15360 : i32
        %dma_wait3A_183 = arith.constant 0 : i32
        %dma_wait3A_184 = tpu.memref_slice %arg22[%dma_wait3A_182, %dma_wait3A_183] : memref<16384x128xf32, #tpu.memory_space<hbm>> -> memref<256x128xf32, #tpu.memory_space<hbm>>
        tpu.wait_dma2 semaphore(%arg25 : memref<!tpu.dma_semaphore, #tpu.memory_space<semaphore_mem>>) src(%run_scoped3A : memref<256x128xf32, #tpu.memory_space<vmem>>) dst(%dma_wait3A_184 : memref<256x128xf32, #tpu.memory_space<hbm>>)
        %dma_start3A_185 = arith.constant 512 : i32
        %dma_start3A_186 = tpu.memref_slice %run_scoped3A_159[%dma_start3A_185] : memref<1024xi32, #tpu.memory_space<vmem>> -> memref<256xi32, #tpu.memory_space<vmem>>
        %dma_start3A_187 = arith.constant 0 : i32
        %dma_start3A_188 = arith.constant 0 : i32
        %dma_start3A_189 = tpu.memref_slice %arg11[%dma_start3A_187, %dma_start3A_188] : memref<100000x128xf32, #tpu.memory_space<hbm>> -> memref<100000x128xf32, #tpu.memory_space<hbm>>
        tpu.enqueue_indirect_dma source(%dma_start3A_189 : memref<100000x128xf32, #tpu.memory_space<hbm>>) target(%run_scoped3A : memref<256x128xf32, #tpu.memory_space<vmem>>) offsets(%dma_start3A_186 : memref<256xi32, #tpu.memory_space<vmem>>) semaphore(%arg23 : memref<!tpu.dma_semaphore, #tpu.memory_space<semaphore_mem>>)
        %dma_wait3A_190 = arith.constant 256 : i32
        %dma_wait3A_191 = tpu.memref_slice %run_scoped3A_159[%dma_wait3A_190] : memref<1024xi32, #tpu.memory_space<vmem>> -> memref<256xi32, #tpu.memory_space<vmem>>
        %dma_wait3A_192 = arith.constant 0 : i32
        %dma_wait3A_193 = arith.constant 0 : i32
        %dma_wait3A_194 = tpu.memref_slice %arg11[%dma_wait3A_192, %dma_wait3A_193] : memref<100000x128xf32, #tpu.memory_space<hbm>> -> memref<100000x128xf32, #tpu.memory_space<hbm>>
        tpu.wait_indirect_dma semaphore(%arg24 : memref<!tpu.dma_semaphore, #tpu.memory_space<semaphore_mem>>) src(%dma_wait3A_194 : memref<100000x128xf32, #tpu.memory_space<hbm>>) dst(%run_scoped3A_158 : memref<256x128xf32, #tpu.memory_space<vmem>>)
        %dma_start3A_195 = arith.constant 15616 : i32
        %dma_start3A_196 = arith.constant 0 : i32
        %dma_start3A_197 = tpu.memref_slice %arg22[%dma_start3A_195, %dma_start3A_196] : memref<16384x128xf32, #tpu.memory_space<hbm>> -> memref<256x128xf32, #tpu.memory_space<hbm>>
        %dma_start3A_198 = arith.constant 15616 : i32
        %dma_start3A_199 = arith.constant 0 : i32
        %dma_start3A_200 = tpu.memref_slice %arg22[%dma_start3A_198, %dma_start3A_199] : memref<16384x128xf32, #tpu.memory_space<hbm>> -> memref<256x128xf32, #tpu.memory_space<hbm>>
        tpu.enqueue_dma source(%run_scoped3A_158 : memref<256x128xf32, #tpu.memory_space<vmem>>) target(%dma_start3A_200 : memref<256x128xf32, #tpu.memory_space<hbm>>) target_semaphore(%arg26 : memref<!tpu.dma_semaphore, #tpu.memory_space<semaphore_mem>>)
        %dma_wait3A_201 = arith.constant 15616 : i32
        %dma_wait3A_202 = arith.constant 0 : i32
        %dma_wait3A_203 = tpu.memref_slice %arg22[%dma_wait3A_201, %dma_wait3A_202] : memref<16384x128xf32, #tpu.memory_space<hbm>> -> memref<256x128xf32, #tpu.memory_space<hbm>>
        %dma_wait3A_204 = arith.constant 15616 : i32
        %dma_wait3A_205 = arith.constant 0 : i32
        %dma_wait3A_206 = tpu.memref_slice %arg22[%dma_wait3A_204, %dma_wait3A_205] : memref<16384x128xf32, #tpu.memory_space<hbm>> -> memref<256x128xf32, #tpu.memory_space<hbm>>
        tpu.wait_dma2 semaphore(%arg26 : memref<!tpu.dma_semaphore, #tpu.memory_space<semaphore_mem>>) src(%run_scoped3A_158 : memref<256x128xf32, #tpu.memory_space<vmem>>) dst(%dma_wait3A_206 : memref<256x128xf32, #tpu.memory_space<hbm>>)
        %dma_start3A_207 = arith.constant 768 : i32
        %dma_start3A_208 = tpu.memref_slice %run_scoped3A_159[%dma_start3A_207] : memref<1024xi32, #tpu.memory_space<vmem>> -> memref<256xi32, #tpu.memory_space<vmem>>
        %dma_start3A_209 = arith.constant 0 : i32
        %dma_start3A_210 = arith.constant 0 : i32
        %dma_start3A_211 = tpu.memref_slice %arg11[%dma_start3A_209, %dma_start3A_210] : memref<100000x128xf32, #tpu.memory_space<hbm>> -> memref<100000x128xf32, #tpu.memory_space<hbm>>
        tpu.enqueue_indirect_dma source(%dma_start3A_211 : memref<100000x128xf32, #tpu.memory_space<hbm>>) target(%run_scoped3A_158 : memref<256x128xf32, #tpu.memory_space<vmem>>) offsets(%dma_start3A_208 : memref<256xi32, #tpu.memory_space<vmem>>) semaphore(%arg24 : memref<!tpu.dma_semaphore, #tpu.memory_space<semaphore_mem>>)
        %dma_wait3A_212 = arith.constant 512 : i32
        %dma_wait3A_213 = tpu.memref_slice %run_scoped3A_159[%dma_wait3A_212] : memref<1024xi32, #tpu.memory_space<vmem>> -> memref<256xi32, #tpu.memory_space<vmem>>
        %dma_wait3A_214 = arith.constant 0 : i32
        %dma_wait3A_215 = arith.constant 0 : i32
        %dma_wait3A_216 = tpu.memref_slice %arg11[%dma_wait3A_214, %dma_wait3A_215] : memref<100000x128xf32, #tpu.memory_space<hbm>> -> memref<100000x128xf32, #tpu.memory_space<hbm>>
        tpu.wait_indirect_dma semaphore(%arg23 : memref<!tpu.dma_semaphore, #tpu.memory_space<semaphore_mem>>) src(%dma_wait3A_216 : memref<100000x128xf32, #tpu.memory_space<hbm>>) dst(%run_scoped3A : memref<256x128xf32, #tpu.memory_space<vmem>>)
        %dma_start3A_217 = arith.constant 15872 : i32
        %dma_start3A_218 = arith.constant 0 : i32
        %dma_start3A_219 = tpu.memref_slice %arg22[%dma_start3A_217, %dma_start3A_218] : memref<16384x128xf32, #tpu.memory_space<hbm>> -> memref<256x128xf32, #tpu.memory_space<hbm>>
        %dma_start3A_220 = arith.constant 15872 : i32
        %dma_start3A_221 = arith.constant 0 : i32
        %dma_start3A_222 = tpu.memref_slice %arg22[%dma_start3A_220, %dma_start3A_221] : memref<16384x128xf32, #tpu.memory_space<hbm>> -> memref<256x128xf32, #tpu.memory_space<hbm>>
        tpu.enqueue_dma source(%run_scoped3A : memref<256x128xf32, #tpu.memory_space<vmem>>) target(%dma_start3A_222 : memref<256x128xf32, #tpu.memory_space<hbm>>) target_semaphore(%arg25 : memref<!tpu.dma_semaphore, #tpu.memory_space<semaphore_mem>>)
        %dma_wait3A_223 = arith.constant 768 : i32
        %dma_wait3A_224 = tpu.memref_slice %run_scoped3A_159[%dma_wait3A_223] : memref<1024xi32, #tpu.memory_space<vmem>> -> memref<256xi32, #tpu.memory_space<vmem>>
        %dma_wait3A_225 = arith.constant 0 : i32
        %dma_wait3A_226 = arith.constant 0 : i32
        %dma_wait3A_227 = tpu.memref_slice %arg11[%dma_wait3A_225, %dma_wait3A_226] : memref<100000x128xf32, #tpu.memory_space<hbm>> -> memref<100000x128xf32, #tpu.memory_space<hbm>>
        tpu.wait_indirect_dma semaphore(%arg24 : memref<!tpu.dma_semaphore, #tpu.memory_space<semaphore_mem>>) src(%dma_wait3A_227 : memref<100000x128xf32, #tpu.memory_space<hbm>>) dst(%run_scoped3A_158 : memref<256x128xf32, #tpu.memory_space<vmem>>)
        %dma_start3A_228 = arith.constant 16128 : i32
        %dma_start3A_229 = arith.constant 0 : i32
        %dma_start3A_230 = tpu.memref_slice %arg22[%dma_start3A_228, %dma_start3A_229] : memref<16384x128xf32, #tpu.memory_space<hbm>> -> memref<256x128xf32, #tpu.memory_space<hbm>>
        %dma_start3A_231 = arith.constant 16128 : i32
        %dma_start3A_232 = arith.constant 0 : i32
        %dma_start3A_233 = tpu.memref_slice %arg22[%dma_start3A_231, %dma_start3A_232] : memref<16384x128xf32, #tpu.memory_space<hbm>> -> memref<256x128xf32, #tpu.memory_space<hbm>>
        tpu.enqueue_dma source(%run_scoped3A_158 : memref<256x128xf32, #tpu.memory_space<vmem>>) target(%dma_start3A_233 : memref<256x128xf32, #tpu.memory_space<hbm>>) target_semaphore(%arg26 : memref<!tpu.dma_semaphore, #tpu.memory_space<semaphore_mem>>)
        %dma_wait3A_234 = arith.constant 15872 : i32
        %dma_wait3A_235 = arith.constant 0 : i32
        %dma_wait3A_236 = tpu.memref_slice %arg22[%dma_wait3A_234, %dma_wait3A_235] : memref<16384x128xf32, #tpu.memory_space<hbm>> -> memref<256x128xf32, #tpu.memory_space<hbm>>
        %dma_wait3A_237 = arith.constant 15872 : i32
        %dma_wait3A_238 = arith.constant 0 : i32
        %dma_wait3A_239 = tpu.memref_slice %arg22[%dma_wait3A_237, %dma_wait3A_238] : memref<16384x128xf32, #tpu.memory_space<hbm>> -> memref<256x128xf32, #tpu.memory_space<hbm>>
        tpu.wait_dma2 semaphore(%arg25 : memref<!tpu.dma_semaphore, #tpu.memory_space<semaphore_mem>>) src(%run_scoped3A : memref<256x128xf32, #tpu.memory_space<vmem>>) dst(%dma_wait3A_239 : memref<256x128xf32, #tpu.memory_space<hbm>>)
        %dma_wait3A_240 = arith.constant 16128 : i32
        %dma_wait3A_241 = arith.constant 0 : i32
        %dma_wait3A_242 = tpu.memref_slice %arg22[%dma_wait3A_240, %dma_wait3A_241] : memref<16384x128xf32, #tpu.memory_space<hbm>> -> memref<256x128xf32, #tpu.memory_space<hbm>>
        %dma_wait3A_243 = arith.constant 16128 : i32
        %dma_wait3A_244 = arith.constant 0 : i32
        %dma_wait3A_245 = tpu.memref_slice %arg22[%dma_wait3A_243, %dma_wait3A_244] : memref<16384x128xf32, #tpu.memory_space<hbm>> -> memref<256x128xf32, #tpu.memory_space<hbm>>
        tpu.wait_dma2 semaphore(%arg26 : memref<!tpu.dma_semaphore, #tpu.memory_space<semaphore_mem>>) src(%run_scoped3A_158 : memref<256x128xf32, #tpu.memory_space<vmem>>) dst(%dma_wait3A_245 : memref<256x128xf32, #tpu.memory_space<hbm>>)
        tpu.yield
      }) : () -> ()
    } else {
    }
    return
  }
}

</mosaic_0001>

<sc_bundles>
// kernel: _downsample.3.cloned.1.call-start
scs
__scs_entry_jumppad:
0x0: {  	(pc) =	sbr.rel $0x88, $3  }
0x1: {  	(tag) =	ssettag $0x0;
	lr =	simm.s32 $0x1  }
0x2: {  	[smem:$0x3F96] =	sst lr;
	_ =	strace $0xD0000000  }
0x3: {  	_ = 	snop  }
0x4: {  	_ = 	snop  }
0x5: {  	_ = 	snop  }
0x6: {  	_ = 	snop  }
0x7: {  	_ = 	snop  }
__scs_overlays_trampoline_lowered:
0x8: {  	[smem:$0x3FA5] =	sst s0  }
0x9: {  	[smem:$0x3FA6] =	sst s1  }
0xa: {  	[smem:$0x3FA7] =	sst s2  }
0xb: {  	[smem:$0x3FA8] =	sst s3  }
0xc: {  	[smem:$0x3FA9] =	sst s4  }
0xd: {  	[smem:$0x3FAA] =	sst s5  }
0xe: {  	[smem:$0x3FAB] =	sst s6  }
0xf: {  	[smem:$0x3FAC] =	sst s7  }
0x10: {  	[smem:$0x3FAD] =	sst s8  }
0x11: {  	[smem:$0x3FAE] =	sst s9;
	s0 =	simm.s32 @!p0 $0x0  }
0x12: {  	s1 =	sld [smem:$0x3F94];
	s0 =	simm.s32 @p0 $0x1  }
0x13: {  	[smem:$0x3FAF] =	sst s0;
	s0 =	simm.s32 @!p1 $0x0  }
0x14: {  	s2 =	sld [smem:$0x3F93];
	s0 =	simm.s32 @p1 $0x1  }
0x15: {  	[smem:$0x3FB0] =	sst s0;
	s0 =	simm.s32 @!p2 $0x0  }
0x16: {  	s3 =	sld [smem:$0x3FDB];
	s0 =	simm.s32 @p2 $0x1  }
0x17: {  	s4 =	simm.s32 $0x1BF5;
	[smem:$0x3FB2] =	sst s0  }
0x18: {  	s0 =	sld [smem:$0x3F95];
	_ =	swait.ge [sflag:s4], $0x0  }
0x19: {  	s7 =	sld [smem:$0x3F96]  }
0x1a: {  	s8 =	sadd.s32 $0xFFFFE003, lr  }
0x1b: {  	s9 =	sadd.s32 $0xFFFFFEF7, lr;
	s5 =	simm.s32 $0xFFFFFFFF;
	p2 =	slt.u32 s8, $0xFFFFF086  }
0x1c: {  	p1 =	slt.u32 s9, $0xF7A;
	s5 =	simm.s32 @!p2 $0x0  }
0x1d: {  	s5 =	simm.s32 @p1 $0x1;
	p0 =	seq.s32 s7, s2  }
0x1e: {  	s7 =	smul.u32 @!p0 $0xF7A, s2;
	p2 =	seq.s32 @!p0 s5, $0x0  }
0x1f: {  	s9 =	smul.u32 $0xF7A, s1;
	s8 =	simm.s32 @!p0 $0x1BF5;
	p2 =	por !p2, p0  }
0x20: {  	[sflag:s8] =	ssyncset.s32 @!p0 $0xFFFFF086;
	s6 =	sadd.s32 @!p0 s3, s7;
	s7 =	simm.s32 @!p0 $0x108  }
0x21: {  	s3 =	sadd.s32 s3, s9;
	s6 =	sadd.s32 @!p0 $0x88, s6;
	s7 =	simm.s32 @p2 $0x1082  }
0x22: {  	[simem:s7], [sflag:s8] =	dma.local @!p0 [hbm:s6], $0xF7A  }
0x23: {  	s9 =	sor.u32 $0xD0000000, s2;
	s6 =	simm.s32 $0x108;
	_ =	swait.ge @!p0 [sflag:s8], $0x0  }
0x24: {  	s3 =	sadd.s32 $0x88, s3;
	s6 =	simm.s32 @!p1 $0x1082;
	[sflag:s4] =	ssyncset.s32 $0xFFFFF086  }
0x25: {  	[simem:s6], [sflag:s4] =	dma.local [hbm:s3], $0xF7A  }
0x26: {  	[smem:$0x3F96] =	sst s1;
	(tag) =	ssettag s2;
	_ =	strace s9  }
0x27: {  	s1 =	sld [smem:$0x3FA6]  }
0x28: {  	s2 =	sld [smem:$0x3FA7]  }
0x29: {  	s4 =	sld [smem:$0x3FA9]  }
0x2a: {  	p0 =	seq.s32 s5, $0x0;
	s5 =	sld [smem:$0x3FAA]  }
0x2b: {  	s6 =	sld [smem:$0x3FAB]  }
0x2c: {  	s7 =	sld [smem:$0x3FAC]  }
0x2d: {  	s3 =	simm.s32 $0x108;
	s8 =	sld [smem:$0x3FAD]  }
0x2e: {  	s3 =	simm.s32 @!p0 $0x1082;
	s9 =	sld [smem:$0x3FAE]  }
0x2f: {  	lr =	sadd.s32 s0, s3;
	s0 =	sld [smem:$0x3FA5]  }
0x30: {  	s3 =	sld [smem:$0x3FA8]  }
0x31: {  	[smem:$0x3FB1] =	sst s10  }
0x32: {  	s10 =	sld [smem:$0x3FAF];
	_ =	sdelay $0x3  }
0x33: {  	p0 =	seq.s32 s10, $0x1;
	s10 =	sld [smem:$0x3FB1];
	_ =	sdelay $0x3  }
0x34: {  	[smem:$0x3FB1] =	sst s10  }
0x35: {  	s10 =	sld [smem:$0x3FB0];
	_ =	sdelay $0x3  }
0x36: {  	p1 =	seq.s32 s10, $0x1;
	s10 =	sld [smem:$0x3FB1];
	_ =	sdelay $0x3  }
0x37: {  	[smem:$0x3FB1] =	sst s10  }
0x38: {  	s10 =	sld [smem:$0x3FB2]  }
0x39: {  	_ = 	snop;
	(pc) =	sbr.ind lr, $3  }
0x3a: {  	_ = 	snop  }
0x3b: {  	_ = 	snop  }
0x3c: {  	p2 =	seq.s32 s10, $0x1;
	s10 =	sld [smem:$0x3FB1]  }
0x3d: {  	_ =	shalt  }
0x3e: {  	_ =	shalt  }
0x3f: {  	_ =	shalt  }
0x40: {  	_ =	shalt  }
0x41: {  	_ =	shalt  }
0x42: {  	_ =	shalt  }
0x43: {  	_ =	shalt  }
0x44: {  	_ =	shalt  }
0x45: {  	_ =	shalt  }
0x46: {  	_ =	shalt  }
0x47: {  	_ =	shalt  }
0x48: {  	_ =	shalt  }
0x49: {  	_ =	shalt  }
0x4a: {  	_ =	shalt  }
0x4b: {  	_ =	shalt  }
0x4c: {  	_ =	shalt  }
0x4d: {  	_ =	shalt  }
0x4e: {  	_ =	shalt  }
0x4f: {  	_ =	shalt  }
0x50: {  	_ =	shalt  }
0x51: {  	_ =	shalt  }
0x52: {  	_ =	shalt  }
0x53: {  	_ =	shalt  }
0x54: {  	_ =	shalt  }
0x55: {  	_ =	shalt  }
0x56: {  	_ =	shalt  }
0x57: {  	_ =	shalt  }
0x58: {  	_ =	shalt  }
0x59: {  	_ =	shalt  }
0x5a: {  	_ =	shalt  }
0x5b: {  	_ =	shalt  }
0x5c: {  	_ =	shalt  }
0x5d: {  	_ =	shalt  }
0x5e: {  	_ =	shalt  }
0x5f: {  	_ =	shalt  }
0x60: {  	_ =	shalt  }
0x61: {  	_ =	shalt  }
0x62: {  	_ =	shalt  }
0x63: {  	_ =	shalt  }
0x64: {  	_ =	shalt  }
0x65: {  	_ =	shalt  }
0x66: {  	_ =	shalt  }
0x67: {  	_ =	shalt  }
0x68: {  	_ =	shalt  }
0x69: {  	_ =	shalt  }
0x6a: {  	_ =	shalt  }
0x6b: {  	_ =	shalt  }
0x6c: {  	_ =	shalt  }
0x6d: {  	_ =	shalt  }
0x6e: {  	_ =	shalt  }
0x6f: {  	_ =	shalt  }
0x70: {  	_ =	shalt  }
0x71: {  	_ =	shalt  }
0x72: {  	_ =	shalt  }
0x73: {  	_ =	shalt  }
0x74: {  	_ =	shalt  }
0x75: {  	_ =	shalt  }
0x76: {  	_ =	shalt  }
0x77: {  	_ =	shalt  }
0x78: {  	_ =	shalt  }
0x79: {  	_ =	shalt  }
0x7a: {  	_ =	shalt  }
0x7b: {  	_ =	shalt  }
0x7c: {  	_ =	shalt  }
0x7d: {  	_ =	shalt  }
0x7e: {  	_ =	shalt  }
0x7f: {  	_ =	shalt  }
0x80: {  	_ =	shalt  }
0x81: {  	_ =	shalt  }
0x82: {  	_ =	shalt  }
0x83: {  	_ =	shalt  }
0x84: {  	_ =	shalt  }
0x85: {  	_ =	shalt  }
0x86: {  	_ =	shalt  }
0x87: {  	_ =	shalt  }
.Lfunc_end0:
.L_simem_size_0:
called_computation_lowered:
.L_overlay_start_0:
0x88: {  	s2 =	sld [smem:$0x3FD9]  }
0x89: {  	s3 =	sld [smem:$0x3FFE];
	_ =	sdelay $0x1  }
0x8a: {  	s1 =	srdreg.scid  }
0x8b: {  	s0 =	sand.u32 $0x1, s1  }
0x8c: {  	s28 =	sshll.u32 s0, $0xA;
	s2 =	sadd.s32 s3, s2  }
0x8d: {  	s2 =	sadd.s32 s2, s28  }
0x8e: {  	[smem:$0x3FBD] =	sst s2  }
0x8f: {  	_ = 	snop  }
0x90: {  	s2 =	sld [smem:$0x3FC9]  }
0x91: {  	s3 =	sld [smem:$0x3FC8]  }
0x92: {  	s4 =	sld [smem:$0x3FC7]  }
0x93: {  	s5 =	sld [smem:$0x3FC6]  }
0x94: {  	s6 =	sld [smem:$0x3FC5]  }
0x95: {  	s7 =	sld [smem:$0x3FC4]  }
0x96: {  	s8 =	sld [smem:$0x3FC3]  }
0x97: {  	s13 =	sld [smem:$0x3FD0]  }
0x98: {  	s9 =	sld [smem:$0x3FC2]  }
0x99: {  	s10 =	sld [smem:$0x3FC1]  }
0x9a: {  	s18 =	simm.s32 $0xA;
	s11 =	sld [smem:$0x3FC0]  }
0x9b: {  	s15 =	simm.s32 $0x10;
	s12 =	sld [smem:$0x3FBF];
	s14 =	sadd.s32 $0x1, s13  }
0x9c: {  	[smem:s15], [sflag:s18] =	dma.local [hbm:s14], $0x1  }
0x9d: {  	_ =	swait.eq [sflag:s18], $0x1  }
0x9e: {  	[sflag:s18] =	ssyncset.done $0x0  }
0x9f: {  	s16 =	sld [smem:$0x10];
	[sflag:s18] =	ssyncadd.s32 $0xFFFFFFFF  }
0xa0: {  	s17 =	sld [smem:$0x11]  }
0xa1: {  	[smem:s15], [sflag:s18] =	dma.local [hbm:s13], $0x1  }
0xa2: {  	_ =	swait.eq [sflag:s18], $0x1  }
0xa3: {  	s13 =	sld [smem:$0x10]  }
0xa4: {  	s14 =	sld [smem:$0x11]  }
0xa5: {  	s15 =	sld [smem:$0x12]  }
0xa6: {  	s19 =	sld [smem:$0x13]  }
0xa7: {  	s20 =	sld [smem:$0x14]  }
0xa8: {  	s21 =	sld [smem:$0x15];
	[sflag:s18] =	ssyncset.done $0x0  }
0xa9: {  	s22 =	sld [smem:$0x16];
	[sflag:s18] =	ssyncadd.s32 $0xFFFFFFFF  }
0xaa: {  	s23 =	sld [smem:$0x17];
	(tm) =	ssettm $0x1  }
0xab: {  	s29 =	sld [smem:$0x3FFB];
	_ =	sdelay $0x3  }
0xac: {  	_ =	strace s29  }
0xad: {  	s18 =	sld [smem:$0x3FFC];
	_ =	sdelay $0x3  }
0xae: {  	_ =	strace s18  }
0xaf: {  	s18 =	sld [smem:$0x3FFD];
	_ =	sdelay $0x3  }
0xb0: {  	_ =	strace s18  }
0xb1: {  	_ =	strace $0x8FFFFFFF  }
0xb2: {  	s30 =	sld [smem:$0x3FDB];
	_ =	sdelay $0x1  }
0xb3: {  	s24 =	simm.s32 $_scs_section_size  }
0xb4: {  	s25 =	simm.s32 $_size__tile_task_arg_handler_lowered;
	s26 =	simm.s32 $_tile_task_arg_handler_lowered  }
0xb5: {  	s31 =	sshll.u32 s25, $0x1;
	s26 =	sshll.u32 s26, $0x1;
	s24 =	sadd.s32 s24, s30  }
0xb6: {  	s28 =	simm.s32 $0x60;
	s25 =	sadd.s32 s26, s24;
	s26 =	simm.s32 $0x1BFF  }
0xb7: {  	[timem:s28], [sflag:s26] =	dma.local [hbm:s25], s31  }
0xb8: {  	_ =	swait.ge [sflag:s26], s31  }
0xb9: {  	s18 =	ssub.s32 $0x0, s31;
	s28 =	simm.s32 $_tile_overlayer_lowered;
	[sflag:s26] =	ssyncset.done $0x0  }
0xba: {  	s30 =	simm.s32 $_size__tile_overlayer_lowered;
	s29 =	sshll.u32 s28, $0x1;
	[sflag:s26] =	ssyncadd.s32 s18  }
0xbb: {  	s25 =	sshll.u32 s30, $0x1;
	s31 =	sadd.s32 s29, s24;
	s18 =	simm.s32 $0x0  }
0xbc: {  	[timem:s18], [sflag:s26] =	dma.local [hbm:s31], s25  }
0xbd: {  	_ =	swait.ge [sflag:s26], s25  }
0xbe: {  	s25 =	ssub.s32 $0x0, s25;
	[sflag:s26] =	ssyncset.done $0x0  }
0xbf: {  	[sflag:s26] =	ssyncadd.s32 s25;
	_ =	sdelay $0x1  }
0xc0: {  	s28 =	simm.s32 $0x1B8B  }
0xc1: {  	_ =	swait.ge [sflag:s28], $0x1  }
0xc2: {  	[sflag:s28] =	ssyncset.done $0x0  }
0xc3: {  	s29 =	simm.s32 $0x1B8E;
	[sflag:s28] =	ssyncadd.s32 $0xFFFFFFFF  }
0xc4: {  	s30 =	simm.s32 $execute0_lowered;
	[smem:$0x3FD2] =	sst s29  }
0xc5: {  	s25 =	sshll.u32 s30, $0x1;
	_ =	strace $0x80000046;
	[dreg:$0x1] =	wrdreg $0xFFFFFFFF  }
0xc6: {  	s31 =	simm.s32 $_size_execute0_lowered;
	s24 =	sadd.s32 s24, s25;
	[dreg:$0x0] =	wrdreg $0x0  }
0xc7: {  	s26 =	sshll.u32 s31, $0x1;
	[dreg:$0x2] =	wrdreg s24  }
0xc8: {  	[dreg:$0x3] =	wrdreg s26  }
0xc9: {  	[dreg:$0x4] =	wrdreg $0xC0  }
0xca: {  	_ =	task [dreg:s18], $0x5FFFF  }
0xcb: {  	[dreg:$0x1] =	wrdreg $0xFFFFFFFF  }
0xcc: {  	[dreg:$0x0] =	wrdreg $0x30  }
0xcd: {  	[dreg:$0x2] =	wrdreg $0x0  }
0xce: {  	[dreg:$0x3] =	wrdreg s19  }
0xcf: {  	[dreg:$0x4] =	wrdreg s20  }
0xd0: {  	[dreg:$0x5] =	wrdreg s21  }
0xd1: {  	[dreg:$0x6] =	wrdreg s22  }
0xd2: {  	[dreg:$0x7] =	wrdreg s23  }
0xd3: {  	[dreg:$0x8] =	wrdreg s16  }
0xd4: {  	[dreg:$0x9] =	wrdreg s17  }
0xd5: {  	[dreg:$0xa] =	wrdreg $0x9  }
0xd6: {  	_ =	task [dreg:s18], $0xBFFFF  }
0xd7: {  	[dreg:$0x1] =	wrdreg $0xFFFFFFFF  }
0xd8: {  	[dreg:$0x0] =	wrdreg $0x60  }
0xd9: {  	[dreg:$0x2] =	wrdreg s2  }
0xda: {  	[dreg:$0x3] =	wrdreg s3  }
0xdb: {  	[dreg:$0x4] =	wrdreg s4  }
0xdc: {  	[dreg:$0x5] =	wrdreg s5  }
0xdd: {  	[dreg:$0x6] =	wrdreg s6  }
0xde: {  	[dreg:$0x7] =	wrdreg s7  }
0xdf: {  	[dreg:$0x8] =	wrdreg s8  }
0xe0: {  	[dreg:$0x9] =	wrdreg s9  }
0xe1: {  	[dreg:$0xa] =	wrdreg s10  }
0xe2: {  	[dreg:$0xb] =	wrdreg s11  }
0xe3: {  	[dreg:$0xc] =	wrdreg s12  }
0xe4: {  	[dreg:$0xd] =	wrdreg s13  }
0xe5: {  	[dreg:$0xe] =	wrdreg s14  }
0xe6: {  	[dreg:$0xf] =	wrdreg s15  }
0xe7: {  	_ =	task.clear_ibuf [dreg:s18], $0x10FFFF;
	_ =	strace $0x90000046  }
0xe8: {  	s28 =	simm.s32 $0x9;
	_ =	strace $0x80000048  }
0xe9: {  	_ =	swait.ge [sflag:s28], $0x1  }
0xea: {  	[sflag:s28] =	ssyncadd.s32 $0xFFFFFFFF  }
0xeb: {  	_ =	strace $0x90000048  }
0xec: {  	_ =	sfence  }
0xed: {  	s29 =	sld [smem:$0x0];
	_ =	sdelay $0x2  }
0xee: {  	s30 =	sshll.u32 s1, $0xD;
	s1 =	sshrl.u32 s1, $0x2  }
0xef: {  	s31 =	sand.u32 $0x4000, s30;
	s1 =	sadd.s32 s1, s29  }
0xf0: {  	s0 =	sor.u32 s31, s0;
	s1 =	sshll.u32 s1, $0x11  }
0xf1: {  	s0 =	sor.u32 s1, s0  }
0xf2: {  	s0 =	sadd.s32 $0x8F2B, s0  }
0xf3: {  	[sflag:s0] =	ssyncadd.remote.s32 $0x1  }
0xf4: {  	_ =	sfence.sel $0xFFFF  }
0xf5: {  	[dreg:$0x0] =	wrdreg $0xFFFFFFFF;
	(pc) =	sbr.abs _section_cstart, $3  }
0xf6: {  	[dreg:$0x1] =	wrdreg $0xFFFFFFFF  }
0xf7: {  	_ =	task.clear_ibuf [dreg:s18], $0x2FFFF;
	_ =	strace $0x9FFFFFFF  }
0xf8: {  	(tm) =	ssettm $0x7FFFFFFF  }
0xf9: {  	_ =	shalt  }
tec
_tile_task_arg_handler_lowered:
.L_overlay_start_1:
0x0: {  	(tag) =	ssettag $0x1  }
0x1: {  	s0 =	rddreg [dreg:$0x0]  }
0x2: {  	s1 =	rddreg [dreg:$0x1]  }
0x3: {  	s2 =	rddreg [dreg:$0x2]  }
0x4: {  	s3 =	rddreg [dreg:$0x3]  }
0x5: {  	s4 =	rddreg [dreg:$0x4]  }
0x6: {  	s5 =	rddreg [dreg:$0x5]  }
0x7: {  	s6 =	rddreg [dreg:$0x6]  }
0x8: {  	s7 =	rddreg [dreg:$0x7]  }
0x9: {  	s8 =	rddreg [dreg:$0x8]  }
0xa: {  	s9 =	rddreg [dreg:$0x9]  }
0xb: {  	s10 =	rddreg [dreg:$0xa]  }
0xc: {  	s11 =	rddreg [dreg:$0xb]  }
0xd: {  	s12 =	rddreg [dreg:$0xc]  }
0xe: {  	s13 =	rddreg [dreg:$0xd]  }
0xf: {  	[smem:s0] =	sst s1  }
0x10: {  	[smem:s0+$0x1] =	sst s2  }
0x11: {  	[smem:s0+$0x2] =	sst s3  }
0x12: {  	[smem:s0+$0x3] =	sst s4  }
0x13: {  	[smem:s0+$0x4] =	sst s5  }
0x14: {  	[smem:s0+$0x5] =	sst s6  }
0x15: {  	[smem:s0+$0x6] =	sst s7  }
0x16: {  	[smem:s0+$0x7] =	sst s8  }
0x17: {  	[smem:s0+$0x8] =	sst s9  }
0x18: {  	[smem:s0+$0x9] =	sst s10  }
0x19: {  	[smem:s0+$0xA] =	sst s11  }
0x1a: {  	[smem:s0+$0xB] =	sst s12  }
0x1b: {  	[smem:s0+$0xC] =	sst s13;
	_ =	shalt  }
.Lfunc_end2:
execute0_lowered:
.L_overlay_start_2:
0x1c: {  	(tag) =	ssettag $0x2  }
0x1d: {  	s9 =	rddreg [dreg:$0x9]  }
0x1e: {  	s10 =	rddreg [dreg:$0xa]  }
0x1f: {  	s4 =	rddreg [dreg:$0xb]  }
0x20: {  	s5 =	rddreg [dreg:$0xc]  }
0x21: {  	s6 =	rddreg [dreg:$0xd];
	s14 =	simm.s32 $0x0  }
0x22: {  	[smem:$0x7FF] =	sst s14  }
0x23: {  	s7 =	sld [smem:$0x0]  }
0x24: {  	s8 =	sld [smem:$0x1]  }
0x25: {  	s0 =	srdreg.scid;
	s11 =	sld [smem:$0x2]  }
0x26: {  	s3 =	stileid.u32;
	s12 =	sld [smem:$0x3]  }
0x27: {  	s0 =	sand.u32 $0x1, s0;
	s3 =	sshll.u32 s3, $0x1;
	s13 =	sld [smem:$0x4]  }
0x28: {  	s1 =	ssub.s32 $0x2, s0;
	s0 =	sor.u32 s0, s3;
	s19 =	sld [smem:$0x7]  }
0x29: {  	s15 =	sld [smem:$0x5];
	s2 =	sshrl.u32 s1, $0x1;
	p0 =	sgt.s32 s0, $0xF  }
0x2a: {  	s23 =	sld [smem:$0x6];
	s1 =	ssub.s32 s1, s2;
	s2 =	simm.s32 @!p0 $0x0  }
0x2b: {  	[dreg:$0x14] =	wrdreg s19;
	s2 =	simm.s32 @p0 $0x1  }
0x2c: {  	s20 =	sadd.s32 $0x400, s4;
	_ =	strace $0x80000047;
	[smem:$0x7A8] =	sst s2  }
0x2d: {  	s21 =	sadd.s32 $0x400, s5;
	[dreg:$0x15] =	wrdreg s20  }
0x2e: {  	s22 =	sadd.s32 $0x400, s6;
	[dreg:$0x16] =	wrdreg s21  }
0x2f: {  	[dreg:$0x17] =	wrdreg s22  }
0x30: {  	s26 =	sadd.s32 $0x400, s7;
	[dreg:$0xe] =	wrdreg s7  }
0x31: {  	[dreg:$0x18] =	wrdreg s26  }
0x32: {  	s28 =	sadd.s32 $0x400, s8;
	[dreg:$0xf] =	wrdreg s8  }
0x33: {  	[dreg:$0x19] =	wrdreg s28  }
0x34: {  	s29 =	sadd.s32 $0x400, s11;
	[dreg:$0x10] =	wrdreg s11  }
0x35: {  	[dreg:$0x1a] =	wrdreg s29  }
0x36: {  	s25 =	smax.u32 s1, $0x1;
	s1 =	sadd.s32 $0x400, s12;
	[dreg:$0x11] =	wrdreg s12  }
0x37: {  	[dreg:$0x1b] =	wrdreg s1  }
0x38: {  	[dreg:$0x12] =	wrdreg s13  }
0x39: {  	s3 =	sadd.s32 $0x400, s15;
	[dreg:$0x13] =	wrdreg s15  }
0x3a: {  	s4 =	sadd.s32 $0x780, s10;
	[dreg:$0x1d] =	wrdreg s3  }
0x3b: {  	s5 =	sadd.s32 $0x3C000, s23;
	[dreg:$0x1e] =	wrdreg s4  }
0x3c: {  	s6 =	sadd.s32 $0x3D000, s23;
	[dreg:$0x1f] =	wrdreg s5  }
0x3d: {  	s16 =	sadd.s32 $0x3B000, s23;
	[smem:$0x7C1] =	sst s6  }
0x3e: {  	s17 =	sadd.s32 $0x680, s10;
	[smem:$0x7C8] =	sst s16  }
0x3f: {  	s18 =	sadd.s32 $0x34000, s23;
	[smem:$0x7C9] =	sst s17  }
0x40: {  	s19 =	sadd.s32 $0x35000, s23;
	[smem:$0x7CA] =	sst s18  }
0x41: {  	s7 =	sadd.s32 $0x3E000, s23;
	[smem:$0x7CB] =	sst s19  }
0x42: {  	s8 =	sadd.s32 $0x3F000, s23;
	[smem:$0x7C2] =	sst s7  }
0x43: {  	s11 =	sadd.s32 $0x700, s10;
	[smem:$0x7C3] =	sst s8  }
0x44: {  	s12 =	sadd.s32 $0x38000, s23;
	[smem:$0x7C4] =	sst s11  }
0x45: {  	s15 =	sadd.s32 $0x3A000, s23;
	[smem:$0x7C5] =	sst s12  }
0x46: {  	s20 =	sadd.s32 $0x36000, s23;
	[smem:$0x7C7] =	sst s15  }
0x47: {  	s21 =	sadd.s32 $0x37000, s23;
	[smem:$0x7CC] =	sst s20  }
0x48: {  	s22 =	sadd.s32 $0x600, s10;
	[smem:$0x7CD] =	sst s21  }
0x49: {  	s26 =	sadd.s32 $0x30000, s23;
	[smem:$0x7CE] =	sst s22  }
0x4a: {  	s28 =	sadd.s32 $0x31000, s23;
	[smem:$0x7CF] =	sst s26  }
0x4b: {  	s29 =	sadd.s32 $0x32000, s23;
	[smem:$0x7D0] =	sst s28  }
0x4c: {  	s1 =	sadd.s32 $0x33000, s23;
	[smem:$0x7D1] =	sst s29  }
0x4d: {  	s3 =	sadd.s32 $0x2C000, s23;
	[smem:$0x7D2] =	sst s1  }
0x4e: {  	s4 =	sadd.s32 $0x2D000, s23;
	[smem:$0x7D4] =	sst s3  }
0x4f: {  	s5 =	sadd.s32 $0x2E000, s23;
	[smem:$0x7D5] =	sst s4  }
0x50: {  	s6 =	sadd.s32 $0x2F000, s23;
	[smem:$0x7D6] =	sst s5  }
0x51: {  	s24 =	sadd.s32 $0x400, s10;
	s16 =	sadd.s32 $0x23000, s23;
	[smem:$0x7D7] =	sst s6  }
0x52: {  	p3 =	seq.s32 s0, $0x12;
	s17 =	sadd.s32 $0x24000, s23;
	[smem:$0x7DE] =	sst s16  }
0x53: {  	p0 =	sgt.s32 s0, $0x7;
	s18 =	sadd.s32 $0x25000, s23;
	[smem:$0x7DF] =	sst s17  }
0x54: {  	s2 =	simm.s32 @!p0 $0x0;
	s19 =	sadd.s32 $0x26000, s23;
	[smem:$0x7E0] =	sst s18  }
0x55: {  	p2 =	seq.s32 s0, $0x14;
	s2 =	simm.s32 @p0 $0x1;
	[smem:$0x7E1] =	sst s19  }
0x56: {  	p4 =	seq.s32 s0, $0x16;
	s7 =	sadd.s32 $0x500, s10;
	[smem:$0x7A9] =	sst s2  }
0x57: {  	p5 =	seq.s32 s0, $0x18;
	s8 =	sadd.s32 $0x28000, s23;
	[smem:$0x7D8] =	sst s7  }
0x58: {  	p6 =	seq.s32 s0, $0x1C;
	s11 =	sadd.s32 $0x29000, s23;
	[smem:$0x7D9] =	sst s8  }
0x59: {  	s30 =	sadd.s32 $0xC000, s23;
	s12 =	sadd.s32 $0x2A000, s23;
	[smem:$0x7DA] =	sst s11  }
0x5a: {  	s31 =	sadd.s32 $0xD000, s23;
	s15 =	sadd.s32 $0x460, s10;
	[smem:$0x7DB] =	sst s12  }
0x5b: {  	p0 =	sgt.s32 s0, $0x3;
	s20 =	sadd.s32 $0x27000, s23;
	[smem:$0x7DD] =	sst s15  }
0x5c: {  	s21 =	sadd.s32 $0x3C0, s10;
	s22 =	sadd.s32 $0x1E000, s23;
	[smem:$0x7E2] =	sst s20  }
0x5d: {  	s26 =	sadd.s32 $0x1F000, s23;
	s28 =	sadd.s32 $0x20000, s23;
	[smem:$0x7E3] =	sst s21  }
0x5e: {  	s29 =	sadd.s32 $0x21000, s23;
	s1 =	sadd.s32 $0x22000, s23;
	[smem:$0x7E4] =	sst s22  }
0x5f: {  	s3 =	sadd.s32 $0x19000, s23;
	s4 =	sadd.s32 $0x1A000, s23;
	[smem:$0x7E5] =	sst s26  }
0x60: {  	s5 =	sadd.s32 $0x1B000, s23;
	s2 =	simm.s32 @!p0 $0x0;
	[smem:$0x7E6] =	sst s28  }
0x61: {  	[smem:$0x7E7] =	sst s29;
	s2 =	simm.s32 @p0 $0x1;
	p0 =	sgt.s32 s0, $0x1  }
0x62: {  	s6 =	sadd.s32 $0x1C000, s23;
	[smem:$0x7AA] =	sst s2;
	s2 =	simm.s32 @!p0 $0x0  }
0x63: {  	[smem:$0x7E8] =	sst s1;
	s2 =	simm.s32 @p0 $0x1;
	p0 =	seq.s32 s0, $0x0  }
0x64: {  	s16 =	sadd.s32 $0x18000, s23;
	[smem:$0x7AB] =	sst s2;
	s2 =	simm.s32 @!p0 $0x0  }
0x65: {  	[smem:$0x7EA] =	sst s3;
	s2 =	simm.s32 @p0 $0x1;
	p0 =	seq.s32 s0, $0x2  }
0x66: {  	s17 =	sadd.s32 $0x1E0, s10;
	[smem:$0x7AC] =	sst s2;
	s2 =	simm.s32 @!p0 $0x0  }
0x67: {  	[smem:$0x7EB] =	sst s4;
	s2 =	simm.s32 @p0 $0x1;
	p0 =	sgt.s32 s0, $0x5  }
0x68: {  	s18 =	sadd.s32 $0xF000, s23;
	[smem:$0x7AD] =	sst s2;
	s2 =	simm.s32 @!p0 $0x0  }
0x69: {  	[smem:$0x7EC] =	sst s5;
	s2 =	simm.s32 @p0 $0x1;
	p0 =	seq.s32 s0, $0x4  }
0x6a: {  	s19 =	sadd.s32 $0x10000, s23;
	[smem:$0x7AE] =	sst s2;
	s2 =	simm.s32 @!p0 $0x0  }
0x6b: {  	[smem:$0x7ED] =	sst s6;
	s2 =	simm.s32 @p0 $0x1;
	p0 =	seq.s32 s0, $0x6  }
0x6c: {  	s7 =	sadd.s32 $0x1D000, s23;
	[smem:$0x7AF] =	sst s2;
	s2 =	simm.s32 @!p0 $0x0  }
0x6d: {  	[smem:$0x7F4] =	sst s16;
	s2 =	simm.s32 @p0 $0x1;
	p0 =	sgt.s32 s0, $0xB  }
0x6e: {  	s8 =	sadd.s32 $0x280, s10;
	[smem:$0x7B0] =	sst s2;
	s2 =	simm.s32 @!p0 $0x0  }
0x6f: {  	[smem:$0x7F5] =	sst s17;
	s2 =	simm.s32 @p0 $0x1;
	p0 =	sgt.s32 s0, $0x9  }
0x70: {  	s11 =	sadd.s32 $0x14000, s23;
	[smem:$0x7B1] =	sst s2;
	s2 =	simm.s32 @!p0 $0x0  }
0x71: {  	[smem:$0x7F6] =	sst s18;
	s2 =	simm.s32 @p0 $0x1;
	p0 =	seq.s32 s0, $0x8  }
0x72: {  	s12 =	sadd.s32 $0x15000, s23;
	[smem:$0x7B2] =	sst s2;
	s2 =	simm.s32 @!p0 $0x0  }
0x73: {  	[smem:$0x7F7] =	sst s19;
	s2 =	simm.s32 @p0 $0x1;
	p0 =	seq.s32 s0, $0xA  }
0x74: {  	s15 =	sadd.s32 $0x17000, s23;
	[smem:$0x7B3] =	sst s2;
	s2 =	simm.s32 @!p0 $0x0  }
0x75: {  	s20 =	sadd.s32 $0x11000, s23;
	s2 =	simm.s32 @p0 $0x1;
	p0 =	sgt.s32 s0, $0xD  }
0x76: {  	s21 =	sadd.s32 $0x12000, s23;
	[smem:$0x7B4] =	sst s2;
	s2 =	simm.s32 @!p0 $0x0  }
0x77: {  	s22 =	sadd.s32 $0x13000, s23;
	s2 =	simm.s32 @p0 $0x1;
	p0 =	seq.s32 s0, $0xC  }
0x78: {  	s26 =	sadd.s32 $0x140, s10;
	[smem:$0x7B5] =	sst s2;
	s2 =	simm.s32 @!p0 $0x0  }
0x79: {  	[smem:$0x7EE] =	sst s7;
	s2 =	simm.s32 @p0 $0x1;
	p0 =	seq.s32 s0, $0xE  }
0x7a: {  	s28 =	sadd.s32 $0xA000, s23;
	[smem:$0x7B6] =	sst s2;
	s2 =	simm.s32 @!p0 $0x0  }
0x7b: {  	[smem:$0x7EF] =	sst s8;
	s2 =	simm.s32 @p0 $0x1;
	p0 =	sgt.s32 s0, $0x17  }
0x7c: {  	s29 =	sadd.s32 $0xB000, s23;
	[smem:$0x7B7] =	sst s2;
	s2 =	simm.s32 @!p0 $0x0  }
0x7d: {  	[smem:$0x7F0] =	sst s11;
	s2 =	simm.s32 @p0 $0x1;
	p0 =	sgt.s32 s0, $0x13  }
0x7e: {  	s1 =	sadd.s32 $0xA0, s10;
	[smem:$0x7B8] =	sst s2;
	s2 =	simm.s32 @!p0 $0x0  }
0x7f: {  	[smem:$0x7F1] =	sst s12;
	s2 =	simm.s32 @p0 $0x1;
	p0 =	sgt.s32 s0, $0x11  }
0x80: {  	s3 =	sadd.s32 $0x6000, s23;
	[smem:$0x7B9] =	sst s2;
	s2 =	simm.s32 @!p0 $0x0  }
0x81: {  	[smem:$0x7F3] =	sst s15;
	s2 =	simm.s32 @p0 $0x1;
	p0 =	seq.s32 s0, $0x10  }
0x82: {  	s16 =	sadd.s32 $0x8000, s23;
	[smem:$0x7BA] =	sst s2;
	s2 =	simm.s32 @!p0 $0x0  }
0x83: {  	[smem:$0x7F8] =	sst s20;
	s2 =	simm.s32 @p0 $0x1;
	p0 =	sgt.s32 s0, $0x15  }
0x84: {  	s17 =	sadd.s32 $0x9000, s23;
	[smem:$0x7BB] =	sst s2;
	s2 =	simm.s32 @!p0 $0x0  }
0x85: {  	[smem:$0x7F9] =	sst s21;
	s2 =	simm.s32 @p0 $0x1;
	p0 =	sgt.s32 s0, $0x1B  }
0x86: {  	s18 =	sadd.s32 $0x1000, s23;
	[smem:$0x7BC] =	sst s2;
	s2 =	simm.s32 @!p0 $0x0  }
0x87: {  	[smem:$0x7FA] =	sst s22;
	s2 =	simm.s32 @p0 $0x1;
	p0 =	sgt.s32 s0, $0x19  }
0x88: {  	s4 =	sadd.s32 $0x4000, s23;
	[smem:$0x7BD] =	sst s2;
	s2 =	simm.s32 @!p0 $0x0  }
0x89: {  	[smem:$0x7FB] =	sst s26;
	s2 =	simm.s32 @p0 $0x1;
	p0 =	seq.s32 s0, $0x1A  }
0x8a: {  	s5 =	simm.s32 $0x18700;
	[smem:$0x7BE] =	sst s2;
	s2 =	simm.s32 @!p0 $0x0  }
0x8b: {  	[smem:$0x7FC] =	sst s28;
	s2 =	simm.s32 @p0 $0x1;
	p0 =	sgt.s32 s0, $0x1D  }
0x8c: {  	s6 =	simm.s32 $0x5;
	[smem:$0x7BF] =	sst s2;
	s2 =	simm.s32 @!p0 $0x0  }
0x8d: {  	[smem:$0x7FD] =	sst s29;
	s15 =	sadd.s32 $0x7000, s23;
	s2 =	simm.s32 @p0 $0x1  }
0x8e: {  	s20 =	sadd.s32 $0x2000, s23;
	[smem:$0x7C0] =	sst s2;
	s2 =	sadd.s32 $0x400, s13  }
0x8f: {  	s21 =	sadd.s32 $0x3000, s23;
	s13 =	sadd.s32 $0x39000, s23;
	[dreg:$0x1c] =	wrdreg s2  }
.Ltmp0:
0x90: {  	[smem:$0x7C6] =	sst s13;
	s2 =	sadd.s32 $0x580, s10;
	(pc) =	sbr.rel .LBB3_1-.Ltmp0, $4  }
0x91: {  	s7 =	simm.s32 $0x1A700;
	s13 =	sadd.s32 $0x2B000, s23;
	[smem:$0x7D3] =	sst s2  }
0x92: {  	s8 =	simm.s32 $0x0;
	[smem:$0x7DC] =	sst s13;
	s2 =	sadd.s32 $0x320, s10  }
0x93: {  	p0 =	seq.s32 s0, $0x1E;
	s13 =	sadd.s32 $0x16000, s23;
	[smem:$0x7E9] =	sst s2  }
0x94: {  	s0 =	sadd.s32 $0xE000, s23;
	[smem:$0x7F2] =	sst s13;
	s2 =	sadd.s32 $0x5000, s23  }
.LBB3_32:
0x95: {  	s11 =	simm.s32 @p3 $0x0;
	s12 =	simm.s32 @p3 $0x10000;
	s13 =	simm.s32 @p3 $0x5  }
0x96: {  	[tilespmem:s12], [sflag:$0x5] =	stream.linear.gather @p3 [hbm4b:s10+s11], $0x500, $0x38;
	[tilespmem:$0x1C700] =	vst v63  }
0x97: {  	_ =	swait.ge @p3 [sflag:s13], $0x500  }
0x98: {  	[sflag:s13] =	ssyncset.done @p3 $0x0  }
0x99: {  	[sflag:s13] =	ssyncadd.s32 @p3 $0xFFFFFB00;
	s13 =	simm.s32 @p3 $0x100  }
0x9a: {  	[tilespmem:s11], [sflag:$0x1] =	stream.indirect.gather @p3 [hbm4b:s9+s13], $0x80, s12, s13, $0xb8;
	[tilespmem:$0x1C700] =	vst v63  }
0x9b: {  	s19 =	simm.s32 @p3 $0x8000;
	s12 =	simm.s32 @p3 $0x10100  }
0x9c: {  	[tilespmem:s19], [sflag:$0x2] =	stream.indirect.gather @p3 [hbm4b:s9+s13], $0x80, s12, s13, $0xb8;
	[tilespmem:$0x1C700] =	vst v63  }
0x9d: {  	s12 =	simm.s32 @p3 $0x1  }
0x9e: {  	_ =	swait.ge @p3 [sflag:s12], $0x8000  }
0x9f: {  	[sflag:s12] =	ssyncset.done @p3 $0x0  }
0xa0: {  	s22 =	simm.s32 @p3 $0x3;
	[sflag:s12] =	ssyncadd.s32 @p3 $0xFFFF8000  }
0xa1: {  	[hbm4b:s23+s11] =	stream.linear.scatter @p3 [tilespmem:s11], [sflag:$0x3], $0x8000, $0x38;
	[tilespmem:$0x1C700] =	vst v63  }
0xa2: {  	_ =	swait.ge @p3 [sflag:s22], $0x8000  }
0xa3: {  	[sflag:s22] =	ssyncset.done @p3 $0x0  }
0xa4: {  	s26 =	simm.s32 @p3 $0x10200;
	[sflag:s22] =	ssyncadd.s32 @p3 $0xFFFF8000  }
0xa5: {  	[tilespmem:s11], [sflag:$0x1] =	stream.indirect.gather @p3 [hbm4b:s9+s13], $0x80, s26, s13, $0xb8;
	[tilespmem:$0x1C700] =	vst v63  }
0xa6: {  	s26 =	simm.s32 @p3 $0x2  }
0xa7: {  	_ =	swait.ge @p3 [sflag:s26], $0x8000  }
0xa8: {  	[sflag:s26] =	ssyncset.done @p3 $0x0  }
0xa9: {  	s28 =	simm.s32 @p3 $0x4;
	[sflag:s26] =	ssyncadd.s32 @p3 $0xFFFF8000  }
0xaa: {  	[hbm4b:s18+s11] =	stream.linear.scatter @p3 [tilespmem:s19], [sflag:$0x4], $0x8000, $0x38;
	[tilespmem:$0x1C700] =	vst v63  }
0xab: {  	_ =	swait.ge @p3 [sflag:s28], $0x8000  }
0xac: {  	[sflag:s28] =	ssyncset.done @p3 $0x0  }
0xad: {  	s29 =	simm.s32 @p3 $0x10300;
	[sflag:s28] =	ssyncadd.s32 @p3 $0xFFFF8000  }
0xae: {  	[tilespmem:s19], [sflag:$0x2] =	stream.indirect.gather @p3 [hbm4b:s9+s13], $0x80, s29, s13, $0xb8;
	[tilespmem:$0x1C700] =	vst v63  }
0xaf: {  	_ =	swait.ge @p3 [sflag:s12], $0x8000  }
0xb0: {  	[sflag:s12] =	ssyncset.done @p3 $0x0  }
0xb1: {  	[sflag:s12] =	ssyncadd.s32 @p3 $0xFFFF8000  }
0xb2: {  	[hbm4b:s20+s11] =	stream.linear.scatter @p3 [tilespmem:s11], [sflag:$0x3], $0x8000, $0x38;
	[tilespmem:$0x1C700] =	vst v63  }
0xb3: {  	_ =	swait.ge @p3 [sflag:s22], $0x8000  }
0xb4: {  	[sflag:s22] =	ssyncset.done @p3 $0x0  }
0xb5: {  	s29 =	simm.s32 @p3 $0x10400;
	[sflag:s22] =	ssyncadd.s32 @p3 $0xFFFF8000  }
0xb6: {  	[tilespmem:s11], [sflag:$0x1] =	stream.indirect.gather @p3 [hbm4b:s9+s13], $0x80, s29, s13, $0xb8;
	[tilespmem:$0x1C700] =	vst v63  }
0xb7: {  	_ =	swait.ge @p3 [sflag:s26], $0x8000  }
0xb8: {  	[sflag:s26] =	ssyncset.done @p3 $0x0  }
0xb9: {  	[sflag:s26] =	ssyncadd.s32 @p3 $0xFFFF8000  }
0xba: {  	[hbm4b:s21+s11] =	stream.linear.scatter @p3 [tilespmem:s19], [sflag:$0x4], $0x8000, $0x38;
	[tilespmem:$0x1C700] =	vst v63  }
0xbb: {  	_ =	swait.ge @p3 [sflag:s12], $0x8000  }
0xbc: {  	[sflag:s12] =	ssyncset.done @p3 $0x0  }
0xbd: {  	[sflag:s12] =	ssyncadd.s32 @p3 $0xFFFF8000  }
0xbe: {  	[hbm4b:s4+s11] =	stream.linear.scatter @p3 [tilespmem:s11], [sflag:$0x3], $0x8000, $0x38;
	[tilespmem:$0x1C700] =	vst v63  }
0xbf: {  	_ =	swait.ge @p3 [sflag:s28], $0x8000  }
0xc0: {  	[sflag:s28] =	ssyncset.done @p3 $0x0  }
0xc1: {  	[sflag:s28] =	ssyncadd.s32 @p3 $0xFFFF8000  }
0xc2: {  	_ =	swait.ge @p3 [sflag:s22], $0x8000  }
0xc3: {  	s13 =	simm.s32 @!p3 $0x5;
	[sflag:s22] =	ssyncset.done @p3 $0x0  }
0xc4: {  	s12 =	simm.s32 @!p3 $0x10000;
	s11 =	simm.s32 @!p3 $0x0;
	[sflag:s22] =	ssyncadd.s32 @p3 $0xFFFF8000  }
0xc5: {  	[tilespmem:s12], [sflag:$0x5] =	stream.linear.gather @!p3 [hbm4b:s1+s11], $0x500, $0x38;
	[tilespmem:$0x1C700] =	vst v63  }
0xc6: {  	_ =	swait.ge @!p3 [sflag:s13], $0x500  }
0xc7: {  	[sflag:s13] =	ssyncset.done @!p3 $0x0  }
0xc8: {  	[sflag:s13] =	ssyncadd.s32 @!p3 $0xFFFFFB00;
	s13 =	simm.s32 @!p3 $0x100  }
0xc9: {  	[tilespmem:s11], [sflag:$0x1] =	stream.indirect.gather @!p3 [hbm4b:s9+s13], $0x80, s12, s13, $0xb8;
	[tilespmem:$0x1C700] =	vst v63  }
0xca: {  	s19 =	simm.s32 @!p3 $0x8000;
	s12 =	simm.s32 @!p3 $0x10100  }
0xcb: {  	[tilespmem:s19], [sflag:$0x2] =	stream.indirect.gather @!p3 [hbm4b:s9+s13], $0x80, s12, s13, $0xb8;
	[tilespmem:$0x1C700] =	vst v63  }
0xcc: {  	s12 =	simm.s32 @!p3 $0x1  }
0xcd: {  	_ =	swait.ge @!p3 [sflag:s12], $0x8000  }
0xce: {  	[sflag:s12] =	ssyncset.done @!p3 $0x0  }
0xcf: {  	s22 =	simm.s32 @!p3 $0x3;
	[sflag:s12] =	ssyncadd.s32 @!p3 $0xFFFF8000  }
0xd0: {  	[hbm4b:s2+s11] =	stream.linear.scatter @!p3 [tilespmem:s11], [sflag:$0x3], $0x8000, $0x38;
	[tilespmem:$0x1C700] =	vst v63  }
0xd1: {  	_ =	swait.ge @!p3 [sflag:s22], $0x8000  }
0xd2: {  	[sflag:s22] =	ssyncset.done @!p3 $0x0  }
0xd3: {  	s26 =	simm.s32 @!p3 $0x10200;
	[sflag:s22] =	ssyncadd.s32 @!p3 $0xFFFF8000  }
0xd4: {  	[tilespmem:s11], [sflag:$0x1] =	stream.indirect.gather @!p3 [hbm4b:s9+s13], $0x80, s26, s13, $0xb8;
	[tilespmem:$0x1C700] =	vst v63  }
0xd5: {  	s26 =	simm.s32 @!p3 $0x2  }
0xd6: {  	_ =	swait.ge @!p3 [sflag:s26], $0x8000  }
0xd7: {  	[sflag:s26] =	ssyncset.done @!p3 $0x0  }
0xd8: {  	s28 =	simm.s32 @!p3 $0x4;
	[sflag:s26] =	ssyncadd.s32 @!p3 $0xFFFF8000  }
0xd9: {  	[hbm4b:s3+s11] =	stream.linear.scatter @!p3 [tilespmem:s19], [sflag:$0x4], $0x8000, $0x38;
	[tilespmem:$0x1C700] =	vst v63  }
0xda: {  	_ =	swait.ge @!p3 [sflag:s28], $0x8000  }
0xdb: {  	[sflag:s28] =	ssyncset.done @!p3 $0x0  }
0xdc: {  	s29 =	simm.s32 @!p3 $0x10300;
	[sflag:s28] =	ssyncadd.s32 @!p3 $0xFFFF8000  }
0xdd: {  	[tilespmem:s19], [sflag:$0x2] =	stream.indirect.gather @!p3 [hbm4b:s9+s13], $0x80, s29, s13, $0xb8;
	[tilespmem:$0x1C700] =	vst v63  }
0xde: {  	_ =	swait.ge @!p3 [sflag:s12], $0x8000  }
0xdf: {  	[sflag:s12] =	ssyncset.done @!p3 $0x0  }
0xe0: {  	[sflag:s12] =	ssyncadd.s32 @!p3 $0xFFFF8000  }
0xe1: {  	[hbm4b:s15+s11] =	stream.linear.scatter @!p3 [tilespmem:s11], [sflag:$0x3], $0x8000, $0x38;
	[tilespmem:$0x1C700] =	vst v63  }
0xe2: {  	_ =	swait.ge @!p3 [sflag:s22], $0x8000  }
0xe3: {  	[sflag:s22] =	ssyncset.done @!p3 $0x0  }
0xe4: {  	s29 =	simm.s32 @!p3 $0x10400;
	[sflag:s22] =	ssyncadd.s32 @!p3 $0xFFFF8000  }
0xe5: {  	[tilespmem:s11], [sflag:$0x1] =	stream.indirect.gather @!p3 [hbm4b:s9+s13], $0x80, s29, s13, $0xb8;
	[tilespmem:$0x1C700] =	vst v63  }
0xe6: {  	_ =	swait.ge @!p3 [sflag:s26], $0x8000  }
0xe7: {  	[sflag:s26] =	ssyncset.done @!p3 $0x0  }
0xe8: {  	[sflag:s26] =	ssyncadd.s32 @!p3 $0xFFFF8000  }
0xe9: {  	[hbm4b:s16+s11] =	stream.linear.scatter @!p3 [tilespmem:s19], [sflag:$0x4], $0x8000, $0x38;
	[tilespmem:$0x1C700] =	vst v63  }
0xea: {  	_ =	swait.ge @!p3 [sflag:s12], $0x8000  }
0xeb: {  	[sflag:s12] =	ssyncset.done @!p3 $0x0  }
0xec: {  	[sflag:s12] =	ssyncadd.s32 @!p3 $0xFFFF8000  }
0xed: {  	[hbm4b:s17+s11] =	stream.linear.scatter @!p3 [tilespmem:s11], [sflag:$0x3], $0x8000, $0x38;
	[tilespmem:$0x1C700] =	vst v63  }
0xee: {  	_ =	swait.ge @!p3 [sflag:s28], $0x8000  }
0xef: {  	[sflag:s28] =	ssyncset.done @!p3 $0x0  }
0xf0: {  	[sflag:s28] =	ssyncadd.s32 @!p3 $0xFFFF8000  }
0xf1: {  	_ =	swait.ge @!p3 [sflag:s22], $0x8000  }
0xf2: {  	[sflag:s22] =	ssyncset.done @!p3 $0x0  }
0xf3: {  	[sflag:s22] =	ssyncadd.s32 @!p3 $0xFFFF8000  }
.LBB3_86:
0xf4: {  	s8 =	sadd.s32 $0x1, s8  }
0xf5: {  	p1 =	sne.s32 s8, s25  }
.Ltmp1:
0xf6: {  	_ = 	snop;
	(pc) =	sbr.rel @!p1 .LBB3_87-.Ltmp1, $1  }
0xf7: {  	_ =	sdelay $0x3  }
.LBB3_1:
0xf8: {  	s11 =	sld [smem:$0x7A8];
	_ =	sdelay $0x2  }
0xf9: {  	p1 =	seq.s32 s11, $0x1  }
.Ltmp2:
0xfa: {  	_ = 	snop;
	(pc) =	sbr.rel @p1 .LBB3_25-.Ltmp2, $1  }
0xfb: {  	_ =	sdelay $0x3  }
0xfc: {  	s11 =	sld [smem:$0x7A9];
	_ =	sdelay $0x2  }
0xfd: {  	p1 =	seq.s32 s11, $0x1  }
.Ltmp3:
0xfe: {  	_ = 	snop;
	(pc) =	sbr.rel @p1 .LBB3_14-.Ltmp3, $1  }
0xff: {  	_ =	sdelay $0x3  }
0x100: {  	s11 =	sld [smem:$0x7AA];
	_ =	sdelay $0x2  }
0x101: {  	p1 =	seq.s32 s11, $0x1  }
.Ltmp4:
0x102: {  	_ = 	snop;
	(pc) =	sbr.rel @p1 .LBB3_9-.Ltmp4, $1  }
0x103: {  	_ =	sdelay $0x3  }
0x104: {  	s11 =	sld [smem:$0x7AB];
	_ =	sdelay $0x2  }
0x105: {  	p1 =	seq.s32 s11, $0x1  }
.Ltmp5:
0x106: {  	_ = 	snop;
	(pc) =	sbr.rel @p1 .LBB3_49-.Ltmp5, $1  }
0x107: {  	_ =	sdelay $0x3  }
0x108: {  	s11 =	sld [smem:$0x7AC];
	_ =	sdelay $0x2  }
0x109: {  	p1 =	seq.s32 s11, $0x1  }
.Ltmp6:
0x10a: {  	_ = 	snop;
	(pc) =	sbr.rel @!p1 .LBB3_43-.Ltmp6, $1  }
0x10b: {  	_ =	sdelay $0x3  }
0x10c: {  	s11 =	simm.s32 $0x0  }
0x10d: {  	[tilespmem:s5], [sflag:$0x5] =	stream.linear.gather [hbm4b:s10+s11], $0x2000, $0x38;
	[tilespmem:$0x1C700] =	vst v63  }
0x10e: {  	_ =	swait.ge [sflag:s6], $0x2000  }
0x10f: {  	[sflag:s6] =	ssyncset.done $0x0  }
0x110: {  	[sflag:s6] =	ssyncadd.s32 $0xFFFFE000  }
0x111: {  	s12 =	rddreg [dreg:$0x0]  }
0x112: {  	[tilespmem:s11], [sflag:$0x5] =	stream.linear.gather [hbm4b:s12+s11], $0x18700, $0x38;
	[tilespmem:$0x1C700] =	vst v63  }
0x113: {  	_ =	swait.ge [sflag:s6], $0x18700  }
0x114: {  	[sflag:s6] =	ssyncset.done $0x0  }
0x115: {  	s11 =	simm.s32 $0x0;
	[sflag:s6] =	ssyncadd.s32 $0xFFFE7900  }
0x116: {  	v0 =	vld [tilespmem:s11+$0x18700];
	_ =	sdelay $0x7  }
0x117: {  	s13 =	simm.s32 $0x80;
	s12 =	simm.s32 $0x10;
	v0 =	vld.idx.msk [tilespmem:v0+s14+$0x0], $0xffff  }
.LBB3_7:
0x118: {  	p1 =	sne.s32 s13, $0x7FC0;
	v1 =	vld [tilespmem:s12+$0x18700];
	_ =	sdelay $0x3  }
.Ltmp7:
0x119: {  	(pc) =	sbr.rel @p1 .LBB3_7-.Ltmp7, $2  }
0x11a: {  	[tilespmem:s11+$0x1A700] =	vst v0;
	s11 =	smov.u32 s12;
	_ =	sdelay $0x2  }
0x11b: {  	s12 =	sshra.s32 s13, $0x2;
	s13 =	sadd.s32 $0x40, s13;
	v0 =	vld.idx.msk [tilespmem:v1+s14+$0x0], $0xffff  }
0x11c: {  	v1 =	vld [tilespmem:s12+$0x18700];
	_ =	sdelay $0x7  }
0x11d: {  	v1 =	vld.idx.msk [tilespmem:v1+s14+$0x0], $0xffff;
	_ =	sdelay $0x3  }
0x11e: {  	[tilespmem:s11+$0x1A700] =	vst v0  }
.Ltmp8:
0x11f: {  	s29 =	rddreg [dreg:$0xb];
	[tilespmem:s12+$0x1A700] =	vst v1;
	(pc) =	sbr.rel .LBB3_86-.Ltmp8, $4  }
0x120: {  	[hbm4b:s29+s14] =	stream.linear.scatter [tilespmem:s7], [sflag:$0x5], $0x2000, $0x38;
	[tilespmem:$0x1C700] =	vst v63  }
0x121: {  	_ =	swait.ge [sflag:s6], $0x2000  }
0x122: {  	[sflag:s6] =	ssyncset.done $0x0  }
0x123: {  	[sflag:s6] =	ssyncadd.s32 $0xFFFFE000  }
.LBB3_25:
0x124: {  	s11 =	sld [smem:$0x7B8];
	_ =	sdelay $0x2  }
0x125: {  	p1 =	seq.s32 s11, $0x1  }
.Ltmp9:
0x126: {  	_ = 	snop;
	(pc) =	sbr.rel @p1 .LBB3_36-.Ltmp9, $1  }
0x127: {  	_ =	sdelay $0x3  }
0x128: {  	s11 =	sld [smem:$0x7B9];
	_ =	sdelay $0x2  }
0x129: {  	p1 =	seq.s32 s11, $0x1  }
.Ltmp10:
0x12a: {  	_ = 	snop;
	(pc) =	sbr.rel @p1 .LBB3_33-.Ltmp10, $1  }
0x12b: {  	_ =	sdelay $0x3  }
0x12c: {  	s11 =	sld [smem:$0x7BA];
	_ =	sdelay $0x2  }
0x12d: {  	p1 =	seq.s32 s11, $0x1  }
.Ltmp11:
0x12e: {  	_ = 	snop;
	(pc) =	sbr.rel @p1 .LBB3_32-.Ltmp11, $1  }
0x12f: {  	_ =	sdelay $0x3  }
0x130: {  	s11 =	sld [smem:$0x7BB];
	_ =	sdelay $0x2  }
0x131: {  	p1 =	seq.s32 s11, $0x1  }
.Ltmp12:
0x132: {  	_ = 	snop;
	(pc) =	sbr.rel @!p1 .LBB3_83-.Ltmp12, $1  }
0x133: {  	_ =	sdelay $0x3  }
0x134: {  	s11 =	simm.s32 $0x0  }
0x135: {  	[tilespmem:s5], [sflag:$0x5] =	stream.linear.gather [hbm4b:s10+s11], $0x2000, $0x38;
	[tilespmem:$0x1C700] =	vst v63  }
0x136: {  	_ =	swait.ge [sflag:s6], $0x2000  }
0x137: {  	[sflag:s6] =	ssyncset.done $0x0  }
0x138: {  	[sflag:s6] =	ssyncadd.s32 $0xFFFFE000  }
0x139: {  	s12 =	rddreg [dreg:$0x8]  }
0x13a: {  	[tilespmem:s11], [sflag:$0x5] =	stream.linear.gather [hbm4b:s12+s11], $0x18700, $0x38;
	[tilespmem:$0x1C700] =	vst v63  }
0x13b: {  	_ =	swait.ge [sflag:s6], $0x18700  }
0x13c: {  	[sflag:s6] =	ssyncset.done $0x0  }
0x13d: {  	s11 =	simm.s32 $0x0;
	[sflag:s6] =	ssyncadd.s32 $0xFFFE7900  }
0x13e: {  	v0 =	vld [tilespmem:s11+$0x18700];
	_ =	sdelay $0x7  }
0x13f: {  	s13 =	simm.s32 $0x80;
	s12 =	simm.s32 $0x10;
	v0 =	vld.idx.msk [tilespmem:v0+s14+$0x0], $0xffff  }
.LBB3_30:
0x140: {  	p1 =	sne.s32 s13, $0x7FC0;
	v1 =	vld [tilespmem:s12+$0x18700];
	_ =	sdelay $0x3  }
.Ltmp13:
0x141: {  	(pc) =	sbr.rel @p1 .LBB3_30-.Ltmp13, $2  }
0x142: {  	[tilespmem:s11+$0x1A700] =	vst v0;
	s11 =	smov.u32 s12;
	_ =	sdelay $0x2  }
0x143: {  	s12 =	sshra.s32 s13, $0x2;
	s13 =	sadd.s32 $0x40, s13;
	v0 =	vld.idx.msk [tilespmem:v1+s14+$0x0], $0xffff  }
0x144: {  	v1 =	vld [tilespmem:s12+$0x18700];
	_ =	sdelay $0x7  }
0x145: {  	v1 =	vld.idx.msk [tilespmem:v1+s14+$0x0], $0xffff;
	_ =	sdelay $0x3  }
0x146: {  	[tilespmem:s11+$0x1A700] =	vst v0  }
.Ltmp14:
0x147: {  	s29 =	rddreg [dreg:$0x13];
	[tilespmem:s12+$0x1A700] =	vst v1;
	(pc) =	sbr.rel .LBB3_86-.Ltmp14, $4  }
0x148: {  	[hbm4b:s29+s14] =	stream.linear.scatter [tilespmem:s7], [sflag:$0x5], $0x2000, $0x38;
	[tilespmem:$0x1C700] =	vst v63  }
0x149: {  	_ =	swait.ge [sflag:s6], $0x2000  }
0x14a: {  	[sflag:s6] =	ssyncset.done $0x0  }
0x14b: {  	[sflag:s6] =	ssyncadd.s32 $0xFFFFE000  }
.LBB3_14:
0x14c: {  	s11 =	sld [smem:$0x7B1];
	_ =	sdelay $0x2  }
0x14d: {  	p1 =	seq.s32 s11, $0x1  }
.Ltmp15:
0x14e: {  	_ = 	snop;
	(pc) =	sbr.rel @p1 .LBB3_20-.Ltmp15, $1  }
0x14f: {  	_ =	sdelay $0x3  }
0x150: {  	s11 =	sld [smem:$0x7B2];
	_ =	sdelay $0x2  }
0x151: {  	p1 =	seq.s32 s11, $0x1  }
.Ltmp16:
0x152: {  	_ = 	snop;
	(pc) =	sbr.rel @p1 .LBB3_69-.Ltmp16, $1  }
0x153: {  	_ =	sdelay $0x3  }
0x154: {  	s11 =	sld [smem:$0x7B3];
	_ =	sdelay $0x2  }
0x155: {  	p1 =	seq.s32 s11, $0x1  }
.Ltmp17:
0x156: {  	_ = 	snop;
	(pc) =	sbr.rel @!p1 .LBB3_63-.Ltmp17, $1  }
0x157: {  	_ =	sdelay $0x3  }
0x158: {  	s11 =	simm.s32 $0x0  }
0x159: {  	[tilespmem:s5], [sflag:$0x5] =	stream.linear.gather [hbm4b:s10+s11], $0x2000, $0x38;
	[tilespmem:$0x1C700] =	vst v63  }
0x15a: {  	_ =	swait.ge [sflag:s6], $0x2000  }
0x15b: {  	[sflag:s6] =	ssyncset.done $0x0  }
0x15c: {  	[sflag:s6] =	ssyncadd.s32 $0xFFFFE000  }
0x15d: {  	s12 =	rddreg [dreg:$0x4]  }
0x15e: {  	[tilespmem:s11], [sflag:$0x5] =	stream.linear.gather [hbm4b:s12+s11], $0x18700, $0x38;
	[tilespmem:$0x1C700] =	vst v63  }
0x15f: {  	_ =	swait.ge [sflag:s6], $0x18700  }
0x160: {  	[sflag:s6] =	ssyncset.done $0x0  }
0x161: {  	s11 =	simm.s32 $0x0;
	[sflag:s6] =	ssyncadd.s32 $0xFFFE7900  }
0x162: {  	v0 =	vld [tilespmem:s11+$0x18700];
	_ =	sdelay $0x7  }
0x163: {  	s13 =	simm.s32 $0x80;
	s12 =	simm.s32 $0x10;
	v0 =	vld.idx.msk [tilespmem:v0+s14+$0x0], $0xffff  }
.LBB3_18:
0x164: {  	p1 =	sne.s32 s13, $0x7FC0;
	v1 =	vld [tilespmem:s12+$0x18700];
	_ =	sdelay $0x3  }
.Ltmp18:
0x165: {  	(pc) =	sbr.rel @p1 .LBB3_18-.Ltmp18, $2  }
0x166: {  	[tilespmem:s11+$0x1A700] =	vst v0;
	s11 =	smov.u32 s12;
	_ =	sdelay $0x2  }
0x167: {  	s12 =	sshra.s32 s13, $0x2;
	s13 =	sadd.s32 $0x40, s13;
	v0 =	vld.idx.msk [tilespmem:v1+s14+$0x0], $0xffff  }
0x168: {  	v1 =	vld [tilespmem:s12+$0x18700];
	_ =	sdelay $0x7  }
0x169: {  	v1 =	vld.idx.msk [tilespmem:v1+s14+$0x0], $0xffff;
	_ =	sdelay $0x3  }
0x16a: {  	[tilespmem:s11+$0x1A700] =	vst v0  }
.Ltmp19:
0x16b: {  	s29 =	rddreg [dreg:$0xf];
	[tilespmem:s12+$0x1A700] =	vst v1;
	(pc) =	sbr.rel .LBB3_86-.Ltmp19, $4  }
0x16c: {  	[hbm4b:s29+s14] =	stream.linear.scatter [tilespmem:s7], [sflag:$0x5], $0x2000, $0x38;
	[tilespmem:$0x1C700] =	vst v63  }
0x16d: {  	_ =	swait.ge [sflag:s6], $0x2000  }
0x16e: {  	[sflag:s6] =	ssyncset.done $0x0  }
0x16f: {  	[sflag:s6] =	ssyncadd.s32 $0xFFFFE000  }
.LBB3_36:
0x170: {  	s11 =	sld [smem:$0x7BD];
	_ =	sdelay $0x2  }
0x171: {  	p1 =	seq.s32 s11, $0x1  }
.Ltmp20:
0x172: {  	_ = 	snop;
	(pc) =	sbr.rel @p1 .LBB3_40-.Ltmp20, $1  }
0x173: {  	_ =	sdelay $0x3  }
0x174: {  	s11 =	sld [smem:$0x7BE];
	_ =	sdelay $0x2  }
0x175: {  	p1 =	seq.s32 s11, $0x1  }
.Ltmp21:
0x176: {  	_ = 	snop;
	(pc) =	sbr.rel @p1 .LBB3_39-.Ltmp21, $1  }
0x177: {  	_ =	sdelay $0x3  }
0x178: {  	s13 =	sld [smem:$0x7E3];
	_ =	sdelay $0x1  }
0x179: {  	s11 =	simm.s32 @p5 $0x0;
	s12 =	simm.s32 @p5 $0x10000  }
0x17a: {  	[tilespmem:s12], [sflag:$0x5] =	stream.linear.gather @p5 [hbm4b:s13+s11], $0x500, $0x38;
	[tilespmem:$0x1C700] =	vst v63  }
0x17b: {  	s13 =	simm.s32 @p5 $0x5  }
0x17c: {  	_ =	swait.ge @p5 [sflag:s13], $0x500  }
0x17d: {  	[sflag:s13] =	ssyncset.done @p5 $0x0  }
0x17e: {  	[sflag:s13] =	ssyncadd.s32 @p5 $0xFFFFFB00;
	s13 =	simm.s32 @p5 $0x100  }
0x17f: {  	[tilespmem:s11], [sflag:$0x1] =	stream.indirect.gather @p5 [hbm4b:s9+s13], $0x80, s12, s13, $0xb8;
	[tilespmem:$0x1C700] =	vst v63  }
0x180: {  	s19 =	simm.s32 @p5 $0x8000;
	s12 =	simm.s32 @p5 $0x10100  }
0x181: {  	[tilespmem:s19], [sflag:$0x2] =	stream.indirect.gather @p5 [hbm4b:s9+s13], $0x80, s12, s13, $0xb8;
	[tilespmem:$0x1C700] =	vst v63  }
0x182: {  	s12 =	simm.s32 @p5 $0x1  }
0x183: {  	_ =	swait.ge @p5 [sflag:s12], $0x8000  }
0x184: {  	s22 =	sld [smem:$0x7E4]  }
0x185: {  	[sflag:s12] =	ssyncset.done @p5 $0x0  }
0x186: {  	[sflag:s12] =	ssyncadd.s32 @p5 $0xFFFF8000  }
0x187: {  	[hbm4b:s22+s11] =	stream.linear.scatter @p5 [tilespmem:s11], [sflag:$0x3], $0x8000, $0x38;
	[tilespmem:$0x1C700] =	vst v63  }
0x188: {  	s22 =	simm.s32 @p5 $0x3  }
0x189: {  	_ =	swait.ge @p5 [sflag:s22], $0x8000  }
0x18a: {  	[sflag:s22] =	ssyncset.done @p5 $0x0  }
0x18b: {  	s26 =	simm.s32 @p5 $0x10200;
	[sflag:s22] =	ssyncadd.s32 @p5 $0xFFFF8000  }
0x18c: {  	[tilespmem:s11], [sflag:$0x1] =	stream.indirect.gather @p5 [hbm4b:s9+s13], $0x80, s26, s13, $0xb8;
	[tilespmem:$0x1C700] =	vst v63  }
0x18d: {  	s26 =	simm.s32 @p5 $0x2  }
0x18e: {  	_ =	swait.ge @p5 [sflag:s26], $0x8000  }
0x18f: {  	s28 =	sld [smem:$0x7E5]  }
0x190: {  	[sflag:s26] =	ssyncset.done @p5 $0x0  }
0x191: {  	[sflag:s26] =	ssyncadd.s32 @p5 $0xFFFF8000  }
0x192: {  	[hbm4b:s28+s11] =	stream.linear.scatter @p5 [tilespmem:s19], [sflag:$0x4], $0x8000, $0x38;
	[tilespmem:$0x1C700] =	vst v63  }
0x193: {  	s28 =	simm.s32 @p5 $0x4  }
0x194: {  	_ =	swait.ge @p5 [sflag:s28], $0x8000  }
0x195: {  	[sflag:s28] =	ssyncset.done @p5 $0x0  }
0x196: {  	s29 =	simm.s32 @p5 $0x10300;
	[sflag:s28] =	ssyncadd.s32 @p5 $0xFFFF8000  }
0x197: {  	[tilespmem:s19], [sflag:$0x2] =	stream.indirect.gather @p5 [hbm4b:s9+s13], $0x80, s29, s13, $0xb8;
	[tilespmem:$0x1C700] =	vst v63  }
0x198: {  	_ =	swait.ge @p5 [sflag:s12], $0x8000  }
0x199: {  	s29 =	sld [smem:$0x7E6]  }
0x19a: {  	[sflag:s12] =	ssyncset.done @p5 $0x0  }
0x19b: {  	[sflag:s12] =	ssyncadd.s32 @p5 $0xFFFF8000  }
0x19c: {  	[hbm4b:s29+s11] =	stream.linear.scatter @p5 [tilespmem:s11], [sflag:$0x3], $0x8000, $0x38;
	[tilespmem:$0x1C700] =	vst v63  }
0x19d: {  	_ =	swait.ge @p5 [sflag:s22], $0x8000  }
0x19e: {  	[sflag:s22] =	ssyncset.done @p5 $0x0  }
0x19f: {  	s29 =	simm.s32 @p5 $0x10400;
	[sflag:s22] =	ssyncadd.s32 @p5 $0xFFFF8000  }
0x1a0: {  	[tilespmem:s11], [sflag:$0x1] =	stream.indirect.gather @p5 [hbm4b:s9+s13], $0x80, s29, s13, $0xb8;
	[tilespmem:$0x1C700] =	vst v63  }
0x1a1: {  	_ =	swait.ge @p5 [sflag:s26], $0x8000  }
0x1a2: {  	s13 =	sld [smem:$0x7E7]  }
0x1a3: {  	[sflag:s26] =	ssyncset.done @p5 $0x0  }
0x1a4: {  	[sflag:s26] =	ssyncadd.s32 @p5 $0xFFFF8000  }
0x1a5: {  	[hbm4b:s13+s11] =	stream.linear.scatter @p5 [tilespmem:s19], [sflag:$0x4], $0x8000, $0x38;
	[tilespmem:$0x1C700] =	vst v63  }
0x1a6: {  	_ =	swait.ge @p5 [sflag:s12], $0x8000  }
0x1a7: {  	[sflag:s12] =	ssyncset.done @p5 $0x0  }
0x1a8: {  	[sflag:s12] =	ssyncadd.s32 @p5 $0xFFFF8000;
	s12 =	sld [smem:$0x7E8];
	_ =	sdelay $0x2  }
0x1a9: {  	[hbm4b:s12+s11] =	stream.linear.scatter @p5 [tilespmem:s11], [sflag:$0x3], $0x8000, $0x38;
	[tilespmem:$0x1C700] =	vst v63  }
0x1aa: {  	_ =	swait.ge @p5 [sflag:s28], $0x8000  }
0x1ab: {  	[sflag:s28] =	ssyncset.done @p5 $0x0  }
0x1ac: {  	[sflag:s28] =	ssyncadd.s32 @p5 $0xFFFF8000  }
0x1ad: {  	_ =	swait.ge @p5 [sflag:s22], $0x8000  }
0x1ae: {  	s13 =	sld [smem:$0x7DD]  }
0x1af: {  	[sflag:s22] =	ssyncset.done @p5 $0x0  }
0x1b0: {  	s11 =	simm.s32 @!p5 $0x0;
	s12 =	simm.s32 @!p5 $0x10000;
	[sflag:s22] =	ssyncadd.s32 @p5 $0xFFFF8000  }
0x1b1: {  	[tilespmem:s12], [sflag:$0x5] =	stream.linear.gather @!p5 [hbm4b:s13+s11], $0x500, $0x38;
	[tilespmem:$0x1C700] =	vst v63  }
0x1b2: {  	s13 =	simm.s32 @!p5 $0x5  }
0x1b3: {  	_ =	swait.ge @!p5 [sflag:s13], $0x500  }
0x1b4: {  	[sflag:s13] =	ssyncset.done @!p5 $0x0  }
0x1b5: {  	[sflag:s13] =	ssyncadd.s32 @!p5 $0xFFFFFB00;
	s13 =	simm.s32 @!p5 $0x100  }
0x1b6: {  	[tilespmem:s11], [sflag:$0x1] =	stream.indirect.gather @!p5 [hbm4b:s9+s13], $0x80, s12, s13, $0xb8;
	[tilespmem:$0x1C700] =	vst v63  }
0x1b7: {  	s19 =	simm.s32 @!p5 $0x8000;
	s12 =	simm.s32 @!p5 $0x10100  }
0x1b8: {  	[tilespmem:s19], [sflag:$0x2] =	stream.indirect.gather @!p5 [hbm4b:s9+s13], $0x80, s12, s13, $0xb8;
	[tilespmem:$0x1C700] =	vst v63  }
0x1b9: {  	s12 =	simm.s32 @!p5 $0x1  }
0x1ba: {  	_ =	swait.ge @!p5 [sflag:s12], $0x8000  }
0x1bb: {  	s22 =	sld [smem:$0x7DE]  }
0x1bc: {  	[sflag:s12] =	ssyncset.done @!p5 $0x0  }
0x1bd: {  	[sflag:s12] =	ssyncadd.s32 @!p5 $0xFFFF8000  }
0x1be: {  	[hbm4b:s22+s11] =	stream.linear.scatter @!p5 [tilespmem:s11], [sflag:$0x3], $0x8000, $0x38;
	[tilespmem:$0x1C700] =	vst v63  }
0x1bf: {  	s22 =	simm.s32 @!p5 $0x3  }
0x1c0: {  	_ =	swait.ge @!p5 [sflag:s22], $0x8000  }
0x1c1: {  	[sflag:s22] =	ssyncset.done @!p5 $0x0  }
0x1c2: {  	s26 =	simm.s32 @!p5 $0x10200;
	[sflag:s22] =	ssyncadd.s32 @!p5 $0xFFFF8000  }
0x1c3: {  	[tilespmem:s11], [sflag:$0x1] =	stream.indirect.gather @!p5 [hbm4b:s9+s13], $0x80, s26, s13, $0xb8;
	[tilespmem:$0x1C700] =	vst v63  }
0x1c4: {  	s26 =	simm.s32 @!p5 $0x2  }
0x1c5: {  	_ =	swait.ge @!p5 [sflag:s26], $0x8000  }
0x1c6: {  	s28 =	sld [smem:$0x7DF]  }
0x1c7: {  	[sflag:s26] =	ssyncset.done @!p5 $0x0  }
0x1c8: {  	[sflag:s26] =	ssyncadd.s32 @!p5 $0xFFFF8000  }
0x1c9: {  	[hbm4b:s28+s11] =	stream.linear.scatter @!p5 [tilespmem:s19], [sflag:$0x4], $0x8000, $0x38;
	[tilespmem:$0x1C700] =	vst v63  }
0x1ca: {  	s28 =	simm.s32 @!p5 $0x4  }
0x1cb: {  	_ =	swait.ge @!p5 [sflag:s28], $0x8000  }
0x1cc: {  	[sflag:s28] =	ssyncset.done @!p5 $0x0  }
0x1cd: {  	s29 =	simm.s32 @!p5 $0x10300;
	[sflag:s28] =	ssyncadd.s32 @!p5 $0xFFFF8000  }
0x1ce: {  	[tilespmem:s19], [sflag:$0x2] =	stream.indirect.gather @!p5 [hbm4b:s9+s13], $0x80, s29, s13, $0xb8;
	[tilespmem:$0x1C700] =	vst v63  }
0x1cf: {  	_ =	swait.ge @!p5 [sflag:s12], $0x8000  }
0x1d0: {  	s29 =	sld [smem:$0x7E0]  }
0x1d1: {  	[sflag:s12] =	ssyncset.done @!p5 $0x0  }
0x1d2: {  	[sflag:s12] =	ssyncadd.s32 @!p5 $0xFFFF8000  }
0x1d3: {  	[hbm4b:s29+s11] =	stream.linear.scatter @!p5 [tilespmem:s11], [sflag:$0x3], $0x8000, $0x38;
	[tilespmem:$0x1C700] =	vst v63  }
0x1d4: {  	_ =	swait.ge @!p5 [sflag:s22], $0x8000  }
0x1d5: {  	[sflag:s22] =	ssyncset.done @!p5 $0x0  }
0x1d6: {  	s29 =	simm.s32 @!p5 $0x10400;
	[sflag:s22] =	ssyncadd.s32 @!p5 $0xFFFF8000  }
0x1d7: {  	[tilespmem:s11], [sflag:$0x1] =	stream.indirect.gather @!p5 [hbm4b:s9+s13], $0x80, s29, s13, $0xb8;
	[tilespmem:$0x1C700] =	vst v63  }
0x1d8: {  	_ =	swait.ge @!p5 [sflag:s26], $0x8000  }
0x1d9: {  	s13 =	sld [smem:$0x7E1]  }
0x1da: {  	[sflag:s26] =	ssyncset.done @!p5 $0x0  }
0x1db: {  	[sflag:s26] =	ssyncadd.s32 @!p5 $0xFFFF8000  }
0x1dc: {  	[hbm4b:s13+s11] =	stream.linear.scatter @!p5 [tilespmem:s19], [sflag:$0x4], $0x8000, $0x38;
	[tilespmem:$0x1C700] =	vst v63  }
0x1dd: {  	_ =	swait.ge @!p5 [sflag:s12], $0x8000  }
0x1de: {  	[sflag:s12] =	ssyncset.done @!p5 $0x0  }
0x1df: {  	[sflag:s12] =	ssyncadd.s32 @!p5 $0xFFFF8000;
	s12 =	sld [smem:$0x7E2];
	_ =	sdelay $0x2  }
0x1e0: {  	[hbm4b:s12+s11] =	stream.linear.scatter @!p5 [tilespmem:s11], [sflag:$0x3], $0x8000, $0x38;
	[tilespmem:$0x1C700] =	vst v63  }
0x1e1: {  	_ =	swait.ge @!p5 [sflag:s28], $0x8000  }
.Ltmp22:
0x1e2: {  	[sflag:s28] =	ssyncset.done @!p5 $0x0;
	(pc) =	sbr.rel .LBB3_86-.Ltmp22, $4  }
0x1e3: {  	[sflag:s28] =	ssyncadd.s32 @!p5 $0xFFFF8000  }
0x1e4: {  	_ =	swait.ge @!p5 [sflag:s22], $0x8000  }
0x1e5: {  	[sflag:s22] =	ssyncset.done @!p5 $0x0  }
0x1e6: {  	[sflag:s22] =	ssyncadd.s32 @!p5 $0xFFFF8000  }
.LBB3_9:
0x1e7: {  	s11 =	sld [smem:$0x7AE];
	_ =	sdelay $0x2  }
0x1e8: {  	p1 =	seq.s32 s11, $0x1  }
.Ltmp23:
0x1e9: {  	_ = 	snop;
	(pc) =	sbr.rel @p1 .LBB3_59-.Ltmp23, $1  }
0x1ea: {  	_ =	sdelay $0x3  }
0x1eb: {  	s11 =	sld [smem:$0x7AF];
	_ =	sdelay $0x2  }
0x1ec: {  	p1 =	seq.s32 s11, $0x1  }
.Ltmp24:
0x1ed: {  	_ = 	snop;
	(pc) =	sbr.rel @!p1 .LBB3_53-.Ltmp24, $1  }
0x1ee: {  	_ =	sdelay $0x3  }
0x1ef: {  	s11 =	simm.s32 $0x0  }
0x1f0: {  	[tilespmem:s5], [sflag:$0x5] =	stream.linear.gather [hbm4b:s10+s11], $0x2000, $0x38;
	[tilespmem:$0x1C700] =	vst v63  }
0x1f1: {  	_ =	swait.ge [sflag:s6], $0x2000  }
0x1f2: {  	[sflag:s6] =	ssyncset.done $0x0  }
0x1f3: {  	[sflag:s6] =	ssyncadd.s32 $0xFFFFE000  }
0x1f4: {  	s12 =	rddreg [dreg:$0x2]  }
0x1f5: {  	[tilespmem:s11], [sflag:$0x5] =	stream.linear.gather [hbm4b:s12+s11], $0x18700, $0x38;
	[tilespmem:$0x1C700] =	vst v63  }
0x1f6: {  	_ =	swait.ge [sflag:s6], $0x18700  }
0x1f7: {  	[sflag:s6] =	ssyncset.done $0x0  }
0x1f8: {  	s11 =	simm.s32 $0x0;
	[sflag:s6] =	ssyncadd.s32 $0xFFFE7900  }
0x1f9: {  	v0 =	vld [tilespmem:s11+$0x18700];
	_ =	sdelay $0x7  }
0x1fa: {  	s13 =	simm.s32 $0x80;
	s12 =	simm.s32 $0x10;
	v0 =	vld.idx.msk [tilespmem:v0+s14+$0x0], $0xffff  }
.LBB3_12:
0x1fb: {  	p1 =	sne.s32 s13, $0x7FC0;
	v1 =	vld [tilespmem:s12+$0x18700];
	_ =	sdelay $0x3  }
.Ltmp25:
0x1fc: {  	(pc) =	sbr.rel @p1 .LBB3_12-.Ltmp25, $2  }
0x1fd: {  	[tilespmem:s11+$0x1A700] =	vst v0;
	s11 =	smov.u32 s12;
	_ =	sdelay $0x2  }
0x1fe: {  	s12 =	sshra.s32 s13, $0x2;
	s13 =	sadd.s32 $0x40, s13;
	v0 =	vld.idx.msk [tilespmem:v1+s14+$0x0], $0xffff  }
0x1ff: {  	v1 =	vld [tilespmem:s12+$0x18700];
	_ =	sdelay $0x7  }
0x200: {  	v1 =	vld.idx.msk [tilespmem:v1+s14+$0x0], $0xffff;
	_ =	sdelay $0x3  }
0x201: {  	[tilespmem:s11+$0x1A700] =	vst v0  }
.Ltmp26:
0x202: {  	s29 =	rddreg [dreg:$0xd];
	[tilespmem:s12+$0x1A700] =	vst v1;
	(pc) =	sbr.rel .LBB3_86-.Ltmp26, $4  }
0x203: {  	[hbm4b:s29+s14] =	stream.linear.scatter [tilespmem:s7], [sflag:$0x5], $0x2000, $0x38;
	[tilespmem:$0x1C700] =	vst v63  }
0x204: {  	_ =	swait.ge [sflag:s6], $0x2000  }
0x205: {  	[sflag:s6] =	ssyncset.done $0x0  }
0x206: {  	[sflag:s6] =	ssyncadd.s32 $0xFFFFE000  }
.LBB3_33:
0x207: {  	s11 =	sld [smem:$0x7BC];
	_ =	sdelay $0x2  }
0x208: {  	p1 =	seq.s32 s11, $0x1  }
.Ltmp27:
0x209: {  	_ = 	snop;
	(pc) =	sbr.rel @p1 .LBB3_35-.Ltmp27, $1  }
0x20a: {  	_ =	sdelay $0x3  }
0x20b: {  	s13 =	sld [smem:$0x7FB];
	_ =	sdelay $0x1  }
0x20c: {  	s11 =	simm.s32 @p2 $0x0;
	s12 =	simm.s32 @p2 $0x10000  }
0x20d: {  	[tilespmem:s12], [sflag:$0x5] =	stream.linear.gather @p2 [hbm4b:s13+s11], $0x500, $0x38;
	[tilespmem:$0x1C700] =	vst v63  }
0x20e: {  	s13 =	simm.s32 @p2 $0x5  }
0x20f: {  	_ =	swait.ge @p2 [sflag:s13], $0x500  }
0x210: {  	[sflag:s13] =	ssyncset.done @p2 $0x0  }
0x211: {  	[sflag:s13] =	ssyncadd.s32 @p2 $0xFFFFFB00;
	s13 =	simm.s32 @p2 $0x100  }
0x212: {  	[tilespmem:s11], [sflag:$0x1] =	stream.indirect.gather @p2 [hbm4b:s9+s13], $0x80, s12, s13, $0xb8;
	[tilespmem:$0x1C700] =	vst v63  }
0x213: {  	s19 =	simm.s32 @p2 $0x8000;
	s12 =	simm.s32 @p2 $0x10100  }
0x214: {  	[tilespmem:s19], [sflag:$0x2] =	stream.indirect.gather @p2 [hbm4b:s9+s13], $0x80, s12, s13, $0xb8;
	[tilespmem:$0x1C700] =	vst v63  }
0x215: {  	s12 =	simm.s32 @p2 $0x1  }
0x216: {  	_ =	swait.ge @p2 [sflag:s12], $0x8000  }
0x217: {  	s22 =	sld [smem:$0x7FC]  }
0x218: {  	[sflag:s12] =	ssyncset.done @p2 $0x0  }
0x219: {  	[sflag:s12] =	ssyncadd.s32 @p2 $0xFFFF8000  }
0x21a: {  	[hbm4b:s22+s11] =	stream.linear.scatter @p2 [tilespmem:s11], [sflag:$0x3], $0x8000, $0x38;
	[tilespmem:$0x1C700] =	vst v63  }
0x21b: {  	s22 =	simm.s32 @p2 $0x3  }
0x21c: {  	_ =	swait.ge @p2 [sflag:s22], $0x8000  }
0x21d: {  	[sflag:s22] =	ssyncset.done @p2 $0x0  }
0x21e: {  	s26 =	simm.s32 @p2 $0x10200;
	[sflag:s22] =	ssyncadd.s32 @p2 $0xFFFF8000  }
0x21f: {  	[tilespmem:s11], [sflag:$0x1] =	stream.indirect.gather @p2 [hbm4b:s9+s13], $0x80, s26, s13, $0xb8;
	[tilespmem:$0x1C700] =	vst v63  }
0x220: {  	s26 =	simm.s32 @p2 $0x2  }
0x221: {  	_ =	swait.ge @p2 [sflag:s26], $0x8000  }
0x222: {  	s28 =	sld [smem:$0x7FD]  }
0x223: {  	[sflag:s26] =	ssyncset.done @p2 $0x0  }
0x224: {  	[sflag:s26] =	ssyncadd.s32 @p2 $0xFFFF8000  }
0x225: {  	[hbm4b:s28+s11] =	stream.linear.scatter @p2 [tilespmem:s19], [sflag:$0x4], $0x8000, $0x38;
	[tilespmem:$0x1C700] =	vst v63  }
0x226: {  	s28 =	simm.s32 @p2 $0x4  }
0x227: {  	_ =	swait.ge @p2 [sflag:s28], $0x8000  }
0x228: {  	[sflag:s28] =	ssyncset.done @p2 $0x0  }
0x229: {  	s29 =	simm.s32 @p2 $0x10300;
	[sflag:s28] =	ssyncadd.s32 @p2 $0xFFFF8000  }
0x22a: {  	[tilespmem:s19], [sflag:$0x2] =	stream.indirect.gather @p2 [hbm4b:s9+s13], $0x80, s29, s13, $0xb8;
	[tilespmem:$0x1C700] =	vst v63  }
0x22b: {  	_ =	swait.ge @p2 [sflag:s12], $0x8000  }
0x22c: {  	[sflag:s12] =	ssyncset.done @p2 $0x0  }
0x22d: {  	[sflag:s12] =	ssyncadd.s32 @p2 $0xFFFF8000  }
0x22e: {  	[hbm4b:s30+s11] =	stream.linear.scatter @p2 [tilespmem:s11], [sflag:$0x3], $0x8000, $0x38;
	[tilespmem:$0x1C700] =	vst v63  }
0x22f: {  	_ =	swait.ge @p2 [sflag:s22], $0x8000  }
0x230: {  	[sflag:s22] =	ssyncset.done @p2 $0x0  }
0x231: {  	s29 =	simm.s32 @p2 $0x10400;
	[sflag:s22] =	ssyncadd.s32 @p2 $0xFFFF8000  }
0x232: {  	[tilespmem:s11], [sflag:$0x1] =	stream.indirect.gather @p2 [hbm4b:s9+s13], $0x80, s29, s13, $0xb8;
	[tilespmem:$0x1C700] =	vst v63  }
0x233: {  	_ =	swait.ge @p2 [sflag:s26], $0x8000  }
0x234: {  	[sflag:s26] =	ssyncset.done @p2 $0x0  }
0x235: {  	[sflag:s26] =	ssyncadd.s32 @p2 $0xFFFF8000  }
0x236: {  	[hbm4b:s31+s11] =	stream.linear.scatter @p2 [tilespmem:s19], [sflag:$0x4], $0x8000, $0x38;
	[tilespmem:$0x1C700] =	vst v63  }
0x237: {  	_ =	swait.ge @p2 [sflag:s12], $0x8000  }
0x238: {  	[sflag:s12] =	ssyncset.done @p2 $0x0  }
0x239: {  	[sflag:s12] =	ssyncadd.s32 @p2 $0xFFFF8000  }
0x23a: {  	[hbm4b:s0+s11] =	stream.linear.scatter @p2 [tilespmem:s11], [sflag:$0x3], $0x8000, $0x38;
	[tilespmem:$0x1C700] =	vst v63  }
0x23b: {  	_ =	swait.ge @p2 [sflag:s28], $0x8000  }
0x23c: {  	[sflag:s28] =	ssyncset.done @p2 $0x0  }
0x23d: {  	[sflag:s28] =	ssyncadd.s32 @p2 $0xFFFF8000  }
0x23e: {  	_ =	swait.ge @p2 [sflag:s22], $0x8000  }
0x23f: {  	s13 =	sld [smem:$0x7F5]  }
0x240: {  	[sflag:s22] =	ssyncset.done @p2 $0x0  }
0x241: {  	s12 =	simm.s32 @!p2 $0x10000;
	s11 =	simm.s32 @!p2 $0x0;
	[sflag:s22] =	ssyncadd.s32 @p2 $0xFFFF8000  }
0x242: {  	[tilespmem:s12], [sflag:$0x5] =	stream.linear.gather @!p2 [hbm4b:s13+s11], $0x500, $0x38;
	[tilespmem:$0x1C700] =	vst v63  }
0x243: {  	s13 =	simm.s32 @!p2 $0x5  }
0x244: {  	_ =	swait.ge @!p2 [sflag:s13], $0x500  }
0x245: {  	[sflag:s13] =	ssyncset.done @!p2 $0x0  }
0x246: {  	[sflag:s13] =	ssyncadd.s32 @!p2 $0xFFFFFB00;
	s13 =	simm.s32 @!p2 $0x100  }
0x247: {  	[tilespmem:s11], [sflag:$0x1] =	stream.indirect.gather @!p2 [hbm4b:s9+s13], $0x80, s12, s13, $0xb8;
	[tilespmem:$0x1C700] =	vst v63  }
0x248: {  	s19 =	simm.s32 @!p2 $0x8000;
	s12 =	simm.s32 @!p2 $0x10100  }
0x249: {  	[tilespmem:s19], [sflag:$0x2] =	stream.indirect.gather @!p2 [hbm4b:s9+s13], $0x80, s12, s13, $0xb8;
	[tilespmem:$0x1C700] =	vst v63  }
0x24a: {  	s12 =	simm.s32 @!p2 $0x1  }
0x24b: {  	_ =	swait.ge @!p2 [sflag:s12], $0x8000  }
0x24c: {  	s22 =	sld [smem:$0x7F6]  }
0x24d: {  	[sflag:s12] =	ssyncset.done @!p2 $0x0  }
0x24e: {  	[sflag:s12] =	ssyncadd.s32 @!p2 $0xFFFF8000  }
0x24f: {  	[hbm4b:s22+s11] =	stream.linear.scatter @!p2 [tilespmem:s11], [sflag:$0x3], $0x8000, $0x38;
	[tilespmem:$0x1C700] =	vst v63  }
0x250: {  	s22 =	simm.s32 @!p2 $0x3  }
0x251: {  	_ =	swait.ge @!p2 [sflag:s22], $0x8000  }
0x252: {  	[sflag:s22] =	ssyncset.done @!p2 $0x0  }
0x253: {  	s26 =	simm.s32 @!p2 $0x10200;
	[sflag:s22] =	ssyncadd.s32 @!p2 $0xFFFF8000  }
0x254: {  	[tilespmem:s11], [sflag:$0x1] =	stream.indirect.gather @!p2 [hbm4b:s9+s13], $0x80, s26, s13, $0xb8;
	[tilespmem:$0x1C700] =	vst v63  }
0x255: {  	s26 =	simm.s32 @!p2 $0x2  }
0x256: {  	_ =	swait.ge @!p2 [sflag:s26], $0x8000  }
0x257: {  	s28 =	sld [smem:$0x7F7]  }
0x258: {  	[sflag:s26] =	ssyncset.done @!p2 $0x0  }
0x259: {  	[sflag:s26] =	ssyncadd.s32 @!p2 $0xFFFF8000  }
0x25a: {  	[hbm4b:s28+s11] =	stream.linear.scatter @!p2 [tilespmem:s19], [sflag:$0x4], $0x8000, $0x38;
	[tilespmem:$0x1C700] =	vst v63  }
0x25b: {  	s28 =	simm.s32 @!p2 $0x4  }
0x25c: {  	_ =	swait.ge @!p2 [sflag:s28], $0x8000  }
0x25d: {  	[sflag:s28] =	ssyncset.done @!p2 $0x0  }
0x25e: {  	s29 =	simm.s32 @!p2 $0x10300;
	[sflag:s28] =	ssyncadd.s32 @!p2 $0xFFFF8000  }
0x25f: {  	[tilespmem:s19], [sflag:$0x2] =	stream.indirect.gather @!p2 [hbm4b:s9+s13], $0x80, s29, s13, $0xb8;
	[tilespmem:$0x1C700] =	vst v63  }
0x260: {  	_ =	swait.ge @!p2 [sflag:s12], $0x8000  }
0x261: {  	s29 =	sld [smem:$0x7F8]  }
0x262: {  	[sflag:s12] =	ssyncset.done @!p2 $0x0  }
0x263: {  	[sflag:s12] =	ssyncadd.s32 @!p2 $0xFFFF8000  }
0x264: {  	[hbm4b:s29+s11] =	stream.linear.scatter @!p2 [tilespmem:s11], [sflag:$0x3], $0x8000, $0x38;
	[tilespmem:$0x1C700] =	vst v63  }
0x265: {  	_ =	swait.ge @!p2 [sflag:s22], $0x8000  }
0x266: {  	[sflag:s22] =	ssyncset.done @!p2 $0x0  }
0x267: {  	s29 =	simm.s32 @!p2 $0x10400;
	[sflag:s22] =	ssyncadd.s32 @!p2 $0xFFFF8000  }
0x268: {  	[tilespmem:s11], [sflag:$0x1] =	stream.indirect.gather @!p2 [hbm4b:s9+s13], $0x80, s29, s13, $0xb8;
	[tilespmem:$0x1C700] =	vst v63  }
0x269: {  	_ =	swait.ge @!p2 [sflag:s26], $0x8000  }
0x26a: {  	s13 =	sld [smem:$0x7F9]  }
0x26b: {  	[sflag:s26] =	ssyncset.done @!p2 $0x0  }
0x26c: {  	[sflag:s26] =	ssyncadd.s32 @!p2 $0xFFFF8000  }
0x26d: {  	[hbm4b:s13+s11] =	stream.linear.scatter @!p2 [tilespmem:s19], [sflag:$0x4], $0x8000, $0x38;
	[tilespmem:$0x1C700] =	vst v63  }
0x26e: {  	_ =	swait.ge @!p2 [sflag:s12], $0x8000  }
0x26f: {  	[sflag:s12] =	ssyncset.done @!p2 $0x0  }
0x270: {  	[sflag:s12] =	ssyncadd.s32 @!p2 $0xFFFF8000;
	s12 =	sld [smem:$0x7FA];
	_ =	sdelay $0x2  }
0x271: {  	[hbm4b:s12+s11] =	stream.linear.scatter @!p2 [tilespmem:s11], [sflag:$0x3], $0x8000, $0x38;
	[tilespmem:$0x1C700] =	vst v63  }
0x272: {  	_ =	swait.ge @!p2 [sflag:s28], $0x8000  }
.Ltmp28:
0x273: {  	[sflag:s28] =	ssyncset.done @!p2 $0x0;
	(pc) =	sbr.rel .LBB3_86-.Ltmp28, $4  }
0x274: {  	[sflag:s28] =	ssyncadd.s32 @!p2 $0xFFFF8000  }
0x275: {  	_ =	swait.ge @!p2 [sflag:s22], $0x8000  }
0x276: {  	[sflag:s22] =	ssyncset.done @!p2 $0x0  }
0x277: {  	[sflag:s22] =	ssyncadd.s32 @!p2 $0xFFFF8000  }
.LBB3_20:
0x278: {  	s11 =	sld [smem:$0x7B5];
	_ =	sdelay $0x2  }
0x279: {  	p1 =	seq.s32 s11, $0x1  }
.Ltmp29:
0x27a: {  	_ = 	snop;
	(pc) =	sbr.rel @p1 .LBB3_79-.Ltmp29, $1  }
0x27b: {  	_ =	sdelay $0x3  }
0x27c: {  	s11 =	sld [smem:$0x7B6];
	_ =	sdelay $0x2  }
0x27d: {  	p1 =	seq.s32 s11, $0x1  }
.Ltmp30:
0x27e: {  	_ = 	snop;
	(pc) =	sbr.rel @!p1 .LBB3_73-.Ltmp30, $1  }
0x27f: {  	_ =	sdelay $0x3  }
0x280: {  	s11 =	simm.s32 $0x0  }
0x281: {  	[tilespmem:s5], [sflag:$0x5] =	stream.linear.gather [hbm4b:s10+s11], $0x2000, $0x38;
	[tilespmem:$0x1C700] =	vst v63  }
0x282: {  	_ =	swait.ge [sflag:s6], $0x2000  }
0x283: {  	[sflag:s6] =	ssyncset.done $0x0  }
0x284: {  	[sflag:s6] =	ssyncadd.s32 $0xFFFFE000  }
0x285: {  	s12 =	rddreg [dreg:$0x6]  }
0x286: {  	[tilespmem:s11], [sflag:$0x5] =	stream.linear.gather [hbm4b:s12+s11], $0x18700, $0x38;
	[tilespmem:$0x1C700] =	vst v63  }
0x287: {  	_ =	swait.ge [sflag:s6], $0x18700  }
0x288: {  	[sflag:s6] =	ssyncset.done $0x0  }
0x289: {  	s11 =	simm.s32 $0x0;
	[sflag:s6] =	ssyncadd.s32 $0xFFFE7900  }
0x28a: {  	v0 =	vld [tilespmem:s11+$0x18700];
	_ =	sdelay $0x7  }
0x28b: {  	s13 =	simm.s32 $0x80;
	s12 =	simm.s32 $0x10;
	v0 =	vld.idx.msk [tilespmem:v0+s14+$0x0], $0xffff  }
.LBB3_23:
0x28c: {  	p1 =	sne.s32 s13, $0x7FC0;
	v1 =	vld [tilespmem:s12+$0x18700];
	_ =	sdelay $0x3  }
.Ltmp31:
0x28d: {  	(pc) =	sbr.rel @p1 .LBB3_23-.Ltmp31, $2  }
0x28e: {  	[tilespmem:s11+$0x1A700] =	vst v0;
	s11 =	smov.u32 s12;
	_ =	sdelay $0x2  }
0x28f: {  	s12 =	sshra.s32 s13, $0x2;
	s13 =	sadd.s32 $0x40, s13;
	v0 =	vld.idx.msk [tilespmem:v1+s14+$0x0], $0xffff  }
0x290: {  	v1 =	vld [tilespmem:s12+$0x18700];
	_ =	sdelay $0x7  }
0x291: {  	v1 =	vld.idx.msk [tilespmem:v1+s14+$0x0], $0xffff;
	_ =	sdelay $0x3  }
0x292: {  	[tilespmem:s11+$0x1A700] =	vst v0  }
.Ltmp32:
0x293: {  	s29 =	rddreg [dreg:$0x11];
	[tilespmem:s12+$0x1A700] =	vst v1;
	(pc) =	sbr.rel .LBB3_86-.Ltmp32, $4  }
0x294: {  	[hbm4b:s29+s14] =	stream.linear.scatter [tilespmem:s7], [sflag:$0x5], $0x2000, $0x38;
	[tilespmem:$0x1C700] =	vst v63  }
0x295: {  	_ =	swait.ge [sflag:s6], $0x2000  }
0x296: {  	[sflag:s6] =	ssyncset.done $0x0  }
0x297: {  	[sflag:s6] =	ssyncadd.s32 $0xFFFFE000  }
.LBB3_40:
0x298: {  	s11 =	sld [smem:$0x7C0];
	_ =	sdelay $0x2  }
0x299: {  	p1 =	seq.s32 s11, $0x1  }
.Ltmp33:
0x29a: {  	_ = 	snop;
	(pc) =	sbr.rel @p1 .LBB3_42-.Ltmp33, $1  }
0x29b: {  	_ =	sdelay $0x3  }
0x29c: {  	s13 =	sld [smem:$0x7CE];
	_ =	sdelay $0x1  }
0x29d: {  	s11 =	simm.s32 @p6 $0x0;
	s12 =	simm.s32 @p6 $0x10000  }
0x29e: {  	[tilespmem:s12], [sflag:$0x5] =	stream.linear.gather @p6 [hbm4b:s13+s11], $0x400, $0x38;
	[tilespmem:$0x1C700] =	vst v63  }
0x29f: {  	s13 =	simm.s32 @p6 $0x5  }
0x2a0: {  	_ =	swait.ge @p6 [sflag:s13], $0x400  }
0x2a1: {  	[sflag:s13] =	ssyncset.done @p6 $0x0  }
0x2a2: {  	[sflag:s13] =	ssyncadd.s32 @p6 $0xFFFFFC00;
	s13 =	simm.s32 @p6 $0x100  }
0x2a3: {  	[tilespmem:s11], [sflag:$0x1] =	stream.indirect.gather @p6 [hbm4b:s9+s13], $0x80, s12, s13, $0xb8;
	[tilespmem:$0x1C700] =	vst v63  }
0x2a4: {  	s19 =	simm.s32 @p6 $0x8000;
	s12 =	simm.s32 @p6 $0x10100  }
0x2a5: {  	[tilespmem:s19], [sflag:$0x2] =	stream.indirect.gather @p6 [hbm4b:s9+s13], $0x80, s12, s13, $0xb8;
	[tilespmem:$0x1C700] =	vst v63  }
0x2a6: {  	s12 =	simm.s32 @p6 $0x1  }
0x2a7: {  	_ =	swait.ge @p6 [sflag:s12], $0x8000  }
0x2a8: {  	s22 =	sld [smem:$0x7CF]  }
0x2a9: {  	[sflag:s12] =	ssyncset.done @p6 $0x0  }
0x2aa: {  	[sflag:s12] =	ssyncadd.s32 @p6 $0xFFFF8000  }
0x2ab: {  	[hbm4b:s22+s11] =	stream.linear.scatter @p6 [tilespmem:s11], [sflag:$0x3], $0x8000, $0x38;
	[tilespmem:$0x1C700] =	vst v63  }
0x2ac: {  	s22 =	simm.s32 @p6 $0x3  }
0x2ad: {  	_ =	swait.ge @p6 [sflag:s22], $0x8000  }
0x2ae: {  	[sflag:s22] =	ssyncset.done @p6 $0x0  }
0x2af: {  	s26 =	simm.s32 @p6 $0x10200;
	[sflag:s22] =	ssyncadd.s32 @p6 $0xFFFF8000  }
0x2b0: {  	[tilespmem:s11], [sflag:$0x1] =	stream.indirect.gather @p6 [hbm4b:s9+s13], $0x80, s26, s13, $0xb8;
	[tilespmem:$0x1C700] =	vst v63  }
0x2b1: {  	s26 =	simm.s32 @p6 $0x2  }
0x2b2: {  	_ =	swait.ge @p6 [sflag:s26], $0x8000  }
0x2b3: {  	s28 =	sld [smem:$0x7D0]  }
0x2b4: {  	[sflag:s26] =	ssyncset.done @p6 $0x0  }
0x2b5: {  	[sflag:s26] =	ssyncadd.s32 @p6 $0xFFFF8000  }
0x2b6: {  	[hbm4b:s28+s11] =	stream.linear.scatter @p6 [tilespmem:s19], [sflag:$0x4], $0x8000, $0x38;
	[tilespmem:$0x1C700] =	vst v63  }
0x2b7: {  	s28 =	simm.s32 @p6 $0x4  }
0x2b8: {  	_ =	swait.ge @p6 [sflag:s28], $0x8000  }
0x2b9: {  	[sflag:s28] =	ssyncset.done @p6 $0x0  }
0x2ba: {  	s29 =	simm.s32 @p6 $0x10300;
	[sflag:s28] =	ssyncadd.s32 @p6 $0xFFFF8000  }
0x2bb: {  	[tilespmem:s19], [sflag:$0x2] =	stream.indirect.gather @p6 [hbm4b:s9+s13], $0x80, s29, s13, $0xb8;
	[tilespmem:$0x1C700] =	vst v63  }
0x2bc: {  	_ =	swait.ge @p6 [sflag:s12], $0x8000  }
0x2bd: {  	[sflag:s12] =	ssyncset.done @p6 $0x0  }
0x2be: {  	[sflag:s12] =	ssyncadd.s32 @p6 $0xFFFF8000;
	s12 =	sld [smem:$0x7D1];
	_ =	sdelay $0x2  }
0x2bf: {  	[hbm4b:s12+s11] =	stream.linear.scatter @p6 [tilespmem:s11], [sflag:$0x3], $0x8000, $0x38;
	[tilespmem:$0x1C700] =	vst v63  }
0x2c0: {  	_ =	swait.ge @p6 [sflag:s26], $0x8000  }
0x2c1: {  	s12 =	sld [smem:$0x7D2]  }
0x2c2: {  	[sflag:s26] =	ssyncset.done @p6 $0x0  }
0x2c3: {  	[sflag:s26] =	ssyncadd.s32 @p6 $0xFFFF8000  }
0x2c4: {  	[hbm4b:s12+s11] =	stream.linear.scatter @p6 [tilespmem:s19], [sflag:$0x4], $0x8000, $0x38;
	[tilespmem:$0x1C700] =	vst v63  }
0x2c5: {  	_ =	swait.ge @p6 [sflag:s22], $0x8000  }
0x2c6: {  	[sflag:s22] =	ssyncset.done @p6 $0x0  }
0x2c7: {  	[sflag:s22] =	ssyncadd.s32 @p6 $0xFFFF8000  }
0x2c8: {  	_ =	swait.ge @p6 [sflag:s28], $0x8000  }
0x2c9: {  	s13 =	sld [smem:$0x7C9]  }
0x2ca: {  	[sflag:s28] =	ssyncset.done @p6 $0x0  }
0x2cb: {  	s11 =	simm.s32 @!p6 $0x0;
	s12 =	simm.s32 @!p6 $0x10000;
	[sflag:s28] =	ssyncadd.s32 @p6 $0xFFFF8000  }
0x2cc: {  	[tilespmem:s12], [sflag:$0x5] =	stream.linear.gather @!p6 [hbm4b:s13+s11], $0x400, $0x38;
	[tilespmem:$0x1C700] =	vst v63  }
0x2cd: {  	s13 =	simm.s32 @!p6 $0x5  }
0x2ce: {  	_ =	swait.ge @!p6 [sflag:s13], $0x400  }
0x2cf: {  	[sflag:s13] =	ssyncset.done @!p6 $0x0  }
0x2d0: {  	[sflag:s13] =	ssyncadd.s32 @!p6 $0xFFFFFC00;
	s13 =	simm.s32 @!p6 $0x100  }
0x2d1: {  	[tilespmem:s11], [sflag:$0x1] =	stream.indirect.gather @!p6 [hbm4b:s9+s13], $0x80, s12, s13, $0xb8;
	[tilespmem:$0x1C700] =	vst v63  }
0x2d2: {  	s19 =	simm.s32 @!p6 $0x8000;
	s12 =	simm.s32 @!p6 $0x10100  }
0x2d3: {  	[tilespmem:s19], [sflag:$0x2] =	stream.indirect.gather @!p6 [hbm4b:s9+s13], $0x80, s12, s13, $0xb8;
	[tilespmem:$0x1C700] =	vst v63  }
0x2d4: {  	s12 =	simm.s32 @!p6 $0x1  }
0x2d5: {  	_ =	swait.ge @!p6 [sflag:s12], $0x8000  }
0x2d6: {  	s22 =	sld [smem:$0x7CA]  }
0x2d7: {  	[sflag:s12] =	ssyncset.done @!p6 $0x0  }
0x2d8: {  	[sflag:s12] =	ssyncadd.s32 @!p6 $0xFFFF8000  }
0x2d9: {  	[hbm4b:s22+s11] =	stream.linear.scatter @!p6 [tilespmem:s11], [sflag:$0x3], $0x8000, $0x38;
	[tilespmem:$0x1C700] =	vst v63  }
0x2da: {  	s22 =	simm.s32 @!p6 $0x3  }
0x2db: {  	_ =	swait.ge @!p6 [sflag:s22], $0x8000  }
0x2dc: {  	[sflag:s22] =	ssyncset.done @!p6 $0x0  }
0x2dd: {  	s26 =	simm.s32 @!p6 $0x10200;
	[sflag:s22] =	ssyncadd.s32 @!p6 $0xFFFF8000  }
0x2de: {  	[tilespmem:s11], [sflag:$0x1] =	stream.indirect.gather @!p6 [hbm4b:s9+s13], $0x80, s26, s13, $0xb8;
	[tilespmem:$0x1C700] =	vst v63  }
0x2df: {  	s26 =	simm.s32 @!p6 $0x2  }
0x2e0: {  	_ =	swait.ge @!p6 [sflag:s26], $0x8000  }
0x2e1: {  	s28 =	sld [smem:$0x7CB]  }
0x2e2: {  	[sflag:s26] =	ssyncset.done @!p6 $0x0  }
0x2e3: {  	[sflag:s26] =	ssyncadd.s32 @!p6 $0xFFFF8000  }
0x2e4: {  	[hbm4b:s28+s11] =	stream.linear.scatter @!p6 [tilespmem:s19], [sflag:$0x4], $0x8000, $0x38;
	[tilespmem:$0x1C700] =	vst v63  }
0x2e5: {  	s28 =	simm.s32 @!p6 $0x4  }
0x2e6: {  	_ =	swait.ge @!p6 [sflag:s28], $0x8000  }
0x2e7: {  	[sflag:s28] =	ssyncset.done @!p6 $0x0  }
0x2e8: {  	s29 =	simm.s32 @!p6 $0x10300;
	[sflag:s28] =	ssyncadd.s32 @!p6 $0xFFFF8000  }
0x2e9: {  	[tilespmem:s19], [sflag:$0x2] =	stream.indirect.gather @!p6 [hbm4b:s9+s13], $0x80, s29, s13, $0xb8;
	[tilespmem:$0x1C700] =	vst v63  }
0x2ea: {  	_ =	swait.ge @!p6 [sflag:s12], $0x8000  }
0x2eb: {  	[sflag:s12] =	ssyncset.done @!p6 $0x0  }
0x2ec: {  	[sflag:s12] =	ssyncadd.s32 @!p6 $0xFFFF8000;
	s12 =	sld [smem:$0x7CC];
	_ =	sdelay $0x2  }
0x2ed: {  	[hbm4b:s12+s11] =	stream.linear.scatter @!p6 [tilespmem:s11], [sflag:$0x3], $0x8000, $0x38;
	[tilespmem:$0x1C700] =	vst v63  }
0x2ee: {  	_ =	swait.ge @!p6 [sflag:s26], $0x8000  }
0x2ef: {  	s12 =	sld [smem:$0x7CD]  }
0x2f0: {  	[sflag:s26] =	ssyncset.done @!p6 $0x0  }
0x2f1: {  	[sflag:s26] =	ssyncadd.s32 @!p6 $0xFFFF8000  }
0x2f2: {  	[hbm4b:s12+s11] =	stream.linear.scatter @!p6 [tilespmem:s19], [sflag:$0x4], $0x8000, $0x38;
	[tilespmem:$0x1C700] =	vst v63  }
0x2f3: {  	_ =	swait.ge @!p6 [sflag:s22], $0x8000  }
.Ltmp34:
0x2f4: {  	[sflag:s22] =	ssyncset.done @!p6 $0x0;
	(pc) =	sbr.rel .LBB3_86-.Ltmp34, $4  }
0x2f5: {  	[sflag:s22] =	ssyncadd.s32 @!p6 $0xFFFF8000  }
0x2f6: {  	_ =	swait.ge @!p6 [sflag:s28], $0x8000  }
0x2f7: {  	[sflag:s28] =	ssyncset.done @!p6 $0x0  }
0x2f8: {  	[sflag:s28] =	ssyncadd.s32 @!p6 $0xFFFF8000  }
.LBB3_49:
0x2f9: {  	s11 =	sld [smem:$0x7AD];
	_ =	sdelay $0x2  }
0x2fa: {  	p1 =	seq.s32 s11, $0x1  }
.Ltmp35:
0x2fb: {  	_ = 	snop;
	(pc) =	sbr.rel @!p1 .LBB3_50-.Ltmp35, $1  }
0x2fc: {  	_ =	sdelay $0x3  }
0x2fd: {  	s11 =	simm.s32 $0x0  }
0x2fe: {  	[tilespmem:s5], [sflag:$0x5] =	stream.linear.gather [hbm4b:s10+s11], $0x2000, $0x38;
	[tilespmem:$0x1C700] =	vst v63  }
0x2ff: {  	_ =	swait.ge [sflag:s6], $0x2000  }
0x300: {  	[sflag:s6] =	ssyncset.done $0x0  }
0x301: {  	[sflag:s6] =	ssyncadd.s32 $0xFFFFE000  }
0x302: {  	s12 =	rddreg [dreg:$0x1]  }
0x303: {  	[tilespmem:s11], [sflag:$0x5] =	stream.linear.gather [hbm4b:s12+s11], $0x18700, $0x38;
	[tilespmem:$0x1C700] =	vst v63  }
0x304: {  	_ =	swait.ge [sflag:s6], $0x18700  }
0x305: {  	[sflag:s6] =	ssyncset.done $0x0  }
0x306: {  	s11 =	simm.s32 $0x0;
	[sflag:s6] =	ssyncadd.s32 $0xFFFE7900  }
0x307: {  	v0 =	vld [tilespmem:s11+$0x18700];
	_ =	sdelay $0x7  }
0x308: {  	s13 =	simm.s32 $0x80;
	s12 =	simm.s32 $0x10;
	v0 =	vld.idx.msk [tilespmem:v0+s14+$0x0], $0xffff  }
.LBB3_47:
0x309: {  	p1 =	sne.s32 s13, $0x7FC0;
	v1 =	vld [tilespmem:s12+$0x18700];
	_ =	sdelay $0x3  }
.Ltmp36:
0x30a: {  	(pc) =	sbr.rel @p1 .LBB3_47-.Ltmp36, $2  }
0x30b: {  	[tilespmem:s11+$0x1A700] =	vst v0;
	s11 =	smov.u32 s12;
	_ =	sdelay $0x2  }
0x30c: {  	s12 =	sshra.s32 s13, $0x2;
	s13 =	sadd.s32 $0x40, s13;
	v0 =	vld.idx.msk [tilespmem:v1+s14+$0x0], $0xffff  }
0x30d: {  	v1 =	vld [tilespmem:s12+$0x18700];
	_ =	sdelay $0x7  }
0x30e: {  	v1 =	vld.idx.msk [tilespmem:v1+s14+$0x0], $0xffff;
	_ =	sdelay $0x3  }
0x30f: {  	[tilespmem:s11+$0x1A700] =	vst v0  }
.Ltmp37:
0x310: {  	s29 =	rddreg [dreg:$0xc];
	[tilespmem:s12+$0x1A700] =	vst v1;
	(pc) =	sbr.rel .LBB3_86-.Ltmp37, $4  }
0x311: {  	[hbm4b:s29+s14] =	stream.linear.scatter [tilespmem:s7], [sflag:$0x5], $0x2000, $0x38;
	[tilespmem:$0x1C700] =	vst v63  }
0x312: {  	_ =	swait.ge [sflag:s6], $0x2000  }
0x313: {  	[sflag:s6] =	ssyncset.done $0x0  }
0x314: {  	[sflag:s6] =	ssyncadd.s32 $0xFFFFE000  }
.LBB3_69:
0x315: {  	s11 =	sld [smem:$0x7B4];
	_ =	sdelay $0x2  }
0x316: {  	p1 =	seq.s32 s11, $0x1  }
.Ltmp38:
0x317: {  	_ = 	snop;
	(pc) =	sbr.rel @!p1 .LBB3_70-.Ltmp38, $1  }
0x318: {  	_ =	sdelay $0x3  }
0x319: {  	s11 =	simm.s32 $0x0  }
0x31a: {  	[tilespmem:s5], [sflag:$0x5] =	stream.linear.gather [hbm4b:s10+s11], $0x2000, $0x38;
	[tilespmem:$0x1C700] =	vst v63  }
0x31b: {  	_ =	swait.ge [sflag:s6], $0x2000  }
0x31c: {  	[sflag:s6] =	ssyncset.done $0x0  }
0x31d: {  	[sflag:s6] =	ssyncadd.s32 $0xFFFFE000  }
0x31e: {  	s12 =	rddreg [dreg:$0x5]  }
0x31f: {  	[tilespmem:s11], [sflag:$0x5] =	stream.linear.gather [hbm4b:s12+s11], $0x18700, $0x38;
	[tilespmem:$0x1C700] =	vst v63  }
0x320: {  	_ =	swait.ge [sflag:s6], $0x18700  }
0x321: {  	[sflag:s6] =	ssyncset.done $0x0  }
0x322: {  	s11 =	simm.s32 $0x0;
	[sflag:s6] =	ssyncadd.s32 $0xFFFE7900  }
0x323: {  	v0 =	vld [tilespmem:s11+$0x18700];
	_ =	sdelay $0x7  }
0x324: {  	s13 =	simm.s32 $0x80;
	s12 =	simm.s32 $0x10;
	v0 =	vld.idx.msk [tilespmem:v0+s14+$0x0], $0xffff  }
.LBB3_67:
0x325: {  	p1 =	sne.s32 s13, $0x7FC0;
	v1 =	vld [tilespmem:s12+$0x18700];
	_ =	sdelay $0x3  }
.Ltmp39:
0x326: {  	(pc) =	sbr.rel @p1 .LBB3_67-.Ltmp39, $2  }
0x327: {  	[tilespmem:s11+$0x1A700] =	vst v0;
	s11 =	smov.u32 s12;
	_ =	sdelay $0x2  }
0x328: {  	s12 =	sshra.s32 s13, $0x2;
	s13 =	sadd.s32 $0x40, s13;
	v0 =	vld.idx.msk [tilespmem:v1+s14+$0x0], $0xffff  }
0x329: {  	v1 =	vld [tilespmem:s12+$0x18700];
	_ =	sdelay $0x7  }
0x32a: {  	v1 =	vld.idx.msk [tilespmem:v1+s14+$0x0], $0xffff;
	_ =	sdelay $0x3  }
0x32b: {  	[tilespmem:s11+$0x1A700] =	vst v0  }
.Ltmp40:
0x32c: {  	s29 =	rddreg [dreg:$0x10];
	[tilespmem:s12+$0x1A700] =	vst v1;
	(pc) =	sbr.rel .LBB3_86-.Ltmp40, $4  }
0x32d: {  	[hbm4b:s29+s14] =	stream.linear.scatter [tilespmem:s7], [sflag:$0x5], $0x2000, $0x38;
	[tilespmem:$0x1C700] =	vst v63  }
0x32e: {  	_ =	swait.ge [sflag:s6], $0x2000  }
0x32f: {  	[sflag:s6] =	ssyncset.done $0x0  }
0x330: {  	[sflag:s6] =	ssyncadd.s32 $0xFFFFE000  }
.LBB3_39:
0x331: {  	s11 =	sld [smem:$0x7BF];
	_ =	sdelay $0x1  }
0x332: {  	s13 =	sld [smem:$0x7D8]  }
0x333: {  	p1 =	seq.s32 s11, $0x1  }
0x334: {  	s11 =	simm.s32 @p1 $0x0;
	s12 =	simm.s32 @p1 $0x10000  }
0x335: {  	[tilespmem:s12], [sflag:$0x5] =	stream.linear.gather @p1 [hbm4b:s13+s11], $0x400, $0x38;
	[tilespmem:$0x1C700] =	vst v63  }
0x336: {  	s13 =	simm.s32 @p1 $0x5  }
0x337: {  	_ =	swait.ge @p1 [sflag:s13], $0x400  }
0x338: {  	[sflag:s13] =	ssyncset.done @p1 $0x0  }
0x339: {  	[sflag:s13] =	ssyncadd.s32 @p1 $0xFFFFFC00;
	s13 =	simm.s32 @p1 $0x100  }
0x33a: {  	[tilespmem:s11], [sflag:$0x1] =	stream.indirect.gather @p1 [hbm4b:s9+s13], $0x80, s12, s13, $0xb8;
	[tilespmem:$0x1C700] =	vst v63  }
0x33b: {  	s19 =	simm.s32 @p1 $0x8000;
	s12 =	simm.s32 @p1 $0x10100  }
0x33c: {  	[tilespmem:s19], [sflag:$0x2] =	stream.indirect.gather @p1 [hbm4b:s9+s13], $0x80, s12, s13, $0xb8;
	[tilespmem:$0x1C700] =	vst v63  }
0x33d: {  	s12 =	simm.s32 @p1 $0x1  }
0x33e: {  	_ =	swait.ge @p1 [sflag:s12], $0x8000  }
0x33f: {  	s22 =	sld [smem:$0x7D9]  }
0x340: {  	[sflag:s12] =	ssyncset.done @p1 $0x0  }
0x341: {  	[sflag:s12] =	ssyncadd.s32 @p1 $0xFFFF8000  }
0x342: {  	[hbm4b:s22+s11] =	stream.linear.scatter @p1 [tilespmem:s11], [sflag:$0x3], $0x8000, $0x38;
	[tilespmem:$0x1C700] =	vst v63  }
0x343: {  	s22 =	simm.s32 @p1 $0x3  }
0x344: {  	_ =	swait.ge @p1 [sflag:s22], $0x8000  }
0x345: {  	[sflag:s22] =	ssyncset.done @p1 $0x0  }
0x346: {  	s26 =	simm.s32 @p1 $0x10200;
	[sflag:s22] =	ssyncadd.s32 @p1 $0xFFFF8000  }
0x347: {  	[tilespmem:s11], [sflag:$0x1] =	stream.indirect.gather @p1 [hbm4b:s9+s13], $0x80, s26, s13, $0xb8;
	[tilespmem:$0x1C700] =	vst v63  }
0x348: {  	s26 =	simm.s32 @p1 $0x2  }
0x349: {  	_ =	swait.ge @p1 [sflag:s26], $0x8000  }
0x34a: {  	s28 =	sld [smem:$0x7DA]  }
0x34b: {  	[sflag:s26] =	ssyncset.done @p1 $0x0  }
0x34c: {  	[sflag:s26] =	ssyncadd.s32 @p1 $0xFFFF8000  }
0x34d: {  	[hbm4b:s28+s11] =	stream.linear.scatter @p1 [tilespmem:s19], [sflag:$0x4], $0x8000, $0x38;
	[tilespmem:$0x1C700] =	vst v63  }
0x34e: {  	s28 =	simm.s32 @p1 $0x4  }
0x34f: {  	_ =	swait.ge @p1 [sflag:s28], $0x8000  }
0x350: {  	[sflag:s28] =	ssyncset.done @p1 $0x0  }
0x351: {  	s29 =	simm.s32 @p1 $0x10300;
	[sflag:s28] =	ssyncadd.s32 @p1 $0xFFFF8000  }
0x352: {  	[tilespmem:s19], [sflag:$0x2] =	stream.indirect.gather @p1 [hbm4b:s9+s13], $0x80, s29, s13, $0xb8;
	[tilespmem:$0x1C700] =	vst v63  }
0x353: {  	_ =	swait.ge @p1 [sflag:s12], $0x8000  }
0x354: {  	[sflag:s12] =	ssyncset.done @p1 $0x0  }
0x355: {  	[sflag:s12] =	ssyncadd.s32 @p1 $0xFFFF8000;
	s12 =	sld [smem:$0x7DB];
	_ =	sdelay $0x2  }
0x356: {  	[hbm4b:s12+s11] =	stream.linear.scatter @p1 [tilespmem:s11], [sflag:$0x3], $0x8000, $0x38;
	[tilespmem:$0x1C700] =	vst v63  }
0x357: {  	_ =	swait.ge @p1 [sflag:s26], $0x8000  }
0x358: {  	s12 =	sld [smem:$0x7DC]  }
0x359: {  	[sflag:s26] =	ssyncset.done @p1 $0x0  }
0x35a: {  	[sflag:s26] =	ssyncadd.s32 @p1 $0xFFFF8000  }
0x35b: {  	[hbm4b:s12+s11] =	stream.linear.scatter @p1 [tilespmem:s19], [sflag:$0x4], $0x8000, $0x38;
	[tilespmem:$0x1C700] =	vst v63  }
0x35c: {  	_ =	swait.ge @p1 [sflag:s22], $0x8000  }
0x35d: {  	[sflag:s22] =	ssyncset.done @p1 $0x0  }
0x35e: {  	[sflag:s22] =	ssyncadd.s32 @p1 $0xFFFF8000  }
0x35f: {  	_ =	swait.ge @p1 [sflag:s28], $0x8000  }
0x360: {  	s13 =	sld [smem:$0x7D3]  }
0x361: {  	[sflag:s28] =	ssyncset.done @p1 $0x0  }
0x362: {  	s11 =	simm.s32 @!p1 $0x0;
	s12 =	simm.s32 @!p1 $0x10000;
	[sflag:s28] =	ssyncadd.s32 @p1 $0xFFFF8000  }
0x363: {  	[tilespmem:s12], [sflag:$0x5] =	stream.linear.gather @!p1 [hbm4b:s13+s11], $0x400, $0x38;
	[tilespmem:$0x1C700] =	vst v63  }
0x364: {  	s13 =	simm.s32 @!p1 $0x5  }
0x365: {  	_ =	swait.ge @!p1 [sflag:s13], $0x400  }
0x366: {  	[sflag:s13] =	ssyncset.done @!p1 $0x0  }
0x367: {  	[sflag:s13] =	ssyncadd.s32 @!p1 $0xFFFFFC00;
	s13 =	simm.s32 @!p1 $0x100  }
0x368: {  	[tilespmem:s11], [sflag:$0x1] =	stream.indirect.gather @!p1 [hbm4b:s9+s13], $0x80, s12, s13, $0xb8;
	[tilespmem:$0x1C700] =	vst v63  }
0x369: {  	s19 =	simm.s32 @!p1 $0x8000;
	s12 =	simm.s32 @!p1 $0x10100  }
0x36a: {  	[tilespmem:s19], [sflag:$0x2] =	stream.indirect.gather @!p1 [hbm4b:s9+s13], $0x80, s12, s13, $0xb8;
	[tilespmem:$0x1C700] =	vst v63  }
0x36b: {  	s12 =	simm.s32 @!p1 $0x1  }
0x36c: {  	_ =	swait.ge @!p1 [sflag:s12], $0x8000  }
0x36d: {  	s22 =	sld [smem:$0x7D4]  }
0x36e: {  	[sflag:s12] =	ssyncset.done @!p1 $0x0  }
0x36f: {  	[sflag:s12] =	ssyncadd.s32 @!p1 $0xFFFF8000  }
0x370: {  	[hbm4b:s22+s11] =	stream.linear.scatter @!p1 [tilespmem:s11], [sflag:$0x3], $0x8000, $0x38;
	[tilespmem:$0x1C700] =	vst v63  }
0x371: {  	s22 =	simm.s32 @!p1 $0x3  }
0x372: {  	_ =	swait.ge @!p1 [sflag:s22], $0x8000  }
0x373: {  	[sflag:s22] =	ssyncset.done @!p1 $0x0  }
0x374: {  	s26 =	simm.s32 @!p1 $0x10200;
	[sflag:s22] =	ssyncadd.s32 @!p1 $0xFFFF8000  }
0x375: {  	[tilespmem:s11], [sflag:$0x1] =	stream.indirect.gather @!p1 [hbm4b:s9+s13], $0x80, s26, s13, $0xb8;
	[tilespmem:$0x1C700] =	vst v63  }
0x376: {  	s26 =	simm.s32 @!p1 $0x2  }
0x377: {  	_ =	swait.ge @!p1 [sflag:s26], $0x8000  }
0x378: {  	s28 =	sld [smem:$0x7D5]  }
0x379: {  	[sflag:s26] =	ssyncset.done @!p1 $0x0  }
0x37a: {  	[sflag:s26] =	ssyncadd.s32 @!p1 $0xFFFF8000  }
0x37b: {  	[hbm4b:s28+s11] =	stream.linear.scatter @!p1 [tilespmem:s19], [sflag:$0x4], $0x8000, $0x38;
	[tilespmem:$0x1C700] =	vst v63  }
0x37c: {  	s28 =	simm.s32 @!p1 $0x4  }
0x37d: {  	_ =	swait.ge @!p1 [sflag:s28], $0x8000  }
0x37e: {  	[sflag:s28] =	ssyncset.done @!p1 $0x0  }
0x37f: {  	s29 =	simm.s32 @!p1 $0x10300;
	[sflag:s28] =	ssyncadd.s32 @!p1 $0xFFFF8000  }
0x380: {  	[tilespmem:s19], [sflag:$0x2] =	stream.indirect.gather @!p1 [hbm4b:s9+s13], $0x80, s29, s13, $0xb8;
	[tilespmem:$0x1C700] =	vst v63  }
0x381: {  	_ =	swait.ge @!p1 [sflag:s12], $0x8000  }
0x382: {  	[sflag:s12] =	ssyncset.done @!p1 $0x0  }
0x383: {  	[sflag:s12] =	ssyncadd.s32 @!p1 $0xFFFF8000;
	s12 =	sld [smem:$0x7D6];
	_ =	sdelay $0x2  }
0x384: {  	[hbm4b:s12+s11] =	stream.linear.scatter @!p1 [tilespmem:s11], [sflag:$0x3], $0x8000, $0x38;
	[tilespmem:$0x1C700] =	vst v63  }
0x385: {  	_ =	swait.ge @!p1 [sflag:s26], $0x8000  }
0x386: {  	s12 =	sld [smem:$0x7D7]  }
0x387: {  	[sflag:s26] =	ssyncset.done @!p1 $0x0  }
0x388: {  	[sflag:s26] =	ssyncadd.s32 @!p1 $0xFFFF8000  }
0x389: {  	[hbm4b:s12+s11] =	stream.linear.scatter @!p1 [tilespmem:s19], [sflag:$0x4], $0x8000, $0x38;
	[tilespmem:$0x1C700] =	vst v63  }
0x38a: {  	_ =	swait.ge @!p1 [sflag:s22], $0x8000  }
.Ltmp41:
0x38b: {  	[sflag:s22] =	ssyncset.done @!p1 $0x0;
	(pc) =	sbr.rel .LBB3_86-.Ltmp41, $4  }
0x38c: {  	[sflag:s22] =	ssyncadd.s32 @!p1 $0xFFFF8000  }
0x38d: {  	_ =	swait.ge @!p1 [sflag:s28], $0x8000  }
0x38e: {  	[sflag:s28] =	ssyncset.done @!p1 $0x0  }
0x38f: {  	[sflag:s28] =	ssyncadd.s32 @!p1 $0xFFFF8000  }
.LBB3_59:
0x390: {  	s11 =	sld [smem:$0x7B0];
	_ =	sdelay $0x2  }
0x391: {  	p1 =	seq.s32 s11, $0x1  }
.Ltmp42:
0x392: {  	_ = 	snop;
	(pc) =	sbr.rel @!p1 .LBB3_60-.Ltmp42, $1  }
0x393: {  	_ =	sdelay $0x3  }
0x394: {  	s11 =	simm.s32 $0x0  }
0x395: {  	[tilespmem:s5], [sflag:$0x5] =	stream.linear.gather [hbm4b:s10+s11], $0x2000, $0x38;
	[tilespmem:$0x1C700] =	vst v63  }
0x396: {  	_ =	swait.ge [sflag:s6], $0x2000  }
0x397: {  	[sflag:s6] =	ssyncset.done $0x0  }
0x398: {  	[sflag:s6] =	ssyncadd.s32 $0xFFFFE000  }
0x399: {  	s12 =	rddreg [dreg:$0x3]  }
0x39a: {  	[tilespmem:s11], [sflag:$0x5] =	stream.linear.gather [hbm4b:s12+s11], $0x18700, $0x38;
	[tilespmem:$0x1C700] =	vst v63  }
0x39b: {  	_ =	swait.ge [sflag:s6], $0x18700  }
0x39c: {  	[sflag:s6] =	ssyncset.done $0x0  }
0x39d: {  	s11 =	simm.s32 $0x0;
	[sflag:s6] =	ssyncadd.s32 $0xFFFE7900  }
0x39e: {  	v0 =	vld [tilespmem:s11+$0x18700];
	_ =	sdelay $0x7  }
0x39f: {  	s13 =	simm.s32 $0x80;
	s12 =	simm.s32 $0x10;
	v0 =	vld.idx.msk [tilespmem:v0+s14+$0x0], $0xffff  }
.LBB3_57:
0x3a0: {  	p1 =	sne.s32 s13, $0x7FC0;
	v1 =	vld [tilespmem:s12+$0x18700];
	_ =	sdelay $0x3  }
.Ltmp43:
0x3a1: {  	(pc) =	sbr.rel @p1 .LBB3_57-.Ltmp43, $2  }
0x3a2: {  	[tilespmem:s11+$0x1A700] =	vst v0;
	s11 =	smov.u32 s12;
	_ =	sdelay $0x2  }
0x3a3: {  	s12 =	sshra.s32 s13, $0x2;
	s13 =	sadd.s32 $0x40, s13;
	v0 =	vld.idx.msk [tilespmem:v1+s14+$0x0], $0xffff  }
0x3a4: {  	v1 =	vld [tilespmem:s12+$0x18700];
	_ =	sdelay $0x7  }
0x3a5: {  	v1 =	vld.idx.msk [tilespmem:v1+s14+$0x0], $0xffff;
	_ =	sdelay $0x3  }
0x3a6: {  	[tilespmem:s11+$0x1A700] =	vst v0  }
.Ltmp44:
0x3a7: {  	s29 =	rddreg [dreg:$0xe];
	[tilespmem:s12+$0x1A700] =	vst v1;
	(pc) =	sbr.rel .LBB3_86-.Ltmp44, $4  }
0x3a8: {  	[hbm4b:s29+s14] =	stream.linear.scatter [tilespmem:s7], [sflag:$0x5], $0x2000, $0x38;
	[tilespmem:$0x1C700] =	vst v63  }
0x3a9: {  	_ =	swait.ge [sflag:s6], $0x2000  }
0x3aa: {  	[sflag:s6] =	ssyncset.done $0x0  }
0x3ab: {  	[sflag:s6] =	ssyncadd.s32 $0xFFFFE000  }
.LBB3_35:
0x3ac: {  	s13 =	sld [smem:$0x7EF];
	_ =	sdelay $0x1  }
0x3ad: {  	s11 =	simm.s32 @p4 $0x0;
	s12 =	simm.s32 @p4 $0x10000  }
0x3ae: {  	[tilespmem:s12], [sflag:$0x5] =	stream.linear.gather @p4 [hbm4b:s13+s11], $0x500, $0x38;
	[tilespmem:$0x1C700] =	vst v63  }
0x3af: {  	s13 =	simm.s32 @p4 $0x5  }
0x3b0: {  	_ =	swait.ge @p4 [sflag:s13], $0x500  }
0x3b1: {  	[sflag:s13] =	ssyncset.done @p4 $0x0  }
0x3b2: {  	[sflag:s13] =	ssyncadd.s32 @p4 $0xFFFFFB00;
	s13 =	simm.s32 @p4 $0x100  }
0x3b3: {  	[tilespmem:s11], [sflag:$0x1] =	stream.indirect.gather @p4 [hbm4b:s9+s13], $0x80, s12, s13, $0xb8;
	[tilespmem:$0x1C700] =	vst v63  }
0x3b4: {  	s19 =	simm.s32 @p4 $0x8000;
	s12 =	simm.s32 @p4 $0x10100  }
0x3b5: {  	[tilespmem:s19], [sflag:$0x2] =	stream.indirect.gather @p4 [hbm4b:s9+s13], $0x80, s12, s13, $0xb8;
	[tilespmem:$0x1C700] =	vst v63  }
0x3b6: {  	s12 =	simm.s32 @p4 $0x1  }
0x3b7: {  	_ =	swait.ge @p4 [sflag:s12], $0x8000  }
0x3b8: {  	s22 =	sld [smem:$0x7F0]  }
0x3b9: {  	[sflag:s12] =	ssyncset.done @p4 $0x0  }
0x3ba: {  	[sflag:s12] =	ssyncadd.s32 @p4 $0xFFFF8000  }
0x3bb: {  	[hbm4b:s22+s11] =	stream.linear.scatter @p4 [tilespmem:s11], [sflag:$0x3], $0x8000, $0x38;
	[tilespmem:$0x1C700] =	vst v63  }
0x3bc: {  	s22 =	simm.s32 @p4 $0x3  }
0x3bd: {  	_ =	swait.ge @p4 [sflag:s22], $0x8000  }
0x3be: {  	[sflag:s22] =	ssyncset.done @p4 $0x0  }
0x3bf: {  	s26 =	simm.s32 @p4 $0x10200;
	[sflag:s22] =	ssyncadd.s32 @p4 $0xFFFF8000  }
0x3c0: {  	[tilespmem:s11], [sflag:$0x1] =	stream.indirect.gather @p4 [hbm4b:s9+s13], $0x80, s26, s13, $0xb8;
	[tilespmem:$0x1C700] =	vst v63  }
0x3c1: {  	s26 =	simm.s32 @p4 $0x2  }
0x3c2: {  	_ =	swait.ge @p4 [sflag:s26], $0x8000  }
0x3c3: {  	s28 =	sld [smem:$0x7F1]  }
0x3c4: {  	[sflag:s26] =	ssyncset.done @p4 $0x0  }
0x3c5: {  	[sflag:s26] =	ssyncadd.s32 @p4 $0xFFFF8000  }
0x3c6: {  	[hbm4b:s28+s11] =	stream.linear.scatter @p4 [tilespmem:s19], [sflag:$0x4], $0x8000, $0x38;
	[tilespmem:$0x1C700] =	vst v63  }
0x3c7: {  	s28 =	simm.s32 @p4 $0x4  }
0x3c8: {  	_ =	swait.ge @p4 [sflag:s28], $0x8000  }
0x3c9: {  	[sflag:s28] =	ssyncset.done @p4 $0x0  }
0x3ca: {  	s29 =	simm.s32 @p4 $0x10300;
	[sflag:s28] =	ssyncadd.s32 @p4 $0xFFFF8000  }
0x3cb: {  	[tilespmem:s19], [sflag:$0x2] =	stream.indirect.gather @p4 [hbm4b:s9+s13], $0x80, s29, s13, $0xb8;
	[tilespmem:$0x1C700] =	vst v63  }
0x3cc: {  	_ =	swait.ge @p4 [sflag:s12], $0x8000  }
0x3cd: {  	s29 =	sld [smem:$0x7F2]  }
0x3ce: {  	[sflag:s12] =	ssyncset.done @p4 $0x0  }
0x3cf: {  	[sflag:s12] =	ssyncadd.s32 @p4 $0xFFFF8000  }
0x3d0: {  	[hbm4b:s29+s11] =	stream.linear.scatter @p4 [tilespmem:s11], [sflag:$0x3], $0x8000, $0x38;
	[tilespmem:$0x1C700] =	vst v63  }
0x3d1: {  	_ =	swait.ge @p4 [sflag:s22], $0x8000  }
0x3d2: {  	[sflag:s22] =	ssyncset.done @p4 $0x0  }
0x3d3: {  	s29 =	simm.s32 @p4 $0x10400;
	[sflag:s22] =	ssyncadd.s32 @p4 $0xFFFF8000  }
0x3d4: {  	[tilespmem:s11], [sflag:$0x1] =	stream.indirect.gather @p4 [hbm4b:s9+s13], $0x80, s29, s13, $0xb8;
	[tilespmem:$0x1C700] =	vst v63  }
0x3d5: {  	_ =	swait.ge @p4 [sflag:s26], $0x8000  }
0x3d6: {  	s13 =	sld [smem:$0x7F3]  }
0x3d7: {  	[sflag:s26] =	ssyncset.done @p4 $0x0  }
0x3d8: {  	[sflag:s26] =	ssyncadd.s32 @p4 $0xFFFF8000  }
0x3d9: {  	[hbm4b:s13+s11] =	stream.linear.scatter @p4 [tilespmem:s19], [sflag:$0x4], $0x8000, $0x38;
	[tilespmem:$0x1C700] =	vst v63  }
0x3da: {  	_ =	swait.ge @p4 [sflag:s12], $0x8000  }
0x3db: {  	[sflag:s12] =	ssyncset.done @p4 $0x0  }
0x3dc: {  	[sflag:s12] =	ssyncadd.s32 @p4 $0xFFFF8000;
	s12 =	sld [smem:$0x7F4];
	_ =	sdelay $0x2  }
0x3dd: {  	[hbm4b:s12+s11] =	stream.linear.scatter @p4 [tilespmem:s11], [sflag:$0x3], $0x8000, $0x38;
	[tilespmem:$0x1C700] =	vst v63  }
0x3de: {  	_ =	swait.ge @p4 [sflag:s28], $0x8000  }
0x3df: {  	[sflag:s28] =	ssyncset.done @p4 $0x0  }
0x3e0: {  	[sflag:s28] =	ssyncadd.s32 @p4 $0xFFFF8000  }
0x3e1: {  	_ =	swait.ge @p4 [sflag:s22], $0x8000  }
0x3e2: {  	s13 =	sld [smem:$0x7E9]  }
0x3e3: {  	[sflag:s22] =	ssyncset.done @p4 $0x0  }
0x3e4: {  	s11 =	simm.s32 @!p4 $0x0;
	s12 =	simm.s32 @!p4 $0x10000;
	[sflag:s22] =	ssyncadd.s32 @p4 $0xFFFF8000  }
0x3e5: {  	[tilespmem:s12], [sflag:$0x5] =	stream.linear.gather @!p4 [hbm4b:s13+s11], $0x500, $0x38;
	[tilespmem:$0x1C700] =	vst v63  }
0x3e6: {  	s13 =	simm.s32 @!p4 $0x5  }
0x3e7: {  	_ =	swait.ge @!p4 [sflag:s13], $0x500  }
0x3e8: {  	[sflag:s13] =	ssyncset.done @!p4 $0x0  }
0x3e9: {  	[sflag:s13] =	ssyncadd.s32 @!p4 $0xFFFFFB00;
	s13 =	simm.s32 @!p4 $0x100  }
0x3ea: {  	[tilespmem:s11], [sflag:$0x1] =	stream.indirect.gather @!p4 [hbm4b:s9+s13], $0x80, s12, s13, $0xb8;
	[tilespmem:$0x1C700] =	vst v63  }
0x3eb: {  	s19 =	simm.s32 @!p4 $0x8000;
	s12 =	simm.s32 @!p4 $0x10100  }
0x3ec: {  	[tilespmem:s19], [sflag:$0x2] =	stream.indirect.gather @!p4 [hbm4b:s9+s13], $0x80, s12, s13, $0xb8;
	[tilespmem:$0x1C700] =	vst v63  }
0x3ed: {  	s12 =	simm.s32 @!p4 $0x1  }
0x3ee: {  	_ =	swait.ge @!p4 [sflag:s12], $0x8000  }
0x3ef: {  	s22 =	sld [smem:$0x7EA]  }
0x3f0: {  	[sflag:s12] =	ssyncset.done @!p4 $0x0  }
0x3f1: {  	[sflag:s12] =	ssyncadd.s32 @!p4 $0xFFFF8000  }
0x3f2: {  	[hbm4b:s22+s11] =	stream.linear.scatter @!p4 [tilespmem:s11], [sflag:$0x3], $0x8000, $0x38;
	[tilespmem:$0x1C700] =	vst v63  }
0x3f3: {  	s22 =	simm.s32 @!p4 $0x3  }
0x3f4: {  	_ =	swait.ge @!p4 [sflag:s22], $0x8000  }
0x3f5: {  	[sflag:s22] =	ssyncset.done @!p4 $0x0  }
0x3f6: {  	s26 =	simm.s32 @!p4 $0x10200;
	[sflag:s22] =	ssyncadd.s32 @!p4 $0xFFFF8000  }
0x3f7: {  	[tilespmem:s11], [sflag:$0x1] =	stream.indirect.gather @!p4 [hbm4b:s9+s13], $0x80, s26, s13, $0xb8;
	[tilespmem:$0x1C700] =	vst v63  }
0x3f8: {  	s26 =	simm.s32 @!p4 $0x2  }
0x3f9: {  	_ =	swait.ge @!p4 [sflag:s26], $0x8000  }
0x3fa: {  	s28 =	sld [smem:$0x7EB]  }
0x3fb: {  	[sflag:s26] =	ssyncset.done @!p4 $0x0  }
0x3fc: {  	[sflag:s26] =	ssyncadd.s32 @!p4 $0xFFFF8000  }
0x3fd: {  	[hbm4b:s28+s11] =	stream.linear.scatter @!p4 [tilespmem:s19], [sflag:$0x4], $0x8000, $0x38;
	[tilespmem:$0x1C700] =	vst v63  }
0x3fe: {  	s28 =	simm.s32 @!p4 $0x4  }
0x3ff: {  	_ =	swait.ge @!p4 [sflag:s28], $0x8000  }
0x400: {  	[sflag:s28] =	ssyncset.done @!p4 $0x0  }
0x401: {  	s29 =	simm.s32 @!p4 $0x10300;
	[sflag:s28] =	ssyncadd.s32 @!p4 $0xFFFF8000  }
0x402: {  	[tilespmem:s19], [sflag:$0x2] =	stream.indirect.gather @!p4 [hbm4b:s9+s13], $0x80, s29, s13, $0xb8;
	[tilespmem:$0x1C700] =	vst v63  }
0x403: {  	_ =	swait.ge @!p4 [sflag:s12], $0x8000  }
0x404: {  	s29 =	sld [smem:$0x7EC]  }
0x405: {  	[sflag:s12] =	ssyncset.done @!p4 $0x0  }
0x406: {  	[sflag:s12] =	ssyncadd.s32 @!p4 $0xFFFF8000  }
0x407: {  	[hbm4b:s29+s11] =	stream.linear.scatter @!p4 [tilespmem:s11], [sflag:$0x3], $0x8000, $0x38;
	[tilespmem:$0x1C700] =	vst v63  }
0x408: {  	_ =	swait.ge @!p4 [sflag:s22], $0x8000  }
0x409: {  	[sflag:s22] =	ssyncset.done @!p4 $0x0  }
0x40a: {  	s29 =	simm.s32 @!p4 $0x10400;
	[sflag:s22] =	ssyncadd.s32 @!p4 $0xFFFF8000  }
0x40b: {  	[tilespmem:s11], [sflag:$0x1] =	stream.indirect.gather @!p4 [hbm4b:s9+s13], $0x80, s29, s13, $0xb8;
	[tilespmem:$0x1C700] =	vst v63  }
0x40c: {  	_ =	swait.ge @!p4 [sflag:s26], $0x8000  }
0x40d: {  	s13 =	sld [smem:$0x7ED]  }
0x40e: {  	[sflag:s26] =	ssyncset.done @!p4 $0x0  }
0x40f: {  	[sflag:s26] =	ssyncadd.s32 @!p4 $0xFFFF8000  }
0x410: {  	[hbm4b:s13+s11] =	stream.linear.scatter @!p4 [tilespmem:s19], [sflag:$0x4], $0x8000, $0x38;
	[tilespmem:$0x1C700] =	vst v63  }
0x411: {  	_ =	swait.ge @!p4 [sflag:s12], $0x8000  }
0x412: {  	[sflag:s12] =	ssyncset.done @!p4 $0x0  }
0x413: {  	[sflag:s12] =	ssyncadd.s32 @!p4 $0xFFFF8000;
	s12 =	sld [smem:$0x7EE];
	_ =	sdelay $0x2  }
0x414: {  	[hbm4b:s12+s11] =	stream.linear.scatter @!p4 [tilespmem:s11], [sflag:$0x3], $0x8000, $0x38;
	[tilespmem:$0x1C700] =	vst v63  }
0x415: {  	_ =	swait.ge @!p4 [sflag:s28], $0x8000  }
.Ltmp45:
0x416: {  	[sflag:s28] =	ssyncset.done @!p4 $0x0;
	(pc) =	sbr.rel .LBB3_86-.Ltmp45, $4  }
0x417: {  	[sflag:s28] =	ssyncadd.s32 @!p4 $0xFFFF8000  }
0x418: {  	_ =	swait.ge @!p4 [sflag:s22], $0x8000  }
0x419: {  	[sflag:s22] =	ssyncset.done @!p4 $0x0  }
0x41a: {  	[sflag:s22] =	ssyncadd.s32 @!p4 $0xFFFF8000  }
.LBB3_79:
0x41b: {  	s11 =	sld [smem:$0x7B7];
	_ =	sdelay $0x2  }
0x41c: {  	p1 =	seq.s32 s11, $0x1  }
.Ltmp46:
0x41d: {  	_ = 	snop;
	(pc) =	sbr.rel @!p1 .LBB3_80-.Ltmp46, $1  }
0x41e: {  	_ =	sdelay $0x3  }
0x41f: {  	s11 =	simm.s32 $0x0  }
0x420: {  	[tilespmem:s5], [sflag:$0x5] =	stream.linear.gather [hbm4b:s10+s11], $0x2000, $0x38;
	[tilespmem:$0x1C700] =	vst v63  }
0x421: {  	_ =	swait.ge [sflag:s6], $0x2000  }
0x422: {  	[sflag:s6] =	ssyncset.done $0x0  }
0x423: {  	[sflag:s6] =	ssyncadd.s32 $0xFFFFE000  }
0x424: {  	s12 =	rddreg [dreg:$0x7]  }
0x425: {  	[tilespmem:s11], [sflag:$0x5] =	stream.linear.gather [hbm4b:s12+s11], $0x18700, $0x38;
	[tilespmem:$0x1C700] =	vst v63  }
0x426: {  	_ =	swait.ge [sflag:s6], $0x18700  }
0x427: {  	[sflag:s6] =	ssyncset.done $0x0  }
0x428: {  	s11 =	simm.s32 $0x0;
	[sflag:s6] =	ssyncadd.s32 $0xFFFE7900  }
0x429: {  	v0 =	vld [tilespmem:s11+$0x18700];
	_ =	sdelay $0x7  }
0x42a: {  	s13 =	simm.s32 $0x80;
	s12 =	simm.s32 $0x10;
	v0 =	vld.idx.msk [tilespmem:v0+s14+$0x0], $0xffff  }
.LBB3_77:
0x42b: {  	p1 =	sne.s32 s13, $0x7FC0;
	v1 =	vld [tilespmem:s12+$0x18700];
	_ =	sdelay $0x3  }
.Ltmp47:
0x42c: {  	(pc) =	sbr.rel @p1 .LBB3_77-.Ltmp47, $2  }
0x42d: {  	[tilespmem:s11+$0x1A700] =	vst v0;
	s11 =	smov.u32 s12;
	_ =	sdelay $0x2  }
0x42e: {  	s12 =	sshra.s32 s13, $0x2;
	s13 =	sadd.s32 $0x40, s13;
	v0 =	vld.idx.msk [tilespmem:v1+s14+$0x0], $0xffff  }
0x42f: {  	v1 =	vld [tilespmem:s12+$0x18700];
	_ =	sdelay $0x7  }
0x430: {  	v1 =	vld.idx.msk [tilespmem:v1+s14+$0x0], $0xffff;
	_ =	sdelay $0x3  }
0x431: {  	[tilespmem:s11+$0x1A700] =	vst v0  }
.Ltmp48:
0x432: {  	s29 =	rddreg [dreg:$0x12];
	[tilespmem:s12+$0x1A700] =	vst v1;
	(pc) =	sbr.rel .LBB3_86-.Ltmp48, $4  }
0x433: {  	[hbm4b:s29+s14] =	stream.linear.scatter [tilespmem:s7], [sflag:$0x5], $0x2000, $0x38;
	[tilespmem:$0x1C700] =	vst v63  }
0x434: {  	_ =	swait.ge [sflag:s6], $0x2000  }
0x435: {  	[sflag:s6] =	ssyncset.done $0x0  }
0x436: {  	[sflag:s6] =	ssyncadd.s32 $0xFFFFE000  }
.LBB3_42:
0x437: {  	s13 =	sld [smem:$0x7C4];
	_ =	sdelay $0x1  }
0x438: {  	s11 =	simm.s32 @p0 $0x0;
	s12 =	simm.s32 @p0 $0x10000  }
0x439: {  	[tilespmem:s12], [sflag:$0x5] =	stream.linear.gather @p0 [hbm4b:s13+s11], $0x400, $0x38;
	[tilespmem:$0x1C700] =	vst v63  }
0x43a: {  	s13 =	simm.s32 @p0 $0x5  }
0x43b: {  	_ =	swait.ge @p0 [sflag:s13], $0x400  }
0x43c: {  	[sflag:s13] =	ssyncset.done @p0 $0x0  }
0x43d: {  	[sflag:s13] =	ssyncadd.s32 @p0 $0xFFFFFC00;
	s13 =	simm.s32 @p0 $0x100  }
0x43e: {  	[tilespmem:s11], [sflag:$0x1] =	stream.indirect.gather @p0 [hbm4b:s9+s13], $0x80, s12, s13, $0xb8;
	[tilespmem:$0x1C700] =	vst v63  }
0x43f: {  	s19 =	simm.s32 @p0 $0x8000;
	s12 =	simm.s32 @p0 $0x10100  }
0x440: {  	[tilespmem:s19], [sflag:$0x2] =	stream.indirect.gather @p0 [hbm4b:s9+s13], $0x80, s12, s13, $0xb8;
	[tilespmem:$0x1C700] =	vst v63  }
0x441: {  	s12 =	simm.s32 @p0 $0x1  }
0x442: {  	_ =	swait.ge @p0 [sflag:s12], $0x8000  }
0x443: {  	s22 =	sld [smem:$0x7C5]  }
0x444: {  	[sflag:s12] =	ssyncset.done @p0 $0x0  }
0x445: {  	[sflag:s12] =	ssyncadd.s32 @p0 $0xFFFF8000  }
0x446: {  	[hbm4b:s22+s11] =	stream.linear.scatter @p0 [tilespmem:s11], [sflag:$0x3], $0x8000, $0x38;
	[tilespmem:$0x1C700] =	vst v63  }
0x447: {  	s22 =	simm.s32 @p0 $0x3  }
0x448: {  	_ =	swait.ge @p0 [sflag:s22], $0x8000  }
0x449: {  	[sflag:s22] =	ssyncset.done @p0 $0x0  }
0x44a: {  	s26 =	simm.s32 @p0 $0x10200;
	[sflag:s22] =	ssyncadd.s32 @p0 $0xFFFF8000  }
0x44b: {  	[tilespmem:s11], [sflag:$0x1] =	stream.indirect.gather @p0 [hbm4b:s9+s13], $0x80, s26, s13, $0xb8;
	[tilespmem:$0x1C700] =	vst v63  }
0x44c: {  	s26 =	simm.s32 @p0 $0x2  }
0x44d: {  	_ =	swait.ge @p0 [sflag:s26], $0x8000  }
0x44e: {  	s28 =	sld [smem:$0x7C6]  }
0x44f: {  	[sflag:s26] =	ssyncset.done @p0 $0x0  }
0x450: {  	[sflag:s26] =	ssyncadd.s32 @p0 $0xFFFF8000  }
0x451: {  	[hbm4b:s28+s11] =	stream.linear.scatter @p0 [tilespmem:s19], [sflag:$0x4], $0x8000, $0x38;
	[tilespmem:$0x1C700] =	vst v63  }
0x452: {  	s28 =	simm.s32 @p0 $0x4  }
0x453: {  	_ =	swait.ge @p0 [sflag:s28], $0x8000  }
0x454: {  	[sflag:s28] =	ssyncset.done @p0 $0x0  }
0x455: {  	s29 =	simm.s32 @p0 $0x10300;
	[sflag:s28] =	ssyncadd.s32 @p0 $0xFFFF8000  }
0x456: {  	[tilespmem:s19], [sflag:$0x2] =	stream.indirect.gather @p0 [hbm4b:s9+s13], $0x80, s29, s13, $0xb8;
	[tilespmem:$0x1C700] =	vst v63  }
0x457: {  	_ =	swait.ge @p0 [sflag:s12], $0x8000  }
0x458: {  	[sflag:s12] =	ssyncset.done @p0 $0x0  }
0x459: {  	[sflag:s12] =	ssyncadd.s32 @p0 $0xFFFF8000;
	s12 =	sld [smem:$0x7C7];
	_ =	sdelay $0x2  }
0x45a: {  	[hbm4b:s12+s11] =	stream.linear.scatter @p0 [tilespmem:s11], [sflag:$0x3], $0x8000, $0x38;
	[tilespmem:$0x1C700] =	vst v63  }
0x45b: {  	_ =	swait.ge @p0 [sflag:s26], $0x8000  }
0x45c: {  	s12 =	sld [smem:$0x7C8]  }
0x45d: {  	[sflag:s26] =	ssyncset.done @p0 $0x0  }
0x45e: {  	[sflag:s26] =	ssyncadd.s32 @p0 $0xFFFF8000  }
0x45f: {  	[hbm4b:s12+s11] =	stream.linear.scatter @p0 [tilespmem:s19], [sflag:$0x4], $0x8000, $0x38;
	[tilespmem:$0x1C700] =	vst v63  }
0x460: {  	_ =	swait.ge @p0 [sflag:s22], $0x8000  }
0x461: {  	[sflag:s22] =	ssyncset.done @p0 $0x0  }
0x462: {  	[sflag:s22] =	ssyncadd.s32 @p0 $0xFFFF8000  }
0x463: {  	_ =	swait.ge @p0 [sflag:s28], $0x8000  }
0x464: {  	s11 =	simm.s32 @!p0 $0x0;
	[sflag:s28] =	ssyncset.done @p0 $0x0  }
0x465: {  	s12 =	simm.s32 @!p0 $0x10000;
	s13 =	rddreg [dreg:$0x1e];
	[sflag:s28] =	ssyncadd.s32 @p0 $0xFFFF8000  }
0x466: {  	[tilespmem:s12], [sflag:$0x5] =	stream.linear.gather @!p0 [hbm4b:s13+s11], $0x400, $0x38;
	[tilespmem:$0x1C700] =	vst v63  }
0x467: {  	s13 =	simm.s32 @!p0 $0x5  }
0x468: {  	_ =	swait.ge @!p0 [sflag:s13], $0x400  }
0x469: {  	[sflag:s13] =	ssyncset.done @!p0 $0x0  }
0x46a: {  	[sflag:s13] =	ssyncadd.s32 @!p0 $0xFFFFFC00;
	s13 =	simm.s32 @!p0 $0x100  }
0x46b: {  	[tilespmem:s11], [sflag:$0x1] =	stream.indirect.gather @!p0 [hbm4b:s9+s13], $0x80, s12, s13, $0xb8;
	[tilespmem:$0x1C700] =	vst v63  }
0x46c: {  	s19 =	simm.s32 @!p0 $0x8000;
	s12 =	simm.s32 @!p0 $0x10100  }
0x46d: {  	[tilespmem:s19], [sflag:$0x2] =	stream.indirect.gather @!p0 [hbm4b:s9+s13], $0x80, s12, s13, $0xb8;
	[tilespmem:$0x1C700] =	vst v63  }
0x46e: {  	s12 =	simm.s32 @!p0 $0x1  }
0x46f: {  	_ =	swait.ge @!p0 [sflag:s12], $0x8000  }
0x470: {  	[sflag:s12] =	ssyncset.done @!p0 $0x0  }
0x471: {  	s22 =	rddreg [dreg:$0x1f];
	[sflag:s12] =	ssyncadd.s32 @!p0 $0xFFFF8000  }
0x472: {  	[hbm4b:s22+s11] =	stream.linear.scatter @!p0 [tilespmem:s11], [sflag:$0x3], $0x8000, $0x38;
	[tilespmem:$0x1C700] =	vst v63  }
0x473: {  	s22 =	simm.s32 @!p0 $0x3  }
0x474: {  	_ =	swait.ge @!p0 [sflag:s22], $0x8000  }
0x475: {  	[sflag:s22] =	ssyncset.done @!p0 $0x0  }
0x476: {  	s26 =	simm.s32 @!p0 $0x10200;
	[sflag:s22] =	ssyncadd.s32 @!p0 $0xFFFF8000  }
0x477: {  	[tilespmem:s11], [sflag:$0x1] =	stream.indirect.gather @!p0 [hbm4b:s9+s13], $0x80, s26, s13, $0xb8;
	[tilespmem:$0x1C700] =	vst v63  }
0x478: {  	s26 =	simm.s32 @!p0 $0x2  }
0x479: {  	_ =	swait.ge @!p0 [sflag:s26], $0x8000  }
0x47a: {  	s28 =	sld [smem:$0x7C1]  }
0x47b: {  	[sflag:s26] =	ssyncset.done @!p0 $0x0  }
0x47c: {  	[sflag:s26] =	ssyncadd.s32 @!p0 $0xFFFF8000  }
0x47d: {  	[hbm4b:s28+s11] =	stream.linear.scatter @!p0 [tilespmem:s19], [sflag:$0x4], $0x8000, $0x38;
	[tilespmem:$0x1C700] =	vst v63  }
0x47e: {  	s28 =	simm.s32 @!p0 $0x4  }
0x47f: {  	_ =	swait.ge @!p0 [sflag:s28], $0x8000  }
0x480: {  	[sflag:s28] =	ssyncset.done @!p0 $0x0  }
0x481: {  	s29 =	simm.s32 @!p0 $0x10300;
	[sflag:s28] =	ssyncadd.s32 @!p0 $0xFFFF8000  }
0x482: {  	[tilespmem:s19], [sflag:$0x2] =	stream.indirect.gather @!p0 [hbm4b:s9+s13], $0x80, s29, s13, $0xb8;
	[tilespmem:$0x1C700] =	vst v63  }
0x483: {  	_ =	swait.ge @!p0 [sflag:s12], $0x8000  }
0x484: {  	[sflag:s12] =	ssyncset.done @!p0 $0x0  }
0x485: {  	[sflag:s12] =	ssyncadd.s32 @!p0 $0xFFFF8000;
	s12 =	sld [smem:$0x7C2];
	_ =	sdelay $0x2  }
0x486: {  	[hbm4b:s12+s11] =	stream.linear.scatter @!p0 [tilespmem:s11], [sflag:$0x3], $0x8000, $0x38;
	[tilespmem:$0x1C700] =	vst v63  }
0x487: {  	_ =	swait.ge @!p0 [sflag:s26], $0x8000  }
0x488: {  	s12 =	sld [smem:$0x7C3]  }
0x489: {  	[sflag:s26] =	ssyncset.done @!p0 $0x0  }
0x48a: {  	[sflag:s26] =	ssyncadd.s32 @!p0 $0xFFFF8000  }
0x48b: {  	[hbm4b:s12+s11] =	stream.linear.scatter @!p0 [tilespmem:s19], [sflag:$0x4], $0x8000, $0x38;
	[tilespmem:$0x1C700] =	vst v63  }
0x48c: {  	_ =	swait.ge @!p0 [sflag:s22], $0x8000  }
.Ltmp49:
0x48d: {  	[sflag:s22] =	ssyncset.done @!p0 $0x0;
	(pc) =	sbr.rel .LBB3_86-.Ltmp49, $4  }
0x48e: {  	[sflag:s22] =	ssyncadd.s32 @!p0 $0xFFFF8000  }
0x48f: {  	_ =	swait.ge @!p0 [sflag:s28], $0x8000  }
0x490: {  	[sflag:s28] =	ssyncset.done @!p0 $0x0  }
0x491: {  	[sflag:s28] =	ssyncadd.s32 @!p0 $0xFFFF8000  }
.LBB3_43:
0x492: {  	s11 =	simm.s32 $0x0  }
0x493: {  	[tilespmem:s5], [sflag:$0x5] =	stream.linear.gather [hbm4b:s24+s11], $0x2000, $0x38;
	[tilespmem:$0x1C700] =	vst v63  }
0x494: {  	_ =	swait.ge [sflag:s6], $0x2000  }
0x495: {  	[sflag:s6] =	ssyncset.done $0x0  }
0x496: {  	[sflag:s6] =	ssyncadd.s32 $0xFFFFE000  }
0x497: {  	s12 =	rddreg [dreg:$0x0]  }
0x498: {  	[tilespmem:s11], [sflag:$0x5] =	stream.linear.gather [hbm4b:s12+s11], $0x18700, $0x38;
	[tilespmem:$0x1C700] =	vst v63  }
0x499: {  	_ =	swait.ge [sflag:s6], $0x18700  }
0x49a: {  	[sflag:s6] =	ssyncset.done $0x0  }
0x49b: {  	s11 =	simm.s32 $0x0;
	[sflag:s6] =	ssyncadd.s32 $0xFFFE7900  }
0x49c: {  	v0 =	vld [tilespmem:s11+$0x18700];
	_ =	sdelay $0x7  }
0x49d: {  	s13 =	simm.s32 $0x80;
	s12 =	simm.s32 $0x10;
	v0 =	vld.idx.msk [tilespmem:v0+s14+$0x0], $0xffff  }
.LBB3_44:
0x49e: {  	p1 =	sne.s32 s13, $0x7FC0;
	v1 =	vld [tilespmem:s12+$0x18700];
	_ =	sdelay $0x3  }
.Ltmp50:
0x49f: {  	(pc) =	sbr.rel @p1 .LBB3_44-.Ltmp50, $2  }
0x4a0: {  	[tilespmem:s11+$0x1A700] =	vst v0;
	s11 =	smov.u32 s12;
	_ =	sdelay $0x2  }
0x4a1: {  	s12 =	sshra.s32 s13, $0x2;
	s13 =	sadd.s32 $0x40, s13;
	v0 =	vld.idx.msk [tilespmem:v1+s14+$0x0], $0xffff  }
0x4a2: {  	v1 =	vld [tilespmem:s12+$0x18700];
	_ =	sdelay $0x7  }
0x4a3: {  	v1 =	vld.idx.msk [tilespmem:v1+s14+$0x0], $0xffff;
	_ =	sdelay $0x3  }
0x4a4: {  	[tilespmem:s11+$0x1A700] =	vst v0  }
.Ltmp51:
0x4a5: {  	s29 =	rddreg [dreg:$0x15];
	[tilespmem:s12+$0x1A700] =	vst v1;
	(pc) =	sbr.rel .LBB3_86-.Ltmp51, $4  }
0x4a6: {  	[hbm4b:s29+s14] =	stream.linear.scatter [tilespmem:s7], [sflag:$0x5], $0x2000, $0x38;
	[tilespmem:$0x1C700] =	vst v63  }
0x4a7: {  	_ =	swait.ge [sflag:s6], $0x2000  }
0x4a8: {  	[sflag:s6] =	ssyncset.done $0x0  }
0x4a9: {  	[sflag:s6] =	ssyncadd.s32 $0xFFFFE000  }
.LBB3_83:
0x4aa: {  	s11 =	simm.s32 $0x0  }
0x4ab: {  	[tilespmem:s5], [sflag:$0x5] =	stream.linear.gather [hbm4b:s24+s11], $0x2000, $0x38;
	[tilespmem:$0x1C700] =	vst v63  }
0x4ac: {  	_ =	swait.ge [sflag:s6], $0x2000  }
0x4ad: {  	[sflag:s6] =	ssyncset.done $0x0  }
0x4ae: {  	[sflag:s6] =	ssyncadd.s32 $0xFFFFE000  }
0x4af: {  	s12 =	rddreg [dreg:$0x8]  }
0x4b0: {  	[tilespmem:s11], [sflag:$0x5] =	stream.linear.gather [hbm4b:s12+s11], $0x18700, $0x38;
	[tilespmem:$0x1C700] =	vst v63  }
0x4b1: {  	_ =	swait.ge [sflag:s6], $0x18700  }
0x4b2: {  	[sflag:s6] =	ssyncset.done $0x0  }
0x4b3: {  	s11 =	simm.s32 $0x0;
	[sflag:s6] =	ssyncadd.s32 $0xFFFE7900  }
0x4b4: {  	v0 =	vld [tilespmem:s11+$0x18700];
	_ =	sdelay $0x7  }
0x4b5: {  	s13 =	simm.s32 $0x80;
	s12 =	simm.s32 $0x10;
	v0 =	vld.idx.msk [tilespmem:v0+s14+$0x0], $0xffff  }
.LBB3_84:
0x4b6: {  	p1 =	sne.s32 s13, $0x7FC0;
	v1 =	vld [tilespmem:s12+$0x18700];
	_ =	sdelay $0x3  }
.Ltmp52:
0x4b7: {  	(pc) =	sbr.rel @p1 .LBB3_84-.Ltmp52, $2  }
0x4b8: {  	[tilespmem:s11+$0x1A700] =	vst v0;
	s11 =	smov.u32 s12;
	_ =	sdelay $0x2  }
0x4b9: {  	s12 =	sshra.s32 s13, $0x2;
	s13 =	sadd.s32 $0x40, s13;
	v0 =	vld.idx.msk [tilespmem:v1+s14+$0x0], $0xffff  }
0x4ba: {  	v1 =	vld [tilespmem:s12+$0x18700];
	_ =	sdelay $0x7  }
0x4bb: {  	v1 =	vld.idx.msk [tilespmem:v1+s14+$0x0], $0xffff;
	_ =	sdelay $0x3  }
0x4bc: {  	[tilespmem:s11+$0x1A700] =	vst v0  }
.Ltmp53:
0x4bd: {  	s29 =	rddreg [dreg:$0x1d];
	[tilespmem:s12+$0x1A700] =	vst v1;
	(pc) =	sbr.rel .LBB3_86-.Ltmp53, $4  }
0x4be: {  	[hbm4b:s29+s14] =	stream.linear.scatter [tilespmem:s7], [sflag:$0x5], $0x2000, $0x38;
	[tilespmem:$0x1C700] =	vst v63  }
0x4bf: {  	_ =	swait.ge [sflag:s6], $0x2000  }
0x4c0: {  	[sflag:s6] =	ssyncset.done $0x0  }
0x4c1: {  	[sflag:s6] =	ssyncadd.s32 $0xFFFFE000  }
.LBB3_63:
0x4c2: {  	s11 =	simm.s32 $0x0  }
0x4c3: {  	[tilespmem:s5], [sflag:$0x5] =	stream.linear.gather [hbm4b:s24+s11], $0x2000, $0x38;
	[tilespmem:$0x1C700] =	vst v63  }
0x4c4: {  	_ =	swait.ge [sflag:s6], $0x2000  }
0x4c5: {  	[sflag:s6] =	ssyncset.done $0x0  }
0x4c6: {  	[sflag:s6] =	ssyncadd.s32 $0xFFFFE000  }
0x4c7: {  	s12 =	rddreg [dreg:$0x4]  }
0x4c8: {  	[tilespmem:s11], [sflag:$0x5] =	stream.linear.gather [hbm4b:s12+s11], $0x18700, $0x38;
	[tilespmem:$0x1C700] =	vst v63  }
0x4c9: {  	_ =	swait.ge [sflag:s6], $0x18700  }
0x4ca: {  	[sflag:s6] =	ssyncset.done $0x0  }
0x4cb: {  	s11 =	simm.s32 $0x0;
	[sflag:s6] =	ssyncadd.s32 $0xFFFE7900  }
0x4cc: {  	v0 =	vld [tilespmem:s11+$0x18700];
	_ =	sdelay $0x7  }
0x4cd: {  	s13 =	simm.s32 $0x80;
	s12 =	simm.s32 $0x10;
	v0 =	vld.idx.msk [tilespmem:v0+s14+$0x0], $0xffff  }
.LBB3_64:
0x4ce: {  	p1 =	sne.s32 s13, $0x7FC0;
	v1 =	vld [tilespmem:s12+$0x18700];
	_ =	sdelay $0x3  }
.Ltmp54:
0x4cf: {  	(pc) =	sbr.rel @p1 .LBB3_64-.Ltmp54, $2  }
0x4d0: {  	[tilespmem:s11+$0x1A700] =	vst v0;
	s11 =	smov.u32 s12;
	_ =	sdelay $0x2  }
0x4d1: {  	s12 =	sshra.s32 s13, $0x2;
	s13 =	sadd.s32 $0x40, s13;
	v0 =	vld.idx.msk [tilespmem:v1+s14+$0x0], $0xffff  }
0x4d2: {  	v1 =	vld [tilespmem:s12+$0x18700];
	_ =	sdelay $0x7  }
0x4d3: {  	v1 =	vld.idx.msk [tilespmem:v1+s14+$0x0], $0xffff;
	_ =	sdelay $0x3  }
0x4d4: {  	[tilespmem:s11+$0x1A700] =	vst v0  }
.Ltmp55:
0x4d5: {  	s29 =	rddreg [dreg:$0x19];
	[tilespmem:s12+$0x1A700] =	vst v1;
	(pc) =	sbr.rel .LBB3_86-.Ltmp55, $4  }
0x4d6: {  	[hbm4b:s29+s14] =	stream.linear.scatter [tilespmem:s7], [sflag:$0x5], $0x2000, $0x38;
	[tilespmem:$0x1C700] =	vst v63  }
0x4d7: {  	_ =	swait.ge [sflag:s6], $0x2000  }
0x4d8: {  	[sflag:s6] =	ssyncset.done $0x0  }
0x4d9: {  	[sflag:s6] =	ssyncadd.s32 $0xFFFFE000  }
.LBB3_53:
0x4da: {  	s11 =	simm.s32 $0x0  }
0x4db: {  	[tilespmem:s5], [sflag:$0x5] =	stream.linear.gather [hbm4b:s24+s11], $0x2000, $0x38;
	[tilespmem:$0x1C700] =	vst v63  }
0x4dc: {  	_ =	swait.ge [sflag:s6], $0x2000  }
0x4dd: {  	[sflag:s6] =	ssyncset.done $0x0  }
0x4de: {  	[sflag:s6] =	ssyncadd.s32 $0xFFFFE000  }
0x4df: {  	s12 =	rddreg [dreg:$0x2]  }
0x4e0: {  	[tilespmem:s11], [sflag:$0x5] =	stream.linear.gather [hbm4b:s12+s11], $0x18700, $0x38;
	[tilespmem:$0x1C700] =	vst v63  }
0x4e1: {  	_ =	swait.ge [sflag:s6], $0x18700  }
0x4e2: {  	[sflag:s6] =	ssyncset.done $0x0  }
0x4e3: {  	s11 =	simm.s32 $0x0;
	[sflag:s6] =	ssyncadd.s32 $0xFFFE7900  }
0x4e4: {  	v0 =	vld [tilespmem:s11+$0x18700];
	_ =	sdelay $0x7  }
0x4e5: {  	s13 =	simm.s32 $0x80;
	s12 =	simm.s32 $0x10;
	v0 =	vld.idx.msk [tilespmem:v0+s14+$0x0], $0xffff  }
.LBB3_54:
0x4e6: {  	p1 =	sne.s32 s13, $0x7FC0;
	v1 =	vld [tilespmem:s12+$0x18700];
	_ =	sdelay $0x3  }
.Ltmp56:
0x4e7: {  	(pc) =	sbr.rel @p1 .LBB3_54-.Ltmp56, $2  }
0x4e8: {  	[tilespmem:s11+$0x1A700] =	vst v0;
	s11 =	smov.u32 s12;
	_ =	sdelay $0x2  }
0x4e9: {  	s12 =	sshra.s32 s13, $0x2;
	s13 =	sadd.s32 $0x40, s13;
	v0 =	vld.idx.msk [tilespmem:v1+s14+$0x0], $0xffff  }
0x4ea: {  	v1 =	vld [tilespmem:s12+$0x18700];
	_ =	sdelay $0x7  }
0x4eb: {  	v1 =	vld.idx.msk [tilespmem:v1+s14+$0x0], $0xffff;
	_ =	sdelay $0x3  }
0x4ec: {  	[tilespmem:s11+$0x1A700] =	vst v0  }
.Ltmp57:
0x4ed: {  	s29 =	rddreg [dreg:$0x17];
	[tilespmem:s12+$0x1A700] =	vst v1;
	(pc) =	sbr.rel .LBB3_86-.Ltmp57, $4  }
0x4ee: {  	[hbm4b:s29+s14] =	stream.linear.scatter [tilespmem:s7], [sflag:$0x5], $0x2000, $0x38;
	[tilespmem:$0x1C700] =	vst v63  }
0x4ef: {  	_ =	swait.ge [sflag:s6], $0x2000  }
0x4f0: {  	[sflag:s6] =	ssyncset.done $0x0  }
0x4f1: {  	[sflag:s6] =	ssyncadd.s32 $0xFFFFE000  }
.LBB3_73:
0x4f2: {  	s11 =	simm.s32 $0x0  }
0x4f3: {  	[tilespmem:s5], [sflag:$0x5] =	stream.linear.gather [hbm4b:s24+s11], $0x2000, $0x38;
	[tilespmem:$0x1C700] =	vst v63  }
0x4f4: {  	_ =	swait.ge [sflag:s6], $0x2000  }
0x4f5: {  	[sflag:s6] =	ssyncset.done $0x0  }
0x4f6: {  	[sflag:s6] =	ssyncadd.s32 $0xFFFFE000  }
0x4f7: {  	s12 =	rddreg [dreg:$0x6]  }
0x4f8: {  	[tilespmem:s11], [sflag:$0x5] =	stream.linear.gather [hbm4b:s12+s11], $0x18700, $0x38;
	[tilespmem:$0x1C700] =	vst v63  }
0x4f9: {  	_ =	swait.ge [sflag:s6], $0x18700  }
0x4fa: {  	[sflag:s6] =	ssyncset.done $0x0  }
0x4fb: {  	s11 =	simm.s32 $0x0;
	[sflag:s6] =	ssyncadd.s32 $0xFFFE7900  }
0x4fc: {  	v0 =	vld [tilespmem:s11+$0x18700];
	_ =	sdelay $0x7  }
0x4fd: {  	s13 =	simm.s32 $0x80;
	s12 =	simm.s32 $0x10;
	v0 =	vld.idx.msk [tilespmem:v0+s14+$0x0], $0xffff  }
.LBB3_74:
0x4fe: {  	p1 =	sne.s32 s13, $0x7FC0;
	v1 =	vld [tilespmem:s12+$0x18700];
	_ =	sdelay $0x3  }
.Ltmp58:
0x4ff: {  	(pc) =	sbr.rel @p1 .LBB3_74-.Ltmp58, $2  }
0x500: {  	[tilespmem:s11+$0x1A700] =	vst v0;
	s11 =	smov.u32 s12;
	_ =	sdelay $0x2  }
0x501: {  	s12 =	sshra.s32 s13, $0x2;
	s13 =	sadd.s32 $0x40, s13;
	v0 =	vld.idx.msk [tilespmem:v1+s14+$0x0], $0xffff  }
0x502: {  	v1 =	vld [tilespmem:s12+$0x18700];
	_ =	sdelay $0x7  }
0x503: {  	v1 =	vld.idx.msk [tilespmem:v1+s14+$0x0], $0xffff;
	_ =	sdelay $0x3  }
0x504: {  	[tilespmem:s11+$0x1A700] =	vst v0  }
.Ltmp59:
0x505: {  	s29 =	rddreg [dreg:$0x1b];
	[tilespmem:s12+$0x1A700] =	vst v1;
	(pc) =	sbr.rel .LBB3_86-.Ltmp59, $4  }
0x506: {  	[hbm4b:s29+s14] =	stream.linear.scatter [tilespmem:s7], [sflag:$0x5], $0x2000, $0x38;
	[tilespmem:$0x1C700] =	vst v63  }
0x507: {  	_ =	swait.ge [sflag:s6], $0x2000  }
0x508: {  	[sflag:s6] =	ssyncset.done $0x0  }
0x509: {  	[sflag:s6] =	ssyncadd.s32 $0xFFFFE000  }
.LBB3_50:
0x50a: {  	s11 =	simm.s32 $0x0  }
0x50b: {  	[tilespmem:s5], [sflag:$0x5] =	stream.linear.gather [hbm4b:s24+s11], $0x2000, $0x38;
	[tilespmem:$0x1C700] =	vst v63  }
0x50c: {  	_ =	swait.ge [sflag:s6], $0x2000  }
0x50d: {  	[sflag:s6] =	ssyncset.done $0x0  }
0x50e: {  	[sflag:s6] =	ssyncadd.s32 $0xFFFFE000  }
0x50f: {  	s12 =	rddreg [dreg:$0x1]  }
0x510: {  	[tilespmem:s11], [sflag:$0x5] =	stream.linear.gather [hbm4b:s12+s11], $0x18700, $0x38;
	[tilespmem:$0x1C700] =	vst v63  }
0x511: {  	_ =	swait.ge [sflag:s6], $0x18700  }
0x512: {  	[sflag:s6] =	ssyncset.done $0x0  }
0x513: {  	s11 =	simm.s32 $0x0;
	[sflag:s6] =	ssyncadd.s32 $0xFFFE7900  }
0x514: {  	v0 =	vld [tilespmem:s11+$0x18700];
	_ =	sdelay $0x7  }
0x515: {  	s13 =	simm.s32 $0x80;
	s12 =	simm.s32 $0x10;
	v0 =	vld.idx.msk [tilespmem:v0+s14+$0x0], $0xffff  }
.LBB3_51:
0x516: {  	p1 =	sne.s32 s13, $0x7FC0;
	v1 =	vld [tilespmem:s12+$0x18700];
	_ =	sdelay $0x3  }
.Ltmp60:
0x517: {  	(pc) =	sbr.rel @p1 .LBB3_51-.Ltmp60, $2  }
0x518: {  	[tilespmem:s11+$0x1A700] =	vst v0;
	s11 =	smov.u32 s12;
	_ =	sdelay $0x2  }
0x519: {  	s12 =	sshra.s32 s13, $0x2;
	s13 =	sadd.s32 $0x40, s13;
	v0 =	vld.idx.msk [tilespmem:v1+s14+$0x0], $0xffff  }
0x51a: {  	v1 =	vld [tilespmem:s12+$0x18700];
	_ =	sdelay $0x7  }
0x51b: {  	v1 =	vld.idx.msk [tilespmem:v1+s14+$0x0], $0xffff;
	_ =	sdelay $0x3  }
0x51c: {  	[tilespmem:s11+$0x1A700] =	vst v0  }
.Ltmp61:
0x51d: {  	s29 =	rddreg [dreg:$0x16];
	[tilespmem:s12+$0x1A700] =	vst v1;
	(pc) =	sbr.rel .LBB3_86-.Ltmp61, $4  }
0x51e: {  	[hbm4b:s29+s14] =	stream.linear.scatter [tilespmem:s7], [sflag:$0x5], $0x2000, $0x38;
	[tilespmem:$0x1C700] =	vst v63  }
0x51f: {  	_ =	swait.ge [sflag:s6], $0x2000  }
0x520: {  	[sflag:s6] =	ssyncset.done $0x0  }
0x521: {  	[sflag:s6] =	ssyncadd.s32 $0xFFFFE000  }
.LBB3_70:
0x522: {  	s11 =	simm.s32 $0x0  }
0x523: {  	[tilespmem:s5], [sflag:$0x5] =	stream.linear.gather [hbm4b:s24+s11], $0x2000, $0x38;
	[tilespmem:$0x1C700] =	vst v63  }
0x524: {  	_ =	swait.ge [sflag:s6], $0x2000  }
0x525: {  	[sflag:s6] =	ssyncset.done $0x0  }
0x526: {  	[sflag:s6] =	ssyncadd.s32 $0xFFFFE000  }
0x527: {  	s12 =	rddreg [dreg:$0x5]  }
0x528: {  	[tilespmem:s11], [sflag:$0x5] =	stream.linear.gather [hbm4b:s12+s11], $0x18700, $0x38;
	[tilespmem:$0x1C700] =	vst v63  }
0x529: {  	_ =	swait.ge [sflag:s6], $0x18700  }
0x52a: {  	[sflag:s6] =	ssyncset.done $0x0  }
0x52b: {  	s11 =	simm.s32 $0x0;
	[sflag:s6] =	ssyncadd.s32 $0xFFFE7900  }
0x52c: {  	v0 =	vld [tilespmem:s11+$0x18700];
	_ =	sdelay $0x7  }
0x52d: {  	s13 =	simm.s32 $0x80;
	s12 =	simm.s32 $0x10;
	v0 =	vld.idx.msk [tilespmem:v0+s14+$0x0], $0xffff  }
.LBB3_71:
0x52e: {  	p1 =	sne.s32 s13, $0x7FC0;
	v1 =	vld [tilespmem:s12+$0x18700];
	_ =	sdelay $0x3  }
.Ltmp62:
0x52f: {  	(pc) =	sbr.rel @p1 .LBB3_71-.Ltmp62, $2  }
0x530: {  	[tilespmem:s11+$0x1A700] =	vst v0;
	s11 =	smov.u32 s12;
	_ =	sdelay $0x2  }
0x531: {  	s12 =	sshra.s32 s13, $0x2;
	s13 =	sadd.s32 $0x40, s13;
	v0 =	vld.idx.msk [tilespmem:v1+s14+$0x0], $0xffff  }
0x532: {  	v1 =	vld [tilespmem:s12+$0x18700];
	_ =	sdelay $0x7  }
0x533: {  	v1 =	vld.idx.msk [tilespmem:v1+s14+$0x0], $0xffff;
	_ =	sdelay $0x3  }
0x534: {  	[tilespmem:s11+$0x1A700] =	vst v0  }
.Ltmp63:
0x535: {  	s29 =	rddreg [dreg:$0x1a];
	[tilespmem:s12+$0x1A700] =	vst v1;
	(pc) =	sbr.rel .LBB3_86-.Ltmp63, $4  }
0x536: {  	[hbm4b:s29+s14] =	stream.linear.scatter [tilespmem:s7], [sflag:$0x5], $0x2000, $0x38;
	[tilespmem:$0x1C700] =	vst v63  }
0x537: {  	_ =	swait.ge [sflag:s6], $0x2000  }
0x538: {  	[sflag:s6] =	ssyncset.done $0x0  }
0x539: {  	[sflag:s6] =	ssyncadd.s32 $0xFFFFE000  }
.LBB3_60:
0x53a: {  	s11 =	simm.s32 $0x0  }
0x53b: {  	[tilespmem:s5], [sflag:$0x5] =	stream.linear.gather [hbm4b:s24+s11], $0x2000, $0x38;
	[tilespmem:$0x1C700] =	vst v63  }
0x53c: {  	_ =	swait.ge [sflag:s6], $0x2000  }
0x53d: {  	[sflag:s6] =	ssyncset.done $0x0  }
0x53e: {  	[sflag:s6] =	ssyncadd.s32 $0xFFFFE000  }
0x53f: {  	s12 =	rddreg [dreg:$0x3]  }
0x540: {  	[tilespmem:s11], [sflag:$0x5] =	stream.linear.gather [hbm4b:s12+s11], $0x18700, $0x38;
	[tilespmem:$0x1C700] =	vst v63  }
0x541: {  	_ =	swait.ge [sflag:s6], $0x18700  }
0x542: {  	[sflag:s6] =	ssyncset.done $0x0  }
0x543: {  	s11 =	simm.s32 $0x0;
	[sflag:s6] =	ssyncadd.s32 $0xFFFE7900  }
0x544: {  	v0 =	vld [tilespmem:s11+$0x18700];
	_ =	sdelay $0x7  }
0x545: {  	s13 =	simm.s32 $0x80;
	s12 =	simm.s32 $0x10;
	v0 =	vld.idx.msk [tilespmem:v0+s14+$0x0], $0xffff  }
.LBB3_61:
0x546: {  	p1 =	sne.s32 s13, $0x7FC0;
	v1 =	vld [tilespmem:s12+$0x18700];
	_ =	sdelay $0x3  }
.Ltmp64:
0x547: {  	(pc) =	sbr.rel @p1 .LBB3_61-.Ltmp64, $2  }
0x548: {  	[tilespmem:s11+$0x1A700] =	vst v0;
	s11 =	smov.u32 s12;
	_ =	sdelay $0x2  }
0x549: {  	s12 =	sshra.s32 s13, $0x2;
	s13 =	sadd.s32 $0x40, s13;
	v0 =	vld.idx.msk [tilespmem:v1+s14+$0x0], $0xffff  }
0x54a: {  	v1 =	vld [tilespmem:s12+$0x18700];
	_ =	sdelay $0x7  }
0x54b: {  	v1 =	vld.idx.msk [tilespmem:v1+s14+$0x0], $0xffff;
	_ =	sdelay $0x3  }
0x54c: {  	[tilespmem:s11+$0x1A700] =	vst v0  }
.Ltmp65:
0x54d: {  	s29 =	rddreg [dreg:$0x18];
	[tilespmem:s12+$0x1A700] =	vst v1;
	(pc) =	sbr.rel .LBB3_86-.Ltmp65, $4  }
0x54e: {  	[hbm4b:s29+s14] =	stream.linear.scatter [tilespmem:s7], [sflag:$0x5], $0x2000, $0x38;
	[tilespmem:$0x1C700] =	vst v63  }
0x54f: {  	_ =	swait.ge [sflag:s6], $0x2000  }
0x550: {  	[sflag:s6] =	ssyncset.done $0x0  }
0x551: {  	[sflag:s6] =	ssyncadd.s32 $0xFFFFE000  }
.LBB3_80:
0x552: {  	s11 =	simm.s32 $0x0  }
0x553: {  	[tilespmem:s5], [sflag:$0x5] =	stream.linear.gather [hbm4b:s24+s11], $0x2000, $0x38;
	[tilespmem:$0x1C700] =	vst v63  }
0x554: {  	_ =	swait.ge [sflag:s6], $0x2000  }
0x555: {  	[sflag:s6] =	ssyncset.done $0x0  }
0x556: {  	[sflag:s6] =	ssyncadd.s32 $0xFFFFE000  }
0x557: {  	s12 =	rddreg [dreg:$0x7]  }
0x558: {  	[tilespmem:s11], [sflag:$0x5] =	stream.linear.gather [hbm4b:s12+s11], $0x18700, $0x38;
	[tilespmem:$0x1C700] =	vst v63  }
0x559: {  	_ =	swait.ge [sflag:s6], $0x18700  }
0x55a: {  	[sflag:s6] =	ssyncset.done $0x0  }
0x55b: {  	s11 =	simm.s32 $0x0;
	[sflag:s6] =	ssyncadd.s32 $0xFFFE7900  }
0x55c: {  	v0 =	vld [tilespmem:s11+$0x18700];
	_ =	sdelay $0x7  }
0x55d: {  	s13 =	simm.s32 $0x80;
	s12 =	simm.s32 $0x10;
	v0 =	vld.idx.msk [tilespmem:v0+s14+$0x0], $0xffff  }
.LBB3_81:
0x55e: {  	p1 =	sne.s32 s13, $0x7FC0;
	v1 =	vld [tilespmem:s12+$0x18700];
	_ =	sdelay $0x3  }
.Ltmp66:
0x55f: {  	(pc) =	sbr.rel @p1 .LBB3_81-.Ltmp66, $2  }
0x560: {  	[tilespmem:s11+$0x1A700] =	vst v0;
	s11 =	smov.u32 s12;
	_ =	sdelay $0x2  }
0x561: {  	s12 =	sshra.s32 s13, $0x2;
	s13 =	sadd.s32 $0x40, s13;
	v0 =	vld.idx.msk [tilespmem:v1+s14+$0x0], $0xffff  }
0x562: {  	v1 =	vld [tilespmem:s12+$0x18700];
	_ =	sdelay $0x7  }
0x563: {  	v1 =	vld.idx.msk [tilespmem:v1+s14+$0x0], $0xffff;
	_ =	sdelay $0x3  }
0x564: {  	[tilespmem:s11+$0x1A700] =	vst v0  }
.Ltmp67:
0x565: {  	s29 =	rddreg [dreg:$0x1c];
	[tilespmem:s12+$0x1A700] =	vst v1;
	(pc) =	sbr.rel .LBB3_86-.Ltmp67, $4  }
0x566: {  	[hbm4b:s29+s14] =	stream.linear.scatter [tilespmem:s7], [sflag:$0x5], $0x2000, $0x38;
	[tilespmem:$0x1C700] =	vst v63  }
0x567: {  	_ =	swait.ge [sflag:s6], $0x2000  }
0x568: {  	[sflag:s6] =	ssyncset.done $0x0  }
0x569: {  	[sflag:s6] =	ssyncadd.s32 $0xFFFFE000  }
.LBB3_87:
0x56a: {  	_ =	sfence.sel $0x180000  }
0x56b: {  	[bflag:$0x0] =	sbarrier.arrive $0xFFFF  }
0x56c: {  	_ =	strace $0x90000047  }
0x56d: {  	s0 =	stileid.u32;
	[bflag:$0x2] =	sbarrier.arrive $0xFFFF  }
0x56e: {  	p0 =	sne.s32 s0, $0x0;
	s0 =	rddreg [dreg:$0x14]  }
0x56f: {  	s0 =	sadd.s32 @!p0 $0x100000, s0  }
0x570: {  	[sflag:s0] =	ssyncadd.tile.s32 @!p0 $0x1;
	_ =	shalt  }
.Lfunc_end3:
_tile_overlayer_lowered:
.L_overlay_start_3:
0x571: {  	(tag) =	ssettag $0x3  }
0x572: {  	s0 =	rddreg [dreg:$0x0];
	s2 =	stileid.u32  }
0x573: {  	s1 =	rddreg [dreg:$0x1];
	p0 =	sne.s32 s2, $0x0  }
0x574: {  	s3 =	rddreg [dreg:$0x2];
	[bflag:$0x3] =	sbarrier.arrive $0xFFFF;
	s2 =	simm.s32 @!p0 $0x1C05  }
0x575: {  	[timem:s3], [sflag:s2] =	dma.local @!p0 [hbm:s0], s1  }
0x576: {  	s0 =	simm.s32 @!p0 $0x5  }
0x577: {  	_ =	swait.ge @!p0 [sflag:s0], s1  }
0x578: {  	s1 =	ssub.s32 @!p0 $0x0, s1;
	[sflag:s0] =	ssyncset.done @!p0 $0x0  }
0x579: {  	[sflag:s0] =	ssyncadd.s32 @!p0 s1  }
0x57a: {  	[bflag:$0x3] =	sbarrier.arrive $0xFFFF  }
0x57b: {  	_ =	shalt  }

</sc_bundles>
